<compile_context>
chip_gen: v7x
topology: tpu7x:2x2x1
jax: 0.10.2.dev20260603
libtpu: 0.0.44.dev20260713+nightly
codegen_flags: <defaults>
</compile_context>

<pallas_src>
import functools

import jax
import jax.numpy as jnp
from jax import lax
from jax.experimental import pallas as pl
from jax.experimental.pallas import tpu as pltpu
from jax.experimental.pallas import tpu_sc as plsc

N_NODES = 10000
N_EDGES = 320000
D = 128
D_PK = D // 2
NW = 32
EDGES_PER_TILE = N_EDGES // NW
CHUNK = 80
N_CHUNKS = EDGES_PER_TILE // CHUNK
NBUF = 6
L = 16


def _edge_kernel(z_hbm, src_hbm, dst_hbm, out_hbm,
                 idx_s, idx_d, out_v, rows_s, rows_d, sems_s, sems_d, sem_o):
    sid = lax.axis_index("s")
    wid = sid * 2 + lax.axis_index("c")
    tile_base = wid * EDGES_PER_TILE
    lanes = lax.iota(jnp.int32, L)

    cp_is = pltpu.async_copy(src_hbm.at[pl.ds(tile_base, EDGES_PER_TILE)],
                             idx_s, sems_s[0])
    cp_id = pltpu.async_copy(dst_hbm.at[pl.ds(tile_base, EDGES_PER_TILE)],
                             idx_d, sems_d[0])
    cp_is.wait()
    cp_id.wait()

    def fire(cidx, b):
        off = cidx * CHUNK
        pltpu.async_copy(z_hbm.at[idx_s.at[pl.ds(off, CHUNK)]], rows_s[b],
                         sems_s[b])
        pltpu.async_copy(z_hbm.at[idx_d.at[pl.ds(off, CHUNK)]], rows_d[b],
                         sems_d[b])

    def drain(cidx, b):
        off = cidx * CHUNK
        pltpu.make_async_copy(z_hbm.at[idx_s.at[pl.ds(off, CHUNK)]],
                              rows_s[b], sems_s[b]).wait()
        pltpu.make_async_copy(z_hbm.at[idx_d.at[pl.ds(off, CHUNK)]],
                              rows_d[b], sems_d[b]).wait()

    def compute(cidx, b):
        rs, rd = rows_s[b], rows_d[b]

        def group_body(g, _):
            erow = lanes + g * L

            def col_body(k, carry):
                acc0, acc1 = carry
                col = jnp.full((L,), 1, jnp.int32) * k
                ai = plsc.load_gather(rs, [erow, col])
                bi = plsc.load_gather(rd, [erow, col])
                av = plsc.bitcast(ai, jnp.bfloat16)
                bv = plsc.bitcast(bi, jnp.bfloat16)
                p0, p1 = plsc.unpack(av * bv,
                                     format=plsc.PackFormat.INTERLEAVED,
                                     preferred_element_type=jnp.float32)
                return acc0 + p0, acc1 + p1

            acc0, acc1 = lax.fori_loop(
                0, D_PK, col_body,
                (jnp.zeros((L,), jnp.float32), jnp.zeros((L,), jnp.float32)),
                unroll=8)
            acc = acc0 + acc1
            y = 1.0 / (1.0 + jnp.exp(-acc))
            out_v[pl.ds(cidx * CHUNK + g * L, L)] = y
            return _

        lax.fori_loop(0, CHUNK // L, group_body, None)

    for c in range(NBUF - 1):
        fire(c, c)

    def outer_body(c4, _):
        for b in range(NBUF):
            cidx = c4 * NBUF + b
            nxt = cidx + (NBUF - 1)

            @pl.when(nxt < N_CHUNKS)
            def _():
                fire(nxt, (b + NBUF - 1) % NBUF)

            drain(cidx, b)
            compute(cidx, b)
        return _

    M = ((N_CHUNKS - 1) // NBUF) * NBUF
    n_outer = M // NBUF
    half_e = (N_CHUNKS // 2) * CHUNK

    def outer_with_flush(c4, _):
        outer_body(c4, _)

        @pl.when(c4 == (N_CHUNKS // 2) // NBUF)
        def _():
            pltpu.async_copy(out_v.at[pl.ds(0, half_e)],
                             out_hbm.at[pl.ds(tile_base, half_e)], sem_o)

        return _

    lax.fori_loop(0, n_outer, outer_with_flush, None)
    for cidx in range(M, N_CHUNKS):
        b = cidx % NBUF
        nxt = cidx + (NBUF - 1)
        if nxt < N_CHUNKS:
            fire(nxt, nxt % NBUF)
        drain(cidx, b)
        compute(cidx, b)

    pltpu.sync_copy(out_v.at[pl.ds(half_e, EDGES_PER_TILE - half_e)],
                    out_hbm.at[pl.ds(tile_base + half_e,
                                     EDGES_PER_TILE - half_e)])
    pltpu.make_async_copy(out_v.at[pl.ds(0, half_e)],
                          out_hbm.at[pl.ds(tile_base, half_e)], sem_o).wait()


@jax.jit
def _decode(z, src, dst):
    z_pk = jax.lax.bitcast_convert_type(
        z.astype(jnp.bfloat16).reshape(N_NODES, D_PK, 2), jnp.int32)
    mesh = plsc.VectorSubcoreMesh(core_axis_name="c", subcore_axis_name="s")
    fn = functools.partial(
        pl.kernel,
        mesh=mesh,
        out_type=jax.ShapeDtypeStruct((N_EDGES,), jnp.float32),
        compiler_params=pltpu.CompilerParams(needs_layout_passes=False,
                                             use_tc_tiling_on_sc=False),
        scratch_types=[
            pltpu.VMEM((EDGES_PER_TILE,), jnp.int32),
            pltpu.VMEM((EDGES_PER_TILE,), jnp.int32),
            pltpu.VMEM((EDGES_PER_TILE,), jnp.float32),
            [pltpu.VMEM((CHUNK, D_PK), jnp.int32) for _ in range(NBUF)],
            [pltpu.VMEM((CHUNK, D_PK), jnp.int32) for _ in range(NBUF)],
            [pltpu.SemaphoreType.DMA for _ in range(NBUF)],
            [pltpu.SemaphoreType.DMA for _ in range(NBUF)],
            pltpu.SemaphoreType.DMA,
        ],
    )(_edge_kernel)
    return fn(z_pk, src, dst)


def kernel(z, edge_index):
    return _decode(z, edge_index[0], edge_index[1])

# --- scband reference (transcript-rebuilt; emitter-appended) ---
"""Pipeline reference for scband-inner-product-decoder-21930103014192 (READ-ONLY COPY).

The authoritative reference and input builder live on the scoring server;
editing this copy changes nothing except your own understanding.
"""

import jax, jax.numpy as jnp
import numpy as np


def setup_inputs(seed: int = 0) -> dict:
    key = jax.random.key(seed)
    k1, k2 = jax.random.split(key)
    z = jax.random.normal(k1, (10000, 128), dtype=jnp.float32)
    edge_index = jax.random.randint(k2, (2, 320000), 0, 10000, dtype=jnp.int64 if jax.config.jax_enable_x64 else jnp.int32).astype(jnp.int32)
    return {"z": z, "edge_index": edge_index}


def reference(z, edge_index):
    # InnerProductDecoder.forward: gather src/dst node embeddings, inner product, sigmoid
    src = jnp.take(z, edge_index[0], axis=0)
    dst = jnp.take(z, edge_index[1], axis=0)
    x = jnp.sum(src * dst, axis=1)
    x = jax.nn.sigmoid(x)
    return x

if __name__ == "__main__":
    import jax
    _d = setup_inputs()
    print(jax.jit(kernel)(*tuple(_d.values())))

</pallas_src>

<mosaic_0001>
#map = affine_map<(d0, d1) -> (0, 0)>
#map1 = affine_map<(d0, d1) -> (0)>
module attributes {stable_mosaic.version = 14 : i64} {
  func.func @_edge_kernel(%arg0: i32, %arg1: i32, %arg2: memref<10000x64xi32, #tpu.memory_space<hbm>>, %arg3: memref<320000xi32, #tpu.memory_space<hbm>>, %arg4: memref<320000xi32, #tpu.memory_space<hbm>>, %arg5: memref<320000xf32, #tpu.memory_space<hbm>>, %arg6: memref<10000xi32, #tpu.memory_space<vmem>>, %arg7: memref<10000xi32, #tpu.memory_space<vmem>>, %arg8: memref<10000xf32, #tpu.memory_space<vmem>>, %arg9: memref<80x64xi32, #tpu.memory_space<vmem>>, %arg10: memref<80x64xi32, #tpu.memory_space<vmem>>, %arg11: memref<80x64xi32, #tpu.memory_space<vmem>>, %arg12: memref<80x64xi32, #tpu.memory_space<vmem>>, %arg13: memref<80x64xi32, #tpu.memory_space<vmem>>, %arg14: memref<80x64xi32, #tpu.memory_space<vmem>>, %arg15: memref<80x64xi32, #tpu.memory_space<vmem>>, %arg16: memref<80x64xi32, #tpu.memory_space<vmem>>, %arg17: memref<80x64xi32, #tpu.memory_space<vmem>>, %arg18: memref<80x64xi32, #tpu.memory_space<vmem>>, %arg19: memref<80x64xi32, #tpu.memory_space<vmem>>, %arg20: memref<80x64xi32, #tpu.memory_space<vmem>>, %arg21: memref<!tpu.dma_semaphore, #tpu.memory_space<semaphore_mem>>, %arg22: memref<!tpu.dma_semaphore, #tpu.memory_space<semaphore_mem>>, %arg23: memref<!tpu.dma_semaphore, #tpu.memory_space<semaphore_mem>>, %arg24: memref<!tpu.dma_semaphore, #tpu.memory_space<semaphore_mem>>, %arg25: memref<!tpu.dma_semaphore, #tpu.memory_space<semaphore_mem>>, %arg26: memref<!tpu.dma_semaphore, #tpu.memory_space<semaphore_mem>>, %arg27: memref<!tpu.dma_semaphore, #tpu.memory_space<semaphore_mem>>, %arg28: memref<!tpu.dma_semaphore, #tpu.memory_space<semaphore_mem>>, %arg29: memref<!tpu.dma_semaphore, #tpu.memory_space<semaphore_mem>>, %arg30: memref<!tpu.dma_semaphore, #tpu.memory_space<semaphore_mem>>, %arg31: memref<!tpu.dma_semaphore, #tpu.memory_space<semaphore_mem>>, %arg32: memref<!tpu.dma_semaphore, #tpu.memory_space<semaphore_mem>>, %arg33: memref<!tpu.dma_semaphore, #tpu.memory_space<semaphore_mem>>) attributes {dimension_semantics = [#tpu.dimension_semantics<core_parallel>, #tpu.dimension_semantics<subcore_parallel>], iteration_bounds = array<i64: 2, 16>, scalar_prefetch = 0 : i64, scratch_operands = 28 : i64, tpu.core_type = #tpu.core_type<sc_vector_subcore>, window_params = [{transform_indices = #map}, {transform_indices = #map1}, {transform_indices = #map1}, {transform_indices = #map1}]} {
    %mul3A = arith.constant 2 : i32
    %mul3A_0 = arith.muli %arg1, %mul3A : i32
    %add3A = arith.addi %mul3A_0, %arg0 : i32
    %mul3A_1 = arith.constant 10000 : i32
    %mul3A_2 = arith.muli %add3A, %mul3A_1 : i32
    %iota3A = tpu.iota {dimensions = array<i32: 0>} : vector<16xi32>
    %dma_start3A = tpu.memref_slice %arg3[%mul3A_2] : memref<320000xi32, #tpu.memory_space<hbm>> -> memref<10000xi32, #tpu.memory_space<hbm>>
    %dma_start3A_3 = tpu.memref_slice %arg3[%mul3A_2] : memref<320000xi32, #tpu.memory_space<hbm>> -> memref<10000xi32, #tpu.memory_space<hbm>>
    tpu.enqueue_dma source(%dma_start3A_3 : memref<10000xi32, #tpu.memory_space<hbm>>) target(%arg6 : memref<10000xi32, #tpu.memory_space<vmem>>) target_semaphore(%arg21 : memref<!tpu.dma_semaphore, #tpu.memory_space<semaphore_mem>>)
    %dma_start3A_4 = tpu.memref_slice %arg4[%mul3A_2] : memref<320000xi32, #tpu.memory_space<hbm>> -> memref<10000xi32, #tpu.memory_space<hbm>>
    %dma_start3A_5 = tpu.memref_slice %arg4[%mul3A_2] : memref<320000xi32, #tpu.memory_space<hbm>> -> memref<10000xi32, #tpu.memory_space<hbm>>
    tpu.enqueue_dma source(%dma_start3A_5 : memref<10000xi32, #tpu.memory_space<hbm>>) target(%arg7 : memref<10000xi32, #tpu.memory_space<vmem>>) target_semaphore(%arg27 : memref<!tpu.dma_semaphore, #tpu.memory_space<semaphore_mem>>)
    %dma_wait3A = tpu.memref_slice %arg3[%mul3A_2] : memref<320000xi32, #tpu.memory_space<hbm>> -> memref<10000xi32, #tpu.memory_space<hbm>>
    %dma_wait3A_6 = tpu.memref_slice %arg3[%mul3A_2] : memref<320000xi32, #tpu.memory_space<hbm>> -> memref<10000xi32, #tpu.memory_space<hbm>>
    tpu.wait_dma2 semaphore(%arg21 : memref<!tpu.dma_semaphore, #tpu.memory_space<semaphore_mem>>) src(%dma_wait3A_6 : memref<10000xi32, #tpu.memory_space<hbm>>) dst(%arg6 : memref<10000xi32, #tpu.memory_space<vmem>>)
    %dma_wait3A_7 = tpu.memref_slice %arg4[%mul3A_2] : memref<320000xi32, #tpu.memory_space<hbm>> -> memref<10000xi32, #tpu.memory_space<hbm>>
    %dma_wait3A_8 = tpu.memref_slice %arg4[%mul3A_2] : memref<320000xi32, #tpu.memory_space<hbm>> -> memref<10000xi32, #tpu.memory_space<hbm>>
    tpu.wait_dma2 semaphore(%arg27 : memref<!tpu.dma_semaphore, #tpu.memory_space<semaphore_mem>>) src(%dma_wait3A_8 : memref<10000xi32, #tpu.memory_space<hbm>>) dst(%arg7 : memref<10000xi32, #tpu.memory_space<vmem>>)
    %dma_start3A_9 = arith.constant 0 : i32
    %dma_start3A_10 = tpu.memref_slice %arg6[%dma_start3A_9] : memref<10000xi32, #tpu.memory_space<vmem>> -> memref<80xi32, #tpu.memory_space<vmem>>
    %dma_start3A_11 = arith.constant 0 : i32
    %dma_start3A_12 = arith.constant 0 : i32
    %dma_start3A_13 = tpu.memref_slice %arg2[%dma_start3A_11, %dma_start3A_12] : memref<10000x64xi32, #tpu.memory_space<hbm>> -> memref<10000x64xi32, #tpu.memory_space<hbm>>
    tpu.enqueue_indirect_dma source(%dma_start3A_13 : memref<10000x64xi32, #tpu.memory_space<hbm>>) target(%arg9 : memref<80x64xi32, #tpu.memory_space<vmem>>) offsets(%dma_start3A_10 : memref<80xi32, #tpu.memory_space<vmem>>) semaphore(%arg21 : memref<!tpu.dma_semaphore, #tpu.memory_space<semaphore_mem>>)
    %dma_start3A_14 = arith.constant 0 : i32
    %dma_start3A_15 = tpu.memref_slice %arg7[%dma_start3A_14] : memref<10000xi32, #tpu.memory_space<vmem>> -> memref<80xi32, #tpu.memory_space<vmem>>
    %dma_start3A_16 = arith.constant 0 : i32
    %dma_start3A_17 = arith.constant 0 : i32
    %dma_start3A_18 = tpu.memref_slice %arg2[%dma_start3A_16, %dma_start3A_17] : memref<10000x64xi32, #tpu.memory_space<hbm>> -> memref<10000x64xi32, #tpu.memory_space<hbm>>
    tpu.enqueue_indirect_dma source(%dma_start3A_18 : memref<10000x64xi32, #tpu.memory_space<hbm>>) target(%arg15 : memref<80x64xi32, #tpu.memory_space<vmem>>) offsets(%dma_start3A_15 : memref<80xi32, #tpu.memory_space<vmem>>) semaphore(%arg27 : memref<!tpu.dma_semaphore, #tpu.memory_space<semaphore_mem>>)
    %dma_start3A_19 = arith.constant 80 : i32
    %dma_start3A_20 = tpu.memref_slice %arg6[%dma_start3A_19] : memref<10000xi32, #tpu.memory_space<vmem>> -> memref<80xi32, #tpu.memory_space<vmem>>
    %dma_start3A_21 = arith.constant 0 : i32
    %dma_start3A_22 = arith.constant 0 : i32
    %dma_start3A_23 = tpu.memref_slice %arg2[%dma_start3A_21, %dma_start3A_22] : memref<10000x64xi32, #tpu.memory_space<hbm>> -> memref<10000x64xi32, #tpu.memory_space<hbm>>
    tpu.enqueue_indirect_dma source(%dma_start3A_23 : memref<10000x64xi32, #tpu.memory_space<hbm>>) target(%arg10 : memref<80x64xi32, #tpu.memory_space<vmem>>) offsets(%dma_start3A_20 : memref<80xi32, #tpu.memory_space<vmem>>) semaphore(%arg22 : memref<!tpu.dma_semaphore, #tpu.memory_space<semaphore_mem>>)
    %dma_start3A_24 = arith.constant 80 : i32
    %dma_start3A_25 = tpu.memref_slice %arg7[%dma_start3A_24] : memref<10000xi32, #tpu.memory_space<vmem>> -> memref<80xi32, #tpu.memory_space<vmem>>
    %dma_start3A_26 = arith.constant 0 : i32
    %dma_start3A_27 = arith.constant 0 : i32
    %dma_start3A_28 = tpu.memref_slice %arg2[%dma_start3A_26, %dma_start3A_27] : memref<10000x64xi32, #tpu.memory_space<hbm>> -> memref<10000x64xi32, #tpu.memory_space<hbm>>
    tpu.enqueue_indirect_dma source(%dma_start3A_28 : memref<10000x64xi32, #tpu.memory_space<hbm>>) target(%arg16 : memref<80x64xi32, #tpu.memory_space<vmem>>) offsets(%dma_start3A_25 : memref<80xi32, #tpu.memory_space<vmem>>) semaphore(%arg28 : memref<!tpu.dma_semaphore, #tpu.memory_space<semaphore_mem>>)
    %dma_start3A_29 = arith.constant 160 : i32
    %dma_start3A_30 = tpu.memref_slice %arg6[%dma_start3A_29] : memref<10000xi32, #tpu.memory_space<vmem>> -> memref<80xi32, #tpu.memory_space<vmem>>
    %dma_start3A_31 = arith.constant 0 : i32
    %dma_start3A_32 = arith.constant 0 : i32
    %dma_start3A_33 = tpu.memref_slice %arg2[%dma_start3A_31, %dma_start3A_32] : memref<10000x64xi32, #tpu.memory_space<hbm>> -> memref<10000x64xi32, #tpu.memory_space<hbm>>
    tpu.enqueue_indirect_dma source(%dma_start3A_33 : memref<10000x64xi32, #tpu.memory_space<hbm>>) target(%arg11 : memref<80x64xi32, #tpu.memory_space<vmem>>) offsets(%dma_start3A_30 : memref<80xi32, #tpu.memory_space<vmem>>) semaphore(%arg23 : memref<!tpu.dma_semaphore, #tpu.memory_space<semaphore_mem>>)
    %dma_start3A_34 = arith.constant 160 : i32
    %dma_start3A_35 = tpu.memref_slice %arg7[%dma_start3A_34] : memref<10000xi32, #tpu.memory_space<vmem>> -> memref<80xi32, #tpu.memory_space<vmem>>
    %dma_start3A_36 = arith.constant 0 : i32
    %dma_start3A_37 = arith.constant 0 : i32
    %dma_start3A_38 = tpu.memref_slice %arg2[%dma_start3A_36, %dma_start3A_37] : memref<10000x64xi32, #tpu.memory_space<hbm>> -> memref<10000x64xi32, #tpu.memory_space<hbm>>
    tpu.enqueue_indirect_dma source(%dma_start3A_38 : memref<10000x64xi32, #tpu.memory_space<hbm>>) target(%arg17 : memref<80x64xi32, #tpu.memory_space<vmem>>) offsets(%dma_start3A_35 : memref<80xi32, #tpu.memory_space<vmem>>) semaphore(%arg29 : memref<!tpu.dma_semaphore, #tpu.memory_space<semaphore_mem>>)
    %dma_start3A_39 = arith.constant 240 : i32
    %dma_start3A_40 = tpu.memref_slice %arg6[%dma_start3A_39] : memref<10000xi32, #tpu.memory_space<vmem>> -> memref<80xi32, #tpu.memory_space<vmem>>
    %dma_start3A_41 = arith.constant 0 : i32
    %dma_start3A_42 = arith.constant 0 : i32
    %dma_start3A_43 = tpu.memref_slice %arg2[%dma_start3A_41, %dma_start3A_42] : memref<10000x64xi32, #tpu.memory_space<hbm>> -> memref<10000x64xi32, #tpu.memory_space<hbm>>
    tpu.enqueue_indirect_dma source(%dma_start3A_43 : memref<10000x64xi32, #tpu.memory_space<hbm>>) target(%arg12 : memref<80x64xi32, #tpu.memory_space<vmem>>) offsets(%dma_start3A_40 : memref<80xi32, #tpu.memory_space<vmem>>) semaphore(%arg24 : memref<!tpu.dma_semaphore, #tpu.memory_space<semaphore_mem>>)
    %dma_start3A_44 = arith.constant 240 : i32
    %dma_start3A_45 = tpu.memref_slice %arg7[%dma_start3A_44] : memref<10000xi32, #tpu.memory_space<vmem>> -> memref<80xi32, #tpu.memory_space<vmem>>
    %dma_start3A_46 = arith.constant 0 : i32
    %dma_start3A_47 = arith.constant 0 : i32
    %dma_start3A_48 = tpu.memref_slice %arg2[%dma_start3A_46, %dma_start3A_47] : memref<10000x64xi32, #tpu.memory_space<hbm>> -> memref<10000x64xi32, #tpu.memory_space<hbm>>
    tpu.enqueue_indirect_dma source(%dma_start3A_48 : memref<10000x64xi32, #tpu.memory_space<hbm>>) target(%arg18 : memref<80x64xi32, #tpu.memory_space<vmem>>) offsets(%dma_start3A_45 : memref<80xi32, #tpu.memory_space<vmem>>) semaphore(%arg30 : memref<!tpu.dma_semaphore, #tpu.memory_space<semaphore_mem>>)
    %dma_start3A_49 = arith.constant 320 : i32
    %dma_start3A_50 = tpu.memref_slice %arg6[%dma_start3A_49] : memref<10000xi32, #tpu.memory_space<vmem>> -> memref<80xi32, #tpu.memory_space<vmem>>
    %dma_start3A_51 = arith.constant 0 : i32
    %dma_start3A_52 = arith.constant 0 : i32
    %dma_start3A_53 = tpu.memref_slice %arg2[%dma_start3A_51, %dma_start3A_52] : memref<10000x64xi32, #tpu.memory_space<hbm>> -> memref<10000x64xi32, #tpu.memory_space<hbm>>
    tpu.enqueue_indirect_dma source(%dma_start3A_53 : memref<10000x64xi32, #tpu.memory_space<hbm>>) target(%arg13 : memref<80x64xi32, #tpu.memory_space<vmem>>) offsets(%dma_start3A_50 : memref<80xi32, #tpu.memory_space<vmem>>) semaphore(%arg25 : memref<!tpu.dma_semaphore, #tpu.memory_space<semaphore_mem>>)
    %dma_start3A_54 = arith.constant 320 : i32
    %dma_start3A_55 = tpu.memref_slice %arg7[%dma_start3A_54] : memref<10000xi32, #tpu.memory_space<vmem>> -> memref<80xi32, #tpu.memory_space<vmem>>
    %dma_start3A_56 = arith.constant 0 : i32
    %dma_start3A_57 = arith.constant 0 : i32
    %dma_start3A_58 = tpu.memref_slice %arg2[%dma_start3A_56, %dma_start3A_57] : memref<10000x64xi32, #tpu.memory_space<hbm>> -> memref<10000x64xi32, #tpu.memory_space<hbm>>
    tpu.enqueue_indirect_dma source(%dma_start3A_58 : memref<10000x64xi32, #tpu.memory_space<hbm>>) target(%arg19 : memref<80x64xi32, #tpu.memory_space<vmem>>) offsets(%dma_start3A_55 : memref<80xi32, #tpu.memory_space<vmem>>) semaphore(%arg31 : memref<!tpu.dma_semaphore, #tpu.memory_space<semaphore_mem>>)
    %scan3A = arith.constant 0 : i32
    %scan3A_59 = arith.constant 20 : i32
    %scan3A_60 = arith.addi %scan3A, %scan3A_59 : i32
    %scan3A_61 = arith.constant 1 : i32
    scf.for %scan3A_146 = %scan3A to %scan3A_60 step %scan3A_61  : i32 {
      %mul3A_147 = arith.constant 6 : i32
      %mul3A_148 = arith.muli %scan3A_146, %mul3A_147 : i32
      %add3A_149 = arith.constant 0 : i32
      %add3A_150 = arith.addi %mul3A_148, %add3A_149 : i32
      %add3A_151 = arith.constant 5 : i32
      %add3A_152 = arith.addi %add3A_150, %add3A_151 : i32
      %lt3A = arith.constant 125 : i32
      %lt3A_153 = arith.cmpi slt, %add3A_152, %lt3A : i32
      %convert_element_type3A = arith.extui %lt3A_153 : i1 to i32
      %cond3A = arith.constant 0 : i32
      %cond3A_154 = arith.cmpi ne, %convert_element_type3A, %cond3A : i32
      scf.if %cond3A_154 {
        %mul3A_304 = arith.constant 80 : i32
        %mul3A_305 = arith.muli %add3A_152, %mul3A_304 : i32
        %dma_start3A_306 = tpu.memref_slice %arg6[%mul3A_305] : memref<10000xi32, #tpu.memory_space<vmem>> -> memref<80xi32, #tpu.memory_space<vmem>>
        %dma_start3A_307 = arith.constant 0 : i32
        %dma_start3A_308 = arith.constant 0 : i32
        %dma_start3A_309 = tpu.memref_slice %arg2[%dma_start3A_307, %dma_start3A_308] : memref<10000x64xi32, #tpu.memory_space<hbm>> -> memref<10000x64xi32, #tpu.memory_space<hbm>>
        tpu.enqueue_indirect_dma source(%dma_start3A_309 : memref<10000x64xi32, #tpu.memory_space<hbm>>) target(%arg14 : memref<80x64xi32, #tpu.memory_space<vmem>>) offsets(%dma_start3A_306 : memref<80xi32, #tpu.memory_space<vmem>>) semaphore(%arg26 : memref<!tpu.dma_semaphore, #tpu.memory_space<semaphore_mem>>)
        %dma_start3A_310 = tpu.memref_slice %arg7[%mul3A_305] : memref<10000xi32, #tpu.memory_space<vmem>> -> memref<80xi32, #tpu.memory_space<vmem>>
        %dma_start3A_311 = arith.constant 0 : i32
        %dma_start3A_312 = arith.constant 0 : i32
        %dma_start3A_313 = tpu.memref_slice %arg2[%dma_start3A_311, %dma_start3A_312] : memref<10000x64xi32, #tpu.memory_space<hbm>> -> memref<10000x64xi32, #tpu.memory_space<hbm>>
        tpu.enqueue_indirect_dma source(%dma_start3A_313 : memref<10000x64xi32, #tpu.memory_space<hbm>>) target(%arg20 : memref<80x64xi32, #tpu.memory_space<vmem>>) offsets(%dma_start3A_310 : memref<80xi32, #tpu.memory_space<vmem>>) semaphore(%arg32 : memref<!tpu.dma_semaphore, #tpu.memory_space<semaphore_mem>>)
      } else {
      }
      %mul3A_155 = arith.constant 80 : i32
      %mul3A_156 = arith.muli %add3A_150, %mul3A_155 : i32
      %dma_wait3A_157 = tpu.memref_slice %arg6[%mul3A_156] : memref<10000xi32, #tpu.memory_space<vmem>> -> memref<80xi32, #tpu.memory_space<vmem>>
      %dma_wait3A_158 = arith.constant 0 : i32
      %dma_wait3A_159 = arith.constant 0 : i32
      %dma_wait3A_160 = tpu.memref_slice %arg2[%dma_wait3A_158, %dma_wait3A_159] : memref<10000x64xi32, #tpu.memory_space<hbm>> -> memref<10000x64xi32, #tpu.memory_space<hbm>>
      tpu.wait_indirect_dma semaphore(%arg21 : memref<!tpu.dma_semaphore, #tpu.memory_space<semaphore_mem>>) src(%dma_wait3A_160 : memref<10000x64xi32, #tpu.memory_space<hbm>>) dst(%arg9 : memref<80x64xi32, #tpu.memory_space<vmem>>)
      %dma_wait3A_161 = tpu.memref_slice %arg7[%mul3A_156] : memref<10000xi32, #tpu.memory_space<vmem>> -> memref<80xi32, #tpu.memory_space<vmem>>
      %dma_wait3A_162 = arith.constant 0 : i32
      %dma_wait3A_163 = arith.constant 0 : i32
      %dma_wait3A_164 = tpu.memref_slice %arg2[%dma_wait3A_162, %dma_wait3A_163] : memref<10000x64xi32, #tpu.memory_space<hbm>> -> memref<10000x64xi32, #tpu.memory_space<hbm>>
      tpu.wait_indirect_dma semaphore(%arg27 : memref<!tpu.dma_semaphore, #tpu.memory_space<semaphore_mem>>) src(%dma_wait3A_164 : memref<10000x64xi32, #tpu.memory_space<hbm>>) dst(%arg15 : memref<80x64xi32, #tpu.memory_space<vmem>>)
      %scan3A_165 = arith.constant 0 : i32
      %scan3A_166 = arith.constant 5 : i32
      %scan3A_167 = arith.addi %scan3A_165, %scan3A_166 : i32
      %scan3A_168 = arith.constant 1 : i32
      scf.for %scan3A_304 = %scan3A_165 to %scan3A_167 step %scan3A_168  : i32 {
        %mul3A_305 = arith.constant 16 : i32
        %mul3A_306 = arith.muli %scan3A_304, %mul3A_305 : i32
        %add3A_307 = vector.broadcast %mul3A_306 : i32 to vector<16xi32>
        %add3A_308 = arith.addi %iota3A, %add3A_307 : vector<16xi32>
        %broadcast_in_dim3A = arith.constant 0.000000e+00 : f32
        %broadcast_in_dim3A_309 = vector.broadcast %broadcast_in_dim3A : f32 to vector<16xf32>
        %broadcast_in_dim3A_310 = arith.constant 0.000000e+00 : f32
        %broadcast_in_dim3A_311 = vector.broadcast %broadcast_in_dim3A_310 : f32 to vector<16xf32>
        %scan3A_312 = arith.constant 0 : i32
        %scan3A_313 = arith.constant 64 : i32
        %scan3A_314 = arith.addi %scan3A_312, %scan3A_313 : i32
        %scan3A_315 = arith.constant 8 : i32
        %scan3A_316:2 = scf.for %scan3A_332 = %scan3A_312 to %scan3A_314 step %scan3A_315 iter_args(%scan3A_333 = %broadcast_in_dim3A_309, %scan3A_334 = %broadcast_in_dim3A_311) -> (vector<16xf32>, vector<16xf32>)  : i32 {
          %broadcast_in_dim3A_335 = arith.constant 1 : i32
          %broadcast_in_dim3A_336 = vector.broadcast %broadcast_in_dim3A_335 : i32 to vector<16xi32>
          %mul3A_337 = vector.broadcast %scan3A_332 : i32 to vector<16xi32>
          %mul3A_338 = arith.muli %broadcast_in_dim3A_336, %mul3A_337 : vector<16xi32>
          %gather3A = tpu.vector_load_idx %arg9[%add3A_308, %mul3A_338] : memref<80x64xi32, #tpu.memory_space<vmem>>[vector<16xi32>, vector<16xi32>], vector<16xi32>,
          %gather3A_339 = tpu.vector_load_idx %arg15[%add3A_308, %mul3A_338] : memref<80x64xi32, #tpu.memory_space<vmem>>[vector<16xi32>, vector<16xi32>], vector<16xi32>,
          %bitcast3A = vector.bitcast %gather3A : vector<16xi32> to vector<32xbf16>
          %bitcast3A_340 = vector.bitcast %gather3A_339 : vector<16xi32> to vector<32xbf16>
          %mul3A_341 = arith.mulf %bitcast3A, %bitcast3A_340 : vector<32xbf16>
          %unpack3A = tpu.unpack_subelements %mul3A_341, 0 {pack_format = #tpu.pack_format<interleaved>} : vector<32xbf16> -> vector<16xf32>
          %unpack3A_342 = tpu.unpack_subelements %mul3A_341, 1 {pack_format = #tpu.pack_format<interleaved>} : vector<32xbf16> -> vector<16xf32>
          %add3A_343 = arith.addf %scan3A_333, %unpack3A : vector<16xf32>
          %add3A_344 = arith.addf %scan3A_334, %unpack3A_342 : vector<16xf32>
          %scan3A_345 = arith.constant 1 : i32
          %scan3A_346 = arith.addi %scan3A_332, %scan3A_345 : i32
          %broadcast_in_dim3A_347 = arith.constant 1 : i32
          %broadcast_in_dim3A_348 = vector.broadcast %broadcast_in_dim3A_347 : i32 to vector<16xi32>
          %mul3A_349 = vector.broadcast %scan3A_346 : i32 to vector<16xi32>
          %mul3A_350 = arith.muli %broadcast_in_dim3A_348, %mul3A_349 : vector<16xi32>
          %gather3A_351 = tpu.vector_load_idx %arg9[%add3A_308, %mul3A_350] : memref<80x64xi32, #tpu.memory_space<vmem>>[vector<16xi32>, vector<16xi32>], vector<16xi32>,
          %gather3A_352 = tpu.vector_load_idx %arg15[%add3A_308, %mul3A_350] : memref<80x64xi32, #tpu.memory_space<vmem>>[vector<16xi32>, vector<16xi32>], vector<16xi32>,
          %bitcast3A_353 = vector.bitcast %gather3A_351 : vector<16xi32> to vector<32xbf16>
          %bitcast3A_354 = vector.bitcast %gather3A_352 : vector<16xi32> to vector<32xbf16>
          %mul3A_355 = arith.mulf %bitcast3A_353, %bitcast3A_354 : vector<32xbf16>
          %unpack3A_356 = tpu.unpack_subelements %mul3A_355, 0 {pack_format = #tpu.pack_format<interleaved>} : vector<32xbf16> -> vector<16xf32>
          %unpack3A_357 = tpu.unpack_subelements %mul3A_355, 1 {pack_format = #tpu.pack_format<interleaved>} : vector<32xbf16> -> vector<16xf32>
          %add3A_358 = arith.addf %add3A_343, %unpack3A_356 : vector<16xf32>
          %add3A_359 = arith.addf %add3A_344, %unpack3A_357 : vector<16xf32>
          %scan3A_360 = arith.constant 2 : i32
          %scan3A_361 = arith.addi %scan3A_332, %scan3A_360 : i32
          %broadcast_in_dim3A_362 = arith.constant 1 : i32
          %broadcast_in_dim3A_363 = vector.broadcast %broadcast_in_dim3A_362 : i32 to vector<16xi32>
          %mul3A_364 = vector.broadcast %scan3A_361 : i32 to vector<16xi32>
          %mul3A_365 = arith.muli %broadcast_in_dim3A_363, %mul3A_364 : vector<16xi32>
          %gather3A_366 = tpu.vector_load_idx %arg9[%add3A_308, %mul3A_365] : memref<80x64xi32, #tpu.memory_space<vmem>>[vector<16xi32>, vector<16xi32>], vector<16xi32>,
          %gather3A_367 = tpu.vector_load_idx %arg15[%add3A_308, %mul3A_365] : memref<80x64xi32, #tpu.memory_space<vmem>>[vector<16xi32>, vector<16xi32>], vector<16xi32>,
          %bitcast3A_368 = vector.bitcast %gather3A_366 : vector<16xi32> to vector<32xbf16>
          %bitcast3A_369 = vector.bitcast %gather3A_367 : vector<16xi32> to vector<32xbf16>
          %mul3A_370 = arith.mulf %bitcast3A_368, %bitcast3A_369 : vector<32xbf16>
          %unpack3A_371 = tpu.unpack_subelements %mul3A_370, 0 {pack_format = #tpu.pack_format<interleaved>} : vector<32xbf16> -> vector<16xf32>
          %unpack3A_372 = tpu.unpack_subelements %mul3A_370, 1 {pack_format = #tpu.pack_format<interleaved>} : vector<32xbf16> -> vector<16xf32>
          %add3A_373 = arith.addf %add3A_358, %unpack3A_371 : vector<16xf32>
          %add3A_374 = arith.addf %add3A_359, %unpack3A_372 : vector<16xf32>
          %scan3A_375 = arith.constant 3 : i32
          %scan3A_376 = arith.addi %scan3A_332, %scan3A_375 : i32
          %broadcast_in_dim3A_377 = arith.constant 1 : i32
          %broadcast_in_dim3A_378 = vector.broadcast %broadcast_in_dim3A_377 : i32 to vector<16xi32>
          %mul3A_379 = vector.broadcast %scan3A_376 : i32 to vector<16xi32>
          %mul3A_380 = arith.muli %broadcast_in_dim3A_378, %mul3A_379 : vector<16xi32>
          %gather3A_381 = tpu.vector_load_idx %arg9[%add3A_308, %mul3A_380] : memref<80x64xi32, #tpu.memory_space<vmem>>[vector<16xi32>, vector<16xi32>], vector<16xi32>,
          %gather3A_382 = tpu.vector_load_idx %arg15[%add3A_308, %mul3A_380] : memref<80x64xi32, #tpu.memory_space<vmem>>[vector<16xi32>, vector<16xi32>], vector<16xi32>,
          %bitcast3A_383 = vector.bitcast %gather3A_381 : vector<16xi32> to vector<32xbf16>
          %bitcast3A_384 = vector.bitcast %gather3A_382 : vector<16xi32> to vector<32xbf16>
          %mul3A_385 = arith.mulf %bitcast3A_383, %bitcast3A_384 : vector<32xbf16>
          %unpack3A_386 = tpu.unpack_subelements %mul3A_385, 0 {pack_format = #tpu.pack_format<interleaved>} : vector<32xbf16> -> vector<16xf32>
          %unpack3A_387 = tpu.unpack_subelements %mul3A_385, 1 {pack_format = #tpu.pack_format<interleaved>} : vector<32xbf16> -> vector<16xf32>
          %add3A_388 = arith.addf %add3A_373, %unpack3A_386 : vector<16xf32>
          %add3A_389 = arith.addf %add3A_374, %unpack3A_387 : vector<16xf32>
          %scan3A_390 = arith.constant 4 : i32
          %scan3A_391 = arith.addi %scan3A_332, %scan3A_390 : i32
          %broadcast_in_dim3A_392 = arith.constant 1 : i32
          %broadcast_in_dim3A_393 = vector.broadcast %broadcast_in_dim3A_392 : i32 to vector<16xi32>
          %mul3A_394 = vector.broadcast %scan3A_391 : i32 to vector<16xi32>
          %mul3A_395 = arith.muli %broadcast_in_dim3A_393, %mul3A_394 : vector<16xi32>
          %gather3A_396 = tpu.vector_load_idx %arg9[%add3A_308, %mul3A_395] : memref<80x64xi32, #tpu.memory_space<vmem>>[vector<16xi32>, vector<16xi32>], vector<16xi32>,
          %gather3A_397 = tpu.vector_load_idx %arg15[%add3A_308, %mul3A_395] : memref<80x64xi32, #tpu.memory_space<vmem>>[vector<16xi32>, vector<16xi32>], vector<16xi32>,
          %bitcast3A_398 = vector.bitcast %gather3A_396 : vector<16xi32> to vector<32xbf16>
          %bitcast3A_399 = vector.bitcast %gather3A_397 : vector<16xi32> to vector<32xbf16>
          %mul3A_400 = arith.mulf %bitcast3A_398, %bitcast3A_399 : vector<32xbf16>
          %unpack3A_401 = tpu.unpack_subelements %mul3A_400, 0 {pack_format = #tpu.pack_format<interleaved>} : vector<32xbf16> -> vector<16xf32>
          %unpack3A_402 = tpu.unpack_subelements %mul3A_400, 1 {pack_format = #tpu.pack_format<interleaved>} : vector<32xbf16> -> vector<16xf32>
          %add3A_403 = arith.addf %add3A_388, %unpack3A_401 : vector<16xf32>
          %add3A_404 = arith.addf %add3A_389, %unpack3A_402 : vector<16xf32>
          %scan3A_405 = arith.constant 5 : i32
          %scan3A_406 = arith.addi %scan3A_332, %scan3A_405 : i32
          %broadcast_in_dim3A_407 = arith.constant 1 : i32
          %broadcast_in_dim3A_408 = vector.broadcast %broadcast_in_dim3A_407 : i32 to vector<16xi32>
          %mul3A_409 = vector.broadcast %scan3A_406 : i32 to vector<16xi32>
          %mul3A_410 = arith.muli %broadcast_in_dim3A_408, %mul3A_409 : vector<16xi32>
          %gather3A_411 = tpu.vector_load_idx %arg9[%add3A_308, %mul3A_410] : memref<80x64xi32, #tpu.memory_space<vmem>>[vector<16xi32>, vector<16xi32>], vector<16xi32>,
          %gather3A_412 = tpu.vector_load_idx %arg15[%add3A_308, %mul3A_410] : memref<80x64xi32, #tpu.memory_space<vmem>>[vector<16xi32>, vector<16xi32>], vector<16xi32>,
          %bitcast3A_413 = vector.bitcast %gather3A_411 : vector<16xi32> to vector<32xbf16>
          %bitcast3A_414 = vector.bitcast %gather3A_412 : vector<16xi32> to vector<32xbf16>
          %mul3A_415 = arith.mulf %bitcast3A_413, %bitcast3A_414 : vector<32xbf16>
          %unpack3A_416 = tpu.unpack_subelements %mul3A_415, 0 {pack_format = #tpu.pack_format<interleaved>} : vector<32xbf16> -> vector<16xf32>
          %unpack3A_417 = tpu.unpack_subelements %mul3A_415, 1 {pack_format = #tpu.pack_format<interleaved>} : vector<32xbf16> -> vector<16xf32>
          %add3A_418 = arith.addf %add3A_403, %unpack3A_416 : vector<16xf32>
          %add3A_419 = arith.addf %add3A_404, %unpack3A_417 : vector<16xf32>
          %scan3A_420 = arith.constant 6 : i32
          %scan3A_421 = arith.addi %scan3A_332, %scan3A_420 : i32
          %broadcast_in_dim3A_422 = arith.constant 1 : i32
          %broadcast_in_dim3A_423 = vector.broadcast %broadcast_in_dim3A_422 : i32 to vector<16xi32>
          %mul3A_424 = vector.broadcast %scan3A_421 : i32 to vector<16xi32>
          %mul3A_425 = arith.muli %broadcast_in_dim3A_423, %mul3A_424 : vector<16xi32>
          %gather3A_426 = tpu.vector_load_idx %arg9[%add3A_308, %mul3A_425] : memref<80x64xi32, #tpu.memory_space<vmem>>[vector<16xi32>, vector<16xi32>], vector<16xi32>,
          %gather3A_427 = tpu.vector_load_idx %arg15[%add3A_308, %mul3A_425] : memref<80x64xi32, #tpu.memory_space<vmem>>[vector<16xi32>, vector<16xi32>], vector<16xi32>,
          %bitcast3A_428 = vector.bitcast %gather3A_426 : vector<16xi32> to vector<32xbf16>
          %bitcast3A_429 = vector.bitcast %gather3A_427 : vector<16xi32> to vector<32xbf16>
          %mul3A_430 = arith.mulf %bitcast3A_428, %bitcast3A_429 : vector<32xbf16>
          %unpack3A_431 = tpu.unpack_subelements %mul3A_430, 0 {pack_format = #tpu.pack_format<interleaved>} : vector<32xbf16> -> vector<16xf32>
          %unpack3A_432 = tpu.unpack_subelements %mul3A_430, 1 {pack_format = #tpu.pack_format<interleaved>} : vector<32xbf16> -> vector<16xf32>
          %add3A_433 = arith.addf %add3A_418, %unpack3A_431 : vector<16xf32>
          %add3A_434 = arith.addf %add3A_419, %unpack3A_432 : vector<16xf32>
          %scan3A_435 = arith.constant 7 : i32
          %scan3A_436 = arith.addi %scan3A_332, %scan3A_435 : i32
          %broadcast_in_dim3A_437 = arith.constant 1 : i32
          %broadcast_in_dim3A_438 = vector.broadcast %broadcast_in_dim3A_437 : i32 to vector<16xi32>
          %mul3A_439 = vector.broadcast %scan3A_436 : i32 to vector<16xi32>
          %mul3A_440 = arith.muli %broadcast_in_dim3A_438, %mul3A_439 : vector<16xi32>
          %gather3A_441 = tpu.vector_load_idx %arg9[%add3A_308, %mul3A_440] : memref<80x64xi32, #tpu.memory_space<vmem>>[vector<16xi32>, vector<16xi32>], vector<16xi32>,
          %gather3A_442 = tpu.vector_load_idx %arg15[%add3A_308, %mul3A_440] : memref<80x64xi32, #tpu.memory_space<vmem>>[vector<16xi32>, vector<16xi32>], vector<16xi32>,
          %bitcast3A_443 = vector.bitcast %gather3A_441 : vector<16xi32> to vector<32xbf16>
          %bitcast3A_444 = vector.bitcast %gather3A_442 : vector<16xi32> to vector<32xbf16>
          %mul3A_445 = arith.mulf %bitcast3A_443, %bitcast3A_444 : vector<32xbf16>
          %unpack3A_446 = tpu.unpack_subelements %mul3A_445, 0 {pack_format = #tpu.pack_format<interleaved>} : vector<32xbf16> -> vector<16xf32>
          %unpack3A_447 = tpu.unpack_subelements %mul3A_445, 1 {pack_format = #tpu.pack_format<interleaved>} : vector<32xbf16> -> vector<16xf32>
          %add3A_448 = arith.addf %add3A_433, %unpack3A_446 : vector<16xf32>
          %add3A_449 = arith.addf %add3A_434, %unpack3A_447 : vector<16xf32>
          scf.yield %add3A_448, %add3A_449 : vector<16xf32>, vector<16xf32>
        }
        %scan3A_317 = arith.constant 64 : i32
        %add3A_318 = arith.addf %scan3A_316#0, %scan3A_316#1 : vector<16xf32>
        %neg3A = arith.constant 0.000000e+00 : f32
        %neg3A_319 = vector.broadcast %neg3A : f32 to vector<16xf32>
        %neg3A_320 = arith.subf %neg3A_319, %add3A_318 : vector<16xf32>
        %exp3A = math.exp %neg3A_320 : vector<16xf32>
        %add3A_321 = arith.constant 1.000000e+00 : f32
        %add3A_322 = vector.broadcast %add3A_321 : f32 to vector<16xf32>
        %add3A_323 = arith.addf %add3A_322, %exp3A : vector<16xf32>
        %div3A = arith.constant 1.000000e+00 : f32
        %div3A_324 = vector.broadcast %div3A : f32 to vector<16xf32>
        %div3A_325 = arith.divf %div3A_324, %add3A_323 : vector<16xf32>
        %mul3A_326 = arith.constant 80 : i32
        %mul3A_327 = arith.muli %add3A_150, %mul3A_326 : i32
        %mul3A_328 = arith.constant 16 : i32
        %mul3A_329 = arith.muli %scan3A_304, %mul3A_328 : i32
        %add3A_330 = arith.addi %mul3A_327, %mul3A_329 : i32
        %swap3A = arith.index_cast %add3A_330 : i32 to index
        %swap3A_331 = tpu.vector_load %arg8[%swap3A] {strides = array<i32>} : memref<10000xf32, #tpu.memory_space<vmem>>, vector<16xf32>,
        tpu.vector_store %arg8[%swap3A], %div3A_325 {strides = array<i32>} : memref<10000xf32, #tpu.memory_space<vmem>>, vector<16xf32>,
      }
      %scan3A_169 = arith.constant 5 : i32
      %mul3A_170 = arith.constant 6 : i32
      %mul3A_171 = arith.muli %scan3A_146, %mul3A_170 : i32
      %add3A_172 = arith.constant 1 : i32
      %add3A_173 = arith.addi %mul3A_171, %add3A_172 : i32
      %add3A_174 = arith.constant 5 : i32
      %add3A_175 = arith.addi %add3A_173, %add3A_174 : i32
      %lt3A_176 = arith.constant 125 : i32
      %lt3A_177 = arith.cmpi slt, %add3A_175, %lt3A_176 : i32
      %convert_element_type3A_178 = arith.extui %lt3A_177 : i1 to i32
      %cond3A_179 = arith.constant 0 : i32
      %cond3A_180 = arith.cmpi ne, %convert_element_type3A_178, %cond3A_179 : i32
      scf.if %cond3A_180 {
        %mul3A_304 = arith.constant 80 : i32
        %mul3A_305 = arith.muli %add3A_175, %mul3A_304 : i32
        %dma_start3A_306 = tpu.memref_slice %arg6[%mul3A_305] : memref<10000xi32, #tpu.memory_space<vmem>> -> memref<80xi32, #tpu.memory_space<vmem>>
        %dma_start3A_307 = arith.constant 0 : i32
        %dma_start3A_308 = arith.constant 0 : i32
        %dma_start3A_309 = tpu.memref_slice %arg2[%dma_start3A_307, %dma_start3A_308] : memref<10000x64xi32, #tpu.memory_space<hbm>> -> memref<10000x64xi32, #tpu.memory_space<hbm>>
        tpu.enqueue_indirect_dma source(%dma_start3A_309 : memref<10000x64xi32, #tpu.memory_space<hbm>>) target(%arg9 : memref<80x64xi32, #tpu.memory_space<vmem>>) offsets(%dma_start3A_306 : memref<80xi32, #tpu.memory_space<vmem>>) semaphore(%arg21 : memref<!tpu.dma_semaphore, #tpu.memory_space<semaphore_mem>>)
        %dma_start3A_310 = tpu.memref_slice %arg7[%mul3A_305] : memref<10000xi32, #tpu.memory_space<vmem>> -> memref<80xi32, #tpu.memory_space<vmem>>
        %dma_start3A_311 = arith.constant 0 : i32
        %dma_start3A_312 = arith.constant 0 : i32
        %dma_start3A_313 = tpu.memref_slice %arg2[%dma_start3A_311, %dma_start3A_312] : memref<10000x64xi32, #tpu.memory_space<hbm>> -> memref<10000x64xi32, #tpu.memory_space<hbm>>
        tpu.enqueue_indirect_dma source(%dma_start3A_313 : memref<10000x64xi32, #tpu.memory_space<hbm>>) target(%arg15 : memref<80x64xi32, #tpu.memory_space<vmem>>) offsets(%dma_start3A_310 : memref<80xi32, #tpu.memory_space<vmem>>) semaphore(%arg27 : memref<!tpu.dma_semaphore, #tpu.memory_space<semaphore_mem>>)
      } else {
      }
      %mul3A_181 = arith.constant 80 : i32
      %mul3A_182 = arith.muli %add3A_173, %mul3A_181 : i32
      %dma_wait3A_183 = tpu.memref_slice %arg6[%mul3A_182] : memref<10000xi32, #tpu.memory_space<vmem>> -> memref<80xi32, #tpu.memory_space<vmem>>
      %dma_wait3A_184 = arith.constant 0 : i32
      %dma_wait3A_185 = arith.constant 0 : i32
      %dma_wait3A_186 = tpu.memref_slice %arg2[%dma_wait3A_184, %dma_wait3A_185] : memref<10000x64xi32, #tpu.memory_space<hbm>> -> memref<10000x64xi32, #tpu.memory_space<hbm>>
      tpu.wait_indirect_dma semaphore(%arg22 : memref<!tpu.dma_semaphore, #tpu.memory_space<semaphore_mem>>) src(%dma_wait3A_186 : memref<10000x64xi32, #tpu.memory_space<hbm>>) dst(%arg10 : memref<80x64xi32, #tpu.memory_space<vmem>>)
      %dma_wait3A_187 = tpu.memref_slice %arg7[%mul3A_182] : memref<10000xi32, #tpu.memory_space<vmem>> -> memref<80xi32, #tpu.memory_space<vmem>>
      %dma_wait3A_188 = arith.constant 0 : i32
      %dma_wait3A_189 = arith.constant 0 : i32
      %dma_wait3A_190 = tpu.memref_slice %arg2[%dma_wait3A_188, %dma_wait3A_189] : memref<10000x64xi32, #tpu.memory_space<hbm>> -> memref<10000x64xi32, #tpu.memory_space<hbm>>
      tpu.wait_indirect_dma semaphore(%arg28 : memref<!tpu.dma_semaphore, #tpu.memory_space<semaphore_mem>>) src(%dma_wait3A_190 : memref<10000x64xi32, #tpu.memory_space<hbm>>) dst(%arg16 : memref<80x64xi32, #tpu.memory_space<vmem>>)
      %scan3A_191 = arith.constant 0 : i32
      %scan3A_192 = arith.constant 5 : i32
      %scan3A_193 = arith.addi %scan3A_191, %scan3A_192 : i32
      %scan3A_194 = arith.constant 1 : i32
      scf.for %scan3A_304 = %scan3A_191 to %scan3A_193 step %scan3A_194  : i32 {
        %mul3A_305 = arith.constant 16 : i32
        %mul3A_306 = arith.muli %scan3A_304, %mul3A_305 : i32
        %add3A_307 = vector.broadcast %mul3A_306 : i32 to vector<16xi32>
        %add3A_308 = arith.addi %iota3A, %add3A_307 : vector<16xi32>
        %broadcast_in_dim3A = arith.constant 0.000000e+00 : f32
        %broadcast_in_dim3A_309 = vector.broadcast %broadcast_in_dim3A : f32 to vector<16xf32>
        %broadcast_in_dim3A_310 = arith.constant 0.000000e+00 : f32
        %broadcast_in_dim3A_311 = vector.broadcast %broadcast_in_dim3A_310 : f32 to vector<16xf32>
        %scan3A_312 = arith.constant 0 : i32
        %scan3A_313 = arith.constant 64 : i32
        %scan3A_314 = arith.addi %scan3A_312, %scan3A_313 : i32
        %scan3A_315 = arith.constant 8 : i32
        %scan3A_316:2 = scf.for %scan3A_332 = %scan3A_312 to %scan3A_314 step %scan3A_315 iter_args(%scan3A_333 = %broadcast_in_dim3A_309, %scan3A_334 = %broadcast_in_dim3A_311) -> (vector<16xf32>, vector<16xf32>)  : i32 {
          %broadcast_in_dim3A_335 = arith.constant 1 : i32
          %broadcast_in_dim3A_336 = vector.broadcast %broadcast_in_dim3A_335 : i32 to vector<16xi32>
          %mul3A_337 = vector.broadcast %scan3A_332 : i32 to vector<16xi32>
          %mul3A_338 = arith.muli %broadcast_in_dim3A_336, %mul3A_337 : vector<16xi32>
          %gather3A = tpu.vector_load_idx %arg10[%add3A_308, %mul3A_338] : memref<80x64xi32, #tpu.memory_space<vmem>>[vector<16xi32>, vector<16xi32>], vector<16xi32>,
          %gather3A_339 = tpu.vector_load_idx %arg16[%add3A_308, %mul3A_338] : memref<80x64xi32, #tpu.memory_space<vmem>>[vector<16xi32>, vector<16xi32>], vector<16xi32>,
          %bitcast3A = vector.bitcast %gather3A : vector<16xi32> to vector<32xbf16>
          %bitcast3A_340 = vector.bitcast %gather3A_339 : vector<16xi32> to vector<32xbf16>
          %mul3A_341 = arith.mulf %bitcast3A, %bitcast3A_340 : vector<32xbf16>
          %unpack3A = tpu.unpack_subelements %mul3A_341, 0 {pack_format = #tpu.pack_format<interleaved>} : vector<32xbf16> -> vector<16xf32>
          %unpack3A_342 = tpu.unpack_subelements %mul3A_341, 1 {pack_format = #tpu.pack_format<interleaved>} : vector<32xbf16> -> vector<16xf32>
          %add3A_343 = arith.addf %scan3A_333, %unpack3A : vector<16xf32>
          %add3A_344 = arith.addf %scan3A_334, %unpack3A_342 : vector<16xf32>
          %scan3A_345 = arith.constant 1 : i32
          %scan3A_346 = arith.addi %scan3A_332, %scan3A_345 : i32
          %broadcast_in_dim3A_347 = arith.constant 1 : i32
          %broadcast_in_dim3A_348 = vector.broadcast %broadcast_in_dim3A_347 : i32 to vector<16xi32>
          %mul3A_349 = vector.broadcast %scan3A_346 : i32 to vector<16xi32>
          %mul3A_350 = arith.muli %broadcast_in_dim3A_348, %mul3A_349 : vector<16xi32>
          %gather3A_351 = tpu.vector_load_idx %arg10[%add3A_308, %mul3A_350] : memref<80x64xi32, #tpu.memory_space<vmem>>[vector<16xi32>, vector<16xi32>], vector<16xi32>,
          %gather3A_352 = tpu.vector_load_idx %arg16[%add3A_308, %mul3A_350] : memref<80x64xi32, #tpu.memory_space<vmem>>[vector<16xi32>, vector<16xi32>], vector<16xi32>,
          %bitcast3A_353 = vector.bitcast %gather3A_351 : vector<16xi32> to vector<32xbf16>
          %bitcast3A_354 = vector.bitcast %gather3A_352 : vector<16xi32> to vector<32xbf16>
          %mul3A_355 = arith.mulf %bitcast3A_353, %bitcast3A_354 : vector<32xbf16>
          %unpack3A_356 = tpu.unpack_subelements %mul3A_355, 0 {pack_format = #tpu.pack_format<interleaved>} : vector<32xbf16> -> vector<16xf32>
          %unpack3A_357 = tpu.unpack_subelements %mul3A_355, 1 {pack_format = #tpu.pack_format<interleaved>} : vector<32xbf16> -> vector<16xf32>
          %add3A_358 = arith.addf %add3A_343, %unpack3A_356 : vector<16xf32>
          %add3A_359 = arith.addf %add3A_344, %unpack3A_357 : vector<16xf32>
          %scan3A_360 = arith.constant 2 : i32
          %scan3A_361 = arith.addi %scan3A_332, %scan3A_360 : i32
          %broadcast_in_dim3A_362 = arith.constant 1 : i32
          %broadcast_in_dim3A_363 = vector.broadcast %broadcast_in_dim3A_362 : i32 to vector<16xi32>
          %mul3A_364 = vector.broadcast %scan3A_361 : i32 to vector<16xi32>
          %mul3A_365 = arith.muli %broadcast_in_dim3A_363, %mul3A_364 : vector<16xi32>
          %gather3A_366 = tpu.vector_load_idx %arg10[%add3A_308, %mul3A_365] : memref<80x64xi32, #tpu.memory_space<vmem>>[vector<16xi32>, vector<16xi32>], vector<16xi32>,
          %gather3A_367 = tpu.vector_load_idx %arg16[%add3A_308, %mul3A_365] : memref<80x64xi32, #tpu.memory_space<vmem>>[vector<16xi32>, vector<16xi32>], vector<16xi32>,
          %bitcast3A_368 = vector.bitcast %gather3A_366 : vector<16xi32> to vector<32xbf16>
          %bitcast3A_369 = vector.bitcast %gather3A_367 : vector<16xi32> to vector<32xbf16>
          %mul3A_370 = arith.mulf %bitcast3A_368, %bitcast3A_369 : vector<32xbf16>
          %unpack3A_371 = tpu.unpack_subelements %mul3A_370, 0 {pack_format = #tpu.pack_format<interleaved>} : vector<32xbf16> -> vector<16xf32>
          %unpack3A_372 = tpu.unpack_subelements %mul3A_370, 1 {pack_format = #tpu.pack_format<interleaved>} : vector<32xbf16> -> vector<16xf32>
          %add3A_373 = arith.addf %add3A_358, %unpack3A_371 : vector<16xf32>
          %add3A_374 = arith.addf %add3A_359, %unpack3A_372 : vector<16xf32>
          %scan3A_375 = arith.constant 3 : i32
          %scan3A_376 = arith.addi %scan3A_332, %scan3A_375 : i32
          %broadcast_in_dim3A_377 = arith.constant 1 : i32
          %broadcast_in_dim3A_378 = vector.broadcast %broadcast_in_dim3A_377 : i32 to vector<16xi32>
          %mul3A_379 = vector.broadcast %scan3A_376 : i32 to vector<16xi32>
          %mul3A_380 = arith.muli %broadcast_in_dim3A_378, %mul3A_379 : vector<16xi32>
          %gather3A_381 = tpu.vector_load_idx %arg10[%add3A_308, %mul3A_380] : memref<80x64xi32, #tpu.memory_space<vmem>>[vector<16xi32>, vector<16xi32>], vector<16xi32>,
          %gather3A_382 = tpu.vector_load_idx %arg16[%add3A_308, %mul3A_380] : memref<80x64xi32, #tpu.memory_space<vmem>>[vector<16xi32>, vector<16xi32>], vector<16xi32>,
          %bitcast3A_383 = vector.bitcast %gather3A_381 : vector<16xi32> to vector<32xbf16>
          %bitcast3A_384 = vector.bitcast %gather3A_382 : vector<16xi32> to vector<32xbf16>
          %mul3A_385 = arith.mulf %bitcast3A_383, %bitcast3A_384 : vector<32xbf16>
          %unpack3A_386 = tpu.unpack_subelements %mul3A_385, 0 {pack_format = #tpu.pack_format<interleaved>} : vector<32xbf16> -> vector<16xf32>
          %unpack3A_387 = tpu.unpack_subelements %mul3A_385, 1 {pack_format = #tpu.pack_format<interleaved>} : vector<32xbf16> -> vector<16xf32>
          %add3A_388 = arith.addf %add3A_373, %unpack3A_386 : vector<16xf32>
          %add3A_389 = arith.addf %add3A_374, %unpack3A_387 : vector<16xf32>
          %scan3A_390 = arith.constant 4 : i32
          %scan3A_391 = arith.addi %scan3A_332, %scan3A_390 : i32
          %broadcast_in_dim3A_392 = arith.constant 1 : i32
          %broadcast_in_dim3A_393 = vector.broadcast %broadcast_in_dim3A_392 : i32 to vector<16xi32>
          %mul3A_394 = vector.broadcast %scan3A_391 : i32 to vector<16xi32>
          %mul3A_395 = arith.muli %broadcast_in_dim3A_393, %mul3A_394 : vector<16xi32>
          %gather3A_396 = tpu.vector_load_idx %arg10[%add3A_308, %mul3A_395] : memref<80x64xi32, #tpu.memory_space<vmem>>[vector<16xi32>, vector<16xi32>], vector<16xi32>,
          %gather3A_397 = tpu.vector_load_idx %arg16[%add3A_308, %mul3A_395] : memref<80x64xi32, #tpu.memory_space<vmem>>[vector<16xi32>, vector<16xi32>], vector<16xi32>,
          %bitcast3A_398 = vector.bitcast %gather3A_396 : vector<16xi32> to vector<32xbf16>
          %bitcast3A_399 = vector.bitcast %gather3A_397 : vector<16xi32> to vector<32xbf16>
          %mul3A_400 = arith.mulf %bitcast3A_398, %bitcast3A_399 : vector<32xbf16>
          %unpack3A_401 = tpu.unpack_subelements %mul3A_400, 0 {pack_format = #tpu.pack_format<interleaved>} : vector<32xbf16> -> vector<16xf32>
          %unpack3A_402 = tpu.unpack_subelements %mul3A_400, 1 {pack_format = #tpu.pack_format<interleaved>} : vector<32xbf16> -> vector<16xf32>
          %add3A_403 = arith.addf %add3A_388, %unpack3A_401 : vector<16xf32>
          %add3A_404 = arith.addf %add3A_389, %unpack3A_402 : vector<16xf32>
          %scan3A_405 = arith.constant 5 : i32
          %scan3A_406 = arith.addi %scan3A_332, %scan3A_405 : i32
          %broadcast_in_dim3A_407 = arith.constant 1 : i32
          %broadcast_in_dim3A_408 = vector.broadcast %broadcast_in_dim3A_407 : i32 to vector<16xi32>
          %mul3A_409 = vector.broadcast %scan3A_406 : i32 to vector<16xi32>
          %mul3A_410 = arith.muli %broadcast_in_dim3A_408, %mul3A_409 : vector<16xi32>
          %gather3A_411 = tpu.vector_load_idx %arg10[%add3A_308, %mul3A_410] : memref<80x64xi32, #tpu.memory_space<vmem>>[vector<16xi32>, vector<16xi32>], vector<16xi32>,
          %gather3A_412 = tpu.vector_load_idx %arg16[%add3A_308, %mul3A_410] : memref<80x64xi32, #tpu.memory_space<vmem>>[vector<16xi32>, vector<16xi32>], vector<16xi32>,
          %bitcast3A_413 = vector.bitcast %gather3A_411 : vector<16xi32> to vector<32xbf16>
          %bitcast3A_414 = vector.bitcast %gather3A_412 : vector<16xi32> to vector<32xbf16>
          %mul3A_415 = arith.mulf %bitcast3A_413, %bitcast3A_414 : vector<32xbf16>
          %unpack3A_416 = tpu.unpack_subelements %mul3A_415, 0 {pack_format = #tpu.pack_format<interleaved>} : vector<32xbf16> -> vector<16xf32>
          %unpack3A_417 = tpu.unpack_subelements %mul3A_415, 1 {pack_format = #tpu.pack_format<interleaved>} : vector<32xbf16> -> vector<16xf32>
          %add3A_418 = arith.addf %add3A_403, %unpack3A_416 : vector<16xf32>
          %add3A_419 = arith.addf %add3A_404, %unpack3A_417 : vector<16xf32>
          %scan3A_420 = arith.constant 6 : i32
          %scan3A_421 = arith.addi %scan3A_332, %scan3A_420 : i32
          %broadcast_in_dim3A_422 = arith.constant 1 : i32
          %broadcast_in_dim3A_423 = vector.broadcast %broadcast_in_dim3A_422 : i32 to vector<16xi32>
          %mul3A_424 = vector.broadcast %scan3A_421 : i32 to vector<16xi32>
          %mul3A_425 = arith.muli %broadcast_in_dim3A_423, %mul3A_424 : vector<16xi32>
          %gather3A_426 = tpu.vector_load_idx %arg10[%add3A_308, %mul3A_425] : memref<80x64xi32, #tpu.memory_space<vmem>>[vector<16xi32>, vector<16xi32>], vector<16xi32>,
          %gather3A_427 = tpu.vector_load_idx %arg16[%add3A_308, %mul3A_425] : memref<80x64xi32, #tpu.memory_space<vmem>>[vector<16xi32>, vector<16xi32>], vector<16xi32>,
          %bitcast3A_428 = vector.bitcast %gather3A_426 : vector<16xi32> to vector<32xbf16>
          %bitcast3A_429 = vector.bitcast %gather3A_427 : vector<16xi32> to vector<32xbf16>
          %mul3A_430 = arith.mulf %bitcast3A_428, %bitcast3A_429 : vector<32xbf16>
          %unpack3A_431 = tpu.unpack_subelements %mul3A_430, 0 {pack_format = #tpu.pack_format<interleaved>} : vector<32xbf16> -> vector<16xf32>
          %unpack3A_432 = tpu.unpack_subelements %mul3A_430, 1 {pack_format = #tpu.pack_format<interleaved>} : vector<32xbf16> -> vector<16xf32>
          %add3A_433 = arith.addf %add3A_418, %unpack3A_431 : vector<16xf32>
          %add3A_434 = arith.addf %add3A_419, %unpack3A_432 : vector<16xf32>
          %scan3A_435 = arith.constant 7 : i32
          %scan3A_436 = arith.addi %scan3A_332, %scan3A_435 : i32
          %broadcast_in_dim3A_437 = arith.constant 1 : i32
          %broadcast_in_dim3A_438 = vector.broadcast %broadcast_in_dim3A_437 : i32 to vector<16xi32>
          %mul3A_439 = vector.broadcast %scan3A_436 : i32 to vector<16xi32>
          %mul3A_440 = arith.muli %broadcast_in_dim3A_438, %mul3A_439 : vector<16xi32>
          %gather3A_441 = tpu.vector_load_idx %arg10[%add3A_308, %mul3A_440] : memref<80x64xi32, #tpu.memory_space<vmem>>[vector<16xi32>, vector<16xi32>], vector<16xi32>,
          %gather3A_442 = tpu.vector_load_idx %arg16[%add3A_308, %mul3A_440] : memref<80x64xi32, #tpu.memory_space<vmem>>[vector<16xi32>, vector<16xi32>], vector<16xi32>,
          %bitcast3A_443 = vector.bitcast %gather3A_441 : vector<16xi32> to vector<32xbf16>
          %bitcast3A_444 = vector.bitcast %gather3A_442 : vector<16xi32> to vector<32xbf16>
          %mul3A_445 = arith.mulf %bitcast3A_443, %bitcast3A_444 : vector<32xbf16>
          %unpack3A_446 = tpu.unpack_subelements %mul3A_445, 0 {pack_format = #tpu.pack_format<interleaved>} : vector<32xbf16> -> vector<16xf32>
          %unpack3A_447 = tpu.unpack_subelements %mul3A_445, 1 {pack_format = #tpu.pack_format<interleaved>} : vector<32xbf16> -> vector<16xf32>
          %add3A_448 = arith.addf %add3A_433, %unpack3A_446 : vector<16xf32>
          %add3A_449 = arith.addf %add3A_434, %unpack3A_447 : vector<16xf32>
          scf.yield %add3A_448, %add3A_449 : vector<16xf32>, vector<16xf32>
        }
        %scan3A_317 = arith.constant 64 : i32
        %add3A_318 = arith.addf %scan3A_316#0, %scan3A_316#1 : vector<16xf32>
        %neg3A = arith.constant 0.000000e+00 : f32
        %neg3A_319 = vector.broadcast %neg3A : f32 to vector<16xf32>
        %neg3A_320 = arith.subf %neg3A_319, %add3A_318 : vector<16xf32>
        %exp3A = math.exp %neg3A_320 : vector<16xf32>
        %add3A_321 = arith.constant 1.000000e+00 : f32
        %add3A_322 = vector.broadcast %add3A_321 : f32 to vector<16xf32>
        %add3A_323 = arith.addf %add3A_322, %exp3A : vector<16xf32>
        %div3A = arith.constant 1.000000e+00 : f32
        %div3A_324 = vector.broadcast %div3A : f32 to vector<16xf32>
        %div3A_325 = arith.divf %div3A_324, %add3A_323 : vector<16xf32>
        %mul3A_326 = arith.constant 80 : i32
        %mul3A_327 = arith.muli %add3A_173, %mul3A_326 : i32
        %mul3A_328 = arith.constant 16 : i32
        %mul3A_329 = arith.muli %scan3A_304, %mul3A_328 : i32
        %add3A_330 = arith.addi %mul3A_327, %mul3A_329 : i32
        %swap3A = arith.index_cast %add3A_330 : i32 to index
        %swap3A_331 = tpu.vector_load %arg8[%swap3A] {strides = array<i32>} : memref<10000xf32, #tpu.memory_space<vmem>>, vector<16xf32>,
        tpu.vector_store %arg8[%swap3A], %div3A_325 {strides = array<i32>} : memref<10000xf32, #tpu.memory_space<vmem>>, vector<16xf32>,
      }
      %scan3A_195 = arith.constant 5 : i32
      %mul3A_196 = arith.constant 6 : i32
      %mul3A_197 = arith.muli %scan3A_146, %mul3A_196 : i32
      %add3A_198 = arith.constant 2 : i32
      %add3A_199 = arith.addi %mul3A_197, %add3A_198 : i32
      %add3A_200 = arith.constant 5 : i32
      %add3A_201 = arith.addi %add3A_199, %add3A_200 : i32
      %lt3A_202 = arith.constant 125 : i32
      %lt3A_203 = arith.cmpi slt, %add3A_201, %lt3A_202 : i32
      %convert_element_type3A_204 = arith.extui %lt3A_203 : i1 to i32
      %cond3A_205 = arith.constant 0 : i32
      %cond3A_206 = arith.cmpi ne, %convert_element_type3A_204, %cond3A_205 : i32
      scf.if %cond3A_206 {
        %mul3A_304 = arith.constant 80 : i32
        %mul3A_305 = arith.muli %add3A_201, %mul3A_304 : i32
        %dma_start3A_306 = tpu.memref_slice %arg6[%mul3A_305] : memref<10000xi32, #tpu.memory_space<vmem>> -> memref<80xi32, #tpu.memory_space<vmem>>
        %dma_start3A_307 = arith.constant 0 : i32
        %dma_start3A_308 = arith.constant 0 : i32
        %dma_start3A_309 = tpu.memref_slice %arg2[%dma_start3A_307, %dma_start3A_308] : memref<10000x64xi32, #tpu.memory_space<hbm>> -> memref<10000x64xi32, #tpu.memory_space<hbm>>
        tpu.enqueue_indirect_dma source(%dma_start3A_309 : memref<10000x64xi32, #tpu.memory_space<hbm>>) target(%arg10 : memref<80x64xi32, #tpu.memory_space<vmem>>) offsets(%dma_start3A_306 : memref<80xi32, #tpu.memory_space<vmem>>) semaphore(%arg22 : memref<!tpu.dma_semaphore, #tpu.memory_space<semaphore_mem>>)
        %dma_start3A_310 = tpu.memref_slice %arg7[%mul3A_305] : memref<10000xi32, #tpu.memory_space<vmem>> -> memref<80xi32, #tpu.memory_space<vmem>>
        %dma_start3A_311 = arith.constant 0 : i32
        %dma_start3A_312 = arith.constant 0 : i32
        %dma_start3A_313 = tpu.memref_slice %arg2[%dma_start3A_311, %dma_start3A_312] : memref<10000x64xi32, #tpu.memory_space<hbm>> -> memref<10000x64xi32, #tpu.memory_space<hbm>>
        tpu.enqueue_indirect_dma source(%dma_start3A_313 : memref<10000x64xi32, #tpu.memory_space<hbm>>) target(%arg16 : memref<80x64xi32, #tpu.memory_space<vmem>>) offsets(%dma_start3A_310 : memref<80xi32, #tpu.memory_space<vmem>>) semaphore(%arg28 : memref<!tpu.dma_semaphore, #tpu.memory_space<semaphore_mem>>)
      } else {
      }
      %mul3A_207 = arith.constant 80 : i32
      %mul3A_208 = arith.muli %add3A_199, %mul3A_207 : i32
      %dma_wait3A_209 = tpu.memref_slice %arg6[%mul3A_208] : memref<10000xi32, #tpu.memory_space<vmem>> -> memref<80xi32, #tpu.memory_space<vmem>>
      %dma_wait3A_210 = arith.constant 0 : i32
      %dma_wait3A_211 = arith.constant 0 : i32
      %dma_wait3A_212 = tpu.memref_slice %arg2[%dma_wait3A_210, %dma_wait3A_211] : memref<10000x64xi32, #tpu.memory_space<hbm>> -> memref<10000x64xi32, #tpu.memory_space<hbm>>
      tpu.wait_indirect_dma semaphore(%arg23 : memref<!tpu.dma_semaphore, #tpu.memory_space<semaphore_mem>>) src(%dma_wait3A_212 : memref<10000x64xi32, #tpu.memory_space<hbm>>) dst(%arg11 : memref<80x64xi32, #tpu.memory_space<vmem>>)
      %dma_wait3A_213 = tpu.memref_slice %arg7[%mul3A_208] : memref<10000xi32, #tpu.memory_space<vmem>> -> memref<80xi32, #tpu.memory_space<vmem>>
      %dma_wait3A_214 = arith.constant 0 : i32
      %dma_wait3A_215 = arith.constant 0 : i32
      %dma_wait3A_216 = tpu.memref_slice %arg2[%dma_wait3A_214, %dma_wait3A_215] : memref<10000x64xi32, #tpu.memory_space<hbm>> -> memref<10000x64xi32, #tpu.memory_space<hbm>>
      tpu.wait_indirect_dma semaphore(%arg29 : memref<!tpu.dma_semaphore, #tpu.memory_space<semaphore_mem>>) src(%dma_wait3A_216 : memref<10000x64xi32, #tpu.memory_space<hbm>>) dst(%arg17 : memref<80x64xi32, #tpu.memory_space<vmem>>)
      %scan3A_217 = arith.constant 0 : i32
      %scan3A_218 = arith.constant 5 : i32
      %scan3A_219 = arith.addi %scan3A_217, %scan3A_218 : i32
      %scan3A_220 = arith.constant 1 : i32
      scf.for %scan3A_304 = %scan3A_217 to %scan3A_219 step %scan3A_220  : i32 {
        %mul3A_305 = arith.constant 16 : i32
        %mul3A_306 = arith.muli %scan3A_304, %mul3A_305 : i32
        %add3A_307 = vector.broadcast %mul3A_306 : i32 to vector<16xi32>
        %add3A_308 = arith.addi %iota3A, %add3A_307 : vector<16xi32>
        %broadcast_in_dim3A = arith.constant 0.000000e+00 : f32
        %broadcast_in_dim3A_309 = vector.broadcast %broadcast_in_dim3A : f32 to vector<16xf32>
        %broadcast_in_dim3A_310 = arith.constant 0.000000e+00 : f32
        %broadcast_in_dim3A_311 = vector.broadcast %broadcast_in_dim3A_310 : f32 to vector<16xf32>
        %scan3A_312 = arith.constant 0 : i32
        %scan3A_313 = arith.constant 64 : i32
        %scan3A_314 = arith.addi %scan3A_312, %scan3A_313 : i32
        %scan3A_315 = arith.constant 8 : i32
        %scan3A_316:2 = scf.for %scan3A_332 = %scan3A_312 to %scan3A_314 step %scan3A_315 iter_args(%scan3A_333 = %broadcast_in_dim3A_309, %scan3A_334 = %broadcast_in_dim3A_311) -> (vector<16xf32>, vector<16xf32>)  : i32 {
          %broadcast_in_dim3A_335 = arith.constant 1 : i32
          %broadcast_in_dim3A_336 = vector.broadcast %broadcast_in_dim3A_335 : i32 to vector<16xi32>
          %mul3A_337 = vector.broadcast %scan3A_332 : i32 to vector<16xi32>
          %mul3A_338 = arith.muli %broadcast_in_dim3A_336, %mul3A_337 : vector<16xi32>
          %gather3A = tpu.vector_load_idx %arg11[%add3A_308, %mul3A_338] : memref<80x64xi32, #tpu.memory_space<vmem>>[vector<16xi32>, vector<16xi32>], vector<16xi32>,
          %gather3A_339 = tpu.vector_load_idx %arg17[%add3A_308, %mul3A_338] : memref<80x64xi32, #tpu.memory_space<vmem>>[vector<16xi32>, vector<16xi32>], vector<16xi32>,
          %bitcast3A = vector.bitcast %gather3A : vector<16xi32> to vector<32xbf16>
          %bitcast3A_340 = vector.bitcast %gather3A_339 : vector<16xi32> to vector<32xbf16>
          %mul3A_341 = arith.mulf %bitcast3A, %bitcast3A_340 : vector<32xbf16>
          %unpack3A = tpu.unpack_subelements %mul3A_341, 0 {pack_format = #tpu.pack_format<interleaved>} : vector<32xbf16> -> vector<16xf32>
          %unpack3A_342 = tpu.unpack_subelements %mul3A_341, 1 {pack_format = #tpu.pack_format<interleaved>} : vector<32xbf16> -> vector<16xf32>
          %add3A_343 = arith.addf %scan3A_333, %unpack3A : vector<16xf32>
          %add3A_344 = arith.addf %scan3A_334, %unpack3A_342 : vector<16xf32>
          %scan3A_345 = arith.constant 1 : i32
          %scan3A_346 = arith.addi %scan3A_332, %scan3A_345 : i32
          %broadcast_in_dim3A_347 = arith.constant 1 : i32
          %broadcast_in_dim3A_348 = vector.broadcast %broadcast_in_dim3A_347 : i32 to vector<16xi32>
          %mul3A_349 = vector.broadcast %scan3A_346 : i32 to vector<16xi32>
          %mul3A_350 = arith.muli %broadcast_in_dim3A_348, %mul3A_349 : vector<16xi32>
          %gather3A_351 = tpu.vector_load_idx %arg11[%add3A_308, %mul3A_350] : memref<80x64xi32, #tpu.memory_space<vmem>>[vector<16xi32>, vector<16xi32>], vector<16xi32>,
          %gather3A_352 = tpu.vector_load_idx %arg17[%add3A_308, %mul3A_350] : memref<80x64xi32, #tpu.memory_space<vmem>>[vector<16xi32>, vector<16xi32>], vector<16xi32>,
          %bitcast3A_353 = vector.bitcast %gather3A_351 : vector<16xi32> to vector<32xbf16>
          %bitcast3A_354 = vector.bitcast %gather3A_352 : vector<16xi32> to vector<32xbf16>
          %mul3A_355 = arith.mulf %bitcast3A_353, %bitcast3A_354 : vector<32xbf16>
          %unpack3A_356 = tpu.unpack_subelements %mul3A_355, 0 {pack_format = #tpu.pack_format<interleaved>} : vector<32xbf16> -> vector<16xf32>
          %unpack3A_357 = tpu.unpack_subelements %mul3A_355, 1 {pack_format = #tpu.pack_format<interleaved>} : vector<32xbf16> -> vector<16xf32>
          %add3A_358 = arith.addf %add3A_343, %unpack3A_356 : vector<16xf32>
          %add3A_359 = arith.addf %add3A_344, %unpack3A_357 : vector<16xf32>
          %scan3A_360 = arith.constant 2 : i32
          %scan3A_361 = arith.addi %scan3A_332, %scan3A_360 : i32
          %broadcast_in_dim3A_362 = arith.constant 1 : i32
          %broadcast_in_dim3A_363 = vector.broadcast %broadcast_in_dim3A_362 : i32 to vector<16xi32>
          %mul3A_364 = vector.broadcast %scan3A_361 : i32 to vector<16xi32>
          %mul3A_365 = arith.muli %broadcast_in_dim3A_363, %mul3A_364 : vector<16xi32>
          %gather3A_366 = tpu.vector_load_idx %arg11[%add3A_308, %mul3A_365] : memref<80x64xi32, #tpu.memory_space<vmem>>[vector<16xi32>, vector<16xi32>], vector<16xi32>,
          %gather3A_367 = tpu.vector_load_idx %arg17[%add3A_308, %mul3A_365] : memref<80x64xi32, #tpu.memory_space<vmem>>[vector<16xi32>, vector<16xi32>], vector<16xi32>,
          %bitcast3A_368 = vector.bitcast %gather3A_366 : vector<16xi32> to vector<32xbf16>
          %bitcast3A_369 = vector.bitcast %gather3A_367 : vector<16xi32> to vector<32xbf16>
          %mul3A_370 = arith.mulf %bitcast3A_368, %bitcast3A_369 : vector<32xbf16>
          %unpack3A_371 = tpu.unpack_subelements %mul3A_370, 0 {pack_format = #tpu.pack_format<interleaved>} : vector<32xbf16> -> vector<16xf32>
          %unpack3A_372 = tpu.unpack_subelements %mul3A_370, 1 {pack_format = #tpu.pack_format<interleaved>} : vector<32xbf16> -> vector<16xf32>
          %add3A_373 = arith.addf %add3A_358, %unpack3A_371 : vector<16xf32>
          %add3A_374 = arith.addf %add3A_359, %unpack3A_372 : vector<16xf32>
          %scan3A_375 = arith.constant 3 : i32
          %scan3A_376 = arith.addi %scan3A_332, %scan3A_375 : i32
          %broadcast_in_dim3A_377 = arith.constant 1 : i32
          %broadcast_in_dim3A_378 = vector.broadcast %broadcast_in_dim3A_377 : i32 to vector<16xi32>
          %mul3A_379 = vector.broadcast %scan3A_376 : i32 to vector<16xi32>
          %mul3A_380 = arith.muli %broadcast_in_dim3A_378, %mul3A_379 : vector<16xi32>
          %gather3A_381 = tpu.vector_load_idx %arg11[%add3A_308, %mul3A_380] : memref<80x64xi32, #tpu.memory_space<vmem>>[vector<16xi32>, vector<16xi32>], vector<16xi32>,
          %gather3A_382 = tpu.vector_load_idx %arg17[%add3A_308, %mul3A_380] : memref<80x64xi32, #tpu.memory_space<vmem>>[vector<16xi32>, vector<16xi32>], vector<16xi32>,
          %bitcast3A_383 = vector.bitcast %gather3A_381 : vector<16xi32> to vector<32xbf16>
          %bitcast3A_384 = vector.bitcast %gather3A_382 : vector<16xi32> to vector<32xbf16>
          %mul3A_385 = arith.mulf %bitcast3A_383, %bitcast3A_384 : vector<32xbf16>
          %unpack3A_386 = tpu.unpack_subelements %mul3A_385, 0 {pack_format = #tpu.pack_format<interleaved>} : vector<32xbf16> -> vector<16xf32>
          %unpack3A_387 = tpu.unpack_subelements %mul3A_385, 1 {pack_format = #tpu.pack_format<interleaved>} : vector<32xbf16> -> vector<16xf32>
          %add3A_388 = arith.addf %add3A_373, %unpack3A_386 : vector<16xf32>
          %add3A_389 = arith.addf %add3A_374, %unpack3A_387 : vector<16xf32>
          %scan3A_390 = arith.constant 4 : i32
          %scan3A_391 = arith.addi %scan3A_332, %scan3A_390 : i32
          %broadcast_in_dim3A_392 = arith.constant 1 : i32
          %broadcast_in_dim3A_393 = vector.broadcast %broadcast_in_dim3A_392 : i32 to vector<16xi32>
          %mul3A_394 = vector.broadcast %scan3A_391 : i32 to vector<16xi32>
          %mul3A_395 = arith.muli %broadcast_in_dim3A_393, %mul3A_394 : vector<16xi32>
          %gather3A_396 = tpu.vector_load_idx %arg11[%add3A_308, %mul3A_395] : memref<80x64xi32, #tpu.memory_space<vmem>>[vector<16xi32>, vector<16xi32>], vector<16xi32>,
          %gather3A_397 = tpu.vector_load_idx %arg17[%add3A_308, %mul3A_395] : memref<80x64xi32, #tpu.memory_space<vmem>>[vector<16xi32>, vector<16xi32>], vector<16xi32>,
          %bitcast3A_398 = vector.bitcast %gather3A_396 : vector<16xi32> to vector<32xbf16>
          %bitcast3A_399 = vector.bitcast %gather3A_397 : vector<16xi32> to vector<32xbf16>
          %mul3A_400 = arith.mulf %bitcast3A_398, %bitcast3A_399 : vector<32xbf16>
          %unpack3A_401 = tpu.unpack_subelements %mul3A_400, 0 {pack_format = #tpu.pack_format<interleaved>} : vector<32xbf16> -> vector<16xf32>
          %unpack3A_402 = tpu.unpack_subelements %mul3A_400, 1 {pack_format = #tpu.pack_format<interleaved>} : vector<32xbf16> -> vector<16xf32>
          %add3A_403 = arith.addf %add3A_388, %unpack3A_401 : vector<16xf32>
          %add3A_404 = arith.addf %add3A_389, %unpack3A_402 : vector<16xf32>
          %scan3A_405 = arith.constant 5 : i32
          %scan3A_406 = arith.addi %scan3A_332, %scan3A_405 : i32
          %broadcast_in_dim3A_407 = arith.constant 1 : i32
          %broadcast_in_dim3A_408 = vector.broadcast %broadcast_in_dim3A_407 : i32 to vector<16xi32>
          %mul3A_409 = vector.broadcast %scan3A_406 : i32 to vector<16xi32>
          %mul3A_410 = arith.muli %broadcast_in_dim3A_408, %mul3A_409 : vector<16xi32>
          %gather3A_411 = tpu.vector_load_idx %arg11[%add3A_308, %mul3A_410] : memref<80x64xi32, #tpu.memory_space<vmem>>[vector<16xi32>, vector<16xi32>], vector<16xi32>,
          %gather3A_412 = tpu.vector_load_idx %arg17[%add3A_308, %mul3A_410] : memref<80x64xi32, #tpu.memory_space<vmem>>[vector<16xi32>, vector<16xi32>], vector<16xi32>,
          %bitcast3A_413 = vector.bitcast %gather3A_411 : vector<16xi32> to vector<32xbf16>
          %bitcast3A_414 = vector.bitcast %gather3A_412 : vector<16xi32> to vector<32xbf16>
          %mul3A_415 = arith.mulf %bitcast3A_413, %bitcast3A_414 : vector<32xbf16>
          %unpack3A_416 = tpu.unpack_subelements %mul3A_415, 0 {pack_format = #tpu.pack_format<interleaved>} : vector<32xbf16> -> vector<16xf32>
          %unpack3A_417 = tpu.unpack_subelements %mul3A_415, 1 {pack_format = #tpu.pack_format<interleaved>} : vector<32xbf16> -> vector<16xf32>
          %add3A_418 = arith.addf %add3A_403, %unpack3A_416 : vector<16xf32>
          %add3A_419 = arith.addf %add3A_404, %unpack3A_417 : vector<16xf32>
          %scan3A_420 = arith.constant 6 : i32
          %scan3A_421 = arith.addi %scan3A_332, %scan3A_420 : i32
          %broadcast_in_dim3A_422 = arith.constant 1 : i32
          %broadcast_in_dim3A_423 = vector.broadcast %broadcast_in_dim3A_422 : i32 to vector<16xi32>
          %mul3A_424 = vector.broadcast %scan3A_421 : i32 to vector<16xi32>
          %mul3A_425 = arith.muli %broadcast_in_dim3A_423, %mul3A_424 : vector<16xi32>
          %gather3A_426 = tpu.vector_load_idx %arg11[%add3A_308, %mul3A_425] : memref<80x64xi32, #tpu.memory_space<vmem>>[vector<16xi32>, vector<16xi32>], vector<16xi32>,
          %gather3A_427 = tpu.vector_load_idx %arg17[%add3A_308, %mul3A_425] : memref<80x64xi32, #tpu.memory_space<vmem>>[vector<16xi32>, vector<16xi32>], vector<16xi32>,
          %bitcast3A_428 = vector.bitcast %gather3A_426 : vector<16xi32> to vector<32xbf16>
          %bitcast3A_429 = vector.bitcast %gather3A_427 : vector<16xi32> to vector<32xbf16>
          %mul3A_430 = arith.mulf %bitcast3A_428, %bitcast3A_429 : vector<32xbf16>
          %unpack3A_431 = tpu.unpack_subelements %mul3A_430, 0 {pack_format = #tpu.pack_format<interleaved>} : vector<32xbf16> -> vector<16xf32>
          %unpack3A_432 = tpu.unpack_subelements %mul3A_430, 1 {pack_format = #tpu.pack_format<interleaved>} : vector<32xbf16> -> vector<16xf32>
          %add3A_433 = arith.addf %add3A_418, %unpack3A_431 : vector<16xf32>
          %add3A_434 = arith.addf %add3A_419, %unpack3A_432 : vector<16xf32>
          %scan3A_435 = arith.constant 7 : i32
          %scan3A_436 = arith.addi %scan3A_332, %scan3A_435 : i32
          %broadcast_in_dim3A_437 = arith.constant 1 : i32
          %broadcast_in_dim3A_438 = vector.broadcast %broadcast_in_dim3A_437 : i32 to vector<16xi32>
          %mul3A_439 = vector.broadcast %scan3A_436 : i32 to vector<16xi32>
          %mul3A_440 = arith.muli %broadcast_in_dim3A_438, %mul3A_439 : vector<16xi32>
          %gather3A_441 = tpu.vector_load_idx %arg11[%add3A_308, %mul3A_440] : memref<80x64xi32, #tpu.memory_space<vmem>>[vector<16xi32>, vector<16xi32>], vector<16xi32>,
          %gather3A_442 = tpu.vector_load_idx %arg17[%add3A_308, %mul3A_440] : memref<80x64xi32, #tpu.memory_space<vmem>>[vector<16xi32>, vector<16xi32>], vector<16xi32>,
          %bitcast3A_443 = vector.bitcast %gather3A_441 : vector<16xi32> to vector<32xbf16>
          %bitcast3A_444 = vector.bitcast %gather3A_442 : vector<16xi32> to vector<32xbf16>
          %mul3A_445 = arith.mulf %bitcast3A_443, %bitcast3A_444 : vector<32xbf16>
          %unpack3A_446 = tpu.unpack_subelements %mul3A_445, 0 {pack_format = #tpu.pack_format<interleaved>} : vector<32xbf16> -> vector<16xf32>
          %unpack3A_447 = tpu.unpack_subelements %mul3A_445, 1 {pack_format = #tpu.pack_format<interleaved>} : vector<32xbf16> -> vector<16xf32>
          %add3A_448 = arith.addf %add3A_433, %unpack3A_446 : vector<16xf32>
          %add3A_449 = arith.addf %add3A_434, %unpack3A_447 : vector<16xf32>
          scf.yield %add3A_448, %add3A_449 : vector<16xf32>, vector<16xf32>
        }
        %scan3A_317 = arith.constant 64 : i32
        %add3A_318 = arith.addf %scan3A_316#0, %scan3A_316#1 : vector<16xf32>
        %neg3A = arith.constant 0.000000e+00 : f32
        %neg3A_319 = vector.broadcast %neg3A : f32 to vector<16xf32>
        %neg3A_320 = arith.subf %neg3A_319, %add3A_318 : vector<16xf32>
        %exp3A = math.exp %neg3A_320 : vector<16xf32>
        %add3A_321 = arith.constant 1.000000e+00 : f32
        %add3A_322 = vector.broadcast %add3A_321 : f32 to vector<16xf32>
        %add3A_323 = arith.addf %add3A_322, %exp3A : vector<16xf32>
        %div3A = arith.constant 1.000000e+00 : f32
        %div3A_324 = vector.broadcast %div3A : f32 to vector<16xf32>
        %div3A_325 = arith.divf %div3A_324, %add3A_323 : vector<16xf32>
        %mul3A_326 = arith.constant 80 : i32
        %mul3A_327 = arith.muli %add3A_199, %mul3A_326 : i32
        %mul3A_328 = arith.constant 16 : i32
        %mul3A_329 = arith.muli %scan3A_304, %mul3A_328 : i32
        %add3A_330 = arith.addi %mul3A_327, %mul3A_329 : i32
        %swap3A = arith.index_cast %add3A_330 : i32 to index
        %swap3A_331 = tpu.vector_load %arg8[%swap3A] {strides = array<i32>} : memref<10000xf32, #tpu.memory_space<vmem>>, vector<16xf32>,
        tpu.vector_store %arg8[%swap3A], %div3A_325 {strides = array<i32>} : memref<10000xf32, #tpu.memory_space<vmem>>, vector<16xf32>,
      }
      %scan3A_221 = arith.constant 5 : i32
      %mul3A_222 = arith.constant 6 : i32
      %mul3A_223 = arith.muli %scan3A_146, %mul3A_222 : i32
      %add3A_224 = arith.constant 3 : i32
      %add3A_225 = arith.addi %mul3A_223, %add3A_224 : i32
      %add3A_226 = arith.constant 5 : i32
      %add3A_227 = arith.addi %add3A_225, %add3A_226 : i32
      %lt3A_228 = arith.constant 125 : i32
      %lt3A_229 = arith.cmpi slt, %add3A_227, %lt3A_228 : i32
      %convert_element_type3A_230 = arith.extui %lt3A_229 : i1 to i32
      %cond3A_231 = arith.constant 0 : i32
      %cond3A_232 = arith.cmpi ne, %convert_element_type3A_230, %cond3A_231 : i32
      scf.if %cond3A_232 {
        %mul3A_304 = arith.constant 80 : i32
        %mul3A_305 = arith.muli %add3A_227, %mul3A_304 : i32
        %dma_start3A_306 = tpu.memref_slice %arg6[%mul3A_305] : memref<10000xi32, #tpu.memory_space<vmem>> -> memref<80xi32, #tpu.memory_space<vmem>>
        %dma_start3A_307 = arith.constant 0 : i32
        %dma_start3A_308 = arith.constant 0 : i32
        %dma_start3A_309 = tpu.memref_slice %arg2[%dma_start3A_307, %dma_start3A_308] : memref<10000x64xi32, #tpu.memory_space<hbm>> -> memref<10000x64xi32, #tpu.memory_space<hbm>>
        tpu.enqueue_indirect_dma source(%dma_start3A_309 : memref<10000x64xi32, #tpu.memory_space<hbm>>) target(%arg11 : memref<80x64xi32, #tpu.memory_space<vmem>>) offsets(%dma_start3A_306 : memref<80xi32, #tpu.memory_space<vmem>>) semaphore(%arg23 : memref<!tpu.dma_semaphore, #tpu.memory_space<semaphore_mem>>)
        %dma_start3A_310 = tpu.memref_slice %arg7[%mul3A_305] : memref<10000xi32, #tpu.memory_space<vmem>> -> memref<80xi32, #tpu.memory_space<vmem>>
        %dma_start3A_311 = arith.constant 0 : i32
        %dma_start3A_312 = arith.constant 0 : i32
        %dma_start3A_313 = tpu.memref_slice %arg2[%dma_start3A_311, %dma_start3A_312] : memref<10000x64xi32, #tpu.memory_space<hbm>> -> memref<10000x64xi32, #tpu.memory_space<hbm>>
        tpu.enqueue_indirect_dma source(%dma_start3A_313 : memref<10000x64xi32, #tpu.memory_space<hbm>>) target(%arg17 : memref<80x64xi32, #tpu.memory_space<vmem>>) offsets(%dma_start3A_310 : memref<80xi32, #tpu.memory_space<vmem>>) semaphore(%arg29 : memref<!tpu.dma_semaphore, #tpu.memory_space<semaphore_mem>>)
      } else {
      }
      %mul3A_233 = arith.constant 80 : i32
      %mul3A_234 = arith.muli %add3A_225, %mul3A_233 : i32
      %dma_wait3A_235 = tpu.memref_slice %arg6[%mul3A_234] : memref<10000xi32, #tpu.memory_space<vmem>> -> memref<80xi32, #tpu.memory_space<vmem>>
      %dma_wait3A_236 = arith.constant 0 : i32
      %dma_wait3A_237 = arith.constant 0 : i32
      %dma_wait3A_238 = tpu.memref_slice %arg2[%dma_wait3A_236, %dma_wait3A_237] : memref<10000x64xi32, #tpu.memory_space<hbm>> -> memref<10000x64xi32, #tpu.memory_space<hbm>>
      tpu.wait_indirect_dma semaphore(%arg24 : memref<!tpu.dma_semaphore, #tpu.memory_space<semaphore_mem>>) src(%dma_wait3A_238 : memref<10000x64xi32, #tpu.memory_space<hbm>>) dst(%arg12 : memref<80x64xi32, #tpu.memory_space<vmem>>)
      %dma_wait3A_239 = tpu.memref_slice %arg7[%mul3A_234] : memref<10000xi32, #tpu.memory_space<vmem>> -> memref<80xi32, #tpu.memory_space<vmem>>
      %dma_wait3A_240 = arith.constant 0 : i32
      %dma_wait3A_241 = arith.constant 0 : i32
      %dma_wait3A_242 = tpu.memref_slice %arg2[%dma_wait3A_240, %dma_wait3A_241] : memref<10000x64xi32, #tpu.memory_space<hbm>> -> memref<10000x64xi32, #tpu.memory_space<hbm>>
      tpu.wait_indirect_dma semaphore(%arg30 : memref<!tpu.dma_semaphore, #tpu.memory_space<semaphore_mem>>) src(%dma_wait3A_242 : memref<10000x64xi32, #tpu.memory_space<hbm>>) dst(%arg18 : memref<80x64xi32, #tpu.memory_space<vmem>>)
      %scan3A_243 = arith.constant 0 : i32
      %scan3A_244 = arith.constant 5 : i32
      %scan3A_245 = arith.addi %scan3A_243, %scan3A_244 : i32
      %scan3A_246 = arith.constant 1 : i32
      scf.for %scan3A_304 = %scan3A_243 to %scan3A_245 step %scan3A_246  : i32 {
        %mul3A_305 = arith.constant 16 : i32
        %mul3A_306 = arith.muli %scan3A_304, %mul3A_305 : i32
        %add3A_307 = vector.broadcast %mul3A_306 : i32 to vector<16xi32>
        %add3A_308 = arith.addi %iota3A, %add3A_307 : vector<16xi32>
        %broadcast_in_dim3A = arith.constant 0.000000e+00 : f32
        %broadcast_in_dim3A_309 = vector.broadcast %broadcast_in_dim3A : f32 to vector<16xf32>
        %broadcast_in_dim3A_310 = arith.constant 0.000000e+00 : f32
        %broadcast_in_dim3A_311 = vector.broadcast %broadcast_in_dim3A_310 : f32 to vector<16xf32>
        %scan3A_312 = arith.constant 0 : i32
        %scan3A_313 = arith.constant 64 : i32
        %scan3A_314 = arith.addi %scan3A_312, %scan3A_313 : i32
        %scan3A_315 = arith.constant 8 : i32
        %scan3A_316:2 = scf.for %scan3A_332 = %scan3A_312 to %scan3A_314 step %scan3A_315 iter_args(%scan3A_333 = %broadcast_in_dim3A_309, %scan3A_334 = %broadcast_in_dim3A_311) -> (vector<16xf32>, vector<16xf32>)  : i32 {
          %broadcast_in_dim3A_335 = arith.constant 1 : i32
          %broadcast_in_dim3A_336 = vector.broadcast %broadcast_in_dim3A_335 : i32 to vector<16xi32>
          %mul3A_337 = vector.broadcast %scan3A_332 : i32 to vector<16xi32>
          %mul3A_338 = arith.muli %broadcast_in_dim3A_336, %mul3A_337 : vector<16xi32>
          %gather3A = tpu.vector_load_idx %arg12[%add3A_308, %mul3A_338] : memref<80x64xi32, #tpu.memory_space<vmem>>[vector<16xi32>, vector<16xi32>], vector<16xi32>,
          %gather3A_339 = tpu.vector_load_idx %arg18[%add3A_308, %mul3A_338] : memref<80x64xi32, #tpu.memory_space<vmem>>[vector<16xi32>, vector<16xi32>], vector<16xi32>,
          %bitcast3A = vector.bitcast %gather3A : vector<16xi32> to vector<32xbf16>
          %bitcast3A_340 = vector.bitcast %gather3A_339 : vector<16xi32> to vector<32xbf16>
          %mul3A_341 = arith.mulf %bitcast3A, %bitcast3A_340 : vector<32xbf16>
          %unpack3A = tpu.unpack_subelements %mul3A_341, 0 {pack_format = #tpu.pack_format<interleaved>} : vector<32xbf16> -> vector<16xf32>
          %unpack3A_342 = tpu.unpack_subelements %mul3A_341, 1 {pack_format = #tpu.pack_format<interleaved>} : vector<32xbf16> -> vector<16xf32>
          %add3A_343 = arith.addf %scan3A_333, %unpack3A : vector<16xf32>
          %add3A_344 = arith.addf %scan3A_334, %unpack3A_342 : vector<16xf32>
          %scan3A_345 = arith.constant 1 : i32
          %scan3A_346 = arith.addi %scan3A_332, %scan3A_345 : i32
          %broadcast_in_dim3A_347 = arith.constant 1 : i32
          %broadcast_in_dim3A_348 = vector.broadcast %broadcast_in_dim3A_347 : i32 to vector<16xi32>
          %mul3A_349 = vector.broadcast %scan3A_346 : i32 to vector<16xi32>
          %mul3A_350 = arith.muli %broadcast_in_dim3A_348, %mul3A_349 : vector<16xi32>
          %gather3A_351 = tpu.vector_load_idx %arg12[%add3A_308, %mul3A_350] : memref<80x64xi32, #tpu.memory_space<vmem>>[vector<16xi32>, vector<16xi32>], vector<16xi32>,
          %gather3A_352 = tpu.vector_load_idx %arg18[%add3A_308, %mul3A_350] : memref<80x64xi32, #tpu.memory_space<vmem>>[vector<16xi32>, vector<16xi32>], vector<16xi32>,
          %bitcast3A_353 = vector.bitcast %gather3A_351 : vector<16xi32> to vector<32xbf16>
          %bitcast3A_354 = vector.bitcast %gather3A_352 : vector<16xi32> to vector<32xbf16>
          %mul3A_355 = arith.mulf %bitcast3A_353, %bitcast3A_354 : vector<32xbf16>
          %unpack3A_356 = tpu.unpack_subelements %mul3A_355, 0 {pack_format = #tpu.pack_format<interleaved>} : vector<32xbf16> -> vector<16xf32>
          %unpack3A_357 = tpu.unpack_subelements %mul3A_355, 1 {pack_format = #tpu.pack_format<interleaved>} : vector<32xbf16> -> vector<16xf32>
          %add3A_358 = arith.addf %add3A_343, %unpack3A_356 : vector<16xf32>
          %add3A_359 = arith.addf %add3A_344, %unpack3A_357 : vector<16xf32>
          %scan3A_360 = arith.constant 2 : i32
          %scan3A_361 = arith.addi %scan3A_332, %scan3A_360 : i32
          %broadcast_in_dim3A_362 = arith.constant 1 : i32
          %broadcast_in_dim3A_363 = vector.broadcast %broadcast_in_dim3A_362 : i32 to vector<16xi32>
          %mul3A_364 = vector.broadcast %scan3A_361 : i32 to vector<16xi32>
          %mul3A_365 = arith.muli %broadcast_in_dim3A_363, %mul3A_364 : vector<16xi32>
          %gather3A_366 = tpu.vector_load_idx %arg12[%add3A_308, %mul3A_365] : memref<80x64xi32, #tpu.memory_space<vmem>>[vector<16xi32>, vector<16xi32>], vector<16xi32>,
          %gather3A_367 = tpu.vector_load_idx %arg18[%add3A_308, %mul3A_365] : memref<80x64xi32, #tpu.memory_space<vmem>>[vector<16xi32>, vector<16xi32>], vector<16xi32>,
          %bitcast3A_368 = vector.bitcast %gather3A_366 : vector<16xi32> to vector<32xbf16>
          %bitcast3A_369 = vector.bitcast %gather3A_367 : vector<16xi32> to vector<32xbf16>
          %mul3A_370 = arith.mulf %bitcast3A_368, %bitcast3A_369 : vector<32xbf16>
          %unpack3A_371 = tpu.unpack_subelements %mul3A_370, 0 {pack_format = #tpu.pack_format<interleaved>} : vector<32xbf16> -> vector<16xf32>
          %unpack3A_372 = tpu.unpack_subelements %mul3A_370, 1 {pack_format = #tpu.pack_format<interleaved>} : vector<32xbf16> -> vector<16xf32>
          %add3A_373 = arith.addf %add3A_358, %unpack3A_371 : vector<16xf32>
          %add3A_374 = arith.addf %add3A_359, %unpack3A_372 : vector<16xf32>
          %scan3A_375 = arith.constant 3 : i32
          %scan3A_376 = arith.addi %scan3A_332, %scan3A_375 : i32
          %broadcast_in_dim3A_377 = arith.constant 1 : i32
          %broadcast_in_dim3A_378 = vector.broadcast %broadcast_in_dim3A_377 : i32 to vector<16xi32>
          %mul3A_379 = vector.broadcast %scan3A_376 : i32 to vector<16xi32>
          %mul3A_380 = arith.muli %broadcast_in_dim3A_378, %mul3A_379 : vector<16xi32>
          %gather3A_381 = tpu.vector_load_idx %arg12[%add3A_308, %mul3A_380] : memref<80x64xi32, #tpu.memory_space<vmem>>[vector<16xi32>, vector<16xi32>], vector<16xi32>,
          %gather3A_382 = tpu.vector_load_idx %arg18[%add3A_308, %mul3A_380] : memref<80x64xi32, #tpu.memory_space<vmem>>[vector<16xi32>, vector<16xi32>], vector<16xi32>,
          %bitcast3A_383 = vector.bitcast %gather3A_381 : vector<16xi32> to vector<32xbf16>
          %bitcast3A_384 = vector.bitcast %gather3A_382 : vector<16xi32> to vector<32xbf16>
          %mul3A_385 = arith.mulf %bitcast3A_383, %bitcast3A_384 : vector<32xbf16>
          %unpack3A_386 = tpu.unpack_subelements %mul3A_385, 0 {pack_format = #tpu.pack_format<interleaved>} : vector<32xbf16> -> vector<16xf32>
          %unpack3A_387 = tpu.unpack_subelements %mul3A_385, 1 {pack_format = #tpu.pack_format<interleaved>} : vector<32xbf16> -> vector<16xf32>
          %add3A_388 = arith.addf %add3A_373, %unpack3A_386 : vector<16xf32>
          %add3A_389 = arith.addf %add3A_374, %unpack3A_387 : vector<16xf32>
          %scan3A_390 = arith.constant 4 : i32
          %scan3A_391 = arith.addi %scan3A_332, %scan3A_390 : i32
          %broadcast_in_dim3A_392 = arith.constant 1 : i32
          %broadcast_in_dim3A_393 = vector.broadcast %broadcast_in_dim3A_392 : i32 to vector<16xi32>
          %mul3A_394 = vector.broadcast %scan3A_391 : i32 to vector<16xi32>
          %mul3A_395 = arith.muli %broadcast_in_dim3A_393, %mul3A_394 : vector<16xi32>
          %gather3A_396 = tpu.vector_load_idx %arg12[%add3A_308, %mul3A_395] : memref<80x64xi32, #tpu.memory_space<vmem>>[vector<16xi32>, vector<16xi32>], vector<16xi32>,
          %gather3A_397 = tpu.vector_load_idx %arg18[%add3A_308, %mul3A_395] : memref<80x64xi32, #tpu.memory_space<vmem>>[vector<16xi32>, vector<16xi32>], vector<16xi32>,
          %bitcast3A_398 = vector.bitcast %gather3A_396 : vector<16xi32> to vector<32xbf16>
          %bitcast3A_399 = vector.bitcast %gather3A_397 : vector<16xi32> to vector<32xbf16>
          %mul3A_400 = arith.mulf %bitcast3A_398, %bitcast3A_399 : vector<32xbf16>
          %unpack3A_401 = tpu.unpack_subelements %mul3A_400, 0 {pack_format = #tpu.pack_format<interleaved>} : vector<32xbf16> -> vector<16xf32>
          %unpack3A_402 = tpu.unpack_subelements %mul3A_400, 1 {pack_format = #tpu.pack_format<interleaved>} : vector<32xbf16> -> vector<16xf32>
          %add3A_403 = arith.addf %add3A_388, %unpack3A_401 : vector<16xf32>
          %add3A_404 = arith.addf %add3A_389, %unpack3A_402 : vector<16xf32>
          %scan3A_405 = arith.constant 5 : i32
          %scan3A_406 = arith.addi %scan3A_332, %scan3A_405 : i32
          %broadcast_in_dim3A_407 = arith.constant 1 : i32
          %broadcast_in_dim3A_408 = vector.broadcast %broadcast_in_dim3A_407 : i32 to vector<16xi32>
          %mul3A_409 = vector.broadcast %scan3A_406 : i32 to vector<16xi32>
          %mul3A_410 = arith.muli %broadcast_in_dim3A_408, %mul3A_409 : vector<16xi32>
          %gather3A_411 = tpu.vector_load_idx %arg12[%add3A_308, %mul3A_410] : memref<80x64xi32, #tpu.memory_space<vmem>>[vector<16xi32>, vector<16xi32>], vector<16xi32>,
          %gather3A_412 = tpu.vector_load_idx %arg18[%add3A_308, %mul3A_410] : memref<80x64xi32, #tpu.memory_space<vmem>>[vector<16xi32>, vector<16xi32>], vector<16xi32>,
          %bitcast3A_413 = vector.bitcast %gather3A_411 : vector<16xi32> to vector<32xbf16>
          %bitcast3A_414 = vector.bitcast %gather3A_412 : vector<16xi32> to vector<32xbf16>
          %mul3A_415 = arith.mulf %bitcast3A_413, %bitcast3A_414 : vector<32xbf16>
          %unpack3A_416 = tpu.unpack_subelements %mul3A_415, 0 {pack_format = #tpu.pack_format<interleaved>} : vector<32xbf16> -> vector<16xf32>
          %unpack3A_417 = tpu.unpack_subelements %mul3A_415, 1 {pack_format = #tpu.pack_format<interleaved>} : vector<32xbf16> -> vector<16xf32>
          %add3A_418 = arith.addf %add3A_403, %unpack3A_416 : vector<16xf32>
          %add3A_419 = arith.addf %add3A_404, %unpack3A_417 : vector<16xf32>
          %scan3A_420 = arith.constant 6 : i32
          %scan3A_421 = arith.addi %scan3A_332, %scan3A_420 : i32
          %broadcast_in_dim3A_422 = arith.constant 1 : i32
          %broadcast_in_dim3A_423 = vector.broadcast %broadcast_in_dim3A_422 : i32 to vector<16xi32>
          %mul3A_424 = vector.broadcast %scan3A_421 : i32 to vector<16xi32>
          %mul3A_425 = arith.muli %broadcast_in_dim3A_423, %mul3A_424 : vector<16xi32>
          %gather3A_426 = tpu.vector_load_idx %arg12[%add3A_308, %mul3A_425] : memref<80x64xi32, #tpu.memory_space<vmem>>[vector<16xi32>, vector<16xi32>], vector<16xi32>,
          %gather3A_427 = tpu.vector_load_idx %arg18[%add3A_308, %mul3A_425] : memref<80x64xi32, #tpu.memory_space<vmem>>[vector<16xi32>, vector<16xi32>], vector<16xi32>,
          %bitcast3A_428 = vector.bitcast %gather3A_426 : vector<16xi32> to vector<32xbf16>
          %bitcast3A_429 = vector.bitcast %gather3A_427 : vector<16xi32> to vector<32xbf16>
          %mul3A_430 = arith.mulf %bitcast3A_428, %bitcast3A_429 : vector<32xbf16>
          %unpack3A_431 = tpu.unpack_subelements %mul3A_430, 0 {pack_format = #tpu.pack_format<interleaved>} : vector<32xbf16> -> vector<16xf32>
          %unpack3A_432 = tpu.unpack_subelements %mul3A_430, 1 {pack_format = #tpu.pack_format<interleaved>} : vector<32xbf16> -> vector<16xf32>
          %add3A_433 = arith.addf %add3A_418, %unpack3A_431 : vector<16xf32>
          %add3A_434 = arith.addf %add3A_419, %unpack3A_432 : vector<16xf32>
          %scan3A_435 = arith.constant 7 : i32
          %scan3A_436 = arith.addi %scan3A_332, %scan3A_435 : i32
          %broadcast_in_dim3A_437 = arith.constant 1 : i32
          %broadcast_in_dim3A_438 = vector.broadcast %broadcast_in_dim3A_437 : i32 to vector<16xi32>
          %mul3A_439 = vector.broadcast %scan3A_436 : i32 to vector<16xi32>
          %mul3A_440 = arith.muli %broadcast_in_dim3A_438, %mul3A_439 : vector<16xi32>
          %gather3A_441 = tpu.vector_load_idx %arg12[%add3A_308, %mul3A_440] : memref<80x64xi32, #tpu.memory_space<vmem>>[vector<16xi32>, vector<16xi32>], vector<16xi32>,
          %gather3A_442 = tpu.vector_load_idx %arg18[%add3A_308, %mul3A_440] : memref<80x64xi32, #tpu.memory_space<vmem>>[vector<16xi32>, vector<16xi32>], vector<16xi32>,
          %bitcast3A_443 = vector.bitcast %gather3A_441 : vector<16xi32> to vector<32xbf16>
          %bitcast3A_444 = vector.bitcast %gather3A_442 : vector<16xi32> to vector<32xbf16>
          %mul3A_445 = arith.mulf %bitcast3A_443, %bitcast3A_444 : vector<32xbf16>
          %unpack3A_446 = tpu.unpack_subelements %mul3A_445, 0 {pack_format = #tpu.pack_format<interleaved>} : vector<32xbf16> -> vector<16xf32>
          %unpack3A_447 = tpu.unpack_subelements %mul3A_445, 1 {pack_format = #tpu.pack_format<interleaved>} : vector<32xbf16> -> vector<16xf32>
          %add3A_448 = arith.addf %add3A_433, %unpack3A_446 : vector<16xf32>
          %add3A_449 = arith.addf %add3A_434, %unpack3A_447 : vector<16xf32>
          scf.yield %add3A_448, %add3A_449 : vector<16xf32>, vector<16xf32>
        }
        %scan3A_317 = arith.constant 64 : i32
        %add3A_318 = arith.addf %scan3A_316#0, %scan3A_316#1 : vector<16xf32>
        %neg3A = arith.constant 0.000000e+00 : f32
        %neg3A_319 = vector.broadcast %neg3A : f32 to vector<16xf32>
        %neg3A_320 = arith.subf %neg3A_319, %add3A_318 : vector<16xf32>
        %exp3A = math.exp %neg3A_320 : vector<16xf32>
        %add3A_321 = arith.constant 1.000000e+00 : f32
        %add3A_322 = vector.broadcast %add3A_321 : f32 to vector<16xf32>
        %add3A_323 = arith.addf %add3A_322, %exp3A : vector<16xf32>
        %div3A = arith.constant 1.000000e+00 : f32
        %div3A_324 = vector.broadcast %div3A : f32 to vector<16xf32>
        %div3A_325 = arith.divf %div3A_324, %add3A_323 : vector<16xf32>
        %mul3A_326 = arith.constant 80 : i32
        %mul3A_327 = arith.muli %add3A_225, %mul3A_326 : i32
        %mul3A_328 = arith.constant 16 : i32
        %mul3A_329 = arith.muli %scan3A_304, %mul3A_328 : i32
        %add3A_330 = arith.addi %mul3A_327, %mul3A_329 : i32
        %swap3A = arith.index_cast %add3A_330 : i32 to index
        %swap3A_331 = tpu.vector_load %arg8[%swap3A] {strides = array<i32>} : memref<10000xf32, #tpu.memory_space<vmem>>, vector<16xf32>,
        tpu.vector_store %arg8[%swap3A], %div3A_325 {strides = array<i32>} : memref<10000xf32, #tpu.memory_space<vmem>>, vector<16xf32>,
      }
      %scan3A_247 = arith.constant 5 : i32
      %mul3A_248 = arith.constant 6 : i32
      %mul3A_249 = arith.muli %scan3A_146, %mul3A_248 : i32
      %add3A_250 = arith.constant 4 : i32
      %add3A_251 = arith.addi %mul3A_249, %add3A_250 : i32
      %add3A_252 = arith.constant 5 : i32
      %add3A_253 = arith.addi %add3A_251, %add3A_252 : i32
      %lt3A_254 = arith.constant 125 : i32
      %lt3A_255 = arith.cmpi slt, %add3A_253, %lt3A_254 : i32
      %convert_element_type3A_256 = arith.extui %lt3A_255 : i1 to i32
      %cond3A_257 = arith.constant 0 : i32
      %cond3A_258 = arith.cmpi ne, %convert_element_type3A_256, %cond3A_257 : i32
      scf.if %cond3A_258 {
        %mul3A_304 = arith.constant 80 : i32
        %mul3A_305 = arith.muli %add3A_253, %mul3A_304 : i32
        %dma_start3A_306 = tpu.memref_slice %arg6[%mul3A_305] : memref<10000xi32, #tpu.memory_space<vmem>> -> memref<80xi32, #tpu.memory_space<vmem>>
        %dma_start3A_307 = arith.constant 0 : i32
        %dma_start3A_308 = arith.constant 0 : i32
        %dma_start3A_309 = tpu.memref_slice %arg2[%dma_start3A_307, %dma_start3A_308] : memref<10000x64xi32, #tpu.memory_space<hbm>> -> memref<10000x64xi32, #tpu.memory_space<hbm>>
        tpu.enqueue_indirect_dma source(%dma_start3A_309 : memref<10000x64xi32, #tpu.memory_space<hbm>>) target(%arg12 : memref<80x64xi32, #tpu.memory_space<vmem>>) offsets(%dma_start3A_306 : memref<80xi32, #tpu.memory_space<vmem>>) semaphore(%arg24 : memref<!tpu.dma_semaphore, #tpu.memory_space<semaphore_mem>>)
        %dma_start3A_310 = tpu.memref_slice %arg7[%mul3A_305] : memref<10000xi32, #tpu.memory_space<vmem>> -> memref<80xi32, #tpu.memory_space<vmem>>
        %dma_start3A_311 = arith.constant 0 : i32
        %dma_start3A_312 = arith.constant 0 : i32
        %dma_start3A_313 = tpu.memref_slice %arg2[%dma_start3A_311, %dma_start3A_312] : memref<10000x64xi32, #tpu.memory_space<hbm>> -> memref<10000x64xi32, #tpu.memory_space<hbm>>
        tpu.enqueue_indirect_dma source(%dma_start3A_313 : memref<10000x64xi32, #tpu.memory_space<hbm>>) target(%arg18 : memref<80x64xi32, #tpu.memory_space<vmem>>) offsets(%dma_start3A_310 : memref<80xi32, #tpu.memory_space<vmem>>) semaphore(%arg30 : memref<!tpu.dma_semaphore, #tpu.memory_space<semaphore_mem>>)
      } else {
      }
      %mul3A_259 = arith.constant 80 : i32
      %mul3A_260 = arith.muli %add3A_251, %mul3A_259 : i32
      %dma_wait3A_261 = tpu.memref_slice %arg6[%mul3A_260] : memref<10000xi32, #tpu.memory_space<vmem>> -> memref<80xi32, #tpu.memory_space<vmem>>
      %dma_wait3A_262 = arith.constant 0 : i32
      %dma_wait3A_263 = arith.constant 0 : i32
      %dma_wait3A_264 = tpu.memref_slice %arg2[%dma_wait3A_262, %dma_wait3A_263] : memref<10000x64xi32, #tpu.memory_space<hbm>> -> memref<10000x64xi32, #tpu.memory_space<hbm>>
      tpu.wait_indirect_dma semaphore(%arg25 : memref<!tpu.dma_semaphore, #tpu.memory_space<semaphore_mem>>) src(%dma_wait3A_264 : memref<10000x64xi32, #tpu.memory_space<hbm>>) dst(%arg13 : memref<80x64xi32, #tpu.memory_space<vmem>>)
      %dma_wait3A_265 = tpu.memref_slice %arg7[%mul3A_260] : memref<10000xi32, #tpu.memory_space<vmem>> -> memref<80xi32, #tpu.memory_space<vmem>>
      %dma_wait3A_266 = arith.constant 0 : i32
      %dma_wait3A_267 = arith.constant 0 : i32
      %dma_wait3A_268 = tpu.memref_slice %arg2[%dma_wait3A_266, %dma_wait3A_267] : memref<10000x64xi32, #tpu.memory_space<hbm>> -> memref<10000x64xi32, #tpu.memory_space<hbm>>
      tpu.wait_indirect_dma semaphore(%arg31 : memref<!tpu.dma_semaphore, #tpu.memory_space<semaphore_mem>>) src(%dma_wait3A_268 : memref<10000x64xi32, #tpu.memory_space<hbm>>) dst(%arg19 : memref<80x64xi32, #tpu.memory_space<vmem>>)
      %scan3A_269 = arith.constant 0 : i32
      %scan3A_270 = arith.constant 5 : i32
      %scan3A_271 = arith.addi %scan3A_269, %scan3A_270 : i32
      %scan3A_272 = arith.constant 1 : i32
      scf.for %scan3A_304 = %scan3A_269 to %scan3A_271 step %scan3A_272  : i32 {
        %mul3A_305 = arith.constant 16 : i32
        %mul3A_306 = arith.muli %scan3A_304, %mul3A_305 : i32
        %add3A_307 = vector.broadcast %mul3A_306 : i32 to vector<16xi32>
        %add3A_308 = arith.addi %iota3A, %add3A_307 : vector<16xi32>
        %broadcast_in_dim3A = arith.constant 0.000000e+00 : f32
        %broadcast_in_dim3A_309 = vector.broadcast %broadcast_in_dim3A : f32 to vector<16xf32>
        %broadcast_in_dim3A_310 = arith.constant 0.000000e+00 : f32
        %broadcast_in_dim3A_311 = vector.broadcast %broadcast_in_dim3A_310 : f32 to vector<16xf32>
        %scan3A_312 = arith.constant 0 : i32
        %scan3A_313 = arith.constant 64 : i32
        %scan3A_314 = arith.addi %scan3A_312, %scan3A_313 : i32
        %scan3A_315 = arith.constant 8 : i32
        %scan3A_316:2 = scf.for %scan3A_332 = %scan3A_312 to %scan3A_314 step %scan3A_315 iter_args(%scan3A_333 = %broadcast_in_dim3A_309, %scan3A_334 = %broadcast_in_dim3A_311) -> (vector<16xf32>, vector<16xf32>)  : i32 {
          %broadcast_in_dim3A_335 = arith.constant 1 : i32
          %broadcast_in_dim3A_336 = vector.broadcast %broadcast_in_dim3A_335 : i32 to vector<16xi32>
          %mul3A_337 = vector.broadcast %scan3A_332 : i32 to vector<16xi32>
          %mul3A_338 = arith.muli %broadcast_in_dim3A_336, %mul3A_337 : vector<16xi32>
          %gather3A = tpu.vector_load_idx %arg13[%add3A_308, %mul3A_338] : memref<80x64xi32, #tpu.memory_space<vmem>>[vector<16xi32>, vector<16xi32>], vector<16xi32>,
          %gather3A_339 = tpu.vector_load_idx %arg19[%add3A_308, %mul3A_338] : memref<80x64xi32, #tpu.memory_space<vmem>>[vector<16xi32>, vector<16xi32>], vector<16xi32>,
          %bitcast3A = vector.bitcast %gather3A : vector<16xi32> to vector<32xbf16>
          %bitcast3A_340 = vector.bitcast %gather3A_339 : vector<16xi32> to vector<32xbf16>
          %mul3A_341 = arith.mulf %bitcast3A, %bitcast3A_340 : vector<32xbf16>
          %unpack3A = tpu.unpack_subelements %mul3A_341, 0 {pack_format = #tpu.pack_format<interleaved>} : vector<32xbf16> -> vector<16xf32>
          %unpack3A_342 = tpu.unpack_subelements %mul3A_341, 1 {pack_format = #tpu.pack_format<interleaved>} : vector<32xbf16> -> vector<16xf32>
          %add3A_343 = arith.addf %scan3A_333, %unpack3A : vector<16xf32>
          %add3A_344 = arith.addf %scan3A_334, %unpack3A_342 : vector<16xf32>
          %scan3A_345 = arith.constant 1 : i32
          %scan3A_346 = arith.addi %scan3A_332, %scan3A_345 : i32
          %broadcast_in_dim3A_347 = arith.constant 1 : i32
          %broadcast_in_dim3A_348 = vector.broadcast %broadcast_in_dim3A_347 : i32 to vector<16xi32>
          %mul3A_349 = vector.broadcast %scan3A_346 : i32 to vector<16xi32>
          %mul3A_350 = arith.muli %broadcast_in_dim3A_348, %mul3A_349 : vector<16xi32>
          %gather3A_351 = tpu.vector_load_idx %arg13[%add3A_308, %mul3A_350] : memref<80x64xi32, #tpu.memory_space<vmem>>[vector<16xi32>, vector<16xi32>], vector<16xi32>,
          %gather3A_352 = tpu.vector_load_idx %arg19[%add3A_308, %mul3A_350] : memref<80x64xi32, #tpu.memory_space<vmem>>[vector<16xi32>, vector<16xi32>], vector<16xi32>,
          %bitcast3A_353 = vector.bitcast %gather3A_351 : vector<16xi32> to vector<32xbf16>
          %bitcast3A_354 = vector.bitcast %gather3A_352 : vector<16xi32> to vector<32xbf16>
          %mul3A_355 = arith.mulf %bitcast3A_353, %bitcast3A_354 : vector<32xbf16>
          %unpack3A_356 = tpu.unpack_subelements %mul3A_355, 0 {pack_format = #tpu.pack_format<interleaved>} : vector<32xbf16> -> vector<16xf32>
          %unpack3A_357 = tpu.unpack_subelements %mul3A_355, 1 {pack_format = #tpu.pack_format<interleaved>} : vector<32xbf16> -> vector<16xf32>
          %add3A_358 = arith.addf %add3A_343, %unpack3A_356 : vector<16xf32>
          %add3A_359 = arith.addf %add3A_344, %unpack3A_357 : vector<16xf32>
          %scan3A_360 = arith.constant 2 : i32
          %scan3A_361 = arith.addi %scan3A_332, %scan3A_360 : i32
          %broadcast_in_dim3A_362 = arith.constant 1 : i32
          %broadcast_in_dim3A_363 = vector.broadcast %broadcast_in_dim3A_362 : i32 to vector<16xi32>
          %mul3A_364 = vector.broadcast %scan3A_361 : i32 to vector<16xi32>
          %mul3A_365 = arith.muli %broadcast_in_dim3A_363, %mul3A_364 : vector<16xi32>
          %gather3A_366 = tpu.vector_load_idx %arg13[%add3A_308, %mul3A_365] : memref<80x64xi32, #tpu.memory_space<vmem>>[vector<16xi32>, vector<16xi32>], vector<16xi32>,
          %gather3A_367 = tpu.vector_load_idx %arg19[%add3A_308, %mul3A_365] : memref<80x64xi32, #tpu.memory_space<vmem>>[vector<16xi32>, vector<16xi32>], vector<16xi32>,
          %bitcast3A_368 = vector.bitcast %gather3A_366 : vector<16xi32> to vector<32xbf16>
          %bitcast3A_369 = vector.bitcast %gather3A_367 : vector<16xi32> to vector<32xbf16>
          %mul3A_370 = arith.mulf %bitcast3A_368, %bitcast3A_369 : vector<32xbf16>
          %unpack3A_371 = tpu.unpack_subelements %mul3A_370, 0 {pack_format = #tpu.pack_format<interleaved>} : vector<32xbf16> -> vector<16xf32>
          %unpack3A_372 = tpu.unpack_subelements %mul3A_370, 1 {pack_format = #tpu.pack_format<interleaved>} : vector<32xbf16> -> vector<16xf32>
          %add3A_373 = arith.addf %add3A_358, %unpack3A_371 : vector<16xf32>
          %add3A_374 = arith.addf %add3A_359, %unpack3A_372 : vector<16xf32>
          %scan3A_375 = arith.constant 3 : i32
          %scan3A_376 = arith.addi %scan3A_332, %scan3A_375 : i32
          %broadcast_in_dim3A_377 = arith.constant 1 : i32
          %broadcast_in_dim3A_378 = vector.broadcast %broadcast_in_dim3A_377 : i32 to vector<16xi32>
          %mul3A_379 = vector.broadcast %scan3A_376 : i32 to vector<16xi32>
          %mul3A_380 = arith.muli %broadcast_in_dim3A_378, %mul3A_379 : vector<16xi32>
          %gather3A_381 = tpu.vector_load_idx %arg13[%add3A_308, %mul3A_380] : memref<80x64xi32, #tpu.memory_space<vmem>>[vector<16xi32>, vector<16xi32>], vector<16xi32>,
          %gather3A_382 = tpu.vector_load_idx %arg19[%add3A_308, %mul3A_380] : memref<80x64xi32, #tpu.memory_space<vmem>>[vector<16xi32>, vector<16xi32>], vector<16xi32>,
          %bitcast3A_383 = vector.bitcast %gather3A_381 : vector<16xi32> to vector<32xbf16>
          %bitcast3A_384 = vector.bitcast %gather3A_382 : vector<16xi32> to vector<32xbf16>
          %mul3A_385 = arith.mulf %bitcast3A_383, %bitcast3A_384 : vector<32xbf16>
          %unpack3A_386 = tpu.unpack_subelements %mul3A_385, 0 {pack_format = #tpu.pack_format<interleaved>} : vector<32xbf16> -> vector<16xf32>
          %unpack3A_387 = tpu.unpack_subelements %mul3A_385, 1 {pack_format = #tpu.pack_format<interleaved>} : vector<32xbf16> -> vector<16xf32>
          %add3A_388 = arith.addf %add3A_373, %unpack3A_386 : vector<16xf32>
          %add3A_389 = arith.addf %add3A_374, %unpack3A_387 : vector<16xf32>
          %scan3A_390 = arith.constant 4 : i32
          %scan3A_391 = arith.addi %scan3A_332, %scan3A_390 : i32
          %broadcast_in_dim3A_392 = arith.constant 1 : i32
          %broadcast_in_dim3A_393 = vector.broadcast %broadcast_in_dim3A_392 : i32 to vector<16xi32>
          %mul3A_394 = vector.broadcast %scan3A_391 : i32 to vector<16xi32>
          %mul3A_395 = arith.muli %broadcast_in_dim3A_393, %mul3A_394 : vector<16xi32>
          %gather3A_396 = tpu.vector_load_idx %arg13[%add3A_308, %mul3A_395] : memref<80x64xi32, #tpu.memory_space<vmem>>[vector<16xi32>, vector<16xi32>], vector<16xi32>,
          %gather3A_397 = tpu.vector_load_idx %arg19[%add3A_308, %mul3A_395] : memref<80x64xi32, #tpu.memory_space<vmem>>[vector<16xi32>, vector<16xi32>], vector<16xi32>,
          %bitcast3A_398 = vector.bitcast %gather3A_396 : vector<16xi32> to vector<32xbf16>
          %bitcast3A_399 = vector.bitcast %gather3A_397 : vector<16xi32> to vector<32xbf16>
          %mul3A_400 = arith.mulf %bitcast3A_398, %bitcast3A_399 : vector<32xbf16>
          %unpack3A_401 = tpu.unpack_subelements %mul3A_400, 0 {pack_format = #tpu.pack_format<interleaved>} : vector<32xbf16> -> vector<16xf32>
          %unpack3A_402 = tpu.unpack_subelements %mul3A_400, 1 {pack_format = #tpu.pack_format<interleaved>} : vector<32xbf16> -> vector<16xf32>
          %add3A_403 = arith.addf %add3A_388, %unpack3A_401 : vector<16xf32>
          %add3A_404 = arith.addf %add3A_389, %unpack3A_402 : vector<16xf32>
          %scan3A_405 = arith.constant 5 : i32
          %scan3A_406 = arith.addi %scan3A_332, %scan3A_405 : i32
          %broadcast_in_dim3A_407 = arith.constant 1 : i32
          %broadcast_in_dim3A_408 = vector.broadcast %broadcast_in_dim3A_407 : i32 to vector<16xi32>
          %mul3A_409 = vector.broadcast %scan3A_406 : i32 to vector<16xi32>
          %mul3A_410 = arith.muli %broadcast_in_dim3A_408, %mul3A_409 : vector<16xi32>
          %gather3A_411 = tpu.vector_load_idx %arg13[%add3A_308, %mul3A_410] : memref<80x64xi32, #tpu.memory_space<vmem>>[vector<16xi32>, vector<16xi32>], vector<16xi32>,
          %gather3A_412 = tpu.vector_load_idx %arg19[%add3A_308, %mul3A_410] : memref<80x64xi32, #tpu.memory_space<vmem>>[vector<16xi32>, vector<16xi32>], vector<16xi32>,
          %bitcast3A_413 = vector.bitcast %gather3A_411 : vector<16xi32> to vector<32xbf16>
          %bitcast3A_414 = vector.bitcast %gather3A_412 : vector<16xi32> to vector<32xbf16>
          %mul3A_415 = arith.mulf %bitcast3A_413, %bitcast3A_414 : vector<32xbf16>
          %unpack3A_416 = tpu.unpack_subelements %mul3A_415, 0 {pack_format = #tpu.pack_format<interleaved>} : vector<32xbf16> -> vector<16xf32>
          %unpack3A_417 = tpu.unpack_subelements %mul3A_415, 1 {pack_format = #tpu.pack_format<interleaved>} : vector<32xbf16> -> vector<16xf32>
          %add3A_418 = arith.addf %add3A_403, %unpack3A_416 : vector<16xf32>
          %add3A_419 = arith.addf %add3A_404, %unpack3A_417 : vector<16xf32>
          %scan3A_420 = arith.constant 6 : i32
          %scan3A_421 = arith.addi %scan3A_332, %scan3A_420 : i32
          %broadcast_in_dim3A_422 = arith.constant 1 : i32
          %broadcast_in_dim3A_423 = vector.broadcast %broadcast_in_dim3A_422 : i32 to vector<16xi32>
          %mul3A_424 = vector.broadcast %scan3A_421 : i32 to vector<16xi32>
          %mul3A_425 = arith.muli %broadcast_in_dim3A_423, %mul3A_424 : vector<16xi32>
          %gather3A_426 = tpu.vector_load_idx %arg13[%add3A_308, %mul3A_425] : memref<80x64xi32, #tpu.memory_space<vmem>>[vector<16xi32>, vector<16xi32>], vector<16xi32>,
          %gather3A_427 = tpu.vector_load_idx %arg19[%add3A_308, %mul3A_425] : memref<80x64xi32, #tpu.memory_space<vmem>>[vector<16xi32>, vector<16xi32>], vector<16xi32>,
          %bitcast3A_428 = vector.bitcast %gather3A_426 : vector<16xi32> to vector<32xbf16>
          %bitcast3A_429 = vector.bitcast %gather3A_427 : vector<16xi32> to vector<32xbf16>
          %mul3A_430 = arith.mulf %bitcast3A_428, %bitcast3A_429 : vector<32xbf16>
          %unpack3A_431 = tpu.unpack_subelements %mul3A_430, 0 {pack_format = #tpu.pack_format<interleaved>} : vector<32xbf16> -> vector<16xf32>
          %unpack3A_432 = tpu.unpack_subelements %mul3A_430, 1 {pack_format = #tpu.pack_format<interleaved>} : vector<32xbf16> -> vector<16xf32>
          %add3A_433 = arith.addf %add3A_418, %unpack3A_431 : vector<16xf32>
          %add3A_434 = arith.addf %add3A_419, %unpack3A_432 : vector<16xf32>
          %scan3A_435 = arith.constant 7 : i32
          %scan3A_436 = arith.addi %scan3A_332, %scan3A_435 : i32
          %broadcast_in_dim3A_437 = arith.constant 1 : i32
          %broadcast_in_dim3A_438 = vector.broadcast %broadcast_in_dim3A_437 : i32 to vector<16xi32>
          %mul3A_439 = vector.broadcast %scan3A_436 : i32 to vector<16xi32>
          %mul3A_440 = arith.muli %broadcast_in_dim3A_438, %mul3A_439 : vector<16xi32>
          %gather3A_441 = tpu.vector_load_idx %arg13[%add3A_308, %mul3A_440] : memref<80x64xi32, #tpu.memory_space<vmem>>[vector<16xi32>, vector<16xi32>], vector<16xi32>,
          %gather3A_442 = tpu.vector_load_idx %arg19[%add3A_308, %mul3A_440] : memref<80x64xi32, #tpu.memory_space<vmem>>[vector<16xi32>, vector<16xi32>], vector<16xi32>,
          %bitcast3A_443 = vector.bitcast %gather3A_441 : vector<16xi32> to vector<32xbf16>
          %bitcast3A_444 = vector.bitcast %gather3A_442 : vector<16xi32> to vector<32xbf16>
          %mul3A_445 = arith.mulf %bitcast3A_443, %bitcast3A_444 : vector<32xbf16>
          %unpack3A_446 = tpu.unpack_subelements %mul3A_445, 0 {pack_format = #tpu.pack_format<interleaved>} : vector<32xbf16> -> vector<16xf32>
          %unpack3A_447 = tpu.unpack_subelements %mul3A_445, 1 {pack_format = #tpu.pack_format<interleaved>} : vector<32xbf16> -> vector<16xf32>
          %add3A_448 = arith.addf %add3A_433, %unpack3A_446 : vector<16xf32>
          %add3A_449 = arith.addf %add3A_434, %unpack3A_447 : vector<16xf32>
          scf.yield %add3A_448, %add3A_449 : vector<16xf32>, vector<16xf32>
        }
        %scan3A_317 = arith.constant 64 : i32
        %add3A_318 = arith.addf %scan3A_316#0, %scan3A_316#1 : vector<16xf32>
        %neg3A = arith.constant 0.000000e+00 : f32
        %neg3A_319 = vector.broadcast %neg3A : f32 to vector<16xf32>
        %neg3A_320 = arith.subf %neg3A_319, %add3A_318 : vector<16xf32>
        %exp3A = math.exp %neg3A_320 : vector<16xf32>
        %add3A_321 = arith.constant 1.000000e+00 : f32
        %add3A_322 = vector.broadcast %add3A_321 : f32 to vector<16xf32>
        %add3A_323 = arith.addf %add3A_322, %exp3A : vector<16xf32>
        %div3A = arith.constant 1.000000e+00 : f32
        %div3A_324 = vector.broadcast %div3A : f32 to vector<16xf32>
        %div3A_325 = arith.divf %div3A_324, %add3A_323 : vector<16xf32>
        %mul3A_326 = arith.constant 80 : i32
        %mul3A_327 = arith.muli %add3A_251, %mul3A_326 : i32
        %mul3A_328 = arith.constant 16 : i32
        %mul3A_329 = arith.muli %scan3A_304, %mul3A_328 : i32
        %add3A_330 = arith.addi %mul3A_327, %mul3A_329 : i32
        %swap3A = arith.index_cast %add3A_330 : i32 to index
        %swap3A_331 = tpu.vector_load %arg8[%swap3A] {strides = array<i32>} : memref<10000xf32, #tpu.memory_space<vmem>>, vector<16xf32>,
        tpu.vector_store %arg8[%swap3A], %div3A_325 {strides = array<i32>} : memref<10000xf32, #tpu.memory_space<vmem>>, vector<16xf32>,
      }
      %scan3A_273 = arith.constant 5 : i32
      %mul3A_274 = arith.constant 6 : i32
      %mul3A_275 = arith.muli %scan3A_146, %mul3A_274 : i32
      %add3A_276 = arith.constant 5 : i32
      %add3A_277 = arith.addi %mul3A_275, %add3A_276 : i32
      %add3A_278 = arith.constant 5 : i32
      %add3A_279 = arith.addi %add3A_277, %add3A_278 : i32
      %lt3A_280 = arith.constant 125 : i32
      %lt3A_281 = arith.cmpi slt, %add3A_279, %lt3A_280 : i32
      %convert_element_type3A_282 = arith.extui %lt3A_281 : i1 to i32
      %cond3A_283 = arith.constant 0 : i32
      %cond3A_284 = arith.cmpi ne, %convert_element_type3A_282, %cond3A_283 : i32
      scf.if %cond3A_284 {
        %mul3A_304 = arith.constant 80 : i32
        %mul3A_305 = arith.muli %add3A_279, %mul3A_304 : i32
        %dma_start3A_306 = tpu.memref_slice %arg6[%mul3A_305] : memref<10000xi32, #tpu.memory_space<vmem>> -> memref<80xi32, #tpu.memory_space<vmem>>
        %dma_start3A_307 = arith.constant 0 : i32
        %dma_start3A_308 = arith.constant 0 : i32
        %dma_start3A_309 = tpu.memref_slice %arg2[%dma_start3A_307, %dma_start3A_308] : memref<10000x64xi32, #tpu.memory_space<hbm>> -> memref<10000x64xi32, #tpu.memory_space<hbm>>
        tpu.enqueue_indirect_dma source(%dma_start3A_309 : memref<10000x64xi32, #tpu.memory_space<hbm>>) target(%arg13 : memref<80x64xi32, #tpu.memory_space<vmem>>) offsets(%dma_start3A_306 : memref<80xi32, #tpu.memory_space<vmem>>) semaphore(%arg25 : memref<!tpu.dma_semaphore, #tpu.memory_space<semaphore_mem>>)
        %dma_start3A_310 = tpu.memref_slice %arg7[%mul3A_305] : memref<10000xi32, #tpu.memory_space<vmem>> -> memref<80xi32, #tpu.memory_space<vmem>>
        %dma_start3A_311 = arith.constant 0 : i32
        %dma_start3A_312 = arith.constant 0 : i32
        %dma_start3A_313 = tpu.memref_slice %arg2[%dma_start3A_311, %dma_start3A_312] : memref<10000x64xi32, #tpu.memory_space<hbm>> -> memref<10000x64xi32, #tpu.memory_space<hbm>>
        tpu.enqueue_indirect_dma source(%dma_start3A_313 : memref<10000x64xi32, #tpu.memory_space<hbm>>) target(%arg19 : memref<80x64xi32, #tpu.memory_space<vmem>>) offsets(%dma_start3A_310 : memref<80xi32, #tpu.memory_space<vmem>>) semaphore(%arg31 : memref<!tpu.dma_semaphore, #tpu.memory_space<semaphore_mem>>)
      } else {
      }
      %mul3A_285 = arith.constant 80 : i32
      %mul3A_286 = arith.muli %add3A_277, %mul3A_285 : i32
      %dma_wait3A_287 = tpu.memref_slice %arg6[%mul3A_286] : memref<10000xi32, #tpu.memory_space<vmem>> -> memref<80xi32, #tpu.memory_space<vmem>>
      %dma_wait3A_288 = arith.constant 0 : i32
      %dma_wait3A_289 = arith.constant 0 : i32
      %dma_wait3A_290 = tpu.memref_slice %arg2[%dma_wait3A_288, %dma_wait3A_289] : memref<10000x64xi32, #tpu.memory_space<hbm>> -> memref<10000x64xi32, #tpu.memory_space<hbm>>
      tpu.wait_indirect_dma semaphore(%arg26 : memref<!tpu.dma_semaphore, #tpu.memory_space<semaphore_mem>>) src(%dma_wait3A_290 : memref<10000x64xi32, #tpu.memory_space<hbm>>) dst(%arg14 : memref<80x64xi32, #tpu.memory_space<vmem>>)
      %dma_wait3A_291 = tpu.memref_slice %arg7[%mul3A_286] : memref<10000xi32, #tpu.memory_space<vmem>> -> memref<80xi32, #tpu.memory_space<vmem>>
      %dma_wait3A_292 = arith.constant 0 : i32
      %dma_wait3A_293 = arith.constant 0 : i32
      %dma_wait3A_294 = tpu.memref_slice %arg2[%dma_wait3A_292, %dma_wait3A_293] : memref<10000x64xi32, #tpu.memory_space<hbm>> -> memref<10000x64xi32, #tpu.memory_space<hbm>>
      tpu.wait_indirect_dma semaphore(%arg32 : memref<!tpu.dma_semaphore, #tpu.memory_space<semaphore_mem>>) src(%dma_wait3A_294 : memref<10000x64xi32, #tpu.memory_space<hbm>>) dst(%arg20 : memref<80x64xi32, #tpu.memory_space<vmem>>)
      %scan3A_295 = arith.constant 0 : i32
      %scan3A_296 = arith.constant 5 : i32
      %scan3A_297 = arith.addi %scan3A_295, %scan3A_296 : i32
      %scan3A_298 = arith.constant 1 : i32
      scf.for %scan3A_304 = %scan3A_295 to %scan3A_297 step %scan3A_298  : i32 {
        %mul3A_305 = arith.constant 16 : i32
        %mul3A_306 = arith.muli %scan3A_304, %mul3A_305 : i32
        %add3A_307 = vector.broadcast %mul3A_306 : i32 to vector<16xi32>
        %add3A_308 = arith.addi %iota3A, %add3A_307 : vector<16xi32>
        %broadcast_in_dim3A = arith.constant 0.000000e+00 : f32
        %broadcast_in_dim3A_309 = vector.broadcast %broadcast_in_dim3A : f32 to vector<16xf32>
        %broadcast_in_dim3A_310 = arith.constant 0.000000e+00 : f32
        %broadcast_in_dim3A_311 = vector.broadcast %broadcast_in_dim3A_310 : f32 to vector<16xf32>
        %scan3A_312 = arith.constant 0 : i32
        %scan3A_313 = arith.constant 64 : i32
        %scan3A_314 = arith.addi %scan3A_312, %scan3A_313 : i32
        %scan3A_315 = arith.constant 8 : i32
        %scan3A_316:2 = scf.for %scan3A_332 = %scan3A_312 to %scan3A_314 step %scan3A_315 iter_args(%scan3A_333 = %broadcast_in_dim3A_309, %scan3A_334 = %broadcast_in_dim3A_311) -> (vector<16xf32>, vector<16xf32>)  : i32 {
          %broadcast_in_dim3A_335 = arith.constant 1 : i32
          %broadcast_in_dim3A_336 = vector.broadcast %broadcast_in_dim3A_335 : i32 to vector<16xi32>
          %mul3A_337 = vector.broadcast %scan3A_332 : i32 to vector<16xi32>
          %mul3A_338 = arith.muli %broadcast_in_dim3A_336, %mul3A_337 : vector<16xi32>
          %gather3A = tpu.vector_load_idx %arg14[%add3A_308, %mul3A_338] : memref<80x64xi32, #tpu.memory_space<vmem>>[vector<16xi32>, vector<16xi32>], vector<16xi32>,
          %gather3A_339 = tpu.vector_load_idx %arg20[%add3A_308, %mul3A_338] : memref<80x64xi32, #tpu.memory_space<vmem>>[vector<16xi32>, vector<16xi32>], vector<16xi32>,
          %bitcast3A = vector.bitcast %gather3A : vector<16xi32> to vector<32xbf16>
          %bitcast3A_340 = vector.bitcast %gather3A_339 : vector<16xi32> to vector<32xbf16>
          %mul3A_341 = arith.mulf %bitcast3A, %bitcast3A_340 : vector<32xbf16>
          %unpack3A = tpu.unpack_subelements %mul3A_341, 0 {pack_format = #tpu.pack_format<interleaved>} : vector<32xbf16> -> vector<16xf32>
          %unpack3A_342 = tpu.unpack_subelements %mul3A_341, 1 {pack_format = #tpu.pack_format<interleaved>} : vector<32xbf16> -> vector<16xf32>
          %add3A_343 = arith.addf %scan3A_333, %unpack3A : vector<16xf32>
          %add3A_344 = arith.addf %scan3A_334, %unpack3A_342 : vector<16xf32>
          %scan3A_345 = arith.constant 1 : i32
          %scan3A_346 = arith.addi %scan3A_332, %scan3A_345 : i32
          %broadcast_in_dim3A_347 = arith.constant 1 : i32
          %broadcast_in_dim3A_348 = vector.broadcast %broadcast_in_dim3A_347 : i32 to vector<16xi32>
          %mul3A_349 = vector.broadcast %scan3A_346 : i32 to vector<16xi32>
          %mul3A_350 = arith.muli %broadcast_in_dim3A_348, %mul3A_349 : vector<16xi32>
          %gather3A_351 = tpu.vector_load_idx %arg14[%add3A_308, %mul3A_350] : memref<80x64xi32, #tpu.memory_space<vmem>>[vector<16xi32>, vector<16xi32>], vector<16xi32>,
          %gather3A_352 = tpu.vector_load_idx %arg20[%add3A_308, %mul3A_350] : memref<80x64xi32, #tpu.memory_space<vmem>>[vector<16xi32>, vector<16xi32>], vector<16xi32>,
          %bitcast3A_353 = vector.bitcast %gather3A_351 : vector<16xi32> to vector<32xbf16>
          %bitcast3A_354 = vector.bitcast %gather3A_352 : vector<16xi32> to vector<32xbf16>
          %mul3A_355 = arith.mulf %bitcast3A_353, %bitcast3A_354 : vector<32xbf16>
          %unpack3A_356 = tpu.unpack_subelements %mul3A_355, 0 {pack_format = #tpu.pack_format<interleaved>} : vector<32xbf16> -> vector<16xf32>
          %unpack3A_357 = tpu.unpack_subelements %mul3A_355, 1 {pack_format = #tpu.pack_format<interleaved>} : vector<32xbf16> -> vector<16xf32>
          %add3A_358 = arith.addf %add3A_343, %unpack3A_356 : vector<16xf32>
          %add3A_359 = arith.addf %add3A_344, %unpack3A_357 : vector<16xf32>
          %scan3A_360 = arith.constant 2 : i32
          %scan3A_361 = arith.addi %scan3A_332, %scan3A_360 : i32
          %broadcast_in_dim3A_362 = arith.constant 1 : i32
          %broadcast_in_dim3A_363 = vector.broadcast %broadcast_in_dim3A_362 : i32 to vector<16xi32>
          %mul3A_364 = vector.broadcast %scan3A_361 : i32 to vector<16xi32>
          %mul3A_365 = arith.muli %broadcast_in_dim3A_363, %mul3A_364 : vector<16xi32>
          %gather3A_366 = tpu.vector_load_idx %arg14[%add3A_308, %mul3A_365] : memref<80x64xi32, #tpu.memory_space<vmem>>[vector<16xi32>, vector<16xi32>], vector<16xi32>,
          %gather3A_367 = tpu.vector_load_idx %arg20[%add3A_308, %mul3A_365] : memref<80x64xi32, #tpu.memory_space<vmem>>[vector<16xi32>, vector<16xi32>], vector<16xi32>,
          %bitcast3A_368 = vector.bitcast %gather3A_366 : vector<16xi32> to vector<32xbf16>
          %bitcast3A_369 = vector.bitcast %gather3A_367 : vector<16xi32> to vector<32xbf16>
          %mul3A_370 = arith.mulf %bitcast3A_368, %bitcast3A_369 : vector<32xbf16>
          %unpack3A_371 = tpu.unpack_subelements %mul3A_370, 0 {pack_format = #tpu.pack_format<interleaved>} : vector<32xbf16> -> vector<16xf32>
          %unpack3A_372 = tpu.unpack_subelements %mul3A_370, 1 {pack_format = #tpu.pack_format<interleaved>} : vector<32xbf16> -> vector<16xf32>
          %add3A_373 = arith.addf %add3A_358, %unpack3A_371 : vector<16xf32>
          %add3A_374 = arith.addf %add3A_359, %unpack3A_372 : vector<16xf32>
          %scan3A_375 = arith.constant 3 : i32
          %scan3A_376 = arith.addi %scan3A_332, %scan3A_375 : i32
          %broadcast_in_dim3A_377 = arith.constant 1 : i32
          %broadcast_in_dim3A_378 = vector.broadcast %broadcast_in_dim3A_377 : i32 to vector<16xi32>
          %mul3A_379 = vector.broadcast %scan3A_376 : i32 to vector<16xi32>
          %mul3A_380 = arith.muli %broadcast_in_dim3A_378, %mul3A_379 : vector<16xi32>
          %gather3A_381 = tpu.vector_load_idx %arg14[%add3A_308, %mul3A_380] : memref<80x64xi32, #tpu.memory_space<vmem>>[vector<16xi32>, vector<16xi32>], vector<16xi32>,
          %gather3A_382 = tpu.vector_load_idx %arg20[%add3A_308, %mul3A_380] : memref<80x64xi32, #tpu.memory_space<vmem>>[vector<16xi32>, vector<16xi32>], vector<16xi32>,
          %bitcast3A_383 = vector.bitcast %gather3A_381 : vector<16xi32> to vector<32xbf16>
          %bitcast3A_384 = vector.bitcast %gather3A_382 : vector<16xi32> to vector<32xbf16>
          %mul3A_385 = arith.mulf %bitcast3A_383, %bitcast3A_384 : vector<32xbf16>
          %unpack3A_386 = tpu.unpack_subelements %mul3A_385, 0 {pack_format = #tpu.pack_format<interleaved>} : vector<32xbf16> -> vector<16xf32>
          %unpack3A_387 = tpu.unpack_subelements %mul3A_385, 1 {pack_format = #tpu.pack_format<interleaved>} : vector<32xbf16> -> vector<16xf32>
          %add3A_388 = arith.addf %add3A_373, %unpack3A_386 : vector<16xf32>
          %add3A_389 = arith.addf %add3A_374, %unpack3A_387 : vector<16xf32>
          %scan3A_390 = arith.constant 4 : i32
          %scan3A_391 = arith.addi %scan3A_332, %scan3A_390 : i32
          %broadcast_in_dim3A_392 = arith.constant 1 : i32
          %broadcast_in_dim3A_393 = vector.broadcast %broadcast_in_dim3A_392 : i32 to vector<16xi32>
          %mul3A_394 = vector.broadcast %scan3A_391 : i32 to vector<16xi32>
          %mul3A_395 = arith.muli %broadcast_in_dim3A_393, %mul3A_394 : vector<16xi32>
          %gather3A_396 = tpu.vector_load_idx %arg14[%add3A_308, %mul3A_395] : memref<80x64xi32, #tpu.memory_space<vmem>>[vector<16xi32>, vector<16xi32>], vector<16xi32>,
          %gather3A_397 = tpu.vector_load_idx %arg20[%add3A_308, %mul3A_395] : memref<80x64xi32, #tpu.memory_space<vmem>>[vector<16xi32>, vector<16xi32>], vector<16xi32>,
          %bitcast3A_398 = vector.bitcast %gather3A_396 : vector<16xi32> to vector<32xbf16>
          %bitcast3A_399 = vector.bitcast %gather3A_397 : vector<16xi32> to vector<32xbf16>
          %mul3A_400 = arith.mulf %bitcast3A_398, %bitcast3A_399 : vector<32xbf16>
          %unpack3A_401 = tpu.unpack_subelements %mul3A_400, 0 {pack_format = #tpu.pack_format<interleaved>} : vector<32xbf16> -> vector<16xf32>
          %unpack3A_402 = tpu.unpack_subelements %mul3A_400, 1 {pack_format = #tpu.pack_format<interleaved>} : vector<32xbf16> -> vector<16xf32>
          %add3A_403 = arith.addf %add3A_388, %unpack3A_401 : vector<16xf32>
          %add3A_404 = arith.addf %add3A_389, %unpack3A_402 : vector<16xf32>
          %scan3A_405 = arith.constant 5 : i32
          %scan3A_406 = arith.addi %scan3A_332, %scan3A_405 : i32
          %broadcast_in_dim3A_407 = arith.constant 1 : i32
          %broadcast_in_dim3A_408 = vector.broadcast %broadcast_in_dim3A_407 : i32 to vector<16xi32>
          %mul3A_409 = vector.broadcast %scan3A_406 : i32 to vector<16xi32>
          %mul3A_410 = arith.muli %broadcast_in_dim3A_408, %mul3A_409 : vector<16xi32>
          %gather3A_411 = tpu.vector_load_idx %arg14[%add3A_308, %mul3A_410] : memref<80x64xi32, #tpu.memory_space<vmem>>[vector<16xi32>, vector<16xi32>], vector<16xi32>,
          %gather3A_412 = tpu.vector_load_idx %arg20[%add3A_308, %mul3A_410] : memref<80x64xi32, #tpu.memory_space<vmem>>[vector<16xi32>, vector<16xi32>], vector<16xi32>,
          %bitcast3A_413 = vector.bitcast %gather3A_411 : vector<16xi32> to vector<32xbf16>
          %bitcast3A_414 = vector.bitcast %gather3A_412 : vector<16xi32> to vector<32xbf16>
          %mul3A_415 = arith.mulf %bitcast3A_413, %bitcast3A_414 : vector<32xbf16>
          %unpack3A_416 = tpu.unpack_subelements %mul3A_415, 0 {pack_format = #tpu.pack_format<interleaved>} : vector<32xbf16> -> vector<16xf32>
          %unpack3A_417 = tpu.unpack_subelements %mul3A_415, 1 {pack_format = #tpu.pack_format<interleaved>} : vector<32xbf16> -> vector<16xf32>
          %add3A_418 = arith.addf %add3A_403, %unpack3A_416 : vector<16xf32>
          %add3A_419 = arith.addf %add3A_404, %unpack3A_417 : vector<16xf32>
          %scan3A_420 = arith.constant 6 : i32
          %scan3A_421 = arith.addi %scan3A_332, %scan3A_420 : i32
          %broadcast_in_dim3A_422 = arith.constant 1 : i32
          %broadcast_in_dim3A_423 = vector.broadcast %broadcast_in_dim3A_422 : i32 to vector<16xi32>
          %mul3A_424 = vector.broadcast %scan3A_421 : i32 to vector<16xi32>
          %mul3A_425 = arith.muli %broadcast_in_dim3A_423, %mul3A_424 : vector<16xi32>
          %gather3A_426 = tpu.vector_load_idx %arg14[%add3A_308, %mul3A_425] : memref<80x64xi32, #tpu.memory_space<vmem>>[vector<16xi32>, vector<16xi32>], vector<16xi32>,
          %gather3A_427 = tpu.vector_load_idx %arg20[%add3A_308, %mul3A_425] : memref<80x64xi32, #tpu.memory_space<vmem>>[vector<16xi32>, vector<16xi32>], vector<16xi32>,
          %bitcast3A_428 = vector.bitcast %gather3A_426 : vector<16xi32> to vector<32xbf16>
          %bitcast3A_429 = vector.bitcast %gather3A_427 : vector<16xi32> to vector<32xbf16>
          %mul3A_430 = arith.mulf %bitcast3A_428, %bitcast3A_429 : vector<32xbf16>
          %unpack3A_431 = tpu.unpack_subelements %mul3A_430, 0 {pack_format = #tpu.pack_format<interleaved>} : vector<32xbf16> -> vector<16xf32>
          %unpack3A_432 = tpu.unpack_subelements %mul3A_430, 1 {pack_format = #tpu.pack_format<interleaved>} : vector<32xbf16> -> vector<16xf32>
          %add3A_433 = arith.addf %add3A_418, %unpack3A_431 : vector<16xf32>
          %add3A_434 = arith.addf %add3A_419, %unpack3A_432 : vector<16xf32>
          %scan3A_435 = arith.constant 7 : i32
          %scan3A_436 = arith.addi %scan3A_332, %scan3A_435 : i32
          %broadcast_in_dim3A_437 = arith.constant 1 : i32
          %broadcast_in_dim3A_438 = vector.broadcast %broadcast_in_dim3A_437 : i32 to vector<16xi32>
          %mul3A_439 = vector.broadcast %scan3A_436 : i32 to vector<16xi32>
          %mul3A_440 = arith.muli %broadcast_in_dim3A_438, %mul3A_439 : vector<16xi32>
          %gather3A_441 = tpu.vector_load_idx %arg14[%add3A_308, %mul3A_440] : memref<80x64xi32, #tpu.memory_space<vmem>>[vector<16xi32>, vector<16xi32>], vector<16xi32>,
          %gather3A_442 = tpu.vector_load_idx %arg20[%add3A_308, %mul3A_440] : memref<80x64xi32, #tpu.memory_space<vmem>>[vector<16xi32>, vector<16xi32>], vector<16xi32>,
          %bitcast3A_443 = vector.bitcast %gather3A_441 : vector<16xi32> to vector<32xbf16>
          %bitcast3A_444 = vector.bitcast %gather3A_442 : vector<16xi32> to vector<32xbf16>
          %mul3A_445 = arith.mulf %bitcast3A_443, %bitcast3A_444 : vector<32xbf16>
          %unpack3A_446 = tpu.unpack_subelements %mul3A_445, 0 {pack_format = #tpu.pack_format<interleaved>} : vector<32xbf16> -> vector<16xf32>
          %unpack3A_447 = tpu.unpack_subelements %mul3A_445, 1 {pack_format = #tpu.pack_format<interleaved>} : vector<32xbf16> -> vector<16xf32>
          %add3A_448 = arith.addf %add3A_433, %unpack3A_446 : vector<16xf32>
          %add3A_449 = arith.addf %add3A_434, %unpack3A_447 : vector<16xf32>
          scf.yield %add3A_448, %add3A_449 : vector<16xf32>, vector<16xf32>
        }
        %scan3A_317 = arith.constant 64 : i32
        %add3A_318 = arith.addf %scan3A_316#0, %scan3A_316#1 : vector<16xf32>
        %neg3A = arith.constant 0.000000e+00 : f32
        %neg3A_319 = vector.broadcast %neg3A : f32 to vector<16xf32>
        %neg3A_320 = arith.subf %neg3A_319, %add3A_318 : vector<16xf32>
        %exp3A = math.exp %neg3A_320 : vector<16xf32>
        %add3A_321 = arith.constant 1.000000e+00 : f32
        %add3A_322 = vector.broadcast %add3A_321 : f32 to vector<16xf32>
        %add3A_323 = arith.addf %add3A_322, %exp3A : vector<16xf32>
        %div3A = arith.constant 1.000000e+00 : f32
        %div3A_324 = vector.broadcast %div3A : f32 to vector<16xf32>
        %div3A_325 = arith.divf %div3A_324, %add3A_323 : vector<16xf32>
        %mul3A_326 = arith.constant 80 : i32
        %mul3A_327 = arith.muli %add3A_277, %mul3A_326 : i32
        %mul3A_328 = arith.constant 16 : i32
        %mul3A_329 = arith.muli %scan3A_304, %mul3A_328 : i32
        %add3A_330 = arith.addi %mul3A_327, %mul3A_329 : i32
        %swap3A = arith.index_cast %add3A_330 : i32 to index
        %swap3A_331 = tpu.vector_load %arg8[%swap3A] {strides = array<i32>} : memref<10000xf32, #tpu.memory_space<vmem>>, vector<16xf32>,
        tpu.vector_store %arg8[%swap3A], %div3A_325 {strides = array<i32>} : memref<10000xf32, #tpu.memory_space<vmem>>, vector<16xf32>,
      }
      %scan3A_299 = arith.constant 5 : i32
      %eq3A = arith.constant 10 : i32
      %eq3A_300 = arith.cmpi eq, %scan3A_146, %eq3A : i32
      %convert_element_type3A_301 = arith.extui %eq3A_300 : i1 to i32
      %cond3A_302 = arith.constant 0 : i32
      %cond3A_303 = arith.cmpi ne, %convert_element_type3A_301, %cond3A_302 : i32
      scf.if %cond3A_303 {
        %dma_start3A_304 = arith.constant 0 : i32
        %dma_start3A_305 = tpu.memref_slice %arg8[%dma_start3A_304] : memref<10000xf32, #tpu.memory_space<vmem>> -> memref<4960xf32, #tpu.memory_space<vmem>>
        %dma_start3A_306 = tpu.memref_slice %arg5[%mul3A_2] : memref<320000xf32, #tpu.memory_space<hbm>> -> memref<4960xf32, #tpu.memory_space<hbm>>
        %dma_start3A_307 = tpu.memref_slice %arg5[%mul3A_2] : memref<320000xf32, #tpu.memory_space<hbm>> -> memref<4960xf32, #tpu.memory_space<hbm>>
        %dma_start3A_308 = arith.constant 0 : i32
        %dma_start3A_309 = tpu.memref_slice %arg8[%dma_start3A_308] : memref<10000xf32, #tpu.memory_space<vmem>> -> memref<4960xf32, #tpu.memory_space<vmem>>
        tpu.enqueue_dma source(%dma_start3A_309 : memref<4960xf32, #tpu.memory_space<vmem>>) target(%dma_start3A_307 : memref<4960xf32, #tpu.memory_space<hbm>>) target_semaphore(%arg33 : memref<!tpu.dma_semaphore, #tpu.memory_space<semaphore_mem>>)
      } else {
      }
    }
    %scan3A_62 = arith.constant 20 : i32
    %dma_wait3A_63 = arith.constant 9600 : i32
    %dma_wait3A_64 = tpu.memref_slice %arg6[%dma_wait3A_63] : memref<10000xi32, #tpu.memory_space<vmem>> -> memref<80xi32, #tpu.memory_space<vmem>>
    %dma_wait3A_65 = arith.constant 0 : i32
    %dma_wait3A_66 = arith.constant 0 : i32
    %dma_wait3A_67 = tpu.memref_slice %arg2[%dma_wait3A_65, %dma_wait3A_66] : memref<10000x64xi32, #tpu.memory_space<hbm>> -> memref<10000x64xi32, #tpu.memory_space<hbm>>
    tpu.wait_indirect_dma semaphore(%arg21 : memref<!tpu.dma_semaphore, #tpu.memory_space<semaphore_mem>>) src(%dma_wait3A_67 : memref<10000x64xi32, #tpu.memory_space<hbm>>) dst(%arg9 : memref<80x64xi32, #tpu.memory_space<vmem>>)
    %dma_wait3A_68 = arith.constant 9600 : i32
    %dma_wait3A_69 = tpu.memref_slice %arg7[%dma_wait3A_68] : memref<10000xi32, #tpu.memory_space<vmem>> -> memref<80xi32, #tpu.memory_space<vmem>>
    %dma_wait3A_70 = arith.constant 0 : i32
    %dma_wait3A_71 = arith.constant 0 : i32
    %dma_wait3A_72 = tpu.memref_slice %arg2[%dma_wait3A_70, %dma_wait3A_71] : memref<10000x64xi32, #tpu.memory_space<hbm>> -> memref<10000x64xi32, #tpu.memory_space<hbm>>
    tpu.wait_indirect_dma semaphore(%arg27 : memref<!tpu.dma_semaphore, #tpu.memory_space<semaphore_mem>>) src(%dma_wait3A_72 : memref<10000x64xi32, #tpu.memory_space<hbm>>) dst(%arg15 : memref<80x64xi32, #tpu.memory_space<vmem>>)
    %scan3A_73 = arith.constant 0 : i32
    %scan3A_74 = arith.constant 5 : i32
    %scan3A_75 = arith.addi %scan3A_73, %scan3A_74 : i32
    %scan3A_76 = arith.constant 1 : i32
    scf.for %scan3A_146 = %scan3A_73 to %scan3A_75 step %scan3A_76  : i32 {
      %mul3A_147 = arith.constant 16 : i32
      %mul3A_148 = arith.muli %scan3A_146, %mul3A_147 : i32
      %add3A_149 = vector.broadcast %mul3A_148 : i32 to vector<16xi32>
      %add3A_150 = arith.addi %iota3A, %add3A_149 : vector<16xi32>
      %broadcast_in_dim3A = arith.constant 0.000000e+00 : f32
      %broadcast_in_dim3A_151 = vector.broadcast %broadcast_in_dim3A : f32 to vector<16xf32>
      %broadcast_in_dim3A_152 = arith.constant 0.000000e+00 : f32
      %broadcast_in_dim3A_153 = vector.broadcast %broadcast_in_dim3A_152 : f32 to vector<16xf32>
      %scan3A_154 = arith.constant 0 : i32
      %scan3A_155 = arith.constant 64 : i32
      %scan3A_156 = arith.addi %scan3A_154, %scan3A_155 : i32
      %scan3A_157 = arith.constant 8 : i32
      %scan3A_158:2 = scf.for %scan3A_173 = %scan3A_154 to %scan3A_156 step %scan3A_157 iter_args(%scan3A_174 = %broadcast_in_dim3A_151, %scan3A_175 = %broadcast_in_dim3A_153) -> (vector<16xf32>, vector<16xf32>)  : i32 {
        %broadcast_in_dim3A_176 = arith.constant 1 : i32
        %broadcast_in_dim3A_177 = vector.broadcast %broadcast_in_dim3A_176 : i32 to vector<16xi32>
        %mul3A_178 = vector.broadcast %scan3A_173 : i32 to vector<16xi32>
        %mul3A_179 = arith.muli %broadcast_in_dim3A_177, %mul3A_178 : vector<16xi32>
        %gather3A = tpu.vector_load_idx %arg9[%add3A_150, %mul3A_179] : memref<80x64xi32, #tpu.memory_space<vmem>>[vector<16xi32>, vector<16xi32>], vector<16xi32>,
        %gather3A_180 = tpu.vector_load_idx %arg15[%add3A_150, %mul3A_179] : memref<80x64xi32, #tpu.memory_space<vmem>>[vector<16xi32>, vector<16xi32>], vector<16xi32>,
        %bitcast3A = vector.bitcast %gather3A : vector<16xi32> to vector<32xbf16>
        %bitcast3A_181 = vector.bitcast %gather3A_180 : vector<16xi32> to vector<32xbf16>
        %mul3A_182 = arith.mulf %bitcast3A, %bitcast3A_181 : vector<32xbf16>
        %unpack3A = tpu.unpack_subelements %mul3A_182, 0 {pack_format = #tpu.pack_format<interleaved>} : vector<32xbf16> -> vector<16xf32>
        %unpack3A_183 = tpu.unpack_subelements %mul3A_182, 1 {pack_format = #tpu.pack_format<interleaved>} : vector<32xbf16> -> vector<16xf32>
        %add3A_184 = arith.addf %scan3A_174, %unpack3A : vector<16xf32>
        %add3A_185 = arith.addf %scan3A_175, %unpack3A_183 : vector<16xf32>
        %scan3A_186 = arith.constant 1 : i32
        %scan3A_187 = arith.addi %scan3A_173, %scan3A_186 : i32
        %broadcast_in_dim3A_188 = arith.constant 1 : i32
        %broadcast_in_dim3A_189 = vector.broadcast %broadcast_in_dim3A_188 : i32 to vector<16xi32>
        %mul3A_190 = vector.broadcast %scan3A_187 : i32 to vector<16xi32>
        %mul3A_191 = arith.muli %broadcast_in_dim3A_189, %mul3A_190 : vector<16xi32>
        %gather3A_192 = tpu.vector_load_idx %arg9[%add3A_150, %mul3A_191] : memref<80x64xi32, #tpu.memory_space<vmem>>[vector<16xi32>, vector<16xi32>], vector<16xi32>,
        %gather3A_193 = tpu.vector_load_idx %arg15[%add3A_150, %mul3A_191] : memref<80x64xi32, #tpu.memory_space<vmem>>[vector<16xi32>, vector<16xi32>], vector<16xi32>,
        %bitcast3A_194 = vector.bitcast %gather3A_192 : vector<16xi32> to vector<32xbf16>
        %bitcast3A_195 = vector.bitcast %gather3A_193 : vector<16xi32> to vector<32xbf16>
        %mul3A_196 = arith.mulf %bitcast3A_194, %bitcast3A_195 : vector<32xbf16>
        %unpack3A_197 = tpu.unpack_subelements %mul3A_196, 0 {pack_format = #tpu.pack_format<interleaved>} : vector<32xbf16> -> vector<16xf32>
        %unpack3A_198 = tpu.unpack_subelements %mul3A_196, 1 {pack_format = #tpu.pack_format<interleaved>} : vector<32xbf16> -> vector<16xf32>
        %add3A_199 = arith.addf %add3A_184, %unpack3A_197 : vector<16xf32>
        %add3A_200 = arith.addf %add3A_185, %unpack3A_198 : vector<16xf32>
        %scan3A_201 = arith.constant 2 : i32
        %scan3A_202 = arith.addi %scan3A_173, %scan3A_201 : i32
        %broadcast_in_dim3A_203 = arith.constant 1 : i32
        %broadcast_in_dim3A_204 = vector.broadcast %broadcast_in_dim3A_203 : i32 to vector<16xi32>
        %mul3A_205 = vector.broadcast %scan3A_202 : i32 to vector<16xi32>
        %mul3A_206 = arith.muli %broadcast_in_dim3A_204, %mul3A_205 : vector<16xi32>
        %gather3A_207 = tpu.vector_load_idx %arg9[%add3A_150, %mul3A_206] : memref<80x64xi32, #tpu.memory_space<vmem>>[vector<16xi32>, vector<16xi32>], vector<16xi32>,
        %gather3A_208 = tpu.vector_load_idx %arg15[%add3A_150, %mul3A_206] : memref<80x64xi32, #tpu.memory_space<vmem>>[vector<16xi32>, vector<16xi32>], vector<16xi32>,
        %bitcast3A_209 = vector.bitcast %gather3A_207 : vector<16xi32> to vector<32xbf16>
        %bitcast3A_210 = vector.bitcast %gather3A_208 : vector<16xi32> to vector<32xbf16>
        %mul3A_211 = arith.mulf %bitcast3A_209, %bitcast3A_210 : vector<32xbf16>
        %unpack3A_212 = tpu.unpack_subelements %mul3A_211, 0 {pack_format = #tpu.pack_format<interleaved>} : vector<32xbf16> -> vector<16xf32>
        %unpack3A_213 = tpu.unpack_subelements %mul3A_211, 1 {pack_format = #tpu.pack_format<interleaved>} : vector<32xbf16> -> vector<16xf32>
        %add3A_214 = arith.addf %add3A_199, %unpack3A_212 : vector<16xf32>
        %add3A_215 = arith.addf %add3A_200, %unpack3A_213 : vector<16xf32>
        %scan3A_216 = arith.constant 3 : i32
        %scan3A_217 = arith.addi %scan3A_173, %scan3A_216 : i32
        %broadcast_in_dim3A_218 = arith.constant 1 : i32
        %broadcast_in_dim3A_219 = vector.broadcast %broadcast_in_dim3A_218 : i32 to vector<16xi32>
        %mul3A_220 = vector.broadcast %scan3A_217 : i32 to vector<16xi32>
        %mul3A_221 = arith.muli %broadcast_in_dim3A_219, %mul3A_220 : vector<16xi32>
        %gather3A_222 = tpu.vector_load_idx %arg9[%add3A_150, %mul3A_221] : memref<80x64xi32, #tpu.memory_space<vmem>>[vector<16xi32>, vector<16xi32>], vector<16xi32>,
        %gather3A_223 = tpu.vector_load_idx %arg15[%add3A_150, %mul3A_221] : memref<80x64xi32, #tpu.memory_space<vmem>>[vector<16xi32>, vector<16xi32>], vector<16xi32>,
        %bitcast3A_224 = vector.bitcast %gather3A_222 : vector<16xi32> to vector<32xbf16>
        %bitcast3A_225 = vector.bitcast %gather3A_223 : vector<16xi32> to vector<32xbf16>
        %mul3A_226 = arith.mulf %bitcast3A_224, %bitcast3A_225 : vector<32xbf16>
        %unpack3A_227 = tpu.unpack_subelements %mul3A_226, 0 {pack_format = #tpu.pack_format<interleaved>} : vector<32xbf16> -> vector<16xf32>
        %unpack3A_228 = tpu.unpack_subelements %mul3A_226, 1 {pack_format = #tpu.pack_format<interleaved>} : vector<32xbf16> -> vector<16xf32>
        %add3A_229 = arith.addf %add3A_214, %unpack3A_227 : vector<16xf32>
        %add3A_230 = arith.addf %add3A_215, %unpack3A_228 : vector<16xf32>
        %scan3A_231 = arith.constant 4 : i32
        %scan3A_232 = arith.addi %scan3A_173, %scan3A_231 : i32
        %broadcast_in_dim3A_233 = arith.constant 1 : i32
        %broadcast_in_dim3A_234 = vector.broadcast %broadcast_in_dim3A_233 : i32 to vector<16xi32>
        %mul3A_235 = vector.broadcast %scan3A_232 : i32 to vector<16xi32>
        %mul3A_236 = arith.muli %broadcast_in_dim3A_234, %mul3A_235 : vector<16xi32>
        %gather3A_237 = tpu.vector_load_idx %arg9[%add3A_150, %mul3A_236] : memref<80x64xi32, #tpu.memory_space<vmem>>[vector<16xi32>, vector<16xi32>], vector<16xi32>,
        %gather3A_238 = tpu.vector_load_idx %arg15[%add3A_150, %mul3A_236] : memref<80x64xi32, #tpu.memory_space<vmem>>[vector<16xi32>, vector<16xi32>], vector<16xi32>,
        %bitcast3A_239 = vector.bitcast %gather3A_237 : vector<16xi32> to vector<32xbf16>
        %bitcast3A_240 = vector.bitcast %gather3A_238 : vector<16xi32> to vector<32xbf16>
        %mul3A_241 = arith.mulf %bitcast3A_239, %bitcast3A_240 : vector<32xbf16>
        %unpack3A_242 = tpu.unpack_subelements %mul3A_241, 0 {pack_format = #tpu.pack_format<interleaved>} : vector<32xbf16> -> vector<16xf32>
        %unpack3A_243 = tpu.unpack_subelements %mul3A_241, 1 {pack_format = #tpu.pack_format<interleaved>} : vector<32xbf16> -> vector<16xf32>
        %add3A_244 = arith.addf %add3A_229, %unpack3A_242 : vector<16xf32>
        %add3A_245 = arith.addf %add3A_230, %unpack3A_243 : vector<16xf32>
        %scan3A_246 = arith.constant 5 : i32
        %scan3A_247 = arith.addi %scan3A_173, %scan3A_246 : i32
        %broadcast_in_dim3A_248 = arith.constant 1 : i32
        %broadcast_in_dim3A_249 = vector.broadcast %broadcast_in_dim3A_248 : i32 to vector<16xi32>
        %mul3A_250 = vector.broadcast %scan3A_247 : i32 to vector<16xi32>
        %mul3A_251 = arith.muli %broadcast_in_dim3A_249, %mul3A_250 : vector<16xi32>
        %gather3A_252 = tpu.vector_load_idx %arg9[%add3A_150, %mul3A_251] : memref<80x64xi32, #tpu.memory_space<vmem>>[vector<16xi32>, vector<16xi32>], vector<16xi32>,
        %gather3A_253 = tpu.vector_load_idx %arg15[%add3A_150, %mul3A_251] : memref<80x64xi32, #tpu.memory_space<vmem>>[vector<16xi32>, vector<16xi32>], vector<16xi32>,
        %bitcast3A_254 = vector.bitcast %gather3A_252 : vector<16xi32> to vector<32xbf16>
        %bitcast3A_255 = vector.bitcast %gather3A_253 : vector<16xi32> to vector<32xbf16>
        %mul3A_256 = arith.mulf %bitcast3A_254, %bitcast3A_255 : vector<32xbf16>
        %unpack3A_257 = tpu.unpack_subelements %mul3A_256, 0 {pack_format = #tpu.pack_format<interleaved>} : vector<32xbf16> -> vector<16xf32>
        %unpack3A_258 = tpu.unpack_subelements %mul3A_256, 1 {pack_format = #tpu.pack_format<interleaved>} : vector<32xbf16> -> vector<16xf32>
        %add3A_259 = arith.addf %add3A_244, %unpack3A_257 : vector<16xf32>
        %add3A_260 = arith.addf %add3A_245, %unpack3A_258 : vector<16xf32>
        %scan3A_261 = arith.constant 6 : i32
        %scan3A_262 = arith.addi %scan3A_173, %scan3A_261 : i32
        %broadcast_in_dim3A_263 = arith.constant 1 : i32
        %broadcast_in_dim3A_264 = vector.broadcast %broadcast_in_dim3A_263 : i32 to vector<16xi32>
        %mul3A_265 = vector.broadcast %scan3A_262 : i32 to vector<16xi32>
        %mul3A_266 = arith.muli %broadcast_in_dim3A_264, %mul3A_265 : vector<16xi32>
        %gather3A_267 = tpu.vector_load_idx %arg9[%add3A_150, %mul3A_266] : memref<80x64xi32, #tpu.memory_space<vmem>>[vector<16xi32>, vector<16xi32>], vector<16xi32>,
        %gather3A_268 = tpu.vector_load_idx %arg15[%add3A_150, %mul3A_266] : memref<80x64xi32, #tpu.memory_space<vmem>>[vector<16xi32>, vector<16xi32>], vector<16xi32>,
        %bitcast3A_269 = vector.bitcast %gather3A_267 : vector<16xi32> to vector<32xbf16>
        %bitcast3A_270 = vector.bitcast %gather3A_268 : vector<16xi32> to vector<32xbf16>
        %mul3A_271 = arith.mulf %bitcast3A_269, %bitcast3A_270 : vector<32xbf16>
        %unpack3A_272 = tpu.unpack_subelements %mul3A_271, 0 {pack_format = #tpu.pack_format<interleaved>} : vector<32xbf16> -> vector<16xf32>
        %unpack3A_273 = tpu.unpack_subelements %mul3A_271, 1 {pack_format = #tpu.pack_format<interleaved>} : vector<32xbf16> -> vector<16xf32>
        %add3A_274 = arith.addf %add3A_259, %unpack3A_272 : vector<16xf32>
        %add3A_275 = arith.addf %add3A_260, %unpack3A_273 : vector<16xf32>
        %scan3A_276 = arith.constant 7 : i32
        %scan3A_277 = arith.addi %scan3A_173, %scan3A_276 : i32
        %broadcast_in_dim3A_278 = arith.constant 1 : i32
        %broadcast_in_dim3A_279 = vector.broadcast %broadcast_in_dim3A_278 : i32 to vector<16xi32>
        %mul3A_280 = vector.broadcast %scan3A_277 : i32 to vector<16xi32>
        %mul3A_281 = arith.muli %broadcast_in_dim3A_279, %mul3A_280 : vector<16xi32>
        %gather3A_282 = tpu.vector_load_idx %arg9[%add3A_150, %mul3A_281] : memref<80x64xi32, #tpu.memory_space<vmem>>[vector<16xi32>, vector<16xi32>], vector<16xi32>,
        %gather3A_283 = tpu.vector_load_idx %arg15[%add3A_150, %mul3A_281] : memref<80x64xi32, #tpu.memory_space<vmem>>[vector<16xi32>, vector<16xi32>], vector<16xi32>,
        %bitcast3A_284 = vector.bitcast %gather3A_282 : vector<16xi32> to vector<32xbf16>
        %bitcast3A_285 = vector.bitcast %gather3A_283 : vector<16xi32> to vector<32xbf16>
        %mul3A_286 = arith.mulf %bitcast3A_284, %bitcast3A_285 : vector<32xbf16>
        %unpack3A_287 = tpu.unpack_subelements %mul3A_286, 0 {pack_format = #tpu.pack_format<interleaved>} : vector<32xbf16> -> vector<16xf32>
        %unpack3A_288 = tpu.unpack_subelements %mul3A_286, 1 {pack_format = #tpu.pack_format<interleaved>} : vector<32xbf16> -> vector<16xf32>
        %add3A_289 = arith.addf %add3A_274, %unpack3A_287 : vector<16xf32>
        %add3A_290 = arith.addf %add3A_275, %unpack3A_288 : vector<16xf32>
        scf.yield %add3A_289, %add3A_290 : vector<16xf32>, vector<16xf32>
      }
      %scan3A_159 = arith.constant 64 : i32
      %add3A_160 = arith.addf %scan3A_158#0, %scan3A_158#1 : vector<16xf32>
      %neg3A = arith.constant 0.000000e+00 : f32
      %neg3A_161 = vector.broadcast %neg3A : f32 to vector<16xf32>
      %neg3A_162 = arith.subf %neg3A_161, %add3A_160 : vector<16xf32>
      %exp3A = math.exp %neg3A_162 : vector<16xf32>
      %add3A_163 = arith.constant 1.000000e+00 : f32
      %add3A_164 = vector.broadcast %add3A_163 : f32 to vector<16xf32>
      %add3A_165 = arith.addf %add3A_164, %exp3A : vector<16xf32>
      %div3A = arith.constant 1.000000e+00 : f32
      %div3A_166 = vector.broadcast %div3A : f32 to vector<16xf32>
      %div3A_167 = arith.divf %div3A_166, %add3A_165 : vector<16xf32>
      %mul3A_168 = arith.constant 16 : i32
      %mul3A_169 = arith.muli %scan3A_146, %mul3A_168 : i32
      %add3A_170 = arith.constant 9600 : i32
      %add3A_171 = arith.addi %add3A_170, %mul3A_169 : i32
      %swap3A = arith.index_cast %add3A_171 : i32 to index
      %swap3A_172 = tpu.vector_load %arg8[%swap3A] {strides = array<i32>} : memref<10000xf32, #tpu.memory_space<vmem>>, vector<16xf32>,
      tpu.vector_store %arg8[%swap3A], %div3A_167 {strides = array<i32>} : memref<10000xf32, #tpu.memory_space<vmem>>, vector<16xf32>,
    }
    %scan3A_77 = arith.constant 5 : i32
    %dma_wait3A_78 = arith.constant 9680 : i32
    %dma_wait3A_79 = tpu.memref_slice %arg6[%dma_wait3A_78] : memref<10000xi32, #tpu.memory_space<vmem>> -> memref<80xi32, #tpu.memory_space<vmem>>
    %dma_wait3A_80 = arith.constant 0 : i32
    %dma_wait3A_81 = arith.constant 0 : i32
    %dma_wait3A_82 = tpu.memref_slice %arg2[%dma_wait3A_80, %dma_wait3A_81] : memref<10000x64xi32, #tpu.memory_space<hbm>> -> memref<10000x64xi32, #tpu.memory_space<hbm>>
    tpu.wait_indirect_dma semaphore(%arg22 : memref<!tpu.dma_semaphore, #tpu.memory_space<semaphore_mem>>) src(%dma_wait3A_82 : memref<10000x64xi32, #tpu.memory_space<hbm>>) dst(%arg10 : memref<80x64xi32, #tpu.memory_space<vmem>>)
    %dma_wait3A_83 = arith.constant 9680 : i32
    %dma_wait3A_84 = tpu.memref_slice %arg7[%dma_wait3A_83] : memref<10000xi32, #tpu.memory_space<vmem>> -> memref<80xi32, #tpu.memory_space<vmem>>
    %dma_wait3A_85 = arith.constant 0 : i32
    %dma_wait3A_86 = arith.constant 0 : i32
    %dma_wait3A_87 = tpu.memref_slice %arg2[%dma_wait3A_85, %dma_wait3A_86] : memref<10000x64xi32, #tpu.memory_space<hbm>> -> memref<10000x64xi32, #tpu.memory_space<hbm>>
    tpu.wait_indirect_dma semaphore(%arg28 : memref<!tpu.dma_semaphore, #tpu.memory_space<semaphore_mem>>) src(%dma_wait3A_87 : memref<10000x64xi32, #tpu.memory_space<hbm>>) dst(%arg16 : memref<80x64xi32, #tpu.memory_space<vmem>>)
    %scan3A_88 = arith.constant 0 : i32
    %scan3A_89 = arith.constant 5 : i32
    %scan3A_90 = arith.addi %scan3A_88, %scan3A_89 : i32
    %scan3A_91 = arith.constant 1 : i32
    scf.for %scan3A_146 = %scan3A_88 to %scan3A_90 step %scan3A_91  : i32 {
      %mul3A_147 = arith.constant 16 : i32
      %mul3A_148 = arith.muli %scan3A_146, %mul3A_147 : i32
      %add3A_149 = vector.broadcast %mul3A_148 : i32 to vector<16xi32>
      %add3A_150 = arith.addi %iota3A, %add3A_149 : vector<16xi32>
      %broadcast_in_dim3A = arith.constant 0.000000e+00 : f32
      %broadcast_in_dim3A_151 = vector.broadcast %broadcast_in_dim3A : f32 to vector<16xf32>
      %broadcast_in_dim3A_152 = arith.constant 0.000000e+00 : f32
      %broadcast_in_dim3A_153 = vector.broadcast %broadcast_in_dim3A_152 : f32 to vector<16xf32>
      %scan3A_154 = arith.constant 0 : i32
      %scan3A_155 = arith.constant 64 : i32
      %scan3A_156 = arith.addi %scan3A_154, %scan3A_155 : i32
      %scan3A_157 = arith.constant 8 : i32
      %scan3A_158:2 = scf.for %scan3A_173 = %scan3A_154 to %scan3A_156 step %scan3A_157 iter_args(%scan3A_174 = %broadcast_in_dim3A_151, %scan3A_175 = %broadcast_in_dim3A_153) -> (vector<16xf32>, vector<16xf32>)  : i32 {
        %broadcast_in_dim3A_176 = arith.constant 1 : i32
        %broadcast_in_dim3A_177 = vector.broadcast %broadcast_in_dim3A_176 : i32 to vector<16xi32>
        %mul3A_178 = vector.broadcast %scan3A_173 : i32 to vector<16xi32>
        %mul3A_179 = arith.muli %broadcast_in_dim3A_177, %mul3A_178 : vector<16xi32>
        %gather3A = tpu.vector_load_idx %arg10[%add3A_150, %mul3A_179] : memref<80x64xi32, #tpu.memory_space<vmem>>[vector<16xi32>, vector<16xi32>], vector<16xi32>,
        %gather3A_180 = tpu.vector_load_idx %arg16[%add3A_150, %mul3A_179] : memref<80x64xi32, #tpu.memory_space<vmem>>[vector<16xi32>, vector<16xi32>], vector<16xi32>,
        %bitcast3A = vector.bitcast %gather3A : vector<16xi32> to vector<32xbf16>
        %bitcast3A_181 = vector.bitcast %gather3A_180 : vector<16xi32> to vector<32xbf16>
        %mul3A_182 = arith.mulf %bitcast3A, %bitcast3A_181 : vector<32xbf16>
        %unpack3A = tpu.unpack_subelements %mul3A_182, 0 {pack_format = #tpu.pack_format<interleaved>} : vector<32xbf16> -> vector<16xf32>
        %unpack3A_183 = tpu.unpack_subelements %mul3A_182, 1 {pack_format = #tpu.pack_format<interleaved>} : vector<32xbf16> -> vector<16xf32>
        %add3A_184 = arith.addf %scan3A_174, %unpack3A : vector<16xf32>
        %add3A_185 = arith.addf %scan3A_175, %unpack3A_183 : vector<16xf32>
        %scan3A_186 = arith.constant 1 : i32
        %scan3A_187 = arith.addi %scan3A_173, %scan3A_186 : i32
        %broadcast_in_dim3A_188 = arith.constant 1 : i32
        %broadcast_in_dim3A_189 = vector.broadcast %broadcast_in_dim3A_188 : i32 to vector<16xi32>
        %mul3A_190 = vector.broadcast %scan3A_187 : i32 to vector<16xi32>
        %mul3A_191 = arith.muli %broadcast_in_dim3A_189, %mul3A_190 : vector<16xi32>
        %gather3A_192 = tpu.vector_load_idx %arg10[%add3A_150, %mul3A_191] : memref<80x64xi32, #tpu.memory_space<vmem>>[vector<16xi32>, vector<16xi32>], vector<16xi32>,
        %gather3A_193 = tpu.vector_load_idx %arg16[%add3A_150, %mul3A_191] : memref<80x64xi32, #tpu.memory_space<vmem>>[vector<16xi32>, vector<16xi32>], vector<16xi32>,
        %bitcast3A_194 = vector.bitcast %gather3A_192 : vector<16xi32> to vector<32xbf16>
        %bitcast3A_195 = vector.bitcast %gather3A_193 : vector<16xi32> to vector<32xbf16>
        %mul3A_196 = arith.mulf %bitcast3A_194, %bitcast3A_195 : vector<32xbf16>
        %unpack3A_197 = tpu.unpack_subelements %mul3A_196, 0 {pack_format = #tpu.pack_format<interleaved>} : vector<32xbf16> -> vector<16xf32>
        %unpack3A_198 = tpu.unpack_subelements %mul3A_196, 1 {pack_format = #tpu.pack_format<interleaved>} : vector<32xbf16> -> vector<16xf32>
        %add3A_199 = arith.addf %add3A_184, %unpack3A_197 : vector<16xf32>
        %add3A_200 = arith.addf %add3A_185, %unpack3A_198 : vector<16xf32>
        %scan3A_201 = arith.constant 2 : i32
        %scan3A_202 = arith.addi %scan3A_173, %scan3A_201 : i32
        %broadcast_in_dim3A_203 = arith.constant 1 : i32
        %broadcast_in_dim3A_204 = vector.broadcast %broadcast_in_dim3A_203 : i32 to vector<16xi32>
        %mul3A_205 = vector.broadcast %scan3A_202 : i32 to vector<16xi32>
        %mul3A_206 = arith.muli %broadcast_in_dim3A_204, %mul3A_205 : vector<16xi32>
        %gather3A_207 = tpu.vector_load_idx %arg10[%add3A_150, %mul3A_206] : memref<80x64xi32, #tpu.memory_space<vmem>>[vector<16xi32>, vector<16xi32>], vector<16xi32>,
        %gather3A_208 = tpu.vector_load_idx %arg16[%add3A_150, %mul3A_206] : memref<80x64xi32, #tpu.memory_space<vmem>>[vector<16xi32>, vector<16xi32>], vector<16xi32>,
        %bitcast3A_209 = vector.bitcast %gather3A_207 : vector<16xi32> to vector<32xbf16>
        %bitcast3A_210 = vector.bitcast %gather3A_208 : vector<16xi32> to vector<32xbf16>
        %mul3A_211 = arith.mulf %bitcast3A_209, %bitcast3A_210 : vector<32xbf16>
        %unpack3A_212 = tpu.unpack_subelements %mul3A_211, 0 {pack_format = #tpu.pack_format<interleaved>} : vector<32xbf16> -> vector<16xf32>
        %unpack3A_213 = tpu.unpack_subelements %mul3A_211, 1 {pack_format = #tpu.pack_format<interleaved>} : vector<32xbf16> -> vector<16xf32>
        %add3A_214 = arith.addf %add3A_199, %unpack3A_212 : vector<16xf32>
        %add3A_215 = arith.addf %add3A_200, %unpack3A_213 : vector<16xf32>
        %scan3A_216 = arith.constant 3 : i32
        %scan3A_217 = arith.addi %scan3A_173, %scan3A_216 : i32
        %broadcast_in_dim3A_218 = arith.constant 1 : i32
        %broadcast_in_dim3A_219 = vector.broadcast %broadcast_in_dim3A_218 : i32 to vector<16xi32>
        %mul3A_220 = vector.broadcast %scan3A_217 : i32 to vector<16xi32>
        %mul3A_221 = arith.muli %broadcast_in_dim3A_219, %mul3A_220 : vector<16xi32>
        %gather3A_222 = tpu.vector_load_idx %arg10[%add3A_150, %mul3A_221] : memref<80x64xi32, #tpu.memory_space<vmem>>[vector<16xi32>, vector<16xi32>], vector<16xi32>,
        %gather3A_223 = tpu.vector_load_idx %arg16[%add3A_150, %mul3A_221] : memref<80x64xi32, #tpu.memory_space<vmem>>[vector<16xi32>, vector<16xi32>], vector<16xi32>,
        %bitcast3A_224 = vector.bitcast %gather3A_222 : vector<16xi32> to vector<32xbf16>
        %bitcast3A_225 = vector.bitcast %gather3A_223 : vector<16xi32> to vector<32xbf16>
        %mul3A_226 = arith.mulf %bitcast3A_224, %bitcast3A_225 : vector<32xbf16>
        %unpack3A_227 = tpu.unpack_subelements %mul3A_226, 0 {pack_format = #tpu.pack_format<interleaved>} : vector<32xbf16> -> vector<16xf32>
        %unpack3A_228 = tpu.unpack_subelements %mul3A_226, 1 {pack_format = #tpu.pack_format<interleaved>} : vector<32xbf16> -> vector<16xf32>
        %add3A_229 = arith.addf %add3A_214, %unpack3A_227 : vector<16xf32>
        %add3A_230 = arith.addf %add3A_215, %unpack3A_228 : vector<16xf32>
        %scan3A_231 = arith.constant 4 : i32
        %scan3A_232 = arith.addi %scan3A_173, %scan3A_231 : i32
        %broadcast_in_dim3A_233 = arith.constant 1 : i32
        %broadcast_in_dim3A_234 = vector.broadcast %broadcast_in_dim3A_233 : i32 to vector<16xi32>
        %mul3A_235 = vector.broadcast %scan3A_232 : i32 to vector<16xi32>
        %mul3A_236 = arith.muli %broadcast_in_dim3A_234, %mul3A_235 : vector<16xi32>
        %gather3A_237 = tpu.vector_load_idx %arg10[%add3A_150, %mul3A_236] : memref<80x64xi32, #tpu.memory_space<vmem>>[vector<16xi32>, vector<16xi32>], vector<16xi32>,
        %gather3A_238 = tpu.vector_load_idx %arg16[%add3A_150, %mul3A_236] : memref<80x64xi32, #tpu.memory_space<vmem>>[vector<16xi32>, vector<16xi32>], vector<16xi32>,
        %bitcast3A_239 = vector.bitcast %gather3A_237 : vector<16xi32> to vector<32xbf16>
        %bitcast3A_240 = vector.bitcast %gather3A_238 : vector<16xi32> to vector<32xbf16>
        %mul3A_241 = arith.mulf %bitcast3A_239, %bitcast3A_240 : vector<32xbf16>
        %unpack3A_242 = tpu.unpack_subelements %mul3A_241, 0 {pack_format = #tpu.pack_format<interleaved>} : vector<32xbf16> -> vector<16xf32>
        %unpack3A_243 = tpu.unpack_subelements %mul3A_241, 1 {pack_format = #tpu.pack_format<interleaved>} : vector<32xbf16> -> vector<16xf32>
        %add3A_244 = arith.addf %add3A_229, %unpack3A_242 : vector<16xf32>
        %add3A_245 = arith.addf %add3A_230, %unpack3A_243 : vector<16xf32>
        %scan3A_246 = arith.constant 5 : i32
        %scan3A_247 = arith.addi %scan3A_173, %scan3A_246 : i32
        %broadcast_in_dim3A_248 = arith.constant 1 : i32
        %broadcast_in_dim3A_249 = vector.broadcast %broadcast_in_dim3A_248 : i32 to vector<16xi32>
        %mul3A_250 = vector.broadcast %scan3A_247 : i32 to vector<16xi32>
        %mul3A_251 = arith.muli %broadcast_in_dim3A_249, %mul3A_250 : vector<16xi32>
        %gather3A_252 = tpu.vector_load_idx %arg10[%add3A_150, %mul3A_251] : memref<80x64xi32, #tpu.memory_space<vmem>>[vector<16xi32>, vector<16xi32>], vector<16xi32>,
        %gather3A_253 = tpu.vector_load_idx %arg16[%add3A_150, %mul3A_251] : memref<80x64xi32, #tpu.memory_space<vmem>>[vector<16xi32>, vector<16xi32>], vector<16xi32>,
        %bitcast3A_254 = vector.bitcast %gather3A_252 : vector<16xi32> to vector<32xbf16>
        %bitcast3A_255 = vector.bitcast %gather3A_253 : vector<16xi32> to vector<32xbf16>
        %mul3A_256 = arith.mulf %bitcast3A_254, %bitcast3A_255 : vector<32xbf16>
        %unpack3A_257 = tpu.unpack_subelements %mul3A_256, 0 {pack_format = #tpu.pack_format<interleaved>} : vector<32xbf16> -> vector<16xf32>
        %unpack3A_258 = tpu.unpack_subelements %mul3A_256, 1 {pack_format = #tpu.pack_format<interleaved>} : vector<32xbf16> -> vector<16xf32>
        %add3A_259 = arith.addf %add3A_244, %unpack3A_257 : vector<16xf32>
        %add3A_260 = arith.addf %add3A_245, %unpack3A_258 : vector<16xf32>
        %scan3A_261 = arith.constant 6 : i32
        %scan3A_262 = arith.addi %scan3A_173, %scan3A_261 : i32
        %broadcast_in_dim3A_263 = arith.constant 1 : i32
        %broadcast_in_dim3A_264 = vector.broadcast %broadcast_in_dim3A_263 : i32 to vector<16xi32>
        %mul3A_265 = vector.broadcast %scan3A_262 : i32 to vector<16xi32>
        %mul3A_266 = arith.muli %broadcast_in_dim3A_264, %mul3A_265 : vector<16xi32>
        %gather3A_267 = tpu.vector_load_idx %arg10[%add3A_150, %mul3A_266] : memref<80x64xi32, #tpu.memory_space<vmem>>[vector<16xi32>, vector<16xi32>], vector<16xi32>,
        %gather3A_268 = tpu.vector_load_idx %arg16[%add3A_150, %mul3A_266] : memref<80x64xi32, #tpu.memory_space<vmem>>[vector<16xi32>, vector<16xi32>], vector<16xi32>,
        %bitcast3A_269 = vector.bitcast %gather3A_267 : vector<16xi32> to vector<32xbf16>
        %bitcast3A_270 = vector.bitcast %gather3A_268 : vector<16xi32> to vector<32xbf16>
        %mul3A_271 = arith.mulf %bitcast3A_269, %bitcast3A_270 : vector<32xbf16>
        %unpack3A_272 = tpu.unpack_subelements %mul3A_271, 0 {pack_format = #tpu.pack_format<interleaved>} : vector<32xbf16> -> vector<16xf32>
        %unpack3A_273 = tpu.unpack_subelements %mul3A_271, 1 {pack_format = #tpu.pack_format<interleaved>} : vector<32xbf16> -> vector<16xf32>
        %add3A_274 = arith.addf %add3A_259, %unpack3A_272 : vector<16xf32>
        %add3A_275 = arith.addf %add3A_260, %unpack3A_273 : vector<16xf32>
        %scan3A_276 = arith.constant 7 : i32
        %scan3A_277 = arith.addi %scan3A_173, %scan3A_276 : i32
        %broadcast_in_dim3A_278 = arith.constant 1 : i32
        %broadcast_in_dim3A_279 = vector.broadcast %broadcast_in_dim3A_278 : i32 to vector<16xi32>
        %mul3A_280 = vector.broadcast %scan3A_277 : i32 to vector<16xi32>
        %mul3A_281 = arith.muli %broadcast_in_dim3A_279, %mul3A_280 : vector<16xi32>
        %gather3A_282 = tpu.vector_load_idx %arg10[%add3A_150, %mul3A_281] : memref<80x64xi32, #tpu.memory_space<vmem>>[vector<16xi32>, vector<16xi32>], vector<16xi32>,
        %gather3A_283 = tpu.vector_load_idx %arg16[%add3A_150, %mul3A_281] : memref<80x64xi32, #tpu.memory_space<vmem>>[vector<16xi32>, vector<16xi32>], vector<16xi32>,
        %bitcast3A_284 = vector.bitcast %gather3A_282 : vector<16xi32> to vector<32xbf16>
        %bitcast3A_285 = vector.bitcast %gather3A_283 : vector<16xi32> to vector<32xbf16>
        %mul3A_286 = arith.mulf %bitcast3A_284, %bitcast3A_285 : vector<32xbf16>
        %unpack3A_287 = tpu.unpack_subelements %mul3A_286, 0 {pack_format = #tpu.pack_format<interleaved>} : vector<32xbf16> -> vector<16xf32>
        %unpack3A_288 = tpu.unpack_subelements %mul3A_286, 1 {pack_format = #tpu.pack_format<interleaved>} : vector<32xbf16> -> vector<16xf32>
        %add3A_289 = arith.addf %add3A_274, %unpack3A_287 : vector<16xf32>
        %add3A_290 = arith.addf %add3A_275, %unpack3A_288 : vector<16xf32>
        scf.yield %add3A_289, %add3A_290 : vector<16xf32>, vector<16xf32>
      }
      %scan3A_159 = arith.constant 64 : i32
      %add3A_160 = arith.addf %scan3A_158#0, %scan3A_158#1 : vector<16xf32>
      %neg3A = arith.constant 0.000000e+00 : f32
      %neg3A_161 = vector.broadcast %neg3A : f32 to vector<16xf32>
      %neg3A_162 = arith.subf %neg3A_161, %add3A_160 : vector<16xf32>
      %exp3A = math.exp %neg3A_162 : vector<16xf32>
      %add3A_163 = arith.constant 1.000000e+00 : f32
      %add3A_164 = vector.broadcast %add3A_163 : f32 to vector<16xf32>
      %add3A_165 = arith.addf %add3A_164, %exp3A : vector<16xf32>
      %div3A = arith.constant 1.000000e+00 : f32
      %div3A_166 = vector.broadcast %div3A : f32 to vector<16xf32>
      %div3A_167 = arith.divf %div3A_166, %add3A_165 : vector<16xf32>
      %mul3A_168 = arith.constant 16 : i32
      %mul3A_169 = arith.muli %scan3A_146, %mul3A_168 : i32
      %add3A_170 = arith.constant 9680 : i32
      %add3A_171 = arith.addi %add3A_170, %mul3A_169 : i32
      %swap3A = arith.index_cast %add3A_171 : i32 to index
      %swap3A_172 = tpu.vector_load %arg8[%swap3A] {strides = array<i32>} : memref<10000xf32, #tpu.memory_space<vmem>>, vector<16xf32>,
      tpu.vector_store %arg8[%swap3A], %div3A_167 {strides = array<i32>} : memref<10000xf32, #tpu.memory_space<vmem>>, vector<16xf32>,
    }
    %scan3A_92 = arith.constant 5 : i32
    %dma_wait3A_93 = arith.constant 9760 : i32
    %dma_wait3A_94 = tpu.memref_slice %arg6[%dma_wait3A_93] : memref<10000xi32, #tpu.memory_space<vmem>> -> memref<80xi32, #tpu.memory_space<vmem>>
    %dma_wait3A_95 = arith.constant 0 : i32
    %dma_wait3A_96 = arith.constant 0 : i32
    %dma_wait3A_97 = tpu.memref_slice %arg2[%dma_wait3A_95, %dma_wait3A_96] : memref<10000x64xi32, #tpu.memory_space<hbm>> -> memref<10000x64xi32, #tpu.memory_space<hbm>>
    tpu.wait_indirect_dma semaphore(%arg23 : memref<!tpu.dma_semaphore, #tpu.memory_space<semaphore_mem>>) src(%dma_wait3A_97 : memref<10000x64xi32, #tpu.memory_space<hbm>>) dst(%arg11 : memref<80x64xi32, #tpu.memory_space<vmem>>)
    %dma_wait3A_98 = arith.constant 9760 : i32
    %dma_wait3A_99 = tpu.memref_slice %arg7[%dma_wait3A_98] : memref<10000xi32, #tpu.memory_space<vmem>> -> memref<80xi32, #tpu.memory_space<vmem>>
    %dma_wait3A_100 = arith.constant 0 : i32
    %dma_wait3A_101 = arith.constant 0 : i32
    %dma_wait3A_102 = tpu.memref_slice %arg2[%dma_wait3A_100, %dma_wait3A_101] : memref<10000x64xi32, #tpu.memory_space<hbm>> -> memref<10000x64xi32, #tpu.memory_space<hbm>>
    tpu.wait_indirect_dma semaphore(%arg29 : memref<!tpu.dma_semaphore, #tpu.memory_space<semaphore_mem>>) src(%dma_wait3A_102 : memref<10000x64xi32, #tpu.memory_space<hbm>>) dst(%arg17 : memref<80x64xi32, #tpu.memory_space<vmem>>)
    %scan3A_103 = arith.constant 0 : i32
    %scan3A_104 = arith.constant 5 : i32
    %scan3A_105 = arith.addi %scan3A_103, %scan3A_104 : i32
    %scan3A_106 = arith.constant 1 : i32
    scf.for %scan3A_146 = %scan3A_103 to %scan3A_105 step %scan3A_106  : i32 {
      %mul3A_147 = arith.constant 16 : i32
      %mul3A_148 = arith.muli %scan3A_146, %mul3A_147 : i32
      %add3A_149 = vector.broadcast %mul3A_148 : i32 to vector<16xi32>
      %add3A_150 = arith.addi %iota3A, %add3A_149 : vector<16xi32>
      %broadcast_in_dim3A = arith.constant 0.000000e+00 : f32
      %broadcast_in_dim3A_151 = vector.broadcast %broadcast_in_dim3A : f32 to vector<16xf32>
      %broadcast_in_dim3A_152 = arith.constant 0.000000e+00 : f32
      %broadcast_in_dim3A_153 = vector.broadcast %broadcast_in_dim3A_152 : f32 to vector<16xf32>
      %scan3A_154 = arith.constant 0 : i32
      %scan3A_155 = arith.constant 64 : i32
      %scan3A_156 = arith.addi %scan3A_154, %scan3A_155 : i32
      %scan3A_157 = arith.constant 8 : i32
      %scan3A_158:2 = scf.for %scan3A_173 = %scan3A_154 to %scan3A_156 step %scan3A_157 iter_args(%scan3A_174 = %broadcast_in_dim3A_151, %scan3A_175 = %broadcast_in_dim3A_153) -> (vector<16xf32>, vector<16xf32>)  : i32 {
        %broadcast_in_dim3A_176 = arith.constant 1 : i32
        %broadcast_in_dim3A_177 = vector.broadcast %broadcast_in_dim3A_176 : i32 to vector<16xi32>
        %mul3A_178 = vector.broadcast %scan3A_173 : i32 to vector<16xi32>
        %mul3A_179 = arith.muli %broadcast_in_dim3A_177, %mul3A_178 : vector<16xi32>
        %gather3A = tpu.vector_load_idx %arg11[%add3A_150, %mul3A_179] : memref<80x64xi32, #tpu.memory_space<vmem>>[vector<16xi32>, vector<16xi32>], vector<16xi32>,
        %gather3A_180 = tpu.vector_load_idx %arg17[%add3A_150, %mul3A_179] : memref<80x64xi32, #tpu.memory_space<vmem>>[vector<16xi32>, vector<16xi32>], vector<16xi32>,
        %bitcast3A = vector.bitcast %gather3A : vector<16xi32> to vector<32xbf16>
        %bitcast3A_181 = vector.bitcast %gather3A_180 : vector<16xi32> to vector<32xbf16>
        %mul3A_182 = arith.mulf %bitcast3A, %bitcast3A_181 : vector<32xbf16>
        %unpack3A = tpu.unpack_subelements %mul3A_182, 0 {pack_format = #tpu.pack_format<interleaved>} : vector<32xbf16> -> vector<16xf32>
        %unpack3A_183 = tpu.unpack_subelements %mul3A_182, 1 {pack_format = #tpu.pack_format<interleaved>} : vector<32xbf16> -> vector<16xf32>
        %add3A_184 = arith.addf %scan3A_174, %unpack3A : vector<16xf32>
        %add3A_185 = arith.addf %scan3A_175, %unpack3A_183 : vector<16xf32>
        %scan3A_186 = arith.constant 1 : i32
        %scan3A_187 = arith.addi %scan3A_173, %scan3A_186 : i32
        %broadcast_in_dim3A_188 = arith.constant 1 : i32
        %broadcast_in_dim3A_189 = vector.broadcast %broadcast_in_dim3A_188 : i32 to vector<16xi32>
        %mul3A_190 = vector.broadcast %scan3A_187 : i32 to vector<16xi32>
        %mul3A_191 = arith.muli %broadcast_in_dim3A_189, %mul3A_190 : vector<16xi32>
        %gather3A_192 = tpu.vector_load_idx %arg11[%add3A_150, %mul3A_191] : memref<80x64xi32, #tpu.memory_space<vmem>>[vector<16xi32>, vector<16xi32>], vector<16xi32>,
        %gather3A_193 = tpu.vector_load_idx %arg17[%add3A_150, %mul3A_191] : memref<80x64xi32, #tpu.memory_space<vmem>>[vector<16xi32>, vector<16xi32>], vector<16xi32>,
        %bitcast3A_194 = vector.bitcast %gather3A_192 : vector<16xi32> to vector<32xbf16>
        %bitcast3A_195 = vector.bitcast %gather3A_193 : vector<16xi32> to vector<32xbf16>
        %mul3A_196 = arith.mulf %bitcast3A_194, %bitcast3A_195 : vector<32xbf16>
        %unpack3A_197 = tpu.unpack_subelements %mul3A_196, 0 {pack_format = #tpu.pack_format<interleaved>} : vector<32xbf16> -> vector<16xf32>
        %unpack3A_198 = tpu.unpack_subelements %mul3A_196, 1 {pack_format = #tpu.pack_format<interleaved>} : vector<32xbf16> -> vector<16xf32>
        %add3A_199 = arith.addf %add3A_184, %unpack3A_197 : vector<16xf32>
        %add3A_200 = arith.addf %add3A_185, %unpack3A_198 : vector<16xf32>
        %scan3A_201 = arith.constant 2 : i32
        %scan3A_202 = arith.addi %scan3A_173, %scan3A_201 : i32
        %broadcast_in_dim3A_203 = arith.constant 1 : i32
        %broadcast_in_dim3A_204 = vector.broadcast %broadcast_in_dim3A_203 : i32 to vector<16xi32>
        %mul3A_205 = vector.broadcast %scan3A_202 : i32 to vector<16xi32>
        %mul3A_206 = arith.muli %broadcast_in_dim3A_204, %mul3A_205 : vector<16xi32>
        %gather3A_207 = tpu.vector_load_idx %arg11[%add3A_150, %mul3A_206] : memref<80x64xi32, #tpu.memory_space<vmem>>[vector<16xi32>, vector<16xi32>], vector<16xi32>,
        %gather3A_208 = tpu.vector_load_idx %arg17[%add3A_150, %mul3A_206] : memref<80x64xi32, #tpu.memory_space<vmem>>[vector<16xi32>, vector<16xi32>], vector<16xi32>,
        %bitcast3A_209 = vector.bitcast %gather3A_207 : vector<16xi32> to vector<32xbf16>
        %bitcast3A_210 = vector.bitcast %gather3A_208 : vector<16xi32> to vector<32xbf16>
        %mul3A_211 = arith.mulf %bitcast3A_209, %bitcast3A_210 : vector<32xbf16>
        %unpack3A_212 = tpu.unpack_subelements %mul3A_211, 0 {pack_format = #tpu.pack_format<interleaved>} : vector<32xbf16> -> vector<16xf32>
        %unpack3A_213 = tpu.unpack_subelements %mul3A_211, 1 {pack_format = #tpu.pack_format<interleaved>} : vector<32xbf16> -> vector<16xf32>
        %add3A_214 = arith.addf %add3A_199, %unpack3A_212 : vector<16xf32>
        %add3A_215 = arith.addf %add3A_200, %unpack3A_213 : vector<16xf32>
        %scan3A_216 = arith.constant 3 : i32
        %scan3A_217 = arith.addi %scan3A_173, %scan3A_216 : i32
        %broadcast_in_dim3A_218 = arith.constant 1 : i32
        %broadcast_in_dim3A_219 = vector.broadcast %broadcast_in_dim3A_218 : i32 to vector<16xi32>
        %mul3A_220 = vector.broadcast %scan3A_217 : i32 to vector<16xi32>
        %mul3A_221 = arith.muli %broadcast_in_dim3A_219, %mul3A_220 : vector<16xi32>
        %gather3A_222 = tpu.vector_load_idx %arg11[%add3A_150, %mul3A_221] : memref<80x64xi32, #tpu.memory_space<vmem>>[vector<16xi32>, vector<16xi32>], vector<16xi32>,
        %gather3A_223 = tpu.vector_load_idx %arg17[%add3A_150, %mul3A_221] : memref<80x64xi32, #tpu.memory_space<vmem>>[vector<16xi32>, vector<16xi32>], vector<16xi32>,
        %bitcast3A_224 = vector.bitcast %gather3A_222 : vector<16xi32> to vector<32xbf16>
        %bitcast3A_225 = vector.bitcast %gather3A_223 : vector<16xi32> to vector<32xbf16>
        %mul3A_226 = arith.mulf %bitcast3A_224, %bitcast3A_225 : vector<32xbf16>
        %unpack3A_227 = tpu.unpack_subelements %mul3A_226, 0 {pack_format = #tpu.pack_format<interleaved>} : vector<32xbf16> -> vector<16xf32>
        %unpack3A_228 = tpu.unpack_subelements %mul3A_226, 1 {pack_format = #tpu.pack_format<interleaved>} : vector<32xbf16> -> vector<16xf32>
        %add3A_229 = arith.addf %add3A_214, %unpack3A_227 : vector<16xf32>
        %add3A_230 = arith.addf %add3A_215, %unpack3A_228 : vector<16xf32>
        %scan3A_231 = arith.constant 4 : i32
        %scan3A_232 = arith.addi %scan3A_173, %scan3A_231 : i32
        %broadcast_in_dim3A_233 = arith.constant 1 : i32
        %broadcast_in_dim3A_234 = vector.broadcast %broadcast_in_dim3A_233 : i32 to vector<16xi32>
        %mul3A_235 = vector.broadcast %scan3A_232 : i32 to vector<16xi32>
        %mul3A_236 = arith.muli %broadcast_in_dim3A_234, %mul3A_235 : vector<16xi32>
        %gather3A_237 = tpu.vector_load_idx %arg11[%add3A_150, %mul3A_236] : memref<80x64xi32, #tpu.memory_space<vmem>>[vector<16xi32>, vector<16xi32>], vector<16xi32>,
        %gather3A_238 = tpu.vector_load_idx %arg17[%add3A_150, %mul3A_236] : memref<80x64xi32, #tpu.memory_space<vmem>>[vector<16xi32>, vector<16xi32>], vector<16xi32>,
        %bitcast3A_239 = vector.bitcast %gather3A_237 : vector<16xi32> to vector<32xbf16>
        %bitcast3A_240 = vector.bitcast %gather3A_238 : vector<16xi32> to vector<32xbf16>
        %mul3A_241 = arith.mulf %bitcast3A_239, %bitcast3A_240 : vector<32xbf16>
        %unpack3A_242 = tpu.unpack_subelements %mul3A_241, 0 {pack_format = #tpu.pack_format<interleaved>} : vector<32xbf16> -> vector<16xf32>
        %unpack3A_243 = tpu.unpack_subelements %mul3A_241, 1 {pack_format = #tpu.pack_format<interleaved>} : vector<32xbf16> -> vector<16xf32>
        %add3A_244 = arith.addf %add3A_229, %unpack3A_242 : vector<16xf32>
        %add3A_245 = arith.addf %add3A_230, %unpack3A_243 : vector<16xf32>
        %scan3A_246 = arith.constant 5 : i32
        %scan3A_247 = arith.addi %scan3A_173, %scan3A_246 : i32
        %broadcast_in_dim3A_248 = arith.constant 1 : i32
        %broadcast_in_dim3A_249 = vector.broadcast %broadcast_in_dim3A_248 : i32 to vector<16xi32>
        %mul3A_250 = vector.broadcast %scan3A_247 : i32 to vector<16xi32>
        %mul3A_251 = arith.muli %broadcast_in_dim3A_249, %mul3A_250 : vector<16xi32>
        %gather3A_252 = tpu.vector_load_idx %arg11[%add3A_150, %mul3A_251] : memref<80x64xi32, #tpu.memory_space<vmem>>[vector<16xi32>, vector<16xi32>], vector<16xi32>,
        %gather3A_253 = tpu.vector_load_idx %arg17[%add3A_150, %mul3A_251] : memref<80x64xi32, #tpu.memory_space<vmem>>[vector<16xi32>, vector<16xi32>], vector<16xi32>,
        %bitcast3A_254 = vector.bitcast %gather3A_252 : vector<16xi32> to vector<32xbf16>
        %bitcast3A_255 = vector.bitcast %gather3A_253 : vector<16xi32> to vector<32xbf16>
        %mul3A_256 = arith.mulf %bitcast3A_254, %bitcast3A_255 : vector<32xbf16>
        %unpack3A_257 = tpu.unpack_subelements %mul3A_256, 0 {pack_format = #tpu.pack_format<interleaved>} : vector<32xbf16> -> vector<16xf32>
        %unpack3A_258 = tpu.unpack_subelements %mul3A_256, 1 {pack_format = #tpu.pack_format<interleaved>} : vector<32xbf16> -> vector<16xf32>
        %add3A_259 = arith.addf %add3A_244, %unpack3A_257 : vector<16xf32>
        %add3A_260 = arith.addf %add3A_245, %unpack3A_258 : vector<16xf32>
        %scan3A_261 = arith.constant 6 : i32
        %scan3A_262 = arith.addi %scan3A_173, %scan3A_261 : i32
        %broadcast_in_dim3A_263 = arith.constant 1 : i32
        %broadcast_in_dim3A_264 = vector.broadcast %broadcast_in_dim3A_263 : i32 to vector<16xi32>
        %mul3A_265 = vector.broadcast %scan3A_262 : i32 to vector<16xi32>
        %mul3A_266 = arith.muli %broadcast_in_dim3A_264, %mul3A_265 : vector<16xi32>
        %gather3A_267 = tpu.vector_load_idx %arg11[%add3A_150, %mul3A_266] : memref<80x64xi32, #tpu.memory_space<vmem>>[vector<16xi32>, vector<16xi32>], vector<16xi32>,
        %gather3A_268 = tpu.vector_load_idx %arg17[%add3A_150, %mul3A_266] : memref<80x64xi32, #tpu.memory_space<vmem>>[vector<16xi32>, vector<16xi32>], vector<16xi32>,
        %bitcast3A_269 = vector.bitcast %gather3A_267 : vector<16xi32> to vector<32xbf16>
        %bitcast3A_270 = vector.bitcast %gather3A_268 : vector<16xi32> to vector<32xbf16>
        %mul3A_271 = arith.mulf %bitcast3A_269, %bitcast3A_270 : vector<32xbf16>
        %unpack3A_272 = tpu.unpack_subelements %mul3A_271, 0 {pack_format = #tpu.pack_format<interleaved>} : vector<32xbf16> -> vector<16xf32>
        %unpack3A_273 = tpu.unpack_subelements %mul3A_271, 1 {pack_format = #tpu.pack_format<interleaved>} : vector<32xbf16> -> vector<16xf32>
        %add3A_274 = arith.addf %add3A_259, %unpack3A_272 : vector<16xf32>
        %add3A_275 = arith.addf %add3A_260, %unpack3A_273 : vector<16xf32>
        %scan3A_276 = arith.constant 7 : i32
        %scan3A_277 = arith.addi %scan3A_173, %scan3A_276 : i32
        %broadcast_in_dim3A_278 = arith.constant 1 : i32
        %broadcast_in_dim3A_279 = vector.broadcast %broadcast_in_dim3A_278 : i32 to vector<16xi32>
        %mul3A_280 = vector.broadcast %scan3A_277 : i32 to vector<16xi32>
        %mul3A_281 = arith.muli %broadcast_in_dim3A_279, %mul3A_280 : vector<16xi32>
        %gather3A_282 = tpu.vector_load_idx %arg11[%add3A_150, %mul3A_281] : memref<80x64xi32, #tpu.memory_space<vmem>>[vector<16xi32>, vector<16xi32>], vector<16xi32>,
        %gather3A_283 = tpu.vector_load_idx %arg17[%add3A_150, %mul3A_281] : memref<80x64xi32, #tpu.memory_space<vmem>>[vector<16xi32>, vector<16xi32>], vector<16xi32>,
        %bitcast3A_284 = vector.bitcast %gather3A_282 : vector<16xi32> to vector<32xbf16>
        %bitcast3A_285 = vector.bitcast %gather3A_283 : vector<16xi32> to vector<32xbf16>
        %mul3A_286 = arith.mulf %bitcast3A_284, %bitcast3A_285 : vector<32xbf16>
        %unpack3A_287 = tpu.unpack_subelements %mul3A_286, 0 {pack_format = #tpu.pack_format<interleaved>} : vector<32xbf16> -> vector<16xf32>
        %unpack3A_288 = tpu.unpack_subelements %mul3A_286, 1 {pack_format = #tpu.pack_format<interleaved>} : vector<32xbf16> -> vector<16xf32>
        %add3A_289 = arith.addf %add3A_274, %unpack3A_287 : vector<16xf32>
        %add3A_290 = arith.addf %add3A_275, %unpack3A_288 : vector<16xf32>
        scf.yield %add3A_289, %add3A_290 : vector<16xf32>, vector<16xf32>
      }
      %scan3A_159 = arith.constant 64 : i32
      %add3A_160 = arith.addf %scan3A_158#0, %scan3A_158#1 : vector<16xf32>
      %neg3A = arith.constant 0.000000e+00 : f32
      %neg3A_161 = vector.broadcast %neg3A : f32 to vector<16xf32>
      %neg3A_162 = arith.subf %neg3A_161, %add3A_160 : vector<16xf32>
      %exp3A = math.exp %neg3A_162 : vector<16xf32>
      %add3A_163 = arith.constant 1.000000e+00 : f32
      %add3A_164 = vector.broadcast %add3A_163 : f32 to vector<16xf32>
      %add3A_165 = arith.addf %add3A_164, %exp3A : vector<16xf32>
      %div3A = arith.constant 1.000000e+00 : f32
      %div3A_166 = vector.broadcast %div3A : f32 to vector<16xf32>
      %div3A_167 = arith.divf %div3A_166, %add3A_165 : vector<16xf32>
      %mul3A_168 = arith.constant 16 : i32
      %mul3A_169 = arith.muli %scan3A_146, %mul3A_168 : i32
      %add3A_170 = arith.constant 9760 : i32
      %add3A_171 = arith.addi %add3A_170, %mul3A_169 : i32
      %swap3A = arith.index_cast %add3A_171 : i32 to index
      %swap3A_172 = tpu.vector_load %arg8[%swap3A] {strides = array<i32>} : memref<10000xf32, #tpu.memory_space<vmem>>, vector<16xf32>,
      tpu.vector_store %arg8[%swap3A], %div3A_167 {strides = array<i32>} : memref<10000xf32, #tpu.memory_space<vmem>>, vector<16xf32>,
    }
    %scan3A_107 = arith.constant 5 : i32
    %dma_wait3A_108 = arith.constant 9840 : i32
    %dma_wait3A_109 = tpu.memref_slice %arg6[%dma_wait3A_108] : memref<10000xi32, #tpu.memory_space<vmem>> -> memref<80xi32, #tpu.memory_space<vmem>>
    %dma_wait3A_110 = arith.constant 0 : i32
    %dma_wait3A_111 = arith.constant 0 : i32
    %dma_wait3A_112 = tpu.memref_slice %arg2[%dma_wait3A_110, %dma_wait3A_111] : memref<10000x64xi32, #tpu.memory_space<hbm>> -> memref<10000x64xi32, #tpu.memory_space<hbm>>
    tpu.wait_indirect_dma semaphore(%arg24 : memref<!tpu.dma_semaphore, #tpu.memory_space<semaphore_mem>>) src(%dma_wait3A_112 : memref<10000x64xi32, #tpu.memory_space<hbm>>) dst(%arg12 : memref<80x64xi32, #tpu.memory_space<vmem>>)
    %dma_wait3A_113 = arith.constant 9840 : i32
    %dma_wait3A_114 = tpu.memref_slice %arg7[%dma_wait3A_113] : memref<10000xi32, #tpu.memory_space<vmem>> -> memref<80xi32, #tpu.memory_space<vmem>>
    %dma_wait3A_115 = arith.constant 0 : i32
    %dma_wait3A_116 = arith.constant 0 : i32
    %dma_wait3A_117 = tpu.memref_slice %arg2[%dma_wait3A_115, %dma_wait3A_116] : memref<10000x64xi32, #tpu.memory_space<hbm>> -> memref<10000x64xi32, #tpu.memory_space<hbm>>
    tpu.wait_indirect_dma semaphore(%arg30 : memref<!tpu.dma_semaphore, #tpu.memory_space<semaphore_mem>>) src(%dma_wait3A_117 : memref<10000x64xi32, #tpu.memory_space<hbm>>) dst(%arg18 : memref<80x64xi32, #tpu.memory_space<vmem>>)
    %scan3A_118 = arith.constant 0 : i32
    %scan3A_119 = arith.constant 5 : i32
    %scan3A_120 = arith.addi %scan3A_118, %scan3A_119 : i32
    %scan3A_121 = arith.constant 1 : i32
    scf.for %scan3A_146 = %scan3A_118 to %scan3A_120 step %scan3A_121  : i32 {
      %mul3A_147 = arith.constant 16 : i32
      %mul3A_148 = arith.muli %scan3A_146, %mul3A_147 : i32
      %add3A_149 = vector.broadcast %mul3A_148 : i32 to vector<16xi32>
      %add3A_150 = arith.addi %iota3A, %add3A_149 : vector<16xi32>
      %broadcast_in_dim3A = arith.constant 0.000000e+00 : f32
      %broadcast_in_dim3A_151 = vector.broadcast %broadcast_in_dim3A : f32 to vector<16xf32>
      %broadcast_in_dim3A_152 = arith.constant 0.000000e+00 : f32
      %broadcast_in_dim3A_153 = vector.broadcast %broadcast_in_dim3A_152 : f32 to vector<16xf32>
      %scan3A_154 = arith.constant 0 : i32
      %scan3A_155 = arith.constant 64 : i32
      %scan3A_156 = arith.addi %scan3A_154, %scan3A_155 : i32
      %scan3A_157 = arith.constant 8 : i32
      %scan3A_158:2 = scf.for %scan3A_173 = %scan3A_154 to %scan3A_156 step %scan3A_157 iter_args(%scan3A_174 = %broadcast_in_dim3A_151, %scan3A_175 = %broadcast_in_dim3A_153) -> (vector<16xf32>, vector<16xf32>)  : i32 {
        %broadcast_in_dim3A_176 = arith.constant 1 : i32
        %broadcast_in_dim3A_177 = vector.broadcast %broadcast_in_dim3A_176 : i32 to vector<16xi32>
        %mul3A_178 = vector.broadcast %scan3A_173 : i32 to vector<16xi32>
        %mul3A_179 = arith.muli %broadcast_in_dim3A_177, %mul3A_178 : vector<16xi32>
        %gather3A = tpu.vector_load_idx %arg12[%add3A_150, %mul3A_179] : memref<80x64xi32, #tpu.memory_space<vmem>>[vector<16xi32>, vector<16xi32>], vector<16xi32>,
        %gather3A_180 = tpu.vector_load_idx %arg18[%add3A_150, %mul3A_179] : memref<80x64xi32, #tpu.memory_space<vmem>>[vector<16xi32>, vector<16xi32>], vector<16xi32>,
        %bitcast3A = vector.bitcast %gather3A : vector<16xi32> to vector<32xbf16>
        %bitcast3A_181 = vector.bitcast %gather3A_180 : vector<16xi32> to vector<32xbf16>
        %mul3A_182 = arith.mulf %bitcast3A, %bitcast3A_181 : vector<32xbf16>
        %unpack3A = tpu.unpack_subelements %mul3A_182, 0 {pack_format = #tpu.pack_format<interleaved>} : vector<32xbf16> -> vector<16xf32>
        %unpack3A_183 = tpu.unpack_subelements %mul3A_182, 1 {pack_format = #tpu.pack_format<interleaved>} : vector<32xbf16> -> vector<16xf32>
        %add3A_184 = arith.addf %scan3A_174, %unpack3A : vector<16xf32>
        %add3A_185 = arith.addf %scan3A_175, %unpack3A_183 : vector<16xf32>
        %scan3A_186 = arith.constant 1 : i32
        %scan3A_187 = arith.addi %scan3A_173, %scan3A_186 : i32
        %broadcast_in_dim3A_188 = arith.constant 1 : i32
        %broadcast_in_dim3A_189 = vector.broadcast %broadcast_in_dim3A_188 : i32 to vector<16xi32>
        %mul3A_190 = vector.broadcast %scan3A_187 : i32 to vector<16xi32>
        %mul3A_191 = arith.muli %broadcast_in_dim3A_189, %mul3A_190 : vector<16xi32>
        %gather3A_192 = tpu.vector_load_idx %arg12[%add3A_150, %mul3A_191] : memref<80x64xi32, #tpu.memory_space<vmem>>[vector<16xi32>, vector<16xi32>], vector<16xi32>,
        %gather3A_193 = tpu.vector_load_idx %arg18[%add3A_150, %mul3A_191] : memref<80x64xi32, #tpu.memory_space<vmem>>[vector<16xi32>, vector<16xi32>], vector<16xi32>,
        %bitcast3A_194 = vector.bitcast %gather3A_192 : vector<16xi32> to vector<32xbf16>
        %bitcast3A_195 = vector.bitcast %gather3A_193 : vector<16xi32> to vector<32xbf16>
        %mul3A_196 = arith.mulf %bitcast3A_194, %bitcast3A_195 : vector<32xbf16>
        %unpack3A_197 = tpu.unpack_subelements %mul3A_196, 0 {pack_format = #tpu.pack_format<interleaved>} : vector<32xbf16> -> vector<16xf32>
        %unpack3A_198 = tpu.unpack_subelements %mul3A_196, 1 {pack_format = #tpu.pack_format<interleaved>} : vector<32xbf16> -> vector<16xf32>
        %add3A_199 = arith.addf %add3A_184, %unpack3A_197 : vector<16xf32>
        %add3A_200 = arith.addf %add3A_185, %unpack3A_198 : vector<16xf32>
        %scan3A_201 = arith.constant 2 : i32
        %scan3A_202 = arith.addi %scan3A_173, %scan3A_201 : i32
        %broadcast_in_dim3A_203 = arith.constant 1 : i32
        %broadcast_in_dim3A_204 = vector.broadcast %broadcast_in_dim3A_203 : i32 to vector<16xi32>
        %mul3A_205 = vector.broadcast %scan3A_202 : i32 to vector<16xi32>
        %mul3A_206 = arith.muli %broadcast_in_dim3A_204, %mul3A_205 : vector<16xi32>
        %gather3A_207 = tpu.vector_load_idx %arg12[%add3A_150, %mul3A_206] : memref<80x64xi32, #tpu.memory_space<vmem>>[vector<16xi32>, vector<16xi32>], vector<16xi32>,
        %gather3A_208 = tpu.vector_load_idx %arg18[%add3A_150, %mul3A_206] : memref<80x64xi32, #tpu.memory_space<vmem>>[vector<16xi32>, vector<16xi32>], vector<16xi32>,
        %bitcast3A_209 = vector.bitcast %gather3A_207 : vector<16xi32> to vector<32xbf16>
        %bitcast3A_210 = vector.bitcast %gather3A_208 : vector<16xi32> to vector<32xbf16>
        %mul3A_211 = arith.mulf %bitcast3A_209, %bitcast3A_210 : vector<32xbf16>
        %unpack3A_212 = tpu.unpack_subelements %mul3A_211, 0 {pack_format = #tpu.pack_format<interleaved>} : vector<32xbf16> -> vector<16xf32>
        %unpack3A_213 = tpu.unpack_subelements %mul3A_211, 1 {pack_format = #tpu.pack_format<interleaved>} : vector<32xbf16> -> vector<16xf32>
        %add3A_214 = arith.addf %add3A_199, %unpack3A_212 : vector<16xf32>
        %add3A_215 = arith.addf %add3A_200, %unpack3A_213 : vector<16xf32>
        %scan3A_216 = arith.constant 3 : i32
        %scan3A_217 = arith.addi %scan3A_173, %scan3A_216 : i32
        %broadcast_in_dim3A_218 = arith.constant 1 : i32
        %broadcast_in_dim3A_219 = vector.broadcast %broadcast_in_dim3A_218 : i32 to vector<16xi32>
        %mul3A_220 = vector.broadcast %scan3A_217 : i32 to vector<16xi32>
        %mul3A_221 = arith.muli %broadcast_in_dim3A_219, %mul3A_220 : vector<16xi32>
        %gather3A_222 = tpu.vector_load_idx %arg12[%add3A_150, %mul3A_221] : memref<80x64xi32, #tpu.memory_space<vmem>>[vector<16xi32>, vector<16xi32>], vector<16xi32>,
        %gather3A_223 = tpu.vector_load_idx %arg18[%add3A_150, %mul3A_221] : memref<80x64xi32, #tpu.memory_space<vmem>>[vector<16xi32>, vector<16xi32>], vector<16xi32>,
        %bitcast3A_224 = vector.bitcast %gather3A_222 : vector<16xi32> to vector<32xbf16>
        %bitcast3A_225 = vector.bitcast %gather3A_223 : vector<16xi32> to vector<32xbf16>
        %mul3A_226 = arith.mulf %bitcast3A_224, %bitcast3A_225 : vector<32xbf16>
        %unpack3A_227 = tpu.unpack_subelements %mul3A_226, 0 {pack_format = #tpu.pack_format<interleaved>} : vector<32xbf16> -> vector<16xf32>
        %unpack3A_228 = tpu.unpack_subelements %mul3A_226, 1 {pack_format = #tpu.pack_format<interleaved>} : vector<32xbf16> -> vector<16xf32>
        %add3A_229 = arith.addf %add3A_214, %unpack3A_227 : vector<16xf32>
        %add3A_230 = arith.addf %add3A_215, %unpack3A_228 : vector<16xf32>
        %scan3A_231 = arith.constant 4 : i32
        %scan3A_232 = arith.addi %scan3A_173, %scan3A_231 : i32
        %broadcast_in_dim3A_233 = arith.constant 1 : i32
        %broadcast_in_dim3A_234 = vector.broadcast %broadcast_in_dim3A_233 : i32 to vector<16xi32>
        %mul3A_235 = vector.broadcast %scan3A_232 : i32 to vector<16xi32>
        %mul3A_236 = arith.muli %broadcast_in_dim3A_234, %mul3A_235 : vector<16xi32>
        %gather3A_237 = tpu.vector_load_idx %arg12[%add3A_150, %mul3A_236] : memref<80x64xi32, #tpu.memory_space<vmem>>[vector<16xi32>, vector<16xi32>], vector<16xi32>,
        %gather3A_238 = tpu.vector_load_idx %arg18[%add3A_150, %mul3A_236] : memref<80x64xi32, #tpu.memory_space<vmem>>[vector<16xi32>, vector<16xi32>], vector<16xi32>,
        %bitcast3A_239 = vector.bitcast %gather3A_237 : vector<16xi32> to vector<32xbf16>
        %bitcast3A_240 = vector.bitcast %gather3A_238 : vector<16xi32> to vector<32xbf16>
        %mul3A_241 = arith.mulf %bitcast3A_239, %bitcast3A_240 : vector<32xbf16>
        %unpack3A_242 = tpu.unpack_subelements %mul3A_241, 0 {pack_format = #tpu.pack_format<interleaved>} : vector<32xbf16> -> vector<16xf32>
        %unpack3A_243 = tpu.unpack_subelements %mul3A_241, 1 {pack_format = #tpu.pack_format<interleaved>} : vector<32xbf16> -> vector<16xf32>
        %add3A_244 = arith.addf %add3A_229, %unpack3A_242 : vector<16xf32>
        %add3A_245 = arith.addf %add3A_230, %unpack3A_243 : vector<16xf32>
        %scan3A_246 = arith.constant 5 : i32
        %scan3A_247 = arith.addi %scan3A_173, %scan3A_246 : i32
        %broadcast_in_dim3A_248 = arith.constant 1 : i32
        %broadcast_in_dim3A_249 = vector.broadcast %broadcast_in_dim3A_248 : i32 to vector<16xi32>
        %mul3A_250 = vector.broadcast %scan3A_247 : i32 to vector<16xi32>
        %mul3A_251 = arith.muli %broadcast_in_dim3A_249, %mul3A_250 : vector<16xi32>
        %gather3A_252 = tpu.vector_load_idx %arg12[%add3A_150, %mul3A_251] : memref<80x64xi32, #tpu.memory_space<vmem>>[vector<16xi32>, vector<16xi32>], vector<16xi32>,
        %gather3A_253 = tpu.vector_load_idx %arg18[%add3A_150, %mul3A_251] : memref<80x64xi32, #tpu.memory_space<vmem>>[vector<16xi32>, vector<16xi32>], vector<16xi32>,
        %bitcast3A_254 = vector.bitcast %gather3A_252 : vector<16xi32> to vector<32xbf16>
        %bitcast3A_255 = vector.bitcast %gather3A_253 : vector<16xi32> to vector<32xbf16>
        %mul3A_256 = arith.mulf %bitcast3A_254, %bitcast3A_255 : vector<32xbf16>
        %unpack3A_257 = tpu.unpack_subelements %mul3A_256, 0 {pack_format = #tpu.pack_format<interleaved>} : vector<32xbf16> -> vector<16xf32>
        %unpack3A_258 = tpu.unpack_subelements %mul3A_256, 1 {pack_format = #tpu.pack_format<interleaved>} : vector<32xbf16> -> vector<16xf32>
        %add3A_259 = arith.addf %add3A_244, %unpack3A_257 : vector<16xf32>
        %add3A_260 = arith.addf %add3A_245, %unpack3A_258 : vector<16xf32>
        %scan3A_261 = arith.constant 6 : i32
        %scan3A_262 = arith.addi %scan3A_173, %scan3A_261 : i32
        %broadcast_in_dim3A_263 = arith.constant 1 : i32
        %broadcast_in_dim3A_264 = vector.broadcast %broadcast_in_dim3A_263 : i32 to vector<16xi32>
        %mul3A_265 = vector.broadcast %scan3A_262 : i32 to vector<16xi32>
        %mul3A_266 = arith.muli %broadcast_in_dim3A_264, %mul3A_265 : vector<16xi32>
        %gather3A_267 = tpu.vector_load_idx %arg12[%add3A_150, %mul3A_266] : memref<80x64xi32, #tpu.memory_space<vmem>>[vector<16xi32>, vector<16xi32>], vector<16xi32>,
        %gather3A_268 = tpu.vector_load_idx %arg18[%add3A_150, %mul3A_266] : memref<80x64xi32, #tpu.memory_space<vmem>>[vector<16xi32>, vector<16xi32>], vector<16xi32>,
        %bitcast3A_269 = vector.bitcast %gather3A_267 : vector<16xi32> to vector<32xbf16>
        %bitcast3A_270 = vector.bitcast %gather3A_268 : vector<16xi32> to vector<32xbf16>
        %mul3A_271 = arith.mulf %bitcast3A_269, %bitcast3A_270 : vector<32xbf16>
        %unpack3A_272 = tpu.unpack_subelements %mul3A_271, 0 {pack_format = #tpu.pack_format<interleaved>} : vector<32xbf16> -> vector<16xf32>
        %unpack3A_273 = tpu.unpack_subelements %mul3A_271, 1 {pack_format = #tpu.pack_format<interleaved>} : vector<32xbf16> -> vector<16xf32>
        %add3A_274 = arith.addf %add3A_259, %unpack3A_272 : vector<16xf32>
        %add3A_275 = arith.addf %add3A_260, %unpack3A_273 : vector<16xf32>
        %scan3A_276 = arith.constant 7 : i32
        %scan3A_277 = arith.addi %scan3A_173, %scan3A_276 : i32
        %broadcast_in_dim3A_278 = arith.constant 1 : i32
        %broadcast_in_dim3A_279 = vector.broadcast %broadcast_in_dim3A_278 : i32 to vector<16xi32>
        %mul3A_280 = vector.broadcast %scan3A_277 : i32 to vector<16xi32>
        %mul3A_281 = arith.muli %broadcast_in_dim3A_279, %mul3A_280 : vector<16xi32>
        %gather3A_282 = tpu.vector_load_idx %arg12[%add3A_150, %mul3A_281] : memref<80x64xi32, #tpu.memory_space<vmem>>[vector<16xi32>, vector<16xi32>], vector<16xi32>,
        %gather3A_283 = tpu.vector_load_idx %arg18[%add3A_150, %mul3A_281] : memref<80x64xi32, #tpu.memory_space<vmem>>[vector<16xi32>, vector<16xi32>], vector<16xi32>,
        %bitcast3A_284 = vector.bitcast %gather3A_282 : vector<16xi32> to vector<32xbf16>
        %bitcast3A_285 = vector.bitcast %gather3A_283 : vector<16xi32> to vector<32xbf16>
        %mul3A_286 = arith.mulf %bitcast3A_284, %bitcast3A_285 : vector<32xbf16>
        %unpack3A_287 = tpu.unpack_subelements %mul3A_286, 0 {pack_format = #tpu.pack_format<interleaved>} : vector<32xbf16> -> vector<16xf32>
        %unpack3A_288 = tpu.unpack_subelements %mul3A_286, 1 {pack_format = #tpu.pack_format<interleaved>} : vector<32xbf16> -> vector<16xf32>
        %add3A_289 = arith.addf %add3A_274, %unpack3A_287 : vector<16xf32>
        %add3A_290 = arith.addf %add3A_275, %unpack3A_288 : vector<16xf32>
        scf.yield %add3A_289, %add3A_290 : vector<16xf32>, vector<16xf32>
      }
      %scan3A_159 = arith.constant 64 : i32
      %add3A_160 = arith.addf %scan3A_158#0, %scan3A_158#1 : vector<16xf32>
      %neg3A = arith.constant 0.000000e+00 : f32
      %neg3A_161 = vector.broadcast %neg3A : f32 to vector<16xf32>
      %neg3A_162 = arith.subf %neg3A_161, %add3A_160 : vector<16xf32>
      %exp3A = math.exp %neg3A_162 : vector<16xf32>
      %add3A_163 = arith.constant 1.000000e+00 : f32
      %add3A_164 = vector.broadcast %add3A_163 : f32 to vector<16xf32>
      %add3A_165 = arith.addf %add3A_164, %exp3A : vector<16xf32>
      %div3A = arith.constant 1.000000e+00 : f32
      %div3A_166 = vector.broadcast %div3A : f32 to vector<16xf32>
      %div3A_167 = arith.divf %div3A_166, %add3A_165 : vector<16xf32>
      %mul3A_168 = arith.constant 16 : i32
      %mul3A_169 = arith.muli %scan3A_146, %mul3A_168 : i32
      %add3A_170 = arith.constant 9840 : i32
      %add3A_171 = arith.addi %add3A_170, %mul3A_169 : i32
      %swap3A = arith.index_cast %add3A_171 : i32 to index
      %swap3A_172 = tpu.vector_load %arg8[%swap3A] {strides = array<i32>} : memref<10000xf32, #tpu.memory_space<vmem>>, vector<16xf32>,
      tpu.vector_store %arg8[%swap3A], %div3A_167 {strides = array<i32>} : memref<10000xf32, #tpu.memory_space<vmem>>, vector<16xf32>,
    }
    %scan3A_122 = arith.constant 5 : i32
    %dma_wait3A_123 = arith.constant 9920 : i32
    %dma_wait3A_124 = tpu.memref_slice %arg6[%dma_wait3A_123] : memref<10000xi32, #tpu.memory_space<vmem>> -> memref<80xi32, #tpu.memory_space<vmem>>
    %dma_wait3A_125 = arith.constant 0 : i32
    %dma_wait3A_126 = arith.constant 0 : i32
    %dma_wait3A_127 = tpu.memref_slice %arg2[%dma_wait3A_125, %dma_wait3A_126] : memref<10000x64xi32, #tpu.memory_space<hbm>> -> memref<10000x64xi32, #tpu.memory_space<hbm>>
    tpu.wait_indirect_dma semaphore(%arg25 : memref<!tpu.dma_semaphore, #tpu.memory_space<semaphore_mem>>) src(%dma_wait3A_127 : memref<10000x64xi32, #tpu.memory_space<hbm>>) dst(%arg13 : memref<80x64xi32, #tpu.memory_space<vmem>>)
    %dma_wait3A_128 = arith.constant 9920 : i32
    %dma_wait3A_129 = tpu.memref_slice %arg7[%dma_wait3A_128] : memref<10000xi32, #tpu.memory_space<vmem>> -> memref<80xi32, #tpu.memory_space<vmem>>
    %dma_wait3A_130 = arith.constant 0 : i32
    %dma_wait3A_131 = arith.constant 0 : i32
    %dma_wait3A_132 = tpu.memref_slice %arg2[%dma_wait3A_130, %dma_wait3A_131] : memref<10000x64xi32, #tpu.memory_space<hbm>> -> memref<10000x64xi32, #tpu.memory_space<hbm>>
    tpu.wait_indirect_dma semaphore(%arg31 : memref<!tpu.dma_semaphore, #tpu.memory_space<semaphore_mem>>) src(%dma_wait3A_132 : memref<10000x64xi32, #tpu.memory_space<hbm>>) dst(%arg19 : memref<80x64xi32, #tpu.memory_space<vmem>>)
    %scan3A_133 = arith.constant 0 : i32
    %scan3A_134 = arith.constant 5 : i32
    %scan3A_135 = arith.addi %scan3A_133, %scan3A_134 : i32
    %scan3A_136 = arith.constant 1 : i32
    scf.for %scan3A_146 = %scan3A_133 to %scan3A_135 step %scan3A_136  : i32 {
      %mul3A_147 = arith.constant 16 : i32
      %mul3A_148 = arith.muli %scan3A_146, %mul3A_147 : i32
      %add3A_149 = vector.broadcast %mul3A_148 : i32 to vector<16xi32>
      %add3A_150 = arith.addi %iota3A, %add3A_149 : vector<16xi32>
      %broadcast_in_dim3A = arith.constant 0.000000e+00 : f32
      %broadcast_in_dim3A_151 = vector.broadcast %broadcast_in_dim3A : f32 to vector<16xf32>
      %broadcast_in_dim3A_152 = arith.constant 0.000000e+00 : f32
      %broadcast_in_dim3A_153 = vector.broadcast %broadcast_in_dim3A_152 : f32 to vector<16xf32>
      %scan3A_154 = arith.constant 0 : i32
      %scan3A_155 = arith.constant 64 : i32
      %scan3A_156 = arith.addi %scan3A_154, %scan3A_155 : i32
      %scan3A_157 = arith.constant 8 : i32
      %scan3A_158:2 = scf.for %scan3A_173 = %scan3A_154 to %scan3A_156 step %scan3A_157 iter_args(%scan3A_174 = %broadcast_in_dim3A_151, %scan3A_175 = %broadcast_in_dim3A_153) -> (vector<16xf32>, vector<16xf32>)  : i32 {
        %broadcast_in_dim3A_176 = arith.constant 1 : i32
        %broadcast_in_dim3A_177 = vector.broadcast %broadcast_in_dim3A_176 : i32 to vector<16xi32>
        %mul3A_178 = vector.broadcast %scan3A_173 : i32 to vector<16xi32>
        %mul3A_179 = arith.muli %broadcast_in_dim3A_177, %mul3A_178 : vector<16xi32>
        %gather3A = tpu.vector_load_idx %arg13[%add3A_150, %mul3A_179] : memref<80x64xi32, #tpu.memory_space<vmem>>[vector<16xi32>, vector<16xi32>], vector<16xi32>,
        %gather3A_180 = tpu.vector_load_idx %arg19[%add3A_150, %mul3A_179] : memref<80x64xi32, #tpu.memory_space<vmem>>[vector<16xi32>, vector<16xi32>], vector<16xi32>,
        %bitcast3A = vector.bitcast %gather3A : vector<16xi32> to vector<32xbf16>
        %bitcast3A_181 = vector.bitcast %gather3A_180 : vector<16xi32> to vector<32xbf16>
        %mul3A_182 = arith.mulf %bitcast3A, %bitcast3A_181 : vector<32xbf16>
        %unpack3A = tpu.unpack_subelements %mul3A_182, 0 {pack_format = #tpu.pack_format<interleaved>} : vector<32xbf16> -> vector<16xf32>
        %unpack3A_183 = tpu.unpack_subelements %mul3A_182, 1 {pack_format = #tpu.pack_format<interleaved>} : vector<32xbf16> -> vector<16xf32>
        %add3A_184 = arith.addf %scan3A_174, %unpack3A : vector<16xf32>
        %add3A_185 = arith.addf %scan3A_175, %unpack3A_183 : vector<16xf32>
        %scan3A_186 = arith.constant 1 : i32
        %scan3A_187 = arith.addi %scan3A_173, %scan3A_186 : i32
        %broadcast_in_dim3A_188 = arith.constant 1 : i32
        %broadcast_in_dim3A_189 = vector.broadcast %broadcast_in_dim3A_188 : i32 to vector<16xi32>
        %mul3A_190 = vector.broadcast %scan3A_187 : i32 to vector<16xi32>
        %mul3A_191 = arith.muli %broadcast_in_dim3A_189, %mul3A_190 : vector<16xi32>
        %gather3A_192 = tpu.vector_load_idx %arg13[%add3A_150, %mul3A_191] : memref<80x64xi32, #tpu.memory_space<vmem>>[vector<16xi32>, vector<16xi32>], vector<16xi32>,
        %gather3A_193 = tpu.vector_load_idx %arg19[%add3A_150, %mul3A_191] : memref<80x64xi32, #tpu.memory_space<vmem>>[vector<16xi32>, vector<16xi32>], vector<16xi32>,
        %bitcast3A_194 = vector.bitcast %gather3A_192 : vector<16xi32> to vector<32xbf16>
        %bitcast3A_195 = vector.bitcast %gather3A_193 : vector<16xi32> to vector<32xbf16>
        %mul3A_196 = arith.mulf %bitcast3A_194, %bitcast3A_195 : vector<32xbf16>
        %unpack3A_197 = tpu.unpack_subelements %mul3A_196, 0 {pack_format = #tpu.pack_format<interleaved>} : vector<32xbf16> -> vector<16xf32>
        %unpack3A_198 = tpu.unpack_subelements %mul3A_196, 1 {pack_format = #tpu.pack_format<interleaved>} : vector<32xbf16> -> vector<16xf32>
        %add3A_199 = arith.addf %add3A_184, %unpack3A_197 : vector<16xf32>
        %add3A_200 = arith.addf %add3A_185, %unpack3A_198 : vector<16xf32>
        %scan3A_201 = arith.constant 2 : i32
        %scan3A_202 = arith.addi %scan3A_173, %scan3A_201 : i32
        %broadcast_in_dim3A_203 = arith.constant 1 : i32
        %broadcast_in_dim3A_204 = vector.broadcast %broadcast_in_dim3A_203 : i32 to vector<16xi32>
        %mul3A_205 = vector.broadcast %scan3A_202 : i32 to vector<16xi32>
        %mul3A_206 = arith.muli %broadcast_in_dim3A_204, %mul3A_205 : vector<16xi32>
        %gather3A_207 = tpu.vector_load_idx %arg13[%add3A_150, %mul3A_206] : memref<80x64xi32, #tpu.memory_space<vmem>>[vector<16xi32>, vector<16xi32>], vector<16xi32>,
        %gather3A_208 = tpu.vector_load_idx %arg19[%add3A_150, %mul3A_206] : memref<80x64xi32, #tpu.memory_space<vmem>>[vector<16xi32>, vector<16xi32>], vector<16xi32>,
        %bitcast3A_209 = vector.bitcast %gather3A_207 : vector<16xi32> to vector<32xbf16>
        %bitcast3A_210 = vector.bitcast %gather3A_208 : vector<16xi32> to vector<32xbf16>
        %mul3A_211 = arith.mulf %bitcast3A_209, %bitcast3A_210 : vector<32xbf16>
        %unpack3A_212 = tpu.unpack_subelements %mul3A_211, 0 {pack_format = #tpu.pack_format<interleaved>} : vector<32xbf16> -> vector<16xf32>
        %unpack3A_213 = tpu.unpack_subelements %mul3A_211, 1 {pack_format = #tpu.pack_format<interleaved>} : vector<32xbf16> -> vector<16xf32>
        %add3A_214 = arith.addf %add3A_199, %unpack3A_212 : vector<16xf32>
        %add3A_215 = arith.addf %add3A_200, %unpack3A_213 : vector<16xf32>
        %scan3A_216 = arith.constant 3 : i32
        %scan3A_217 = arith.addi %scan3A_173, %scan3A_216 : i32
        %broadcast_in_dim3A_218 = arith.constant 1 : i32
        %broadcast_in_dim3A_219 = vector.broadcast %broadcast_in_dim3A_218 : i32 to vector<16xi32>
        %mul3A_220 = vector.broadcast %scan3A_217 : i32 to vector<16xi32>
        %mul3A_221 = arith.muli %broadcast_in_dim3A_219, %mul3A_220 : vector<16xi32>
        %gather3A_222 = tpu.vector_load_idx %arg13[%add3A_150, %mul3A_221] : memref<80x64xi32, #tpu.memory_space<vmem>>[vector<16xi32>, vector<16xi32>], vector<16xi32>,
        %gather3A_223 = tpu.vector_load_idx %arg19[%add3A_150, %mul3A_221] : memref<80x64xi32, #tpu.memory_space<vmem>>[vector<16xi32>, vector<16xi32>], vector<16xi32>,
        %bitcast3A_224 = vector.bitcast %gather3A_222 : vector<16xi32> to vector<32xbf16>
        %bitcast3A_225 = vector.bitcast %gather3A_223 : vector<16xi32> to vector<32xbf16>
        %mul3A_226 = arith.mulf %bitcast3A_224, %bitcast3A_225 : vector<32xbf16>
        %unpack3A_227 = tpu.unpack_subelements %mul3A_226, 0 {pack_format = #tpu.pack_format<interleaved>} : vector<32xbf16> -> vector<16xf32>
        %unpack3A_228 = tpu.unpack_subelements %mul3A_226, 1 {pack_format = #tpu.pack_format<interleaved>} : vector<32xbf16> -> vector<16xf32>
        %add3A_229 = arith.addf %add3A_214, %unpack3A_227 : vector<16xf32>
        %add3A_230 = arith.addf %add3A_215, %unpack3A_228 : vector<16xf32>
        %scan3A_231 = arith.constant 4 : i32
        %scan3A_232 = arith.addi %scan3A_173, %scan3A_231 : i32
        %broadcast_in_dim3A_233 = arith.constant 1 : i32
        %broadcast_in_dim3A_234 = vector.broadcast %broadcast_in_dim3A_233 : i32 to vector<16xi32>
        %mul3A_235 = vector.broadcast %scan3A_232 : i32 to vector<16xi32>
        %mul3A_236 = arith.muli %broadcast_in_dim3A_234, %mul3A_235 : vector<16xi32>
        %gather3A_237 = tpu.vector_load_idx %arg13[%add3A_150, %mul3A_236] : memref<80x64xi32, #tpu.memory_space<vmem>>[vector<16xi32>, vector<16xi32>], vector<16xi32>,
        %gather3A_238 = tpu.vector_load_idx %arg19[%add3A_150, %mul3A_236] : memref<80x64xi32, #tpu.memory_space<vmem>>[vector<16xi32>, vector<16xi32>], vector<16xi32>,
        %bitcast3A_239 = vector.bitcast %gather3A_237 : vector<16xi32> to vector<32xbf16>
        %bitcast3A_240 = vector.bitcast %gather3A_238 : vector<16xi32> to vector<32xbf16>
        %mul3A_241 = arith.mulf %bitcast3A_239, %bitcast3A_240 : vector<32xbf16>
        %unpack3A_242 = tpu.unpack_subelements %mul3A_241, 0 {pack_format = #tpu.pack_format<interleaved>} : vector<32xbf16> -> vector<16xf32>
        %unpack3A_243 = tpu.unpack_subelements %mul3A_241, 1 {pack_format = #tpu.pack_format<interleaved>} : vector<32xbf16> -> vector<16xf32>
        %add3A_244 = arith.addf %add3A_229, %unpack3A_242 : vector<16xf32>
        %add3A_245 = arith.addf %add3A_230, %unpack3A_243 : vector<16xf32>
        %scan3A_246 = arith.constant 5 : i32
        %scan3A_247 = arith.addi %scan3A_173, %scan3A_246 : i32
        %broadcast_in_dim3A_248 = arith.constant 1 : i32
        %broadcast_in_dim3A_249 = vector.broadcast %broadcast_in_dim3A_248 : i32 to vector<16xi32>
        %mul3A_250 = vector.broadcast %scan3A_247 : i32 to vector<16xi32>
        %mul3A_251 = arith.muli %broadcast_in_dim3A_249, %mul3A_250 : vector<16xi32>
        %gather3A_252 = tpu.vector_load_idx %arg13[%add3A_150, %mul3A_251] : memref<80x64xi32, #tpu.memory_space<vmem>>[vector<16xi32>, vector<16xi32>], vector<16xi32>,
        %gather3A_253 = tpu.vector_load_idx %arg19[%add3A_150, %mul3A_251] : memref<80x64xi32, #tpu.memory_space<vmem>>[vector<16xi32>, vector<16xi32>], vector<16xi32>,
        %bitcast3A_254 = vector.bitcast %gather3A_252 : vector<16xi32> to vector<32xbf16>
        %bitcast3A_255 = vector.bitcast %gather3A_253 : vector<16xi32> to vector<32xbf16>
        %mul3A_256 = arith.mulf %bitcast3A_254, %bitcast3A_255 : vector<32xbf16>
        %unpack3A_257 = tpu.unpack_subelements %mul3A_256, 0 {pack_format = #tpu.pack_format<interleaved>} : vector<32xbf16> -> vector<16xf32>
        %unpack3A_258 = tpu.unpack_subelements %mul3A_256, 1 {pack_format = #tpu.pack_format<interleaved>} : vector<32xbf16> -> vector<16xf32>
        %add3A_259 = arith.addf %add3A_244, %unpack3A_257 : vector<16xf32>
        %add3A_260 = arith.addf %add3A_245, %unpack3A_258 : vector<16xf32>
        %scan3A_261 = arith.constant 6 : i32
        %scan3A_262 = arith.addi %scan3A_173, %scan3A_261 : i32
        %broadcast_in_dim3A_263 = arith.constant 1 : i32
        %broadcast_in_dim3A_264 = vector.broadcast %broadcast_in_dim3A_263 : i32 to vector<16xi32>
        %mul3A_265 = vector.broadcast %scan3A_262 : i32 to vector<16xi32>
        %mul3A_266 = arith.muli %broadcast_in_dim3A_264, %mul3A_265 : vector<16xi32>
        %gather3A_267 = tpu.vector_load_idx %arg13[%add3A_150, %mul3A_266] : memref<80x64xi32, #tpu.memory_space<vmem>>[vector<16xi32>, vector<16xi32>], vector<16xi32>,
        %gather3A_268 = tpu.vector_load_idx %arg19[%add3A_150, %mul3A_266] : memref<80x64xi32, #tpu.memory_space<vmem>>[vector<16xi32>, vector<16xi32>], vector<16xi32>,
        %bitcast3A_269 = vector.bitcast %gather3A_267 : vector<16xi32> to vector<32xbf16>
        %bitcast3A_270 = vector.bitcast %gather3A_268 : vector<16xi32> to vector<32xbf16>
        %mul3A_271 = arith.mulf %bitcast3A_269, %bitcast3A_270 : vector<32xbf16>
        %unpack3A_272 = tpu.unpack_subelements %mul3A_271, 0 {pack_format = #tpu.pack_format<interleaved>} : vector<32xbf16> -> vector<16xf32>
        %unpack3A_273 = tpu.unpack_subelements %mul3A_271, 1 {pack_format = #tpu.pack_format<interleaved>} : vector<32xbf16> -> vector<16xf32>
        %add3A_274 = arith.addf %add3A_259, %unpack3A_272 : vector<16xf32>
        %add3A_275 = arith.addf %add3A_260, %unpack3A_273 : vector<16xf32>
        %scan3A_276 = arith.constant 7 : i32
        %scan3A_277 = arith.addi %scan3A_173, %scan3A_276 : i32
        %broadcast_in_dim3A_278 = arith.constant 1 : i32
        %broadcast_in_dim3A_279 = vector.broadcast %broadcast_in_dim3A_278 : i32 to vector<16xi32>
        %mul3A_280 = vector.broadcast %scan3A_277 : i32 to vector<16xi32>
        %mul3A_281 = arith.muli %broadcast_in_dim3A_279, %mul3A_280 : vector<16xi32>
        %gather3A_282 = tpu.vector_load_idx %arg13[%add3A_150, %mul3A_281] : memref<80x64xi32, #tpu.memory_space<vmem>>[vector<16xi32>, vector<16xi32>], vector<16xi32>,
        %gather3A_283 = tpu.vector_load_idx %arg19[%add3A_150, %mul3A_281] : memref<80x64xi32, #tpu.memory_space<vmem>>[vector<16xi32>, vector<16xi32>], vector<16xi32>,
        %bitcast3A_284 = vector.bitcast %gather3A_282 : vector<16xi32> to vector<32xbf16>
        %bitcast3A_285 = vector.bitcast %gather3A_283 : vector<16xi32> to vector<32xbf16>
        %mul3A_286 = arith.mulf %bitcast3A_284, %bitcast3A_285 : vector<32xbf16>
        %unpack3A_287 = tpu.unpack_subelements %mul3A_286, 0 {pack_format = #tpu.pack_format<interleaved>} : vector<32xbf16> -> vector<16xf32>
        %unpack3A_288 = tpu.unpack_subelements %mul3A_286, 1 {pack_format = #tpu.pack_format<interleaved>} : vector<32xbf16> -> vector<16xf32>
        %add3A_289 = arith.addf %add3A_274, %unpack3A_287 : vector<16xf32>
        %add3A_290 = arith.addf %add3A_275, %unpack3A_288 : vector<16xf32>
        scf.yield %add3A_289, %add3A_290 : vector<16xf32>, vector<16xf32>
      }
      %scan3A_159 = arith.constant 64 : i32
      %add3A_160 = arith.addf %scan3A_158#0, %scan3A_158#1 : vector<16xf32>
      %neg3A = arith.constant 0.000000e+00 : f32
      %neg3A_161 = vector.broadcast %neg3A : f32 to vector<16xf32>
      %neg3A_162 = arith.subf %neg3A_161, %add3A_160 : vector<16xf32>
      %exp3A = math.exp %neg3A_162 : vector<16xf32>
      %add3A_163 = arith.constant 1.000000e+00 : f32
      %add3A_164 = vector.broadcast %add3A_163 : f32 to vector<16xf32>
      %add3A_165 = arith.addf %add3A_164, %exp3A : vector<16xf32>
      %div3A = arith.constant 1.000000e+00 : f32
      %div3A_166 = vector.broadcast %div3A : f32 to vector<16xf32>
      %div3A_167 = arith.divf %div3A_166, %add3A_165 : vector<16xf32>
      %mul3A_168 = arith.constant 16 : i32
      %mul3A_169 = arith.muli %scan3A_146, %mul3A_168 : i32
      %add3A_170 = arith.constant 9920 : i32
      %add3A_171 = arith.addi %add3A_170, %mul3A_169 : i32
      %swap3A = arith.index_cast %add3A_171 : i32 to index
      %swap3A_172 = tpu.vector_load %arg8[%swap3A] {strides = array<i32>} : memref<10000xf32, #tpu.memory_space<vmem>>, vector<16xf32>,
      tpu.vector_store %arg8[%swap3A], %div3A_167 {strides = array<i32>} : memref<10000xf32, #tpu.memory_space<vmem>>, vector<16xf32>,
    }
    %scan3A_137 = arith.constant 5 : i32
    %add3A_138 = arith.constant 4960 : i32
    %add3A_139 = arith.addi %mul3A_2, %add3A_138 : i32
    "tpu.region"() ({
      %run_scoped3A = tpu.sem_alloc : memref<!tpu.dma_semaphore, #tpu.memory_space<semaphore_mem>>
      %dma_start3A_146 = arith.constant 4960 : i32
      %dma_start3A_147 = tpu.memref_slice %arg8[%dma_start3A_146] : memref<10000xf32, #tpu.memory_space<vmem>> -> memref<5040xf32, #tpu.memory_space<vmem>>
      %dma_start3A_148 = tpu.memref_slice %arg5[%add3A_139] : memref<320000xf32, #tpu.memory_space<hbm>> -> memref<5040xf32, #tpu.memory_space<hbm>>
      %dma_start3A_149 = tpu.memref_slice %arg5[%add3A_139] : memref<320000xf32, #tpu.memory_space<hbm>> -> memref<5040xf32, #tpu.memory_space<hbm>>
      %dma_start3A_150 = arith.constant 4960 : i32
      %dma_start3A_151 = tpu.memref_slice %arg8[%dma_start3A_150] : memref<10000xf32, #tpu.memory_space<vmem>> -> memref<5040xf32, #tpu.memory_space<vmem>>
      tpu.enqueue_dma source(%dma_start3A_151 : memref<5040xf32, #tpu.memory_space<vmem>>) target(%dma_start3A_149 : memref<5040xf32, #tpu.memory_space<hbm>>) target_semaphore(%run_scoped3A : memref<!tpu.dma_semaphore, #tpu.memory_space<semaphore_mem>>)
      %dma_wait3A_152 = arith.constant 4960 : i32
      %dma_wait3A_153 = tpu.memref_slice %arg8[%dma_wait3A_152] : memref<10000xf32, #tpu.memory_space<vmem>> -> memref<5040xf32, #tpu.memory_space<vmem>>
      %dma_wait3A_154 = tpu.memref_slice %arg5[%add3A_139] : memref<320000xf32, #tpu.memory_space<hbm>> -> memref<5040xf32, #tpu.memory_space<hbm>>
      %dma_wait3A_155 = tpu.memref_slice %arg5[%add3A_139] : memref<320000xf32, #tpu.memory_space<hbm>> -> memref<5040xf32, #tpu.memory_space<hbm>>
      %dma_wait3A_156 = arith.constant 4960 : i32
      %dma_wait3A_157 = tpu.memref_slice %arg8[%dma_wait3A_156] : memref<10000xf32, #tpu.memory_space<vmem>> -> memref<5040xf32, #tpu.memory_space<vmem>>
      tpu.wait_dma2 semaphore(%run_scoped3A : memref<!tpu.dma_semaphore, #tpu.memory_space<semaphore_mem>>) src(%dma_wait3A_157 : memref<5040xf32, #tpu.memory_space<vmem>>) dst(%dma_wait3A_155 : memref<5040xf32, #tpu.memory_space<hbm>>)
      tpu.yield
    }) : () -> ()
    %dma_wait3A_140 = arith.constant 0 : i32
    %dma_wait3A_141 = tpu.memref_slice %arg8[%dma_wait3A_140] : memref<10000xf32, #tpu.memory_space<vmem>> -> memref<4960xf32, #tpu.memory_space<vmem>>
    %dma_wait3A_142 = tpu.memref_slice %arg5[%mul3A_2] : memref<320000xf32, #tpu.memory_space<hbm>> -> memref<4960xf32, #tpu.memory_space<hbm>>
    %dma_wait3A_143 = tpu.memref_slice %arg5[%mul3A_2] : memref<320000xf32, #tpu.memory_space<hbm>> -> memref<4960xf32, #tpu.memory_space<hbm>>
    %dma_wait3A_144 = arith.constant 0 : i32
    %dma_wait3A_145 = tpu.memref_slice %arg8[%dma_wait3A_144] : memref<10000xf32, #tpu.memory_space<vmem>> -> memref<4960xf32, #tpu.memory_space<vmem>>
    tpu.wait_dma2 semaphore(%arg33 : memref<!tpu.dma_semaphore, #tpu.memory_space<semaphore_mem>>) src(%dma_wait3A_145 : memref<4960xf32, #tpu.memory_space<vmem>>) dst(%dma_wait3A_143 : memref<4960xf32, #tpu.memory_space<hbm>>)
    return
  }
}

</mosaic_0001>

<sc_bundles>
// kernel: _decode.3.cloned.1.call-start
scs
__scs_entry_jumppad:
0x0: {  	(pc) =	sbr.rel $0x88, $3  }
0x1: {  	(tag) =	ssettag $0x0;
	lr =	simm.s32 $0x1  }
0x2: {  	[smem:$0x3F9E] =	sst lr;
	_ =	strace $0xD0000000  }
0x3: {  	_ = 	snop  }
0x4: {  	_ = 	snop  }
0x5: {  	_ = 	snop  }
0x6: {  	_ = 	snop  }
0x7: {  	_ = 	snop  }
__scs_overlays_trampoline_lowered:
0x8: {  	[smem:$0x3FAD] =	sst s0  }
0x9: {  	[smem:$0x3FAE] =	sst s1  }
0xa: {  	[smem:$0x3FAF] =	sst s2  }
0xb: {  	[smem:$0x3FB0] =	sst s3  }
0xc: {  	[smem:$0x3FB1] =	sst s4  }
0xd: {  	[smem:$0x3FB2] =	sst s5  }
0xe: {  	[smem:$0x3FB3] =	sst s6  }
0xf: {  	[smem:$0x3FB4] =	sst s7  }
0x10: {  	[smem:$0x3FB5] =	sst s8  }
0x11: {  	[smem:$0x3FB6] =	sst s9;
	s0 =	simm.s32 @!p0 $0x0  }
0x12: {  	s1 =	sld [smem:$0x3F9C];
	s0 =	simm.s32 @p0 $0x1  }
0x13: {  	[smem:$0x3FB7] =	sst s0;
	s0 =	simm.s32 @!p1 $0x0  }
0x14: {  	s2 =	sld [smem:$0x3F9B];
	s0 =	simm.s32 @p1 $0x1  }
0x15: {  	[smem:$0x3FB8] =	sst s0;
	s0 =	simm.s32 @!p2 $0x0  }
0x16: {  	s3 =	sld [smem:$0x3FDB];
	s0 =	simm.s32 @p2 $0x1  }
0x17: {  	s4 =	simm.s32 $0x1BF5;
	[smem:$0x3FBA] =	sst s0  }
0x18: {  	s0 =	sld [smem:$0x3F9D];
	_ =	swait.ge [sflag:s4], $0x0  }
0x19: {  	s7 =	sld [smem:$0x3F9E]  }
0x1a: {  	s8 =	sadd.s32 $0xFFFFE003, lr  }
0x1b: {  	s9 =	sadd.s32 $0xFFFFFEF7, lr;
	s5 =	simm.s32 $0xFFFFFFFF;
	p2 =	slt.u32 s8, $0xFFFFF086  }
0x1c: {  	p1 =	slt.u32 s9, $0xF7A;
	s5 =	simm.s32 @!p2 $0x0  }
0x1d: {  	s5 =	simm.s32 @p1 $0x1;
	p0 =	seq.s32 s7, s2  }
0x1e: {  	s7 =	smul.u32 @!p0 $0xF7A, s2;
	p2 =	seq.s32 @!p0 s5, $0x0  }
0x1f: {  	s9 =	smul.u32 $0xF7A, s1;
	s8 =	simm.s32 @!p0 $0x1BF5;
	p2 =	por !p2, p0  }
0x20: {  	[sflag:s8] =	ssyncset.s32 @!p0 $0xFFFFF086;
	s6 =	sadd.s32 @!p0 s3, s7;
	s7 =	simm.s32 @!p0 $0x108  }
0x21: {  	s3 =	sadd.s32 s3, s9;
	s6 =	sadd.s32 @!p0 $0x88, s6;
	s7 =	simm.s32 @p2 $0x1082  }
0x22: {  	[simem:s7], [sflag:s8] =	dma.local @!p0 [hbm:s6], $0xF7A  }
0x23: {  	s9 =	sor.u32 $0xD0000000, s2;
	s6 =	simm.s32 $0x108;
	_ =	swait.ge @!p0 [sflag:s8], $0x0  }
0x24: {  	s3 =	sadd.s32 $0x88, s3;
	s6 =	simm.s32 @!p1 $0x1082;
	[sflag:s4] =	ssyncset.s32 $0xFFFFF086  }
0x25: {  	[simem:s6], [sflag:s4] =	dma.local [hbm:s3], $0xF7A  }
0x26: {  	[smem:$0x3F9E] =	sst s1;
	(tag) =	ssettag s2;
	_ =	strace s9  }
0x27: {  	s1 =	sld [smem:$0x3FAE]  }
0x28: {  	s2 =	sld [smem:$0x3FAF]  }
0x29: {  	s4 =	sld [smem:$0x3FB1]  }
0x2a: {  	p0 =	seq.s32 s5, $0x0;
	s5 =	sld [smem:$0x3FB2]  }
0x2b: {  	s6 =	sld [smem:$0x3FB3]  }
0x2c: {  	s7 =	sld [smem:$0x3FB4]  }
0x2d: {  	s3 =	simm.s32 $0x108;
	s8 =	sld [smem:$0x3FB5]  }
0x2e: {  	s3 =	simm.s32 @!p0 $0x1082;
	s9 =	sld [smem:$0x3FB6]  }
0x2f: {  	lr =	sadd.s32 s0, s3;
	s0 =	sld [smem:$0x3FAD]  }
0x30: {  	s3 =	sld [smem:$0x3FB0]  }
0x31: {  	[smem:$0x3FB9] =	sst s10  }
0x32: {  	s10 =	sld [smem:$0x3FB7];
	_ =	sdelay $0x3  }
0x33: {  	p0 =	seq.s32 s10, $0x1;
	s10 =	sld [smem:$0x3FB9];
	_ =	sdelay $0x3  }
0x34: {  	[smem:$0x3FB9] =	sst s10  }
0x35: {  	s10 =	sld [smem:$0x3FB8];
	_ =	sdelay $0x3  }
0x36: {  	p1 =	seq.s32 s10, $0x1;
	s10 =	sld [smem:$0x3FB9];
	_ =	sdelay $0x3  }
0x37: {  	[smem:$0x3FB9] =	sst s10  }
0x38: {  	s10 =	sld [smem:$0x3FBA]  }
0x39: {  	_ = 	snop;
	(pc) =	sbr.ind lr, $3  }
0x3a: {  	_ = 	snop  }
0x3b: {  	_ = 	snop  }
0x3c: {  	p2 =	seq.s32 s10, $0x1;
	s10 =	sld [smem:$0x3FB9]  }
0x3d: {  	_ =	shalt  }
0x3e: {  	_ =	shalt  }
0x3f: {  	_ =	shalt  }
0x40: {  	_ =	shalt  }
0x41: {  	_ =	shalt  }
0x42: {  	_ =	shalt  }
0x43: {  	_ =	shalt  }
0x44: {  	_ =	shalt  }
0x45: {  	_ =	shalt  }
0x46: {  	_ =	shalt  }
0x47: {  	_ =	shalt  }
0x48: {  	_ =	shalt  }
0x49: {  	_ =	shalt  }
0x4a: {  	_ =	shalt  }
0x4b: {  	_ =	shalt  }
0x4c: {  	_ =	shalt  }
0x4d: {  	_ =	shalt  }
0x4e: {  	_ =	shalt  }
0x4f: {  	_ =	shalt  }
0x50: {  	_ =	shalt  }
0x51: {  	_ =	shalt  }
0x52: {  	_ =	shalt  }
0x53: {  	_ =	shalt  }
0x54: {  	_ =	shalt  }
0x55: {  	_ =	shalt  }
0x56: {  	_ =	shalt  }
0x57: {  	_ =	shalt  }
0x58: {  	_ =	shalt  }
0x59: {  	_ =	shalt  }
0x5a: {  	_ =	shalt  }
0x5b: {  	_ =	shalt  }
0x5c: {  	_ =	shalt  }
0x5d: {  	_ =	shalt  }
0x5e: {  	_ =	shalt  }
0x5f: {  	_ =	shalt  }
0x60: {  	_ =	shalt  }
0x61: {  	_ =	shalt  }
0x62: {  	_ =	shalt  }
0x63: {  	_ =	shalt  }
0x64: {  	_ =	shalt  }
0x65: {  	_ =	shalt  }
0x66: {  	_ =	shalt  }
0x67: {  	_ =	shalt  }
0x68: {  	_ =	shalt  }
0x69: {  	_ =	shalt  }
0x6a: {  	_ =	shalt  }
0x6b: {  	_ =	shalt  }
0x6c: {  	_ =	shalt  }
0x6d: {  	_ =	shalt  }
0x6e: {  	_ =	shalt  }
0x6f: {  	_ =	shalt  }
0x70: {  	_ =	shalt  }
0x71: {  	_ =	shalt  }
0x72: {  	_ =	shalt  }
0x73: {  	_ =	shalt  }
0x74: {  	_ =	shalt  }
0x75: {  	_ =	shalt  }
0x76: {  	_ =	shalt  }
0x77: {  	_ =	shalt  }
0x78: {  	_ =	shalt  }
0x79: {  	_ =	shalt  }
0x7a: {  	_ =	shalt  }
0x7b: {  	_ =	shalt  }
0x7c: {  	_ =	shalt  }
0x7d: {  	_ =	shalt  }
0x7e: {  	_ =	shalt  }
0x7f: {  	_ =	shalt  }
0x80: {  	_ =	shalt  }
0x81: {  	_ =	shalt  }
0x82: {  	_ =	shalt  }
0x83: {  	_ =	shalt  }
0x84: {  	_ =	shalt  }
0x85: {  	_ =	shalt  }
0x86: {  	_ =	shalt  }
0x87: {  	_ =	shalt  }
.Lfunc_end0:
.L_simem_size_0:
called_computation_lowered:
.L_overlay_start_0:
0x88: {  	s2 =	sld [smem:$0x3FD9]  }
0x89: {  	s3 =	sld [smem:$0x3FFE];
	_ =	sdelay $0x1  }
0x8a: {  	s1 =	srdreg.scid  }
0x8b: {  	s0 =	sand.u32 $0x1, s1  }
0x8c: {  	s17 =	sshll.u32 s0, $0xA;
	s2 =	sadd.s32 s3, s2  }
0x8d: {  	s2 =	sadd.s32 s2, s17  }
0x8e: {  	[smem:$0x3FC5] =	sst s2  }
0x8f: {  	_ = 	snop  }
0x90: {  	s2 =	sld [smem:$0x3FC8]  }
0x91: {  	s18 =	sld [smem:$0x3FC7]  }
0x92: {  	s4 =	sld [smem:$0x3FD0];
	(tm) =	ssettm $0x1  }
0x93: {  	s5 =	sld [smem:$0x3FFB];
	_ =	sdelay $0x3  }
0x94: {  	_ =	strace s5  }
0x95: {  	s5 =	sld [smem:$0x3FFC];
	_ =	sdelay $0x3  }
0x96: {  	_ =	strace s5  }
0x97: {  	s5 =	sld [smem:$0x3FFD];
	_ =	sdelay $0x3  }
0x98: {  	_ =	strace s5  }
0x99: {  	_ =	strace $0x8FFFFFFF  }
0x9a: {  	s19 =	sld [smem:$0x3FDB];
	_ =	sdelay $0x1  }
0x9b: {  	s6 =	simm.s32 $_scs_section_size  }
0x9c: {  	s7 =	simm.s32 $_size__tile_overlayer_lowered;
	s8 =	simm.s32 $_tile_overlayer_lowered  }
0x9d: {  	s22 =	simm.s32 $0x1BFF;
	s21 =	sshll.u32 s8, $0x1;
	s5 =	sadd.s32 s6, s19  }
0x9e: {  	s9 =	simm.s32 $0x0;
	s20 =	sshll.u32 s7, $0x1;
	s7 =	sadd.s32 s21, s5  }
0x9f: {  	[timem:s9], [sflag:s22] =	dma.local [hbm:s7], s20  }
0xa0: {  	_ =	swait.ge [sflag:s22], s20  }
0xa1: {  	s6 =	ssub.s32 $0x0, s20;
	[sflag:s22] =	ssyncset.done $0x0  }
0xa2: {  	[sflag:s22] =	ssyncadd.s32 s6;
	_ =	sdelay $0x1  }
0xa3: {  	s23 =	simm.s32 $0x1B8B  }
0xa4: {  	_ =	swait.ge [sflag:s23], $0x1  }
0xa5: {  	[sflag:s23] =	ssyncset.done $0x0  }
0xa6: {  	s25 =	simm.s32 $0x1B8E;
	s24 =	sld [smem:$0x3FFE];
	[sflag:s23] =	ssyncadd.s32 $0xFFFFFFFF  }
0xa7: {  	s26 =	simm.s32 $execute0_lowered;
	[smem:$0x3FD2] =	sst s25  }
0xa8: {  	s7 =	sshll.u32 s26, $0x1;
	_ =	strace $0x80000046;
	[dreg:$0x1] =	wrdreg $0xFFFFFFFF  }
0xa9: {  	s28 =	simm.s32 $_size_execute0_lowered;
	s5 =	sadd.s32 s5, s7;
	[dreg:$0x0] =	wrdreg $0x0  }
0xaa: {  	s7 =	sshll.u32 s28, $0x1;
	[dreg:$0x2] =	wrdreg s5  }
0xab: {  	[dreg:$0x3] =	wrdreg s7  }
0xac: {  	[dreg:$0x4] =	wrdreg $0xC0  }
0xad: {  	_ =	task [dreg:s9], $0x5FFFF  }
0xae: {  	[dreg:$0x1] =	wrdreg $0xFFFFFFFF  }
0xaf: {  	[dreg:$0x0] =	wrdreg $0x60  }
0xb0: {  	[dreg:$0x2] =	wrdreg s24  }
0xb1: {  	[dreg:$0x3] =	wrdreg s2  }
0xb2: {  	[dreg:$0x4] =	wrdreg s18  }
0xb3: {  	[dreg:$0x5] =	wrdreg s4  }
0xb4: {  	[dreg:$0x6] =	wrdreg $0x9  }
0xb5: {  	_ =	task.clear_ibuf [dreg:s9], $0x7FFFF;
	_ =	strace $0x90000046  }
0xb6: {  	s29 =	simm.s32 $0x9;
	_ =	strace $0x80000048  }
0xb7: {  	_ =	swait.ge [sflag:s29], $0x1  }
0xb8: {  	[sflag:s29] =	ssyncadd.s32 $0xFFFFFFFF  }
0xb9: {  	_ =	strace $0x90000048  }
0xba: {  	_ =	sfence  }
0xbb: {  	s30 =	sld [smem:$0x0];
	_ =	sdelay $0x2  }
0xbc: {  	s31 =	sshll.u32 s1, $0xD;
	s1 =	sshrl.u32 s1, $0x2  }
0xbd: {  	s3 =	sand.u32 $0x4000, s31;
	s1 =	sadd.s32 s1, s30  }
0xbe: {  	s0 =	sor.u32 s3, s0;
	s1 =	sshll.u32 s1, $0x11  }
0xbf: {  	s0 =	sor.u32 s1, s0  }
0xc0: {  	s0 =	sadd.s32 $0x8F2B, s0  }
0xc1: {  	[sflag:s0] =	ssyncadd.remote.s32 $0x1  }
0xc2: {  	_ =	sfence.sel $0xFFFF  }
0xc3: {  	[dreg:$0x0] =	wrdreg $0xFFFFFFFF;
	(pc) =	sbr.abs _section_cstart, $3  }
0xc4: {  	[dreg:$0x1] =	wrdreg $0xFFFFFFFF  }
0xc5: {  	_ =	task.clear_ibuf [dreg:s9], $0x2FFFF;
	_ =	strace $0x9FFFFFFF  }
0xc6: {  	(tm) =	ssettm $0x7FFFFFFF  }
0xc7: {  	_ =	shalt  }
tec
execute0_lowered:
.L_overlay_start_1:
0x0: {  	(tag) =	ssettag $0x1  }
0x1: {  	s1 =	rddreg [dreg:$0x0]  }
0x2: {  	s0 =	rddreg [dreg:$0x1]  }
0x3: {  	s2 =	rddreg [dreg:$0x2];
	s3 =	srdreg.scid  }
0x4: {  	s5 =	stileid.u32;
	s4 =	rddreg [dreg:$0x3];
	s6 =	simm.s32 $0x0  }
0x5: {  	s10 =	simm.s32 $0x1;
	s11 =	simm.s32 $0x7;
	s12 =	simm.s32 $0x50  }
0x6: {  	s13 =	simm.s32 $0x7530;
	s14 =	simm.s32 $0xED30;
	s15 =	simm.s32 $0x8930  }
0x7: {  	s17 =	simm.s32 $0x10130;
	s19 =	simm.s32 $0x9D30;
	s21 =	simm.s32 $0x11530  }
0x8: {  	s28 =	simm.s32 $0xC530;
	s30 =	simm.s32 $0x13D30;
	s31 =	simm.s32 $0xD930  }
0x9: {  	s16 =	simm.s32 $0x8;
	s18 =	simm.s32 $0x3;
	s20 =	simm.s32 $0x9  }
0xa: {  	s22 =	simm.s32 $0x4;
	s3 =	sand.u32 $0x1, s3;
	s5 =	sshll.u32 s5, $0x1  }
0xb: {  	s29 =	simm.s32 $0xB;
	s5 =	sor.u32 s3, s5;
	s3 =	ssub.s32 $0x2, s3  }
0xc: {  	[smem:$0x7FF] =	sst s6;
	s5 =	smul.u32 $0x2710, s5;
	s23 =	sshrl.u32 s3, $0x1  }
0xd: {  	s6 =	simm.s32 $0x0;
	_ =	strace $0x80000047;
	s3 =	ssub.s32 s3, s23  }
0xe: {  	s23 =	simm.s32 $0xB130;
	s5 =	sshrl.u32 s5, $0x3;
	s26 =	smax.u32 s3, $0x1  }
0xf: {  	s3 =	simm.s32 $0x0;
	s0 =	sadd.s32 s0, s5;
	[dreg:$0x9] =	wrdreg s26  }
0x10: {  	s24 =	sadd.s32 s2, s5;
	s25 =	sadd.s32 s4, s5;
	[dreg:$0x5] =	wrdreg s0  }
0x11: {  	s2 =	simm.s32 $0x15130;
	s26 =	simm.s32 $0x5;
	[dreg:$0x6] =	wrdreg s24  }
0x12: {  	v0 =	vlaneseq.u32;
	v1 =	vimm.s32 $0x0;
	vm0 =	vcmask $0x300;
	[dreg:$0x7] =	wrdreg s25;
	s0 =	sadd.s32 $0x26C, s25;
	s25 =	simm.s32 $0x12930  }
0x13: {  	v0 =	vmul.u32 $0x40, v0;
	v1 =	vsel vm0, $0x3, v1;
	s24 =	simm.s32 $0xA;
	[dreg:$0x8] =	wrdreg s0;
	s0 =	simm.s32 $0x2  }
.LBB2_1:
0x14: {  	[dreg:$0xa] =	wrdreg s6  }
0x15: {  	s4 =	rddreg [dreg:$0x5]  }
0x16: {  	[tilespmem:s3], [sflag:$0x1] =	stream.linear.gather [hbm4b:s4+s3], $0x2710, $0x38;
	[tilespmem:$0x16530] =	vst v63  }
0x17: {  	s8 =	rddreg [dreg:$0x6];
	s5 =	simm.s32 $0x2710  }
0x18: {  	[tilespmem:s5], [sflag:$0x7] =	stream.linear.gather [hbm4b:s8+s3], $0x2710, $0x38;
	[tilespmem:$0x16530] =	vst v63  }
0x19: {  	_ =	swait.ge [sflag:s10], $0x2710  }
0x1a: {  	[sflag:s10] =	ssyncset.done $0x0  }
0x1b: {  	[sflag:s10] =	ssyncadd.s32 $0xFFFFD8F0  }
0x1c: {  	_ =	swait.ge [sflag:s11], $0x2710  }
0x1d: {  	[sflag:s11] =	ssyncset.done $0x0  }
0x1e: {  	[sflag:s11] =	ssyncadd.s32 $0xFFFFD8F0  }
0x1f: {  	[tilespmem:s13], [sflag:$0x1] =	stream.indirect.gather [hbm4b:s1+s12], $0x40, s3, s12, $0xb8;
	[tilespmem:$0x16530] =	vst v63  }
0x20: {  	_ = 	snop  }
0x21: {  	[tilespmem:s14], [sflag:$0x7] =	stream.indirect.gather [hbm4b:s1+s12], $0x40, s5, s12, $0xb8;
	[tilespmem:$0x16530] =	vst v63  }
0x22: {  	_ = 	snop  }
0x23: {  	[tilespmem:s15], [sflag:$0x2] =	stream.indirect.gather [hbm4b:s1+s12], $0x40, s12, s12, $0xb8;
	[tilespmem:$0x16530] =	vst v63  }
0x24: {  	s9 =	simm.s32 $0x2760  }
0x25: {  	[tilespmem:s17], [sflag:$0x8] =	stream.indirect.gather [hbm4b:s1+s12], $0x40, s9, s12, $0xb8;
	[tilespmem:$0x16530] =	vst v63  }
0x26: {  	s4 =	simm.s32 $0xA0  }
0x27: {  	[tilespmem:s19], [sflag:$0x3] =	stream.indirect.gather [hbm4b:s1+s12], $0x40, s4, s12, $0xb8;
	[tilespmem:$0x16530] =	vst v63  }
0x28: {  	s5 =	simm.s32 $0x27B0  }
0x29: {  	[tilespmem:s21], [sflag:$0x9] =	stream.indirect.gather [hbm4b:s1+s12], $0x40, s5, s12, $0xb8;
	[tilespmem:$0x16530] =	vst v63  }
0x2a: {  	s6 =	simm.s32 $0xF0  }
0x2b: {  	[tilespmem:s23], [sflag:$0x4] =	stream.indirect.gather [hbm4b:s1+s12], $0x40, s6, s12, $0xb8;
	[tilespmem:$0x16530] =	vst v63  }
0x2c: {  	s7 =	simm.s32 $0x2800  }
0x2d: {  	[tilespmem:s25], [sflag:$0xA] =	stream.indirect.gather [hbm4b:s1+s12], $0x40, s7, s12, $0xb8;
	[tilespmem:$0x16530] =	vst v63  }
0x2e: {  	s8 =	simm.s32 $0x140  }
0x2f: {  	[tilespmem:s28], [sflag:$0x5] =	stream.indirect.gather [hbm4b:s1+s12], $0x40, s8, s12, $0xb8;
	[tilespmem:$0x16530] =	vst v63  }
0x30: {  	s9 =	simm.s32 $0x2850;
	s5 =	simm.s32 $0x0  }
0x31: {  	[tilespmem:s30], [sflag:$0xB] =	stream.indirect.gather [hbm4b:s1+s12], $0x40, s9, s12, $0xb8;
	[tilespmem:$0x16530] =	vst v63  }
.LBB2_2:
0x32: {  	s3 =	smul.u32 $0x6, s5;
	_ =	sdelay $0x1  }
0x33: {  	s7 =	sadd.s32 $0x5, s3  }
0x34: {  	s3 =	smul.u32 $0x50, s7;
	_ =	sdelay $0x1  }
0x35: {  	[tilespmem:s31], [sflag:$0x6] =	stream.indirect.gather [hbm4b:s1+s12], $0x40, s3, s12, $0xb8;
	[tilespmem:$0x16530] =	vst v63  }
0x36: {  	s3 =	sadd.s32 $0x2710, s3  }
0x37: {  	[tilespmem:s2], [sflag:$0xC] =	stream.indirect.gather [hbm4b:s1+s12], $0x40, s3, s12, $0xb8;
	[tilespmem:$0x16530] =	vst v63  }
0x38: {  	_ =	swait.ge [sflag:s10], $0x1400  }
0x39: {  	s9 =	smul.u32 $0x780, s5;
	[sflag:s10] =	ssyncset.done $0x0  }
0x3a: {  	[sflag:s10] =	ssyncadd.s32 $0xFFFFEC00  }
0x3b: {  	s3 =	sshra.s32 s9, $0x2;
	_ =	swait.ge [sflag:s11], $0x1400  }
0x3c: {  	s4 =	sadd.s32 $0x4E20, s3;
	[sflag:s11] =	ssyncset.done $0x0  }
0x3d: {  	s8 =	simm.s32 $0x0;
	v2 =	vmov s4;
	[sflag:s11] =	ssyncadd.s32 $0xFFFFEC00  }
.LBB2_3:
0x3e: {  	s4 =	simm.s32 $0x0  }
0x3f: {  	v3 =	vmov s4  }
0x40: {  	s6 =	sshll.u32 s8, $0x4;
	v3 =	vshrl.u32 v3, $0x3  }
0x41: {  	v5 =	vmov s6;
	v4 =	vshll.u32 v3, v1  }
0x42: {  	v3 =	vshll.u32 v5, $0x6;
	v5 =	vbroadcast v4, $0x0  }
0x43: {  	v3 =	vor.u32 v0, v3;
	v6 =	vor.u32 $0x1, v4  }
0x44: {  	v6 =	vbroadcast v6, $0x0;
	v7 =	vor.u32 v3, v5  }
0x45: {  	v5 =	vor.u32 $0x2, v4  }
0x46: {  	v12 =	vor.u32 v3, v6;
	v10 =	vbroadcast v5, $0x0  }
0x47: {  	v8 =	vor.u32 $0x3, v4  }
0x48: {  	v8 =	vbroadcast v8, $0x0;
	v13 =	vor.u32 v3, v10  }
0x49: {  	v11 =	vor.u32 $0x4, v4;
	v9 =	vld.idx.msk [tilespmem:v7+s13+$0x0], $0xffff  }
0x4a: {  	s9 =	simm.s32 $0x8;
	v15 =	vor.u32 $0x5, v4;
	v14 =	vbroadcast v11, $0x0;
	v10 =	vor.u32 v3, v8;
	v11 =	vld.idx.msk [tilespmem:v7+s14+$0x0], $0xffff  }
0x4b: {  	v6 =	vimm.f32 $0.0e+00;
	v5 =	vmov s9;
	v7 =	vimm.f32 $0.0e+00;
	v8 =	vld.idx.msk [tilespmem:v12+s13+$0x0], $0xffff  }
.LBB2_4:
0x4c: {  	s9 =	sadd.s32 $0x8, s9;
	v16 =	vshrl.u32 v5, $0x3;
	v12 =	vld.idx.msk [tilespmem:v12+s14+$0x0], $0xffff;
	v14 =	vor.u32 v3, v14;
	v15 =	vbroadcast v15, $0x0  }
0x4d: {  	v18 =	vor.u32 $0x6, v4;
	v5 =	vmov s9;
	p0 =	slt.u32 s9, $0x38;
	v16 =	vshll.u32 v16, v1;
	v17 =	vld.idx.msk [tilespmem:v13+s13+$0x0], $0xffff  }
0x4e: {  	v19 =	vor.u32 $0x7, v4;
	v18 =	vbroadcast v18, $0x0;
	v13 =	vld.idx.msk [tilespmem:v13+s14+$0x0], $0xffff;
	v15 =	vor.u32 v3, v15;
	v4 =	vmovc v16  }
0x4f: {  	v19 =	vbroadcast v19, $0x0;
	v16 =	vor.u32 $0x3, v4;
	v20 =	vor.u32 $0x4, v4;
	v21 =	vld.idx.msk [tilespmem:v10+s13+$0x0], $0xffff  }
0x50: {  	v22 =	vor.u32 $0x2, v4;
	v9 =	vmul.bf16 v11, v9;
	v11 =	vor.u32 v3, v18;
	v10 =	vld.idx.msk [tilespmem:v10+s14+$0x0], $0xffff  }
0x51: {  	v18 =	vbroadcast v4, $0x0;
	v23 =	vor.u32 $0x1, v4;
	v19 =	vor.u32 v3, v19;
	v24 =	vld.idx.msk [tilespmem:v14+s13+$0x0], $0xffff  }
0x52: {  	v25 =	vunpack.i.u.bf16.f32 v9;
	v9 =	vunpack.i.l.bf16.f32 v9;
	v8 =	vmul.bf16 v12, v8;
	v12 =	vld.idx.msk [tilespmem:v14+s14+$0x0], $0xffff  }
0x53: {  	v16 =	vbroadcast v16, $0x0;
	v6 =	vadd.f32 v9, v6;
	v7 =	vadd.f32 v25, v7;
	v9 =	vld.idx.msk [tilespmem:v15+s13+$0x0], $0xffff  }
0x54: {  	v14 =	vunpack.i.u.bf16.f32 v8;
	v8 =	vunpack.i.l.bf16.f32 v8;
	v13 =	vmul.bf16 v13, v17;
	v15 =	vld.idx.msk [tilespmem:v15+s14+$0x0], $0xffff  }
0x55: {  	v17 =	vbroadcast v22, $0x0;
	v6 =	vadd.f32 v8, v6;
	v7 =	vadd.f32 v14, v7;
	v8 =	vld.idx.msk [tilespmem:v11+s13+$0x0], $0xffff  }
0x56: {  	v14 =	vunpack.i.u.bf16.f32 v13;
	v13 =	vunpack.i.l.bf16.f32 v13;
	v10 =	vmul.bf16 v10, v21;
	v11 =	vld.idx.msk [tilespmem:v11+s14+$0x0], $0xffff  }
0x57: {  	v21 =	vbroadcast v23, $0x0;
	v6 =	vadd.f32 v13, v6;
	v7 =	vadd.f32 v14, v7;
	v14 =	vld.idx.msk [tilespmem:v19+s13+$0x0], $0xffff  }
0x58: {  	v13 =	vunpack.i.u.bf16.f32 v10;
	v10 =	vunpack.i.l.bf16.f32 v10;
	v12 =	vmul.bf16 v12, v24;
	v19 =	vld.idx.msk [tilespmem:v19+s14+$0x0], $0xffff  }
0x59: {  	v18 =	vor.u32 v3, v18;
	v6 =	vadd.f32 v10, v6;
	v7 =	vadd.f32 v13, v7  }
0x5a: {  	v10 =	vunpack.i.u.bf16.f32 v12;
	v13 =	vunpack.i.l.bf16.f32 v12;
	v9 =	vmul.bf16 v15, v9  }
0x5b: {  	v12 =	vor.u32 v3, v21;
	v6 =	vadd.f32 v13, v6;
	v7 =	vadd.f32 v10, v7  }
0x5c: {  	v10 =	vunpack.i.u.bf16.f32 v9;
	v9 =	vunpack.i.l.bf16.f32 v9;
	v8 =	vmul.bf16 v11, v8  }
.Ltmp0:
0x5d: {  	v13 =	vor.u32 v3, v17;
	v6 =	vadd.f32 v9, v6;
	v7 =	vadd.f32 v10, v7;
	(pc) =	sbr.rel @p0 .LBB2_4-.Ltmp0, $4  }
0x5e: {  	v10 =	vunpack.i.u.bf16.f32 v8;
	v8 =	vunpack.i.l.bf16.f32 v8;
	v15 =	vmul.bf16 v19, v14  }
0x5f: {  	v14 =	vbroadcast v20, $0x0;
	v6 =	vadd.f32 v8, v6;
	v7 =	vadd.f32 v10, v7;
	v9 =	vld.idx.msk [tilespmem:v18+s13+$0x0], $0xffff  }
0x60: {  	v10 =	vor.u32 v3, v16;
	v16 =	vunpack.i.u.bf16.f32 v15;
	v17 =	vunpack.i.l.bf16.f32 v15;
	v11 =	vld.idx.msk [tilespmem:v18+s14+$0x0], $0xffff  }
0x61: {  	v15 =	vor.u32 $0x5, v4;
	v6 =	vadd.f32 v17, v6;
	v7 =	vadd.f32 v16, v7;
	v8 =	vld.idx.msk [tilespmem:v12+s13+$0x0], $0xffff  }
0x62: {  	_ =	sdelay $0x2  }
0x63: {  	v5 =	vshrl.u32 v5, $0x3;
	v14 =	vor.u32 v3, v14  }
0x64: {  	v12 =	vld.idx.msk [tilespmem:v12+s14+$0x0], $0xffff;
	v15 =	vbroadcast v15, $0x0;
	v17 =	vor.u32 $0x6, v4;
	v52 =	vor.u32 $0x7, v4  }
0x65: {  	v16 =	vld.idx.msk [tilespmem:v13+s13+$0x0], $0xffff;
	v5 =	vshll.u32 v5, v1;
	v17 =	vbroadcast v17, $0x0;
	v4 =	vbroadcast v52, $0x0  }
0x66: {  	v51 =	vld.idx.msk [tilespmem:v13+s14+$0x0], $0xffff;
	v15 =	vor.u32 v3, v15;
	v18 =	vor.u32 $0x3, v5;
	v20 =	vor.u32 $0x2, v5  }
0x67: {  	v19 =	vld.idx.msk [tilespmem:v10+s13+$0x0], $0xffff;
	v55 =	vbroadcast v5, $0x0;
	v21 =	vor.u32 $0x1, v5;
	v30 =	vor.u32 $0x4, v5  }
0x68: {  	v53 =	vld.idx.msk [tilespmem:v10+s14+$0x0], $0xffff;
	v35 =	vor.u32 $0x5, v5;
	v40 =	vor.u32 $0x6, v5;
	v5 =	vor.u32 $0x7, v5  }
0x69: {  	v9 =	vmul.bf16 v11, v9;
	v54 =	vor.u32 v3, v17;
	v18 =	vbroadcast v18, $0x0;
	v22 =	vld.idx.msk [tilespmem:v14+s13+$0x0], $0xffff  }
0x6a: {  	v4 =	vor.u32 v3, v4;
	v59 =	vbroadcast v20, $0x0;
	v63 =	vbroadcast v21, $0x0;
	v14 =	vld.idx.msk [tilespmem:v14+s14+$0x0], $0xffff  }
0x6b: {  	v8 =	vmul.bf16 v12, v8;
	v56 =	vunpack.i.u.bf16.f32 v9;
	v9 =	vunpack.i.l.bf16.f32 v9  }
0x6c: {  	v37 =	vbroadcast v35, $0x0;
	v5 =	vbroadcast v5, $0x0;
	v6 =	vadd.f32 v9, v6  }
0x6d: {  	v7 =	vadd.f32 v56, v7;
	v58 =	vunpack.i.u.bf16.f32 v8;
	v8 =	vunpack.i.l.bf16.f32 v8  }
0x6e: {  	v13 =	vmul.bf16 v51, v16;
	v60 =	vmul.bf16 v53, v19;
	v57 =	vld.idx.msk [tilespmem:v15+s13+$0x0], $0xffff;
	v6 =	vadd.f32 v8, v6  }
0x6f: {  	v15 =	vld.idx.msk [tilespmem:v15+s14+$0x0], $0xffff;
	v7 =	vadd.f32 v58, v7;
	v21 =	vmul.bf16 v14, v22;
	v22 =	vor.u32 v3, v55  }
0x70: {  	v27 =	vor.u32 v3, v63;
	v62 =	vunpack.i.u.bf16.f32 v13;
	v13 =	vunpack.i.l.bf16.f32 v13;
	v61 =	vld.idx.msk [tilespmem:v54+s13+$0x0], $0xffff  }
0x71: {  	v29 =	vor.u32 v3, v59;
	v11 =	vld.idx.msk [tilespmem:v54+s14+$0x0], $0xffff;
	v6 =	vadd.f32 v13, v6;
	v7 =	vadd.f32 v62, v7  }
0x72: {  	v12 =	vbroadcast v30, $0x0;
	v20 =	vunpack.i.u.bf16.f32 v60;
	v8 =	vunpack.i.l.bf16.f32 v60;
	v23 =	vld.idx.msk [tilespmem:v4+s13+$0x0], $0xffff  }
0x73: {  	v33 =	vor.u32 v3, v18;
	v4 =	vld.idx.msk [tilespmem:v4+s14+$0x0], $0xffff;
	v6 =	vadd.f32 v8, v6;
	v7 =	vadd.f32 v20, v7  }
0x74: {  	v24 =	vmul.bf16 v15, v57;
	v25 =	vunpack.i.u.bf16.f32 v21;
	v26 =	vunpack.i.l.bf16.f32 v21;
	v31 =	vld.idx.msk [tilespmem:v22+s13+$0x0], $0xffff  }
0x75: {  	v18 =	vbroadcast v40, $0x0;
	v6 =	vadd.f32 v26, v6;
	v7 =	vadd.f32 v25, v7;
	v14 =	vld.idx.msk [tilespmem:v22+s14+$0x0], $0xffff  }
0x76: {  	v34 =	vld.idx.msk [tilespmem:v27+s13+$0x0], $0xffff;
	v10 =	vmul.bf16 v11, v61;
	v28 =	vunpack.i.u.bf16.f32 v24;
	v8 =	vunpack.i.l.bf16.f32 v24  }
0x77: {  	v12 =	vor.u32 v3, v12;
	v36 =	vld.idx.msk [tilespmem:v27+s14+$0x0], $0xffff;
	v6 =	vadd.f32 v8, v6;
	v7 =	vadd.f32 v28, v7  }
0x78: {  	v39 =	vld.idx.msk [tilespmem:v29+s13+$0x0], $0xffff;
	v4 =	vmul.bf16 v4, v23;
	v32 =	vunpack.i.u.bf16.f32 v10;
	v10 =	vunpack.i.l.bf16.f32 v10  }
0x79: {  	v13 =	vor.u32 v3, v37;
	v11 =	vld.idx.msk [tilespmem:v29+s14+$0x0], $0xffff;
	v6 =	vadd.f32 v10, v6;
	v7 =	vadd.f32 v32, v7  }
0x7a: {  	v41 =	vld.idx.msk [tilespmem:v33+s13+$0x0], $0xffff;
	v38 =	vunpack.i.u.bf16.f32 v4;
	v4 =	vunpack.i.l.bf16.f32 v4;
	v8 =	vmul.bf16 v14, v31  }
0x7b: {  	v43 =	vor.u32 v3, v18;
	v42 =	vld.idx.msk [tilespmem:v33+s14+$0x0], $0xffff;
	v4 =	vadd.f32 v4, v6;
	v7 =	vadd.f32 v38, v7  }
0x7c: {  	v44 =	vld.idx.msk [tilespmem:v12+s13+$0x0], $0xffff;
	v10 =	vmul.bf16 v36, v34;
	v45 =	vunpack.i.u.bf16.f32 v8;
	v8 =	vunpack.i.l.bf16.f32 v8  }
0x7d: {  	v3 =	vor.u32 v3, v5;
	v46 =	vld.idx.msk [tilespmem:v12+s14+$0x0], $0xffff;
	v4 =	vadd.f32 v8, v4;
	v7 =	vadd.f32 v45, v7  }
0x7e: {  	v47 =	vld.idx.msk [tilespmem:v13+s13+$0x0], $0xffff;
	v11 =	vmul.bf16 v11, v39;
	v48 =	vunpack.i.u.bf16.f32 v10;
	v10 =	vunpack.i.l.bf16.f32 v10  }
0x7f: {  	v13 =	vld.idx.msk [tilespmem:v13+s14+$0x0], $0xffff;
	v4 =	vadd.f32 v10, v4;
	v7 =	vadd.f32 v48, v7  }
0x80: {  	v49 =	vld.idx.msk [tilespmem:v43+s13+$0x0], $0xffff;
	v50 =	vunpack.i.u.bf16.f32 v11;
	v11 =	vunpack.i.l.bf16.f32 v11;
	v6 =	vmul.bf16 v42, v41  }
0x81: {  	v51 =	vld.idx.msk [tilespmem:v43+s14+$0x0], $0xffff;
	v4 =	vadd.f32 v11, v4;
	v7 =	vadd.f32 v50, v7  }
0x82: {  	v52 =	vld.idx.msk [tilespmem:v3+s13+$0x0], $0xffff;
	v5 =	vmul.bf16 v46, v44;
	v53 =	vunpack.i.u.bf16.f32 v6;
	v6 =	vunpack.i.l.bf16.f32 v6  }
0x83: {  	v3 =	vld.idx.msk [tilespmem:v3+s14+$0x0], $0xffff;
	v4 =	vadd.f32 v6, v4;
	v54 =	vadd.f32 v53, v7  }
0x84: {  	v55 =	vunpack.i.u.bf16.f32 v5;
	v5 =	vunpack.i.l.bf16.f32 v5;
	v8 =	vmul.bf16 v13, v47  }
0x85: {  	v4 =	vadd.f32 v5, v4;
	v56 =	vadd.f32 v55, v54  }
0x86: {  	v59 =	vmul.bf16 v51, v49;
	v57 =	vunpack.i.u.bf16.f32 v8;
	v58 =	vunpack.i.l.bf16.f32 v8  }
0x87: {  	v4 =	vadd.f32 v58, v4;
	v5 =	vadd.f32 v57, v56  }
0x88: {  	v60 =	vunpack.i.u.bf16.f32 v59;
	v61 =	vunpack.i.l.bf16.f32 v59;
	v3 =	vmul.bf16 v3, v52  }
0x89: {  	v4 =	vadd.f32 v61, v4;
	v5 =	vadd.f32 v60, v5  }
0x8a: {  	v62 =	vunpack.i.u.bf16.f32 v3;
	v3 =	vunpack.i.l.bf16.f32 v3  }
0x8b: {  	v3 =	vadd.f32 v3, v4;
	v63 =	vadd.f32 v62, v5;
	_ =	sdelay $0x1  }
0x8c: {  	v3 =	vadd.f32 v63, v3;
	_ =	sdelay $0x1  }
0x8d: {  	v3 =	vsub.f32 $0.0e+00, v3;
	_ =	sdelay $0x1  }
0x8e: {  	v3 =	vmul.f32 $1.442695020e+00, v3;
	_ =	sdelay $0x1  }
0x8f: {  	(erf) = vpow2.f32 v3;
	_ =	sdelay $0x8  }
0x90: {  	v3 =	vpop (erf)  }
0x91: {  	v3 =	vadd.f32 $1.000000000e+00, v3;
	_ =	sdelay $0x1  }
0x92: {  	(erf) = vrcp.f32 v3;
	_ =	sdelay $0x3  }
0x93: {  	s8 =	sadd.s32 $0x1, s8  }
0x94: {  	p0 =	sne.s32 s8, $0x5  }
.Ltmp1:
0x95: {  	_ = 	snop;
	(pc) =	sbr.rel @p0 .LBB2_3-.Ltmp1, $3  }
0x96: {  	_ =	sdelay $0x1  }
0x97: {  	v3 =	vpop (erf)  }
0x98: {  	[tilespmem:v2+s6+$0x0 ss:$0x1] =	vst.idx.msk $0xffff, v3  }
0x99: {  	s8 =	smul.u32 $0x1E0, s5;
	_ =	sdelay $0x1  }
0x9a: {  	s4 =	sadd.s32 $0x1E0, s8  }
0x9b: {  	[tilespmem:s13], [sflag:$0x1] =	stream.indirect.gather [hbm4b:s1+s12], $0x40, s4, s12, $0xb8;
	[tilespmem:$0x16530] =	vst v63  }
0x9c: {  	s6 =	sadd.s32 $0x28F0, s8  }
0x9d: {  	[tilespmem:s14], [sflag:$0x7] =	stream.indirect.gather [hbm4b:s1+s12], $0x40, s6, s12, $0xb8;
	[tilespmem:$0x16530] =	vst v63  }
0x9e: {  	_ =	swait.ge [sflag:s0], $0x1400  }
0x9f: {  	[sflag:s0] =	ssyncset.done $0x0  }
0xa0: {  	[sflag:s0] =	ssyncadd.s32 $0xFFFFEC00  }
0xa1: {  	_ =	swait.ge [sflag:s16], $0x1400  }
0xa2: {  	s9 =	sadd.s32 $0x4E70, s3;
	[sflag:s16] =	ssyncset.done $0x0  }
0xa3: {  	v2 =	vmov s9;
	s6 =	simm.s32 $0x0;
	[sflag:s16] =	ssyncadd.s32 $0xFFFFEC00  }
.LBB2_7:
0xa4: {  	s4 =	simm.s32 $0x0  }
0xa5: {  	v3 =	vmov s4  }
0xa6: {  	s9 =	sshll.u32 s6, $0x4;
	v3 =	vshrl.u32 v3, $0x3  }
0xa7: {  	v5 =	vmov s9;
	v4 =	vshll.u32 v3, v1  }
0xa8: {  	v3 =	vshll.u32 v5, $0x6;
	v5 =	vbroadcast v4, $0x0  }
0xa9: {  	v3 =	vor.u32 v0, v3;
	v6 =	vor.u32 $0x1, v4  }
0xaa: {  	v6 =	vbroadcast v6, $0x0;
	v7 =	vor.u32 v3, v5  }
0xab: {  	v5 =	vor.u32 $0x2, v4  }
0xac: {  	v12 =	vor.u32 v3, v6;
	v10 =	vbroadcast v5, $0x0  }
0xad: {  	v8 =	vor.u32 $0x3, v4  }
0xae: {  	v8 =	vbroadcast v8, $0x0;
	v13 =	vor.u32 v3, v10  }
0xaf: {  	v11 =	vor.u32 $0x4, v4;
	v9 =	vld.idx.msk [tilespmem:v7+s15+$0x0], $0xffff  }
0xb0: {  	s4 =	simm.s32 $0x8;
	v15 =	vor.u32 $0x5, v4;
	v14 =	vbroadcast v11, $0x0;
	v10 =	vor.u32 v3, v8;
	v11 =	vld.idx.msk [tilespmem:v7+s17+$0x0], $0xffff  }
0xb1: {  	v6 =	vimm.f32 $0.0e+00;
	v5 =	vmov s4;
	v7 =	vimm.f32 $0.0e+00;
	v8 =	vld.idx.msk [tilespmem:v12+s15+$0x0], $0xffff  }
.LBB2_8:
0xb2: {  	s4 =	sadd.s32 $0x8, s4;
	v16 =	vshrl.u32 v5, $0x3;
	v12 =	vld.idx.msk [tilespmem:v12+s17+$0x0], $0xffff;
	v14 =	vor.u32 v3, v14;
	v15 =	vbroadcast v15, $0x0  }
0xb3: {  	v18 =	vor.u32 $0x6, v4;
	v5 =	vmov s4;
	p0 =	slt.u32 s4, $0x38;
	v16 =	vshll.u32 v16, v1;
	v17 =	vld.idx.msk [tilespmem:v13+s15+$0x0], $0xffff  }
0xb4: {  	v19 =	vor.u32 $0x7, v4;
	v18 =	vbroadcast v18, $0x0;
	v13 =	vld.idx.msk [tilespmem:v13+s17+$0x0], $0xffff;
	v15 =	vor.u32 v3, v15;
	v4 =	vmovc v16  }
0xb5: {  	v19 =	vbroadcast v19, $0x0;
	v16 =	vor.u32 $0x3, v4;
	v20 =	vor.u32 $0x4, v4;
	v21 =	vld.idx.msk [tilespmem:v10+s15+$0x0], $0xffff  }
0xb6: {  	v22 =	vor.u32 $0x2, v4;
	v9 =	vmul.bf16 v11, v9;
	v11 =	vor.u32 v3, v18;
	v10 =	vld.idx.msk [tilespmem:v10+s17+$0x0], $0xffff  }
0xb7: {  	v18 =	vbroadcast v4, $0x0;
	v23 =	vor.u32 $0x1, v4;
	v19 =	vor.u32 v3, v19;
	v24 =	vld.idx.msk [tilespmem:v14+s15+$0x0], $0xffff  }
0xb8: {  	v25 =	vunpack.i.u.bf16.f32 v9;
	v9 =	vunpack.i.l.bf16.f32 v9;
	v8 =	vmul.bf16 v12, v8;
	v12 =	vld.idx.msk [tilespmem:v14+s17+$0x0], $0xffff  }
0xb9: {  	v16 =	vbroadcast v16, $0x0;
	v6 =	vadd.f32 v9, v6;
	v7 =	vadd.f32 v25, v7;
	v9 =	vld.idx.msk [tilespmem:v15+s15+$0x0], $0xffff  }
0xba: {  	v14 =	vunpack.i.u.bf16.f32 v8;
	v8 =	vunpack.i.l.bf16.f32 v8;
	v13 =	vmul.bf16 v13, v17;
	v15 =	vld.idx.msk [tilespmem:v15+s17+$0x0], $0xffff  }
0xbb: {  	v17 =	vbroadcast v22, $0x0;
	v6 =	vadd.f32 v8, v6;
	v7 =	vadd.f32 v14, v7;
	v8 =	vld.idx.msk [tilespmem:v11+s15+$0x0], $0xffff  }
0xbc: {  	v14 =	vunpack.i.u.bf16.f32 v13;
	v13 =	vunpack.i.l.bf16.f32 v13;
	v10 =	vmul.bf16 v10, v21;
	v11 =	vld.idx.msk [tilespmem:v11+s17+$0x0], $0xffff  }
0xbd: {  	v21 =	vbroadcast v23, $0x0;
	v6 =	vadd.f32 v13, v6;
	v7 =	vadd.f32 v14, v7;
	v14 =	vld.idx.msk [tilespmem:v19+s15+$0x0], $0xffff  }
0xbe: {  	v13 =	vunpack.i.u.bf16.f32 v10;
	v10 =	vunpack.i.l.bf16.f32 v10;
	v12 =	vmul.bf16 v12, v24;
	v19 =	vld.idx.msk [tilespmem:v19+s17+$0x0], $0xffff  }
0xbf: {  	v18 =	vor.u32 v3, v18;
	v6 =	vadd.f32 v10, v6;
	v7 =	vadd.f32 v13, v7  }
0xc0: {  	v10 =	vunpack.i.u.bf16.f32 v12;
	v13 =	vunpack.i.l.bf16.f32 v12;
	v9 =	vmul.bf16 v15, v9  }
0xc1: {  	v12 =	vor.u32 v3, v21;
	v6 =	vadd.f32 v13, v6;
	v7 =	vadd.f32 v10, v7  }
0xc2: {  	v10 =	vunpack.i.u.bf16.f32 v9;
	v9 =	vunpack.i.l.bf16.f32 v9;
	v8 =	vmul.bf16 v11, v8  }
.Ltmp2:
0xc3: {  	v13 =	vor.u32 v3, v17;
	v6 =	vadd.f32 v9, v6;
	v7 =	vadd.f32 v10, v7;
	(pc) =	sbr.rel @p0 .LBB2_8-.Ltmp2, $4  }
0xc4: {  	v10 =	vunpack.i.u.bf16.f32 v8;
	v8 =	vunpack.i.l.bf16.f32 v8;
	v15 =	vmul.bf16 v19, v14  }
0xc5: {  	v14 =	vbroadcast v20, $0x0;
	v6 =	vadd.f32 v8, v6;
	v7 =	vadd.f32 v10, v7;
	v9 =	vld.idx.msk [tilespmem:v18+s15+$0x0], $0xffff  }
0xc6: {  	v10 =	vor.u32 v3, v16;
	v16 =	vunpack.i.u.bf16.f32 v15;
	v17 =	vunpack.i.l.bf16.f32 v15;
	v11 =	vld.idx.msk [tilespmem:v18+s17+$0x0], $0xffff  }
0xc7: {  	v15 =	vor.u32 $0x5, v4;
	v6 =	vadd.f32 v17, v6;
	v7 =	vadd.f32 v16, v7;
	v8 =	vld.idx.msk [tilespmem:v12+s15+$0x0], $0xffff  }
0xc8: {  	_ =	sdelay $0x2  }
0xc9: {  	v5 =	vshrl.u32 v5, $0x3;
	v14 =	vor.u32 v3, v14  }
0xca: {  	v12 =	vld.idx.msk [tilespmem:v12+s17+$0x0], $0xffff;
	v15 =	vbroadcast v15, $0x0;
	v17 =	vor.u32 $0x6, v4;
	v52 =	vor.u32 $0x7, v4  }
0xcb: {  	v16 =	vld.idx.msk [tilespmem:v13+s15+$0x0], $0xffff;
	v5 =	vshll.u32 v5, v1;
	v17 =	vbroadcast v17, $0x0;
	v4 =	vbroadcast v52, $0x0  }
0xcc: {  	v51 =	vld.idx.msk [tilespmem:v13+s17+$0x0], $0xffff;
	v15 =	vor.u32 v3, v15;
	v18 =	vor.u32 $0x3, v5;
	v20 =	vor.u32 $0x2, v5  }
0xcd: {  	v19 =	vld.idx.msk [tilespmem:v10+s15+$0x0], $0xffff;
	v55 =	vbroadcast v5, $0x0;
	v21 =	vor.u32 $0x1, v5;
	v30 =	vor.u32 $0x4, v5  }
0xce: {  	v53 =	vld.idx.msk [tilespmem:v10+s17+$0x0], $0xffff;
	v35 =	vor.u32 $0x5, v5;
	v40 =	vor.u32 $0x6, v5;
	v5 =	vor.u32 $0x7, v5  }
0xcf: {  	v9 =	vmul.bf16 v11, v9;
	v54 =	vor.u32 v3, v17;
	v18 =	vbroadcast v18, $0x0;
	v22 =	vld.idx.msk [tilespmem:v14+s15+$0x0], $0xffff  }
0xd0: {  	v4 =	vor.u32 v3, v4;
	v59 =	vbroadcast v20, $0x0;
	v63 =	vbroadcast v21, $0x0;
	v14 =	vld.idx.msk [tilespmem:v14+s17+$0x0], $0xffff  }
0xd1: {  	v8 =	vmul.bf16 v12, v8;
	v56 =	vunpack.i.u.bf16.f32 v9;
	v9 =	vunpack.i.l.bf16.f32 v9  }
0xd2: {  	v37 =	vbroadcast v35, $0x0;
	v5 =	vbroadcast v5, $0x0;
	v6 =	vadd.f32 v9, v6  }
0xd3: {  	v7 =	vadd.f32 v56, v7;
	v58 =	vunpack.i.u.bf16.f32 v8;
	v8 =	vunpack.i.l.bf16.f32 v8  }
0xd4: {  	v13 =	vmul.bf16 v51, v16;
	v60 =	vmul.bf16 v53, v19;
	v57 =	vld.idx.msk [tilespmem:v15+s15+$0x0], $0xffff;
	v6 =	vadd.f32 v8, v6  }
0xd5: {  	v15 =	vld.idx.msk [tilespmem:v15+s17+$0x0], $0xffff;
	v7 =	vadd.f32 v58, v7;
	v21 =	vmul.bf16 v14, v22;
	v22 =	vor.u32 v3, v55  }
0xd6: {  	v27 =	vor.u32 v3, v63;
	v62 =	vunpack.i.u.bf16.f32 v13;
	v13 =	vunpack.i.l.bf16.f32 v13;
	v61 =	vld.idx.msk [tilespmem:v54+s15+$0x0], $0xffff  }
0xd7: {  	v29 =	vor.u32 v3, v59;
	v11 =	vld.idx.msk [tilespmem:v54+s17+$0x0], $0xffff;
	v6 =	vadd.f32 v13, v6;
	v7 =	vadd.f32 v62, v7  }
0xd8: {  	v12 =	vbroadcast v30, $0x0;
	v20 =	vunpack.i.u.bf16.f32 v60;
	v8 =	vunpack.i.l.bf16.f32 v60;
	v23 =	vld.idx.msk [tilespmem:v4+s15+$0x0], $0xffff  }
0xd9: {  	v33 =	vor.u32 v3, v18;
	v4 =	vld.idx.msk [tilespmem:v4+s17+$0x0], $0xffff;
	v6 =	vadd.f32 v8, v6;
	v7 =	vadd.f32 v20, v7  }
0xda: {  	v24 =	vmul.bf16 v15, v57;
	v25 =	vunpack.i.u.bf16.f32 v21;
	v26 =	vunpack.i.l.bf16.f32 v21;
	v31 =	vld.idx.msk [tilespmem:v22+s15+$0x0], $0xffff  }
0xdb: {  	v18 =	vbroadcast v40, $0x0;
	v6 =	vadd.f32 v26, v6;
	v7 =	vadd.f32 v25, v7;
	v14 =	vld.idx.msk [tilespmem:v22+s17+$0x0], $0xffff  }
0xdc: {  	v34 =	vld.idx.msk [tilespmem:v27+s15+$0x0], $0xffff;
	v10 =	vmul.bf16 v11, v61;
	v28 =	vunpack.i.u.bf16.f32 v24;
	v8 =	vunpack.i.l.bf16.f32 v24  }
0xdd: {  	v12 =	vor.u32 v3, v12;
	v36 =	vld.idx.msk [tilespmem:v27+s17+$0x0], $0xffff;
	v6 =	vadd.f32 v8, v6;
	v7 =	vadd.f32 v28, v7  }
0xde: {  	v39 =	vld.idx.msk [tilespmem:v29+s15+$0x0], $0xffff;
	v4 =	vmul.bf16 v4, v23;
	v32 =	vunpack.i.u.bf16.f32 v10;
	v10 =	vunpack.i.l.bf16.f32 v10  }
0xdf: {  	v13 =	vor.u32 v3, v37;
	v11 =	vld.idx.msk [tilespmem:v29+s17+$0x0], $0xffff;
	v6 =	vadd.f32 v10, v6;
	v7 =	vadd.f32 v32, v7  }
0xe0: {  	v41 =	vld.idx.msk [tilespmem:v33+s15+$0x0], $0xffff;
	v38 =	vunpack.i.u.bf16.f32 v4;
	v4 =	vunpack.i.l.bf16.f32 v4;
	v8 =	vmul.bf16 v14, v31  }
0xe1: {  	v43 =	vor.u32 v3, v18;
	v42 =	vld.idx.msk [tilespmem:v33+s17+$0x0], $0xffff;
	v4 =	vadd.f32 v4, v6;
	v7 =	vadd.f32 v38, v7  }
0xe2: {  	v44 =	vld.idx.msk [tilespmem:v12+s15+$0x0], $0xffff;
	v10 =	vmul.bf16 v36, v34;
	v45 =	vunpack.i.u.bf16.f32 v8;
	v8 =	vunpack.i.l.bf16.f32 v8  }
0xe3: {  	v3 =	vor.u32 v3, v5;
	v46 =	vld.idx.msk [tilespmem:v12+s17+$0x0], $0xffff;
	v4 =	vadd.f32 v8, v4;
	v7 =	vadd.f32 v45, v7  }
0xe4: {  	v47 =	vld.idx.msk [tilespmem:v13+s15+$0x0], $0xffff;
	v11 =	vmul.bf16 v11, v39;
	v48 =	vunpack.i.u.bf16.f32 v10;
	v10 =	vunpack.i.l.bf16.f32 v10  }
0xe5: {  	v13 =	vld.idx.msk [tilespmem:v13+s17+$0x0], $0xffff;
	v4 =	vadd.f32 v10, v4;
	v7 =	vadd.f32 v48, v7  }
0xe6: {  	v49 =	vld.idx.msk [tilespmem:v43+s15+$0x0], $0xffff;
	v50 =	vunpack.i.u.bf16.f32 v11;
	v11 =	vunpack.i.l.bf16.f32 v11;
	v6 =	vmul.bf16 v42, v41  }
0xe7: {  	v51 =	vld.idx.msk [tilespmem:v43+s17+$0x0], $0xffff;
	v4 =	vadd.f32 v11, v4;
	v7 =	vadd.f32 v50, v7  }
0xe8: {  	v52 =	vld.idx.msk [tilespmem:v3+s15+$0x0], $0xffff;
	v5 =	vmul.bf16 v46, v44;
	v53 =	vunpack.i.u.bf16.f32 v6;
	v6 =	vunpack.i.l.bf16.f32 v6  }
0xe9: {  	v3 =	vld.idx.msk [tilespmem:v3+s17+$0x0], $0xffff;
	v4 =	vadd.f32 v6, v4;
	v54 =	vadd.f32 v53, v7  }
0xea: {  	v55 =	vunpack.i.u.bf16.f32 v5;
	v5 =	vunpack.i.l.bf16.f32 v5;
	v8 =	vmul.bf16 v13, v47  }
0xeb: {  	v4 =	vadd.f32 v5, v4;
	v56 =	vadd.f32 v55, v54  }
0xec: {  	v59 =	vmul.bf16 v51, v49;
	v57 =	vunpack.i.u.bf16.f32 v8;
	v58 =	vunpack.i.l.bf16.f32 v8  }
0xed: {  	v4 =	vadd.f32 v58, v4;
	v5 =	vadd.f32 v57, v56  }
0xee: {  	v60 =	vunpack.i.u.bf16.f32 v59;
	v61 =	vunpack.i.l.bf16.f32 v59;
	v3 =	vmul.bf16 v3, v52  }
0xef: {  	v4 =	vadd.f32 v61, v4;
	v5 =	vadd.f32 v60, v5  }
0xf0: {  	v62 =	vunpack.i.u.bf16.f32 v3;
	v3 =	vunpack.i.l.bf16.f32 v3  }
0xf1: {  	v3 =	vadd.f32 v3, v4;
	v63 =	vadd.f32 v62, v5;
	_ =	sdelay $0x1  }
0xf2: {  	v3 =	vadd.f32 v63, v3;
	_ =	sdelay $0x1  }
0xf3: {  	v3 =	vsub.f32 $0.0e+00, v3;
	_ =	sdelay $0x1  }
0xf4: {  	v3 =	vmul.f32 $1.442695020e+00, v3;
	_ =	sdelay $0x1  }
0xf5: {  	(erf) = vpow2.f32 v3;
	_ =	sdelay $0x8  }
0xf6: {  	v3 =	vpop (erf)  }
0xf7: {  	v3 =	vadd.f32 $1.000000000e+00, v3;
	_ =	sdelay $0x1  }
0xf8: {  	(erf) = vrcp.f32 v3;
	_ =	sdelay $0x3  }
0xf9: {  	s6 =	sadd.s32 $0x1, s6  }
0xfa: {  	p0 =	sne.s32 s6, $0x5  }
.Ltmp3:
0xfb: {  	_ = 	snop;
	(pc) =	sbr.rel @p0 .LBB2_7-.Ltmp3, $3  }
0xfc: {  	_ =	sdelay $0x1  }
0xfd: {  	v3 =	vpop (erf)  }
0xfe: {  	[tilespmem:v2+s9+$0x0 ss:$0x1] =	vst.idx.msk $0xffff, v3  }
0xff: {  	s4 =	sadd.s32 $0x230, s8  }
0x100: {  	[tilespmem:s15], [sflag:$0x2] =	stream.indirect.gather [hbm4b:s1+s12], $0x40, s4, s12, $0xb8;
	[tilespmem:$0x16530] =	vst v63  }
0x101: {  	s6 =	sadd.s32 $0x2940, s8  }
0x102: {  	[tilespmem:s17], [sflag:$0x8] =	stream.indirect.gather [hbm4b:s1+s12], $0x40, s6, s12, $0xb8;
	[tilespmem:$0x16530] =	vst v63  }
0x103: {  	_ =	swait.ge [sflag:s18], $0x1400  }
0x104: {  	[sflag:s18] =	ssyncset.done $0x0  }
0x105: {  	[sflag:s18] =	ssyncadd.s32 $0xFFFFEC00  }
0x106: {  	_ =	swait.ge [sflag:s20], $0x1400  }
0x107: {  	s9 =	sadd.s32 $0x4EC0, s3;
	[sflag:s20] =	ssyncset.done $0x0  }
0x108: {  	v2 =	vmov s9;
	s6 =	simm.s32 $0x0;
	[sflag:s20] =	ssyncadd.s32 $0xFFFFEC00  }
.LBB2_11:
0x109: {  	s4 =	simm.s32 $0x0  }
0x10a: {  	v3 =	vmov s4  }
0x10b: {  	s9 =	sshll.u32 s6, $0x4;
	v3 =	vshrl.u32 v3, $0x3  }
0x10c: {  	v5 =	vmov s9;
	v4 =	vshll.u32 v3, v1  }
0x10d: {  	v3 =	vshll.u32 v5, $0x6;
	v5 =	vbroadcast v4, $0x0  }
0x10e: {  	v3 =	vor.u32 v0, v3;
	v6 =	vor.u32 $0x1, v4  }
0x10f: {  	v6 =	vbroadcast v6, $0x0;
	v7 =	vor.u32 v3, v5  }
0x110: {  	v5 =	vor.u32 $0x2, v4  }
0x111: {  	v12 =	vor.u32 v3, v6;
	v10 =	vbroadcast v5, $0x0  }
0x112: {  	v8 =	vor.u32 $0x3, v4  }
0x113: {  	v8 =	vbroadcast v8, $0x0;
	v13 =	vor.u32 v3, v10  }
0x114: {  	v11 =	vor.u32 $0x4, v4;
	v9 =	vld.idx.msk [tilespmem:v7+s19+$0x0], $0xffff  }
0x115: {  	s4 =	simm.s32 $0x8;
	v15 =	vor.u32 $0x5, v4;
	v14 =	vbroadcast v11, $0x0;
	v10 =	vor.u32 v3, v8;
	v11 =	vld.idx.msk [tilespmem:v7+s21+$0x0], $0xffff  }
0x116: {  	v6 =	vimm.f32 $0.0e+00;
	v5 =	vmov s4;
	v7 =	vimm.f32 $0.0e+00;
	v8 =	vld.idx.msk [tilespmem:v12+s19+$0x0], $0xffff  }
.LBB2_12:
0x117: {  	s4 =	sadd.s32 $0x8, s4;
	v16 =	vshrl.u32 v5, $0x3;
	v12 =	vld.idx.msk [tilespmem:v12+s21+$0x0], $0xffff;
	v14 =	vor.u32 v3, v14;
	v15 =	vbroadcast v15, $0x0  }
0x118: {  	v18 =	vor.u32 $0x6, v4;
	v5 =	vmov s4;
	p0 =	slt.u32 s4, $0x38;
	v16 =	vshll.u32 v16, v1;
	v17 =	vld.idx.msk [tilespmem:v13+s19+$0x0], $0xffff  }
0x119: {  	v19 =	vor.u32 $0x7, v4;
	v18 =	vbroadcast v18, $0x0;
	v13 =	vld.idx.msk [tilespmem:v13+s21+$0x0], $0xffff;
	v15 =	vor.u32 v3, v15;
	v4 =	vmovc v16  }
0x11a: {  	v19 =	vbroadcast v19, $0x0;
	v16 =	vor.u32 $0x3, v4;
	v20 =	vor.u32 $0x4, v4;
	v21 =	vld.idx.msk [tilespmem:v10+s19+$0x0], $0xffff  }
0x11b: {  	v22 =	vor.u32 $0x2, v4;
	v9 =	vmul.bf16 v11, v9;
	v11 =	vor.u32 v3, v18;
	v10 =	vld.idx.msk [tilespmem:v10+s21+$0x0], $0xffff  }
0x11c: {  	v18 =	vbroadcast v4, $0x0;
	v23 =	vor.u32 $0x1, v4;
	v19 =	vor.u32 v3, v19;
	v24 =	vld.idx.msk [tilespmem:v14+s19+$0x0], $0xffff  }
0x11d: {  	v25 =	vunpack.i.u.bf16.f32 v9;
	v9 =	vunpack.i.l.bf16.f32 v9;
	v8 =	vmul.bf16 v12, v8;
	v12 =	vld.idx.msk [tilespmem:v14+s21+$0x0], $0xffff  }
0x11e: {  	v16 =	vbroadcast v16, $0x0;
	v6 =	vadd.f32 v9, v6;
	v7 =	vadd.f32 v25, v7;
	v9 =	vld.idx.msk [tilespmem:v15+s19+$0x0], $0xffff  }
0x11f: {  	v14 =	vunpack.i.u.bf16.f32 v8;
	v8 =	vunpack.i.l.bf16.f32 v8;
	v13 =	vmul.bf16 v13, v17;
	v15 =	vld.idx.msk [tilespmem:v15+s21+$0x0], $0xffff  }
0x120: {  	v17 =	vbroadcast v22, $0x0;
	v6 =	vadd.f32 v8, v6;
	v7 =	vadd.f32 v14, v7;
	v8 =	vld.idx.msk [tilespmem:v11+s19+$0x0], $0xffff  }
0x121: {  	v14 =	vunpack.i.u.bf16.f32 v13;
	v13 =	vunpack.i.l.bf16.f32 v13;
	v10 =	vmul.bf16 v10, v21;
	v11 =	vld.idx.msk [tilespmem:v11+s21+$0x0], $0xffff  }
0x122: {  	v21 =	vbroadcast v23, $0x0;
	v6 =	vadd.f32 v13, v6;
	v7 =	vadd.f32 v14, v7;
	v14 =	vld.idx.msk [tilespmem:v19+s19+$0x0], $0xffff  }
0x123: {  	v13 =	vunpack.i.u.bf16.f32 v10;
	v10 =	vunpack.i.l.bf16.f32 v10;
	v12 =	vmul.bf16 v12, v24;
	v19 =	vld.idx.msk [tilespmem:v19+s21+$0x0], $0xffff  }
0x124: {  	v18 =	vor.u32 v3, v18;
	v6 =	vadd.f32 v10, v6;
	v7 =	vadd.f32 v13, v7  }
0x125: {  	v10 =	vunpack.i.u.bf16.f32 v12;
	v13 =	vunpack.i.l.bf16.f32 v12;
	v9 =	vmul.bf16 v15, v9  }
0x126: {  	v12 =	vor.u32 v3, v21;
	v6 =	vadd.f32 v13, v6;
	v7 =	vadd.f32 v10, v7  }
0x127: {  	v10 =	vunpack.i.u.bf16.f32 v9;
	v9 =	vunpack.i.l.bf16.f32 v9;
	v8 =	vmul.bf16 v11, v8  }
.Ltmp4:
0x128: {  	v13 =	vor.u32 v3, v17;
	v6 =	vadd.f32 v9, v6;
	v7 =	vadd.f32 v10, v7;
	(pc) =	sbr.rel @p0 .LBB2_12-.Ltmp4, $4  }
0x129: {  	v10 =	vunpack.i.u.bf16.f32 v8;
	v8 =	vunpack.i.l.bf16.f32 v8;
	v15 =	vmul.bf16 v19, v14  }
0x12a: {  	v14 =	vbroadcast v20, $0x0;
	v6 =	vadd.f32 v8, v6;
	v7 =	vadd.f32 v10, v7;
	v9 =	vld.idx.msk [tilespmem:v18+s19+$0x0], $0xffff  }
0x12b: {  	v10 =	vor.u32 v3, v16;
	v16 =	vunpack.i.u.bf16.f32 v15;
	v17 =	vunpack.i.l.bf16.f32 v15;
	v11 =	vld.idx.msk [tilespmem:v18+s21+$0x0], $0xffff  }
0x12c: {  	v15 =	vor.u32 $0x5, v4;
	v6 =	vadd.f32 v17, v6;
	v7 =	vadd.f32 v16, v7;
	v8 =	vld.idx.msk [tilespmem:v12+s19+$0x0], $0xffff  }
0x12d: {  	_ =	sdelay $0x2  }
0x12e: {  	v5 =	vshrl.u32 v5, $0x3;
	v14 =	vor.u32 v3, v14  }
0x12f: {  	v12 =	vld.idx.msk [tilespmem:v12+s21+$0x0], $0xffff;
	v15 =	vbroadcast v15, $0x0;
	v17 =	vor.u32 $0x6, v4;
	v52 =	vor.u32 $0x7, v4  }
0x130: {  	v16 =	vld.idx.msk [tilespmem:v13+s19+$0x0], $0xffff;
	v5 =	vshll.u32 v5, v1;
	v17 =	vbroadcast v17, $0x0;
	v4 =	vbroadcast v52, $0x0  }
0x131: {  	v51 =	vld.idx.msk [tilespmem:v13+s21+$0x0], $0xffff;
	v15 =	vor.u32 v3, v15;
	v18 =	vor.u32 $0x3, v5;
	v20 =	vor.u32 $0x2, v5  }
0x132: {  	v19 =	vld.idx.msk [tilespmem:v10+s19+$0x0], $0xffff;
	v55 =	vbroadcast v5, $0x0;
	v21 =	vor.u32 $0x1, v5;
	v30 =	vor.u32 $0x4, v5  }
0x133: {  	v53 =	vld.idx.msk [tilespmem:v10+s21+$0x0], $0xffff;
	v35 =	vor.u32 $0x5, v5;
	v40 =	vor.u32 $0x6, v5;
	v5 =	vor.u32 $0x7, v5  }
0x134: {  	v9 =	vmul.bf16 v11, v9;
	v54 =	vor.u32 v3, v17;
	v18 =	vbroadcast v18, $0x0;
	v22 =	vld.idx.msk [tilespmem:v14+s19+$0x0], $0xffff  }
0x135: {  	v4 =	vor.u32 v3, v4;
	v59 =	vbroadcast v20, $0x0;
	v63 =	vbroadcast v21, $0x0;
	v14 =	vld.idx.msk [tilespmem:v14+s21+$0x0], $0xffff  }
0x136: {  	v8 =	vmul.bf16 v12, v8;
	v56 =	vunpack.i.u.bf16.f32 v9;
	v9 =	vunpack.i.l.bf16.f32 v9  }
0x137: {  	v37 =	vbroadcast v35, $0x0;
	v5 =	vbroadcast v5, $0x0;
	v6 =	vadd.f32 v9, v6  }
0x138: {  	v7 =	vadd.f32 v56, v7;
	v58 =	vunpack.i.u.bf16.f32 v8;
	v8 =	vunpack.i.l.bf16.f32 v8  }
0x139: {  	v13 =	vmul.bf16 v51, v16;
	v60 =	vmul.bf16 v53, v19;
	v57 =	vld.idx.msk [tilespmem:v15+s19+$0x0], $0xffff;
	v6 =	vadd.f32 v8, v6  }
0x13a: {  	v15 =	vld.idx.msk [tilespmem:v15+s21+$0x0], $0xffff;
	v7 =	vadd.f32 v58, v7;
	v21 =	vmul.bf16 v14, v22;
	v22 =	vor.u32 v3, v55  }
0x13b: {  	v27 =	vor.u32 v3, v63;
	v62 =	vunpack.i.u.bf16.f32 v13;
	v13 =	vunpack.i.l.bf16.f32 v13;
	v61 =	vld.idx.msk [tilespmem:v54+s19+$0x0], $0xffff  }
0x13c: {  	v29 =	vor.u32 v3, v59;
	v11 =	vld.idx.msk [tilespmem:v54+s21+$0x0], $0xffff;
	v6 =	vadd.f32 v13, v6;
	v7 =	vadd.f32 v62, v7  }
0x13d: {  	v12 =	vbroadcast v30, $0x0;
	v20 =	vunpack.i.u.bf16.f32 v60;
	v8 =	vunpack.i.l.bf16.f32 v60;
	v23 =	vld.idx.msk [tilespmem:v4+s19+$0x0], $0xffff  }
0x13e: {  	v33 =	vor.u32 v3, v18;
	v4 =	vld.idx.msk [tilespmem:v4+s21+$0x0], $0xffff;
	v6 =	vadd.f32 v8, v6;
	v7 =	vadd.f32 v20, v7  }
0x13f: {  	v24 =	vmul.bf16 v15, v57;
	v25 =	vunpack.i.u.bf16.f32 v21;
	v26 =	vunpack.i.l.bf16.f32 v21;
	v31 =	vld.idx.msk [tilespmem:v22+s19+$0x0], $0xffff  }
0x140: {  	v18 =	vbroadcast v40, $0x0;
	v6 =	vadd.f32 v26, v6;
	v7 =	vadd.f32 v25, v7;
	v14 =	vld.idx.msk [tilespmem:v22+s21+$0x0], $0xffff  }
0x141: {  	v34 =	vld.idx.msk [tilespmem:v27+s19+$0x0], $0xffff;
	v10 =	vmul.bf16 v11, v61;
	v28 =	vunpack.i.u.bf16.f32 v24;
	v8 =	vunpack.i.l.bf16.f32 v24  }
0x142: {  	v12 =	vor.u32 v3, v12;
	v36 =	vld.idx.msk [tilespmem:v27+s21+$0x0], $0xffff;
	v6 =	vadd.f32 v8, v6;
	v7 =	vadd.f32 v28, v7  }
0x143: {  	v39 =	vld.idx.msk [tilespmem:v29+s19+$0x0], $0xffff;
	v4 =	vmul.bf16 v4, v23;
	v32 =	vunpack.i.u.bf16.f32 v10;
	v10 =	vunpack.i.l.bf16.f32 v10  }
0x144: {  	v13 =	vor.u32 v3, v37;
	v11 =	vld.idx.msk [tilespmem:v29+s21+$0x0], $0xffff;
	v6 =	vadd.f32 v10, v6;
	v7 =	vadd.f32 v32, v7  }
0x145: {  	v41 =	vld.idx.msk [tilespmem:v33+s19+$0x0], $0xffff;
	v38 =	vunpack.i.u.bf16.f32 v4;
	v4 =	vunpack.i.l.bf16.f32 v4;
	v8 =	vmul.bf16 v14, v31  }
0x146: {  	v43 =	vor.u32 v3, v18;
	v42 =	vld.idx.msk [tilespmem:v33+s21+$0x0], $0xffff;
	v4 =	vadd.f32 v4, v6;
	v7 =	vadd.f32 v38, v7  }
0x147: {  	v44 =	vld.idx.msk [tilespmem:v12+s19+$0x0], $0xffff;
	v10 =	vmul.bf16 v36, v34;
	v45 =	vunpack.i.u.bf16.f32 v8;
	v8 =	vunpack.i.l.bf16.f32 v8  }
0x148: {  	v3 =	vor.u32 v3, v5;
	v46 =	vld.idx.msk [tilespmem:v12+s21+$0x0], $0xffff;
	v4 =	vadd.f32 v8, v4;
	v7 =	vadd.f32 v45, v7  }
0x149: {  	v47 =	vld.idx.msk [tilespmem:v13+s19+$0x0], $0xffff;
	v11 =	vmul.bf16 v11, v39;
	v48 =	vunpack.i.u.bf16.f32 v10;
	v10 =	vunpack.i.l.bf16.f32 v10  }
0x14a: {  	v13 =	vld.idx.msk [tilespmem:v13+s21+$0x0], $0xffff;
	v4 =	vadd.f32 v10, v4;
	v7 =	vadd.f32 v48, v7  }
0x14b: {  	v49 =	vld.idx.msk [tilespmem:v43+s19+$0x0], $0xffff;
	v50 =	vunpack.i.u.bf16.f32 v11;
	v11 =	vunpack.i.l.bf16.f32 v11;
	v6 =	vmul.bf16 v42, v41  }
0x14c: {  	v51 =	vld.idx.msk [tilespmem:v43+s21+$0x0], $0xffff;
	v4 =	vadd.f32 v11, v4;
	v7 =	vadd.f32 v50, v7  }
0x14d: {  	v52 =	vld.idx.msk [tilespmem:v3+s19+$0x0], $0xffff;
	v5 =	vmul.bf16 v46, v44;
	v53 =	vunpack.i.u.bf16.f32 v6;
	v6 =	vunpack.i.l.bf16.f32 v6  }
0x14e: {  	v3 =	vld.idx.msk [tilespmem:v3+s21+$0x0], $0xffff;
	v4 =	vadd.f32 v6, v4;
	v54 =	vadd.f32 v53, v7  }
0x14f: {  	v55 =	vunpack.i.u.bf16.f32 v5;
	v5 =	vunpack.i.l.bf16.f32 v5;
	v8 =	vmul.bf16 v13, v47  }
0x150: {  	v4 =	vadd.f32 v5, v4;
	v56 =	vadd.f32 v55, v54  }
0x151: {  	v59 =	vmul.bf16 v51, v49;
	v57 =	vunpack.i.u.bf16.f32 v8;
	v58 =	vunpack.i.l.bf16.f32 v8  }
0x152: {  	v4 =	vadd.f32 v58, v4;
	v5 =	vadd.f32 v57, v56  }
0x153: {  	v60 =	vunpack.i.u.bf16.f32 v59;
	v61 =	vunpack.i.l.bf16.f32 v59;
	v3 =	vmul.bf16 v3, v52  }
0x154: {  	v4 =	vadd.f32 v61, v4;
	v5 =	vadd.f32 v60, v5  }
0x155: {  	v62 =	vunpack.i.u.bf16.f32 v3;
	v3 =	vunpack.i.l.bf16.f32 v3  }
0x156: {  	v3 =	vadd.f32 v3, v4;
	v63 =	vadd.f32 v62, v5;
	_ =	sdelay $0x1  }
0x157: {  	v3 =	vadd.f32 v63, v3;
	_ =	sdelay $0x1  }
0x158: {  	v3 =	vsub.f32 $0.0e+00, v3;
	_ =	sdelay $0x1  }
0x159: {  	v3 =	vmul.f32 $1.442695020e+00, v3;
	_ =	sdelay $0x1  }
0x15a: {  	(erf) = vpow2.f32 v3;
	_ =	sdelay $0x8  }
0x15b: {  	v3 =	vpop (erf)  }
0x15c: {  	v3 =	vadd.f32 $1.000000000e+00, v3;
	_ =	sdelay $0x1  }
0x15d: {  	(erf) = vrcp.f32 v3;
	_ =	sdelay $0x3  }
0x15e: {  	s6 =	sadd.s32 $0x1, s6  }
0x15f: {  	p0 =	sne.s32 s6, $0x5  }
.Ltmp5:
0x160: {  	_ = 	snop;
	(pc) =	sbr.rel @p0 .LBB2_11-.Ltmp5, $3  }
0x161: {  	_ =	sdelay $0x1  }
0x162: {  	v3 =	vpop (erf)  }
0x163: {  	[tilespmem:v2+s9+$0x0 ss:$0x1] =	vst.idx.msk $0xffff, v3  }
0x164: {  	s4 =	sadd.s32 $0x280, s8  }
0x165: {  	[tilespmem:s19], [sflag:$0x3] =	stream.indirect.gather [hbm4b:s1+s12], $0x40, s4, s12, $0xb8;
	[tilespmem:$0x16530] =	vst v63  }
0x166: {  	s6 =	sadd.s32 $0x2990, s8  }
0x167: {  	[tilespmem:s21], [sflag:$0x9] =	stream.indirect.gather [hbm4b:s1+s12], $0x40, s6, s12, $0xb8;
	[tilespmem:$0x16530] =	vst v63  }
0x168: {  	_ =	swait.ge [sflag:s22], $0x1400  }
0x169: {  	[sflag:s22] =	ssyncset.done $0x0  }
0x16a: {  	[sflag:s22] =	ssyncadd.s32 $0xFFFFEC00  }
0x16b: {  	_ =	swait.ge [sflag:s24], $0x1400  }
0x16c: {  	s9 =	sadd.s32 $0x4F10, s3;
	[sflag:s24] =	ssyncset.done $0x0  }
0x16d: {  	v2 =	vmov s9;
	s6 =	simm.s32 $0x0;
	[sflag:s24] =	ssyncadd.s32 $0xFFFFEC00  }
.LBB2_15:
0x16e: {  	s4 =	simm.s32 $0x0  }
0x16f: {  	v3 =	vmov s4  }
0x170: {  	s9 =	sshll.u32 s6, $0x4;
	v3 =	vshrl.u32 v3, $0x3  }
0x171: {  	v5 =	vmov s9;
	v4 =	vshll.u32 v3, v1  }
0x172: {  	v3 =	vshll.u32 v5, $0x6;
	v5 =	vbroadcast v4, $0x0  }
0x173: {  	v3 =	vor.u32 v0, v3;
	v6 =	vor.u32 $0x1, v4  }
0x174: {  	v6 =	vbroadcast v6, $0x0;
	v7 =	vor.u32 v3, v5  }
0x175: {  	v5 =	vor.u32 $0x2, v4  }
0x176: {  	v12 =	vor.u32 v3, v6;
	v10 =	vbroadcast v5, $0x0  }
0x177: {  	v8 =	vor.u32 $0x3, v4  }
0x178: {  	v8 =	vbroadcast v8, $0x0;
	v13 =	vor.u32 v3, v10  }
0x179: {  	v11 =	vor.u32 $0x4, v4;
	v9 =	vld.idx.msk [tilespmem:v7+s23+$0x0], $0xffff  }
0x17a: {  	s4 =	simm.s32 $0x8;
	v15 =	vor.u32 $0x5, v4;
	v14 =	vbroadcast v11, $0x0;
	v10 =	vor.u32 v3, v8;
	v11 =	vld.idx.msk [tilespmem:v7+s25+$0x0], $0xffff  }
0x17b: {  	v6 =	vimm.f32 $0.0e+00;
	v5 =	vmov s4;
	v7 =	vimm.f32 $0.0e+00;
	v8 =	vld.idx.msk [tilespmem:v12+s23+$0x0], $0xffff  }
.LBB2_16:
0x17c: {  	s4 =	sadd.s32 $0x8, s4;
	v16 =	vshrl.u32 v5, $0x3;
	v12 =	vld.idx.msk [tilespmem:v12+s25+$0x0], $0xffff;
	v14 =	vor.u32 v3, v14;
	v15 =	vbroadcast v15, $0x0  }
0x17d: {  	v18 =	vor.u32 $0x6, v4;
	v5 =	vmov s4;
	p0 =	slt.u32 s4, $0x38;
	v16 =	vshll.u32 v16, v1;
	v17 =	vld.idx.msk [tilespmem:v13+s23+$0x0], $0xffff  }
0x17e: {  	v19 =	vor.u32 $0x7, v4;
	v18 =	vbroadcast v18, $0x0;
	v13 =	vld.idx.msk [tilespmem:v13+s25+$0x0], $0xffff;
	v15 =	vor.u32 v3, v15;
	v4 =	vmovc v16  }
0x17f: {  	v19 =	vbroadcast v19, $0x0;
	v16 =	vor.u32 $0x3, v4;
	v20 =	vor.u32 $0x4, v4;
	v21 =	vld.idx.msk [tilespmem:v10+s23+$0x0], $0xffff  }
0x180: {  	v22 =	vor.u32 $0x2, v4;
	v9 =	vmul.bf16 v11, v9;
	v11 =	vor.u32 v3, v18;
	v10 =	vld.idx.msk [tilespmem:v10+s25+$0x0], $0xffff  }
0x181: {  	v18 =	vbroadcast v4, $0x0;
	v23 =	vor.u32 $0x1, v4;
	v19 =	vor.u32 v3, v19;
	v24 =	vld.idx.msk [tilespmem:v14+s23+$0x0], $0xffff  }
0x182: {  	v25 =	vunpack.i.u.bf16.f32 v9;
	v9 =	vunpack.i.l.bf16.f32 v9;
	v8 =	vmul.bf16 v12, v8;
	v12 =	vld.idx.msk [tilespmem:v14+s25+$0x0], $0xffff  }
0x183: {  	v16 =	vbroadcast v16, $0x0;
	v6 =	vadd.f32 v9, v6;
	v7 =	vadd.f32 v25, v7;
	v9 =	vld.idx.msk [tilespmem:v15+s23+$0x0], $0xffff  }
0x184: {  	v14 =	vunpack.i.u.bf16.f32 v8;
	v8 =	vunpack.i.l.bf16.f32 v8;
	v13 =	vmul.bf16 v13, v17;
	v15 =	vld.idx.msk [tilespmem:v15+s25+$0x0], $0xffff  }
0x185: {  	v17 =	vbroadcast v22, $0x0;
	v6 =	vadd.f32 v8, v6;
	v7 =	vadd.f32 v14, v7;
	v8 =	vld.idx.msk [tilespmem:v11+s23+$0x0], $0xffff  }
0x186: {  	v14 =	vunpack.i.u.bf16.f32 v13;
	v13 =	vunpack.i.l.bf16.f32 v13;
	v10 =	vmul.bf16 v10, v21;
	v11 =	vld.idx.msk [tilespmem:v11+s25+$0x0], $0xffff  }
0x187: {  	v21 =	vbroadcast v23, $0x0;
	v6 =	vadd.f32 v13, v6;
	v7 =	vadd.f32 v14, v7;
	v14 =	vld.idx.msk [tilespmem:v19+s23+$0x0], $0xffff  }
0x188: {  	v13 =	vunpack.i.u.bf16.f32 v10;
	v10 =	vunpack.i.l.bf16.f32 v10;
	v12 =	vmul.bf16 v12, v24;
	v19 =	vld.idx.msk [tilespmem:v19+s25+$0x0], $0xffff  }
0x189: {  	v18 =	vor.u32 v3, v18;
	v6 =	vadd.f32 v10, v6;
	v7 =	vadd.f32 v13, v7  }
0x18a: {  	v10 =	vunpack.i.u.bf16.f32 v12;
	v13 =	vunpack.i.l.bf16.f32 v12;
	v9 =	vmul.bf16 v15, v9  }
0x18b: {  	v12 =	vor.u32 v3, v21;
	v6 =	vadd.f32 v13, v6;
	v7 =	vadd.f32 v10, v7  }
0x18c: {  	v10 =	vunpack.i.u.bf16.f32 v9;
	v9 =	vunpack.i.l.bf16.f32 v9;
	v8 =	vmul.bf16 v11, v8  }
.Ltmp6:
0x18d: {  	v13 =	vor.u32 v3, v17;
	v6 =	vadd.f32 v9, v6;
	v7 =	vadd.f32 v10, v7;
	(pc) =	sbr.rel @p0 .LBB2_16-.Ltmp6, $4  }
0x18e: {  	v10 =	vunpack.i.u.bf16.f32 v8;
	v8 =	vunpack.i.l.bf16.f32 v8;
	v15 =	vmul.bf16 v19, v14  }
0x18f: {  	v14 =	vbroadcast v20, $0x0;
	v6 =	vadd.f32 v8, v6;
	v7 =	vadd.f32 v10, v7;
	v9 =	vld.idx.msk [tilespmem:v18+s23+$0x0], $0xffff  }
0x190: {  	v10 =	vor.u32 v3, v16;
	v16 =	vunpack.i.u.bf16.f32 v15;
	v17 =	vunpack.i.l.bf16.f32 v15;
	v11 =	vld.idx.msk [tilespmem:v18+s25+$0x0], $0xffff  }
0x191: {  	v15 =	vor.u32 $0x5, v4;
	v6 =	vadd.f32 v17, v6;
	v7 =	vadd.f32 v16, v7;
	v8 =	vld.idx.msk [tilespmem:v12+s23+$0x0], $0xffff  }
0x192: {  	_ =	sdelay $0x2  }
0x193: {  	v5 =	vshrl.u32 v5, $0x3;
	v14 =	vor.u32 v3, v14  }
0x194: {  	v12 =	vld.idx.msk [tilespmem:v12+s25+$0x0], $0xffff;
	v15 =	vbroadcast v15, $0x0;
	v17 =	vor.u32 $0x6, v4;
	v52 =	vor.u32 $0x7, v4  }
0x195: {  	v16 =	vld.idx.msk [tilespmem:v13+s23+$0x0], $0xffff;
	v5 =	vshll.u32 v5, v1;
	v17 =	vbroadcast v17, $0x0;
	v4 =	vbroadcast v52, $0x0  }
0x196: {  	v51 =	vld.idx.msk [tilespmem:v13+s25+$0x0], $0xffff;
	v15 =	vor.u32 v3, v15;
	v18 =	vor.u32 $0x3, v5;
	v20 =	vor.u32 $0x2, v5  }
0x197: {  	v19 =	vld.idx.msk [tilespmem:v10+s23+$0x0], $0xffff;
	v55 =	vbroadcast v5, $0x0;
	v21 =	vor.u32 $0x1, v5;
	v30 =	vor.u32 $0x4, v5  }
0x198: {  	v53 =	vld.idx.msk [tilespmem:v10+s25+$0x0], $0xffff;
	v35 =	vor.u32 $0x5, v5;
	v40 =	vor.u32 $0x6, v5;
	v5 =	vor.u32 $0x7, v5  }
0x199: {  	v9 =	vmul.bf16 v11, v9;
	v54 =	vor.u32 v3, v17;
	v18 =	vbroadcast v18, $0x0;
	v22 =	vld.idx.msk [tilespmem:v14+s23+$0x0], $0xffff  }
0x19a: {  	v4 =	vor.u32 v3, v4;
	v59 =	vbroadcast v20, $0x0;
	v63 =	vbroadcast v21, $0x0;
	v14 =	vld.idx.msk [tilespmem:v14+s25+$0x0], $0xffff  }
0x19b: {  	v8 =	vmul.bf16 v12, v8;
	v56 =	vunpack.i.u.bf16.f32 v9;
	v9 =	vunpack.i.l.bf16.f32 v9  }
0x19c: {  	v37 =	vbroadcast v35, $0x0;
	v5 =	vbroadcast v5, $0x0;
	v6 =	vadd.f32 v9, v6  }
0x19d: {  	v7 =	vadd.f32 v56, v7;
	v58 =	vunpack.i.u.bf16.f32 v8;
	v8 =	vunpack.i.l.bf16.f32 v8  }
0x19e: {  	v13 =	vmul.bf16 v51, v16;
	v60 =	vmul.bf16 v53, v19;
	v57 =	vld.idx.msk [tilespmem:v15+s23+$0x0], $0xffff;
	v6 =	vadd.f32 v8, v6  }
0x19f: {  	v15 =	vld.idx.msk [tilespmem:v15+s25+$0x0], $0xffff;
	v7 =	vadd.f32 v58, v7;
	v21 =	vmul.bf16 v14, v22;
	v22 =	vor.u32 v3, v55  }
0x1a0: {  	v27 =	vor.u32 v3, v63;
	v62 =	vunpack.i.u.bf16.f32 v13;
	v13 =	vunpack.i.l.bf16.f32 v13;
	v61 =	vld.idx.msk [tilespmem:v54+s23+$0x0], $0xffff  }
0x1a1: {  	v29 =	vor.u32 v3, v59;
	v11 =	vld.idx.msk [tilespmem:v54+s25+$0x0], $0xffff;
	v6 =	vadd.f32 v13, v6;
	v7 =	vadd.f32 v62, v7  }
0x1a2: {  	v12 =	vbroadcast v30, $0x0;
	v20 =	vunpack.i.u.bf16.f32 v60;
	v8 =	vunpack.i.l.bf16.f32 v60;
	v23 =	vld.idx.msk [tilespmem:v4+s23+$0x0], $0xffff  }
0x1a3: {  	v33 =	vor.u32 v3, v18;
	v4 =	vld.idx.msk [tilespmem:v4+s25+$0x0], $0xffff;
	v6 =	vadd.f32 v8, v6;
	v7 =	vadd.f32 v20, v7  }
0x1a4: {  	v24 =	vmul.bf16 v15, v57;
	v25 =	vunpack.i.u.bf16.f32 v21;
	v26 =	vunpack.i.l.bf16.f32 v21;
	v31 =	vld.idx.msk [tilespmem:v22+s23+$0x0], $0xffff  }
0x1a5: {  	v18 =	vbroadcast v40, $0x0;
	v6 =	vadd.f32 v26, v6;
	v7 =	vadd.f32 v25, v7;
	v14 =	vld.idx.msk [tilespmem:v22+s25+$0x0], $0xffff  }
0x1a6: {  	v34 =	vld.idx.msk [tilespmem:v27+s23+$0x0], $0xffff;
	v10 =	vmul.bf16 v11, v61;
	v28 =	vunpack.i.u.bf16.f32 v24;
	v8 =	vunpack.i.l.bf16.f32 v24  }
0x1a7: {  	v12 =	vor.u32 v3, v12;
	v36 =	vld.idx.msk [tilespmem:v27+s25+$0x0], $0xffff;
	v6 =	vadd.f32 v8, v6;
	v7 =	vadd.f32 v28, v7  }
0x1a8: {  	v39 =	vld.idx.msk [tilespmem:v29+s23+$0x0], $0xffff;
	v4 =	vmul.bf16 v4, v23;
	v32 =	vunpack.i.u.bf16.f32 v10;
	v10 =	vunpack.i.l.bf16.f32 v10  }
0x1a9: {  	v13 =	vor.u32 v3, v37;
	v11 =	vld.idx.msk [tilespmem:v29+s25+$0x0], $0xffff;
	v6 =	vadd.f32 v10, v6;
	v7 =	vadd.f32 v32, v7  }
0x1aa: {  	v41 =	vld.idx.msk [tilespmem:v33+s23+$0x0], $0xffff;
	v38 =	vunpack.i.u.bf16.f32 v4;
	v4 =	vunpack.i.l.bf16.f32 v4;
	v8 =	vmul.bf16 v14, v31  }
0x1ab: {  	v43 =	vor.u32 v3, v18;
	v42 =	vld.idx.msk [tilespmem:v33+s25+$0x0], $0xffff;
	v4 =	vadd.f32 v4, v6;
	v7 =	vadd.f32 v38, v7  }
0x1ac: {  	v44 =	vld.idx.msk [tilespmem:v12+s23+$0x0], $0xffff;
	v10 =	vmul.bf16 v36, v34;
	v45 =	vunpack.i.u.bf16.f32 v8;
	v8 =	vunpack.i.l.bf16.f32 v8  }
0x1ad: {  	v3 =	vor.u32 v3, v5;
	v46 =	vld.idx.msk [tilespmem:v12+s25+$0x0], $0xffff;
	v4 =	vadd.f32 v8, v4;
	v7 =	vadd.f32 v45, v7  }
0x1ae: {  	v47 =	vld.idx.msk [tilespmem:v13+s23+$0x0], $0xffff;
	v11 =	vmul.bf16 v11, v39;
	v48 =	vunpack.i.u.bf16.f32 v10;
	v10 =	vunpack.i.l.bf16.f32 v10  }
0x1af: {  	v13 =	vld.idx.msk [tilespmem:v13+s25+$0x0], $0xffff;
	v4 =	vadd.f32 v10, v4;
	v7 =	vadd.f32 v48, v7  }
0x1b0: {  	v49 =	vld.idx.msk [tilespmem:v43+s23+$0x0], $0xffff;
	v50 =	vunpack.i.u.bf16.f32 v11;
	v11 =	vunpack.i.l.bf16.f32 v11;
	v6 =	vmul.bf16 v42, v41  }
0x1b1: {  	v51 =	vld.idx.msk [tilespmem:v43+s25+$0x0], $0xffff;
	v4 =	vadd.f32 v11, v4;
	v7 =	vadd.f32 v50, v7  }
0x1b2: {  	v52 =	vld.idx.msk [tilespmem:v3+s23+$0x0], $0xffff;
	v5 =	vmul.bf16 v46, v44;
	v53 =	vunpack.i.u.bf16.f32 v6;
	v6 =	vunpack.i.l.bf16.f32 v6  }
0x1b3: {  	v3 =	vld.idx.msk [tilespmem:v3+s25+$0x0], $0xffff;
	v4 =	vadd.f32 v6, v4;
	v54 =	vadd.f32 v53, v7  }
0x1b4: {  	v55 =	vunpack.i.u.bf16.f32 v5;
	v5 =	vunpack.i.l.bf16.f32 v5;
	v8 =	vmul.bf16 v13, v47  }
0x1b5: {  	v4 =	vadd.f32 v5, v4;
	v56 =	vadd.f32 v55, v54  }
0x1b6: {  	v59 =	vmul.bf16 v51, v49;
	v57 =	vunpack.i.u.bf16.f32 v8;
	v58 =	vunpack.i.l.bf16.f32 v8  }
0x1b7: {  	v4 =	vadd.f32 v58, v4;
	v5 =	vadd.f32 v57, v56  }
0x1b8: {  	v60 =	vunpack.i.u.bf16.f32 v59;
	v61 =	vunpack.i.l.bf16.f32 v59;
	v3 =	vmul.bf16 v3, v52  }
0x1b9: {  	v4 =	vadd.f32 v61, v4;
	v5 =	vadd.f32 v60, v5  }
0x1ba: {  	v62 =	vunpack.i.u.bf16.f32 v3;
	v3 =	vunpack.i.l.bf16.f32 v3  }
0x1bb: {  	v3 =	vadd.f32 v3, v4;
	v63 =	vadd.f32 v62, v5;
	_ =	sdelay $0x1  }
0x1bc: {  	v3 =	vadd.f32 v63, v3;
	_ =	sdelay $0x1  }
0x1bd: {  	v3 =	vsub.f32 $0.0e+00, v3;
	_ =	sdelay $0x1  }
0x1be: {  	v3 =	vmul.f32 $1.442695020e+00, v3;
	_ =	sdelay $0x1  }
0x1bf: {  	(erf) = vpow2.f32 v3;
	_ =	sdelay $0x8  }
0x1c0: {  	v3 =	vpop (erf)  }
0x1c1: {  	v3 =	vadd.f32 $1.000000000e+00, v3;
	_ =	sdelay $0x1  }
0x1c2: {  	(erf) = vrcp.f32 v3;
	_ =	sdelay $0x3  }
0x1c3: {  	s6 =	sadd.s32 $0x1, s6  }
0x1c4: {  	p0 =	sne.s32 s6, $0x5  }
.Ltmp7:
0x1c5: {  	_ = 	snop;
	(pc) =	sbr.rel @p0 .LBB2_15-.Ltmp7, $3  }
0x1c6: {  	_ =	sdelay $0x1  }
0x1c7: {  	v3 =	vpop (erf)  }
0x1c8: {  	[tilespmem:v2+s9+$0x0 ss:$0x1] =	vst.idx.msk $0xffff, v3  }
0x1c9: {  	s4 =	sadd.s32 $0x2D0, s8  }
0x1ca: {  	[tilespmem:s23], [sflag:$0x4] =	stream.indirect.gather [hbm4b:s1+s12], $0x40, s4, s12, $0xb8;
	[tilespmem:$0x16530] =	vst v63  }
0x1cb: {  	s6 =	sadd.s32 $0x29E0, s8  }
0x1cc: {  	[tilespmem:s25], [sflag:$0xA] =	stream.indirect.gather [hbm4b:s1+s12], $0x40, s6, s12, $0xb8;
	[tilespmem:$0x16530] =	vst v63  }
0x1cd: {  	_ =	swait.ge [sflag:s26], $0x1400  }
0x1ce: {  	[sflag:s26] =	ssyncset.done $0x0  }
0x1cf: {  	[sflag:s26] =	ssyncadd.s32 $0xFFFFEC00  }
0x1d0: {  	_ =	swait.ge [sflag:s29], $0x1400  }
0x1d1: {  	s9 =	sadd.s32 $0x4F60, s3;
	[sflag:s29] =	ssyncset.done $0x0  }
0x1d2: {  	s3 =	simm.s32 $0x0;
	v2 =	vmov s9;
	[sflag:s29] =	ssyncadd.s32 $0xFFFFEC00  }
.LBB2_19:
0x1d3: {  	s4 =	simm.s32 $0x0  }
0x1d4: {  	v3 =	vmov s4  }
0x1d5: {  	s6 =	sshll.u32 s3, $0x4;
	v3 =	vshrl.u32 v3, $0x3  }
0x1d6: {  	v5 =	vmov s6;
	v4 =	vshll.u32 v3, v1  }
0x1d7: {  	v3 =	vshll.u32 v5, $0x6;
	v5 =	vbroadcast v4, $0x0  }
0x1d8: {  	v3 =	vor.u32 v0, v3;
	v6 =	vor.u32 $0x1, v4  }
0x1d9: {  	v6 =	vbroadcast v6, $0x0;
	v7 =	vor.u32 v3, v5  }
0x1da: {  	v5 =	vor.u32 $0x2, v4  }
0x1db: {  	v12 =	vor.u32 v3, v6;
	v10 =	vbroadcast v5, $0x0  }
0x1dc: {  	v8 =	vor.u32 $0x3, v4  }
0x1dd: {  	v8 =	vbroadcast v8, $0x0;
	v13 =	vor.u32 v3, v10  }
0x1de: {  	v11 =	vor.u32 $0x4, v4;
	v9 =	vld.idx.msk [tilespmem:v7+s28+$0x0], $0xffff  }
0x1df: {  	s4 =	simm.s32 $0x8;
	v15 =	vor.u32 $0x5, v4;
	v14 =	vbroadcast v11, $0x0;
	v10 =	vor.u32 v3, v8;
	v11 =	vld.idx.msk [tilespmem:v7+s30+$0x0], $0xffff  }
0x1e0: {  	v6 =	vimm.f32 $0.0e+00;
	v5 =	vmov s4;
	v7 =	vimm.f32 $0.0e+00;
	v8 =	vld.idx.msk [tilespmem:v12+s28+$0x0], $0xffff  }
.LBB2_20:
0x1e1: {  	s4 =	sadd.s32 $0x8, s4;
	v16 =	vshrl.u32 v5, $0x3;
	v12 =	vld.idx.msk [tilespmem:v12+s30+$0x0], $0xffff;
	v14 =	vor.u32 v3, v14;
	v15 =	vbroadcast v15, $0x0  }
0x1e2: {  	v18 =	vor.u32 $0x6, v4;
	v5 =	vmov s4;
	p0 =	slt.u32 s4, $0x38;
	v16 =	vshll.u32 v16, v1;
	v17 =	vld.idx.msk [tilespmem:v13+s28+$0x0], $0xffff  }
0x1e3: {  	v19 =	vor.u32 $0x7, v4;
	v18 =	vbroadcast v18, $0x0;
	v13 =	vld.idx.msk [tilespmem:v13+s30+$0x0], $0xffff;
	v15 =	vor.u32 v3, v15;
	v4 =	vmovc v16  }
0x1e4: {  	v19 =	vbroadcast v19, $0x0;
	v16 =	vor.u32 $0x3, v4;
	v20 =	vor.u32 $0x4, v4;
	v21 =	vld.idx.msk [tilespmem:v10+s28+$0x0], $0xffff  }
0x1e5: {  	v22 =	vor.u32 $0x2, v4;
	v9 =	vmul.bf16 v11, v9;
	v11 =	vor.u32 v3, v18;
	v10 =	vld.idx.msk [tilespmem:v10+s30+$0x0], $0xffff  }
0x1e6: {  	v18 =	vbroadcast v4, $0x0;
	v23 =	vor.u32 $0x1, v4;
	v19 =	vor.u32 v3, v19;
	v24 =	vld.idx.msk [tilespmem:v14+s28+$0x0], $0xffff  }
0x1e7: {  	v25 =	vunpack.i.u.bf16.f32 v9;
	v9 =	vunpack.i.l.bf16.f32 v9;
	v8 =	vmul.bf16 v12, v8;
	v12 =	vld.idx.msk [tilespmem:v14+s30+$0x0], $0xffff  }
0x1e8: {  	v16 =	vbroadcast v16, $0x0;
	v6 =	vadd.f32 v9, v6;
	v7 =	vadd.f32 v25, v7;
	v9 =	vld.idx.msk [tilespmem:v15+s28+$0x0], $0xffff  }
0x1e9: {  	v14 =	vunpack.i.u.bf16.f32 v8;
	v8 =	vunpack.i.l.bf16.f32 v8;
	v13 =	vmul.bf16 v13, v17;
	v15 =	vld.idx.msk [tilespmem:v15+s30+$0x0], $0xffff  }
0x1ea: {  	v17 =	vbroadcast v22, $0x0;
	v6 =	vadd.f32 v8, v6;
	v7 =	vadd.f32 v14, v7;
	v8 =	vld.idx.msk [tilespmem:v11+s28+$0x0], $0xffff  }
0x1eb: {  	v14 =	vunpack.i.u.bf16.f32 v13;
	v13 =	vunpack.i.l.bf16.f32 v13;
	v10 =	vmul.bf16 v10, v21;
	v11 =	vld.idx.msk [tilespmem:v11+s30+$0x0], $0xffff  }
0x1ec: {  	v21 =	vbroadcast v23, $0x0;
	v6 =	vadd.f32 v13, v6;
	v7 =	vadd.f32 v14, v7;
	v14 =	vld.idx.msk [tilespmem:v19+s28+$0x0], $0xffff  }
0x1ed: {  	v13 =	vunpack.i.u.bf16.f32 v10;
	v10 =	vunpack.i.l.bf16.f32 v10;
	v12 =	vmul.bf16 v12, v24;
	v19 =	vld.idx.msk [tilespmem:v19+s30+$0x0], $0xffff  }
0x1ee: {  	v18 =	vor.u32 v3, v18;
	v6 =	vadd.f32 v10, v6;
	v7 =	vadd.f32 v13, v7  }
0x1ef: {  	v10 =	vunpack.i.u.bf16.f32 v12;
	v13 =	vunpack.i.l.bf16.f32 v12;
	v9 =	vmul.bf16 v15, v9  }
0x1f0: {  	v12 =	vor.u32 v3, v21;
	v6 =	vadd.f32 v13, v6;
	v7 =	vadd.f32 v10, v7  }
0x1f1: {  	v10 =	vunpack.i.u.bf16.f32 v9;
	v9 =	vunpack.i.l.bf16.f32 v9;
	v8 =	vmul.bf16 v11, v8  }
.Ltmp8:
0x1f2: {  	v13 =	vor.u32 v3, v17;
	v6 =	vadd.f32 v9, v6;
	v7 =	vadd.f32 v10, v7;
	(pc) =	sbr.rel @p0 .LBB2_20-.Ltmp8, $4  }
0x1f3: {  	v10 =	vunpack.i.u.bf16.f32 v8;
	v8 =	vunpack.i.l.bf16.f32 v8;
	v15 =	vmul.bf16 v19, v14  }
0x1f4: {  	v14 =	vbroadcast v20, $0x0;
	v6 =	vadd.f32 v8, v6;
	v7 =	vadd.f32 v10, v7;
	v9 =	vld.idx.msk [tilespmem:v18+s28+$0x0], $0xffff  }
0x1f5: {  	v10 =	vor.u32 v3, v16;
	v16 =	vunpack.i.u.bf16.f32 v15;
	v17 =	vunpack.i.l.bf16.f32 v15;
	v11 =	vld.idx.msk [tilespmem:v18+s30+$0x0], $0xffff  }
0x1f6: {  	v15 =	vor.u32 $0x5, v4;
	v6 =	vadd.f32 v17, v6;
	v7 =	vadd.f32 v16, v7;
	v8 =	vld.idx.msk [tilespmem:v12+s28+$0x0], $0xffff  }
0x1f7: {  	_ =	sdelay $0x2  }
0x1f8: {  	v5 =	vshrl.u32 v5, $0x3;
	v14 =	vor.u32 v3, v14  }
0x1f9: {  	v12 =	vld.idx.msk [tilespmem:v12+s30+$0x0], $0xffff;
	v15 =	vbroadcast v15, $0x0;
	v17 =	vor.u32 $0x6, v4;
	v52 =	vor.u32 $0x7, v4  }
0x1fa: {  	v16 =	vld.idx.msk [tilespmem:v13+s28+$0x0], $0xffff;
	v5 =	vshll.u32 v5, v1;
	v17 =	vbroadcast v17, $0x0;
	v4 =	vbroadcast v52, $0x0  }
0x1fb: {  	v51 =	vld.idx.msk [tilespmem:v13+s30+$0x0], $0xffff;
	v15 =	vor.u32 v3, v15;
	v18 =	vor.u32 $0x3, v5;
	v20 =	vor.u32 $0x2, v5  }
0x1fc: {  	v19 =	vld.idx.msk [tilespmem:v10+s28+$0x0], $0xffff;
	v55 =	vbroadcast v5, $0x0;
	v21 =	vor.u32 $0x1, v5;
	v30 =	vor.u32 $0x4, v5  }
0x1fd: {  	v53 =	vld.idx.msk [tilespmem:v10+s30+$0x0], $0xffff;
	v35 =	vor.u32 $0x5, v5;
	v40 =	vor.u32 $0x6, v5;
	v5 =	vor.u32 $0x7, v5  }
0x1fe: {  	v9 =	vmul.bf16 v11, v9;
	v54 =	vor.u32 v3, v17;
	v18 =	vbroadcast v18, $0x0;
	v22 =	vld.idx.msk [tilespmem:v14+s28+$0x0], $0xffff  }
0x1ff: {  	v4 =	vor.u32 v3, v4;
	v59 =	vbroadcast v20, $0x0;
	v63 =	vbroadcast v21, $0x0;
	v14 =	vld.idx.msk [tilespmem:v14+s30+$0x0], $0xffff  }
0x200: {  	v8 =	vmul.bf16 v12, v8;
	v56 =	vunpack.i.u.bf16.f32 v9;
	v9 =	vunpack.i.l.bf16.f32 v9  }
0x201: {  	v37 =	vbroadcast v35, $0x0;
	v5 =	vbroadcast v5, $0x0;
	v6 =	vadd.f32 v9, v6  }
0x202: {  	v7 =	vadd.f32 v56, v7;
	v58 =	vunpack.i.u.bf16.f32 v8;
	v8 =	vunpack.i.l.bf16.f32 v8  }
0x203: {  	v13 =	vmul.bf16 v51, v16;
	v60 =	vmul.bf16 v53, v19;
	v57 =	vld.idx.msk [tilespmem:v15+s28+$0x0], $0xffff;
	v6 =	vadd.f32 v8, v6  }
0x204: {  	v15 =	vld.idx.msk [tilespmem:v15+s30+$0x0], $0xffff;
	v7 =	vadd.f32 v58, v7;
	v21 =	vmul.bf16 v14, v22;
	v22 =	vor.u32 v3, v55  }
0x205: {  	v27 =	vor.u32 v3, v63;
	v62 =	vunpack.i.u.bf16.f32 v13;
	v13 =	vunpack.i.l.bf16.f32 v13;
	v61 =	vld.idx.msk [tilespmem:v54+s28+$0x0], $0xffff  }
0x206: {  	v29 =	vor.u32 v3, v59;
	v11 =	vld.idx.msk [tilespmem:v54+s30+$0x0], $0xffff;
	v6 =	vadd.f32 v13, v6;
	v7 =	vadd.f32 v62, v7  }
0x207: {  	v12 =	vbroadcast v30, $0x0;
	v20 =	vunpack.i.u.bf16.f32 v60;
	v8 =	vunpack.i.l.bf16.f32 v60;
	v23 =	vld.idx.msk [tilespmem:v4+s28+$0x0], $0xffff  }
0x208: {  	v33 =	vor.u32 v3, v18;
	v4 =	vld.idx.msk [tilespmem:v4+s30+$0x0], $0xffff;
	v6 =	vadd.f32 v8, v6;
	v7 =	vadd.f32 v20, v7  }
0x209: {  	v24 =	vmul.bf16 v15, v57;
	v25 =	vunpack.i.u.bf16.f32 v21;
	v26 =	vunpack.i.l.bf16.f32 v21;
	v31 =	vld.idx.msk [tilespmem:v22+s28+$0x0], $0xffff  }
0x20a: {  	v18 =	vbroadcast v40, $0x0;
	v6 =	vadd.f32 v26, v6;
	v7 =	vadd.f32 v25, v7;
	v14 =	vld.idx.msk [tilespmem:v22+s30+$0x0], $0xffff  }
0x20b: {  	v34 =	vld.idx.msk [tilespmem:v27+s28+$0x0], $0xffff;
	v10 =	vmul.bf16 v11, v61;
	v28 =	vunpack.i.u.bf16.f32 v24;
	v8 =	vunpack.i.l.bf16.f32 v24  }
0x20c: {  	v12 =	vor.u32 v3, v12;
	v36 =	vld.idx.msk [tilespmem:v27+s30+$0x0], $0xffff;
	v6 =	vadd.f32 v8, v6;
	v7 =	vadd.f32 v28, v7  }
0x20d: {  	v39 =	vld.idx.msk [tilespmem:v29+s28+$0x0], $0xffff;
	v4 =	vmul.bf16 v4, v23;
	v32 =	vunpack.i.u.bf16.f32 v10;
	v10 =	vunpack.i.l.bf16.f32 v10  }
0x20e: {  	v13 =	vor.u32 v3, v37;
	v11 =	vld.idx.msk [tilespmem:v29+s30+$0x0], $0xffff;
	v6 =	vadd.f32 v10, v6;
	v7 =	vadd.f32 v32, v7  }
0x20f: {  	v41 =	vld.idx.msk [tilespmem:v33+s28+$0x0], $0xffff;
	v38 =	vunpack.i.u.bf16.f32 v4;
	v4 =	vunpack.i.l.bf16.f32 v4;
	v8 =	vmul.bf16 v14, v31  }
0x210: {  	v43 =	vor.u32 v3, v18;
	v42 =	vld.idx.msk [tilespmem:v33+s30+$0x0], $0xffff;
	v4 =	vadd.f32 v4, v6;
	v7 =	vadd.f32 v38, v7  }
0x211: {  	v44 =	vld.idx.msk [tilespmem:v12+s28+$0x0], $0xffff;
	v10 =	vmul.bf16 v36, v34;
	v45 =	vunpack.i.u.bf16.f32 v8;
	v8 =	vunpack.i.l.bf16.f32 v8  }
0x212: {  	v3 =	vor.u32 v3, v5;
	v46 =	vld.idx.msk [tilespmem:v12+s30+$0x0], $0xffff;
	v4 =	vadd.f32 v8, v4;
	v7 =	vadd.f32 v45, v7  }
0x213: {  	v47 =	vld.idx.msk [tilespmem:v13+s28+$0x0], $0xffff;
	v11 =	vmul.bf16 v11, v39;
	v48 =	vunpack.i.u.bf16.f32 v10;
	v10 =	vunpack.i.l.bf16.f32 v10  }
0x214: {  	v13 =	vld.idx.msk [tilespmem:v13+s30+$0x0], $0xffff;
	v4 =	vadd.f32 v10, v4;
	v7 =	vadd.f32 v48, v7  }
0x215: {  	v49 =	vld.idx.msk [tilespmem:v43+s28+$0x0], $0xffff;
	v50 =	vunpack.i.u.bf16.f32 v11;
	v11 =	vunpack.i.l.bf16.f32 v11;
	v6 =	vmul.bf16 v42, v41  }
0x216: {  	v51 =	vld.idx.msk [tilespmem:v43+s30+$0x0], $0xffff;
	v4 =	vadd.f32 v11, v4;
	v7 =	vadd.f32 v50, v7  }
0x217: {  	v52 =	vld.idx.msk [tilespmem:v3+s28+$0x0], $0xffff;
	v5 =	vmul.bf16 v46, v44;
	v53 =	vunpack.i.u.bf16.f32 v6;
	v6 =	vunpack.i.l.bf16.f32 v6  }
0x218: {  	v3 =	vld.idx.msk [tilespmem:v3+s30+$0x0], $0xffff;
	v4 =	vadd.f32 v6, v4;
	v54 =	vadd.f32 v53, v7  }
0x219: {  	v55 =	vunpack.i.u.bf16.f32 v5;
	v5 =	vunpack.i.l.bf16.f32 v5;
	v8 =	vmul.bf16 v13, v47  }
0x21a: {  	v4 =	vadd.f32 v5, v4;
	v56 =	vadd.f32 v55, v54  }
0x21b: {  	v59 =	vmul.bf16 v51, v49;
	v57 =	vunpack.i.u.bf16.f32 v8;
	v58 =	vunpack.i.l.bf16.f32 v8  }
0x21c: {  	v4 =	vadd.f32 v58, v4;
	v5 =	vadd.f32 v57, v56  }
0x21d: {  	v60 =	vunpack.i.u.bf16.f32 v59;
	v61 =	vunpack.i.l.bf16.f32 v59;
	v3 =	vmul.bf16 v3, v52  }
0x21e: {  	v4 =	vadd.f32 v61, v4;
	v5 =	vadd.f32 v60, v5  }
0x21f: {  	v62 =	vunpack.i.u.bf16.f32 v3;
	v3 =	vunpack.i.l.bf16.f32 v3  }
0x220: {  	v3 =	vadd.f32 v3, v4;
	v63 =	vadd.f32 v62, v5;
	_ =	sdelay $0x1  }
0x221: {  	v3 =	vadd.f32 v63, v3;
	_ =	sdelay $0x1  }
0x222: {  	v3 =	vsub.f32 $0.0e+00, v3;
	_ =	sdelay $0x1  }
0x223: {  	v3 =	vmul.f32 $1.442695020e+00, v3;
	_ =	sdelay $0x1  }
0x224: {  	(erf) = vpow2.f32 v3;
	_ =	sdelay $0x8  }
0x225: {  	v3 =	vpop (erf)  }
0x226: {  	v3 =	vadd.f32 $1.000000000e+00, v3;
	_ =	sdelay $0x1  }
0x227: {  	(erf) = vrcp.f32 v3;
	_ =	sdelay $0x3  }
0x228: {  	s3 =	sadd.s32 $0x1, s3  }
0x229: {  	p0 =	sne.s32 s3, $0x5  }
.Ltmp9:
0x22a: {  	_ = 	snop;
	(pc) =	sbr.rel @p0 .LBB2_19-.Ltmp9, $3  }
0x22b: {  	_ =	sdelay $0x1  }
0x22c: {  	v3 =	vpop (erf)  }
0x22d: {  	[tilespmem:v2+s6+$0x0 ss:$0x1] =	vst.idx.msk $0xffff, v3  }
0x22e: {  	s3 =	sadd.s32 $0x320, s8  }
0x22f: {  	[tilespmem:s28], [sflag:$0x5] =	stream.indirect.gather [hbm4b:s1+s12], $0x40, s3, s12, $0xb8;
	[tilespmem:$0x16530] =	vst v63  }
0x230: {  	s6 =	sadd.s32 $0x2A30, s8;
	s4 =	simm.s32 $0x6  }
0x231: {  	[tilespmem:s30], [sflag:$0xB] =	stream.indirect.gather [hbm4b:s1+s12], $0x40, s6, s12, $0xb8;
	[tilespmem:$0x16530] =	vst v63  }
0x232: {  	_ =	swait.ge [sflag:s4], $0x1400  }
0x233: {  	s8 =	smul.u32 $0x140, s7;
	[sflag:s4] =	ssyncset.done $0x0  }
0x234: {  	s6 =	simm.s32 $0xC;
	[sflag:s4] =	ssyncadd.s32 $0xFFFFEC00  }
0x235: {  	s3 =	sshra.s32 s8, $0x2;
	_ =	swait.ge [sflag:s6], $0x1400  }
0x236: {  	s9 =	sadd.s32 $0x4E20, s3;
	[sflag:s6] =	ssyncset.done $0x0  }
0x237: {  	s3 =	simm.s32 $0x0;
	v2 =	vmov s9;
	[sflag:s6] =	ssyncadd.s32 $0xFFFFEC00  }
.LBB2_23:
0x238: {  	s4 =	simm.s32 $0x0  }
0x239: {  	v3 =	vmov s4  }
0x23a: {  	s6 =	sshll.u32 s3, $0x4;
	v3 =	vshrl.u32 v3, $0x3  }
0x23b: {  	v5 =	vmov s6;
	v4 =	vshll.u32 v3, v1  }
0x23c: {  	v3 =	vshll.u32 v5, $0x6;
	v5 =	vbroadcast v4, $0x0  }
0x23d: {  	v3 =	vor.u32 v0, v3;
	v6 =	vor.u32 $0x1, v4  }
0x23e: {  	v6 =	vbroadcast v6, $0x0;
	v7 =	vor.u32 v3, v5  }
0x23f: {  	v5 =	vor.u32 $0x2, v4  }
0x240: {  	v12 =	vor.u32 v3, v6;
	v10 =	vbroadcast v5, $0x0  }
0x241: {  	v8 =	vor.u32 $0x3, v4  }
0x242: {  	v8 =	vbroadcast v8, $0x0;
	v13 =	vor.u32 v3, v10  }
0x243: {  	v11 =	vor.u32 $0x4, v4;
	v9 =	vld.idx.msk [tilespmem:v7+s31+$0x0], $0xffff  }
0x244: {  	s4 =	simm.s32 $0x8;
	v15 =	vor.u32 $0x5, v4;
	v14 =	vbroadcast v11, $0x0;
	v10 =	vor.u32 v3, v8;
	v11 =	vld.idx.msk [tilespmem:v7+s2+$0x0], $0xffff  }
0x245: {  	v6 =	vimm.f32 $0.0e+00;
	v5 =	vmov s4;
	v7 =	vimm.f32 $0.0e+00;
	v8 =	vld.idx.msk [tilespmem:v12+s31+$0x0], $0xffff  }
.LBB2_24:
0x246: {  	s4 =	sadd.s32 $0x8, s4;
	v16 =	vshrl.u32 v5, $0x3;
	v12 =	vld.idx.msk [tilespmem:v12+s2+$0x0], $0xffff;
	v14 =	vor.u32 v3, v14;
	v15 =	vbroadcast v15, $0x0  }
0x247: {  	v18 =	vor.u32 $0x6, v4;
	v5 =	vmov s4;
	p0 =	slt.u32 s4, $0x38;
	v16 =	vshll.u32 v16, v1;
	v17 =	vld.idx.msk [tilespmem:v13+s31+$0x0], $0xffff  }
0x248: {  	v19 =	vor.u32 $0x7, v4;
	v18 =	vbroadcast v18, $0x0;
	v13 =	vld.idx.msk [tilespmem:v13+s2+$0x0], $0xffff;
	v15 =	vor.u32 v3, v15;
	v4 =	vmovc v16  }
0x249: {  	v19 =	vbroadcast v19, $0x0;
	v16 =	vor.u32 $0x3, v4;
	v20 =	vor.u32 $0x4, v4;
	v21 =	vld.idx.msk [tilespmem:v10+s31+$0x0], $0xffff  }
0x24a: {  	v22 =	vor.u32 $0x2, v4;
	v9 =	vmul.bf16 v11, v9;
	v11 =	vor.u32 v3, v18;
	v10 =	vld.idx.msk [tilespmem:v10+s2+$0x0], $0xffff  }
0x24b: {  	v18 =	vbroadcast v4, $0x0;
	v23 =	vor.u32 $0x1, v4;
	v19 =	vor.u32 v3, v19;
	v24 =	vld.idx.msk [tilespmem:v14+s31+$0x0], $0xffff  }
0x24c: {  	v25 =	vunpack.i.u.bf16.f32 v9;
	v9 =	vunpack.i.l.bf16.f32 v9;
	v8 =	vmul.bf16 v12, v8;
	v12 =	vld.idx.msk [tilespmem:v14+s2+$0x0], $0xffff  }
0x24d: {  	v16 =	vbroadcast v16, $0x0;
	v6 =	vadd.f32 v9, v6;
	v7 =	vadd.f32 v25, v7;
	v9 =	vld.idx.msk [tilespmem:v15+s31+$0x0], $0xffff  }
0x24e: {  	v14 =	vunpack.i.u.bf16.f32 v8;
	v8 =	vunpack.i.l.bf16.f32 v8;
	v13 =	vmul.bf16 v13, v17;
	v15 =	vld.idx.msk [tilespmem:v15+s2+$0x0], $0xffff  }
0x24f: {  	v17 =	vbroadcast v22, $0x0;
	v6 =	vadd.f32 v8, v6;
	v7 =	vadd.f32 v14, v7;
	v8 =	vld.idx.msk [tilespmem:v11+s31+$0x0], $0xffff  }
0x250: {  	v14 =	vunpack.i.u.bf16.f32 v13;
	v13 =	vunpack.i.l.bf16.f32 v13;
	v10 =	vmul.bf16 v10, v21;
	v11 =	vld.idx.msk [tilespmem:v11+s2+$0x0], $0xffff  }
0x251: {  	v21 =	vbroadcast v23, $0x0;
	v6 =	vadd.f32 v13, v6;
	v7 =	vadd.f32 v14, v7;
	v14 =	vld.idx.msk [tilespmem:v19+s31+$0x0], $0xffff  }
0x252: {  	v13 =	vunpack.i.u.bf16.f32 v10;
	v10 =	vunpack.i.l.bf16.f32 v10;
	v12 =	vmul.bf16 v12, v24;
	v19 =	vld.idx.msk [tilespmem:v19+s2+$0x0], $0xffff  }
0x253: {  	v18 =	vor.u32 v3, v18;
	v6 =	vadd.f32 v10, v6;
	v7 =	vadd.f32 v13, v7  }
0x254: {  	v10 =	vunpack.i.u.bf16.f32 v12;
	v13 =	vunpack.i.l.bf16.f32 v12;
	v9 =	vmul.bf16 v15, v9  }
0x255: {  	v12 =	vor.u32 v3, v21;
	v6 =	vadd.f32 v13, v6;
	v7 =	vadd.f32 v10, v7  }
0x256: {  	v10 =	vunpack.i.u.bf16.f32 v9;
	v9 =	vunpack.i.l.bf16.f32 v9;
	v8 =	vmul.bf16 v11, v8  }
.Ltmp10:
0x257: {  	v13 =	vor.u32 v3, v17;
	v6 =	vadd.f32 v9, v6;
	v7 =	vadd.f32 v10, v7;
	(pc) =	sbr.rel @p0 .LBB2_24-.Ltmp10, $4  }
0x258: {  	v10 =	vunpack.i.u.bf16.f32 v8;
	v8 =	vunpack.i.l.bf16.f32 v8;
	v15 =	vmul.bf16 v19, v14  }
0x259: {  	v14 =	vbroadcast v20, $0x0;
	v6 =	vadd.f32 v8, v6;
	v7 =	vadd.f32 v10, v7;
	v9 =	vld.idx.msk [tilespmem:v18+s31+$0x0], $0xffff  }
0x25a: {  	v10 =	vor.u32 v3, v16;
	v16 =	vunpack.i.u.bf16.f32 v15;
	v17 =	vunpack.i.l.bf16.f32 v15;
	v11 =	vld.idx.msk [tilespmem:v18+s2+$0x0], $0xffff  }
0x25b: {  	v15 =	vor.u32 $0x5, v4;
	v6 =	vadd.f32 v17, v6;
	v7 =	vadd.f32 v16, v7;
	v8 =	vld.idx.msk [tilespmem:v12+s31+$0x0], $0xffff  }
0x25c: {  	_ =	sdelay $0x2  }
0x25d: {  	v5 =	vshrl.u32 v5, $0x3;
	v14 =	vor.u32 v3, v14  }
0x25e: {  	v12 =	vld.idx.msk [tilespmem:v12+s2+$0x0], $0xffff;
	v15 =	vbroadcast v15, $0x0;
	v17 =	vor.u32 $0x6, v4;
	v52 =	vor.u32 $0x7, v4  }
0x25f: {  	v16 =	vld.idx.msk [tilespmem:v13+s31+$0x0], $0xffff;
	v5 =	vshll.u32 v5, v1;
	v17 =	vbroadcast v17, $0x0;
	v4 =	vbroadcast v52, $0x0  }
0x260: {  	v51 =	vld.idx.msk [tilespmem:v13+s2+$0x0], $0xffff;
	v15 =	vor.u32 v3, v15;
	v18 =	vor.u32 $0x3, v5;
	v20 =	vor.u32 $0x2, v5  }
0x261: {  	v19 =	vld.idx.msk [tilespmem:v10+s31+$0x0], $0xffff;
	v55 =	vbroadcast v5, $0x0;
	v21 =	vor.u32 $0x1, v5;
	v30 =	vor.u32 $0x4, v5  }
0x262: {  	v53 =	vld.idx.msk [tilespmem:v10+s2+$0x0], $0xffff;
	v35 =	vor.u32 $0x5, v5;
	v40 =	vor.u32 $0x6, v5;
	v5 =	vor.u32 $0x7, v5  }
0x263: {  	v9 =	vmul.bf16 v11, v9;
	v54 =	vor.u32 v3, v17;
	v18 =	vbroadcast v18, $0x0;
	v22 =	vld.idx.msk [tilespmem:v14+s31+$0x0], $0xffff  }
0x264: {  	v4 =	vor.u32 v3, v4;
	v59 =	vbroadcast v20, $0x0;
	v63 =	vbroadcast v21, $0x0;
	v14 =	vld.idx.msk [tilespmem:v14+s2+$0x0], $0xffff  }
0x265: {  	v8 =	vmul.bf16 v12, v8;
	v56 =	vunpack.i.u.bf16.f32 v9;
	v9 =	vunpack.i.l.bf16.f32 v9  }
0x266: {  	v37 =	vbroadcast v35, $0x0;
	v5 =	vbroadcast v5, $0x0;
	v6 =	vadd.f32 v9, v6  }
0x267: {  	v7 =	vadd.f32 v56, v7;
	v58 =	vunpack.i.u.bf16.f32 v8;
	v8 =	vunpack.i.l.bf16.f32 v8  }
0x268: {  	v13 =	vmul.bf16 v51, v16;
	v60 =	vmul.bf16 v53, v19;
	v57 =	vld.idx.msk [tilespmem:v15+s31+$0x0], $0xffff;
	v6 =	vadd.f32 v8, v6  }
0x269: {  	v15 =	vld.idx.msk [tilespmem:v15+s2+$0x0], $0xffff;
	v7 =	vadd.f32 v58, v7;
	v21 =	vmul.bf16 v14, v22;
	v22 =	vor.u32 v3, v55  }
0x26a: {  	v27 =	vor.u32 v3, v63;
	v62 =	vunpack.i.u.bf16.f32 v13;
	v13 =	vunpack.i.l.bf16.f32 v13;
	v61 =	vld.idx.msk [tilespmem:v54+s31+$0x0], $0xffff  }
0x26b: {  	v29 =	vor.u32 v3, v59;
	v11 =	vld.idx.msk [tilespmem:v54+s2+$0x0], $0xffff;
	v6 =	vadd.f32 v13, v6;
	v7 =	vadd.f32 v62, v7  }
0x26c: {  	v12 =	vbroadcast v30, $0x0;
	v20 =	vunpack.i.u.bf16.f32 v60;
	v8 =	vunpack.i.l.bf16.f32 v60;
	v23 =	vld.idx.msk [tilespmem:v4+s31+$0x0], $0xffff  }
0x26d: {  	v33 =	vor.u32 v3, v18;
	v4 =	vld.idx.msk [tilespmem:v4+s2+$0x0], $0xffff;
	v6 =	vadd.f32 v8, v6;
	v7 =	vadd.f32 v20, v7  }
0x26e: {  	v24 =	vmul.bf16 v15, v57;
	v25 =	vunpack.i.u.bf16.f32 v21;
	v26 =	vunpack.i.l.bf16.f32 v21;
	v31 =	vld.idx.msk [tilespmem:v22+s31+$0x0], $0xffff  }
0x26f: {  	v18 =	vbroadcast v40, $0x0;
	v6 =	vadd.f32 v26, v6;
	v7 =	vadd.f32 v25, v7;
	v14 =	vld.idx.msk [tilespmem:v22+s2+$0x0], $0xffff  }
0x270: {  	v34 =	vld.idx.msk [tilespmem:v27+s31+$0x0], $0xffff;
	v10 =	vmul.bf16 v11, v61;
	v28 =	vunpack.i.u.bf16.f32 v24;
	v8 =	vunpack.i.l.bf16.f32 v24  }
0x271: {  	v12 =	vor.u32 v3, v12;
	v36 =	vld.idx.msk [tilespmem:v27+s2+$0x0], $0xffff;
	v6 =	vadd.f32 v8, v6;
	v7 =	vadd.f32 v28, v7  }
0x272: {  	v39 =	vld.idx.msk [tilespmem:v29+s31+$0x0], $0xffff;
	v4 =	vmul.bf16 v4, v23;
	v32 =	vunpack.i.u.bf16.f32 v10;
	v10 =	vunpack.i.l.bf16.f32 v10  }
0x273: {  	v13 =	vor.u32 v3, v37;
	v11 =	vld.idx.msk [tilespmem:v29+s2+$0x0], $0xffff;
	v6 =	vadd.f32 v10, v6;
	v7 =	vadd.f32 v32, v7  }
0x274: {  	v41 =	vld.idx.msk [tilespmem:v33+s31+$0x0], $0xffff;
	v38 =	vunpack.i.u.bf16.f32 v4;
	v4 =	vunpack.i.l.bf16.f32 v4;
	v8 =	vmul.bf16 v14, v31  }
0x275: {  	v43 =	vor.u32 v3, v18;
	v42 =	vld.idx.msk [tilespmem:v33+s2+$0x0], $0xffff;
	v4 =	vadd.f32 v4, v6;
	v7 =	vadd.f32 v38, v7  }
0x276: {  	v44 =	vld.idx.msk [tilespmem:v12+s31+$0x0], $0xffff;
	v10 =	vmul.bf16 v36, v34;
	v45 =	vunpack.i.u.bf16.f32 v8;
	v8 =	vunpack.i.l.bf16.f32 v8  }
0x277: {  	v3 =	vor.u32 v3, v5;
	v46 =	vld.idx.msk [tilespmem:v12+s2+$0x0], $0xffff;
	v4 =	vadd.f32 v8, v4;
	v7 =	vadd.f32 v45, v7  }
0x278: {  	v47 =	vld.idx.msk [tilespmem:v13+s31+$0x0], $0xffff;
	v11 =	vmul.bf16 v11, v39;
	v48 =	vunpack.i.u.bf16.f32 v10;
	v10 =	vunpack.i.l.bf16.f32 v10  }
0x279: {  	v13 =	vld.idx.msk [tilespmem:v13+s2+$0x0], $0xffff;
	v4 =	vadd.f32 v10, v4;
	v7 =	vadd.f32 v48, v7  }
0x27a: {  	v49 =	vld.idx.msk [tilespmem:v43+s31+$0x0], $0xffff;
	v50 =	vunpack.i.u.bf16.f32 v11;
	v11 =	vunpack.i.l.bf16.f32 v11;
	v6 =	vmul.bf16 v42, v41  }
0x27b: {  	v51 =	vld.idx.msk [tilespmem:v43+s2+$0x0], $0xffff;
	v4 =	vadd.f32 v11, v4;
	v7 =	vadd.f32 v50, v7  }
0x27c: {  	v52 =	vld.idx.msk [tilespmem:v3+s31+$0x0], $0xffff;
	v5 =	vmul.bf16 v46, v44;
	v53 =	vunpack.i.u.bf16.f32 v6;
	v6 =	vunpack.i.l.bf16.f32 v6  }
0x27d: {  	v3 =	vld.idx.msk [tilespmem:v3+s2+$0x0], $0xffff;
	v4 =	vadd.f32 v6, v4;
	v54 =	vadd.f32 v53, v7  }
0x27e: {  	v55 =	vunpack.i.u.bf16.f32 v5;
	v5 =	vunpack.i.l.bf16.f32 v5;
	v8 =	vmul.bf16 v13, v47  }
0x27f: {  	v4 =	vadd.f32 v5, v4;
	v56 =	vadd.f32 v55, v54  }
0x280: {  	v59 =	vmul.bf16 v51, v49;
	v57 =	vunpack.i.u.bf16.f32 v8;
	v58 =	vunpack.i.l.bf16.f32 v8  }
0x281: {  	v4 =	vadd.f32 v58, v4;
	v5 =	vadd.f32 v57, v56  }
0x282: {  	v60 =	vunpack.i.u.bf16.f32 v59;
	v61 =	vunpack.i.l.bf16.f32 v59;
	v3 =	vmul.bf16 v3, v52  }
0x283: {  	v4 =	vadd.f32 v61, v4;
	v5 =	vadd.f32 v60, v5  }
0x284: {  	v62 =	vunpack.i.u.bf16.f32 v3;
	v3 =	vunpack.i.l.bf16.f32 v3  }
0x285: {  	v3 =	vadd.f32 v3, v4;
	v63 =	vadd.f32 v62, v5;
	_ =	sdelay $0x1  }
0x286: {  	v3 =	vadd.f32 v63, v3;
	_ =	sdelay $0x1  }
0x287: {  	v3 =	vsub.f32 $0.0e+00, v3;
	_ =	sdelay $0x1  }
0x288: {  	v3 =	vmul.f32 $1.442695020e+00, v3;
	_ =	sdelay $0x1  }
0x289: {  	(erf) = vpow2.f32 v3;
	_ =	sdelay $0x8  }
0x28a: {  	v3 =	vpop (erf)  }
0x28b: {  	v3 =	vadd.f32 $1.000000000e+00, v3;
	_ =	sdelay $0x1  }
0x28c: {  	(erf) = vrcp.f32 v3;
	_ =	sdelay $0x3  }
0x28d: {  	s3 =	sadd.s32 $0x1, s3  }
0x28e: {  	p0 =	sne.s32 s3, $0x5  }
.Ltmp11:
0x28f: {  	_ = 	snop;
	(pc) =	sbr.rel @p0 .LBB2_23-.Ltmp11, $3  }
0x290: {  	_ =	sdelay $0x1  }
0x291: {  	v3 =	vpop (erf)  }
0x292: {  	[tilespmem:v2+s6+$0x0 ss:$0x1] =	vst.idx.msk $0xffff, v3  }
0x293: {  	p0 =	sne.s32 s5, $0xA;
	s6 =	rddreg [dreg:$0x7]  }
0x294: {  	s5 =	sadd.s32 $0x1, s5;
	s3 =	simm.s32 @!p0 $0x0;
	s4 =	simm.s32 @!p0 $0x4E20  }
0x295: {  	[hbm4b:s6+s3] =	stream.linear.scatter @!p0 [tilespmem:s4], [sflag:$0xD], $0x1360, $0x38;
	[tilespmem:$0x16530] =	vst v63  }
0x296: {  	p0 =	sne.s32 s5, $0x14  }
.Ltmp12:
0x297: {  	_ = 	snop;
	(pc) =	sbr.rel @p0 .LBB2_2-.Ltmp12, $1  }
0x298: {  	_ =	sdelay $0x3  }
0x299: {  	_ =	swait.ge [sflag:s10], $0x1400  }
0x29a: {  	[sflag:s10] =	ssyncset.done $0x0  }
0x29b: {  	[sflag:s10] =	ssyncadd.s32 $0xFFFFEC00  }
0x29c: {  	_ =	swait.ge [sflag:s11], $0x1400  }
0x29d: {  	[sflag:s11] =	ssyncset.done $0x0  }
0x29e: {  	s3 =	simm.s32 $0x0;
	s6 =	rddreg [dreg:$0xa];
	[sflag:s11] =	ssyncadd.s32 $0xFFFFEC00  }
.LBB2_28:
0x29f: {  	s4 =	simm.s32 $0x0  }
0x2a0: {  	v2 =	vmov s4  }
0x2a1: {  	s5 =	sshll.u32 s3, $0x4;
	v2 =	vshrl.u32 v2, $0x3  }
0x2a2: {  	v4 =	vmov s5;
	v3 =	vshll.u32 v2, v1  }
0x2a3: {  	v2 =	vshll.u32 v4, $0x6;
	v4 =	vbroadcast v3, $0x0  }
0x2a4: {  	v2 =	vor.u32 v0, v2;
	v5 =	vor.u32 $0x1, v3  }
0x2a5: {  	v5 =	vbroadcast v5, $0x0;
	v6 =	vor.u32 v2, v4  }
0x2a6: {  	v4 =	vor.u32 $0x2, v3  }
0x2a7: {  	v11 =	vor.u32 v2, v5;
	v9 =	vbroadcast v4, $0x0  }
0x2a8: {  	v7 =	vor.u32 $0x3, v3  }
0x2a9: {  	v7 =	vbroadcast v7, $0x0;
	v12 =	vor.u32 v2, v9  }
0x2aa: {  	v10 =	vor.u32 $0x4, v3;
	v8 =	vld.idx.msk [tilespmem:v6+s13+$0x0], $0xffff  }
0x2ab: {  	s4 =	simm.s32 $0x8;
	v14 =	vor.u32 $0x5, v3;
	v13 =	vbroadcast v10, $0x0;
	v9 =	vor.u32 v2, v7;
	v10 =	vld.idx.msk [tilespmem:v6+s14+$0x0], $0xffff  }
0x2ac: {  	v5 =	vimm.f32 $0.0e+00;
	v4 =	vmov s4;
	v6 =	vimm.f32 $0.0e+00;
	v7 =	vld.idx.msk [tilespmem:v11+s13+$0x0], $0xffff  }
.LBB2_29:
0x2ad: {  	s4 =	sadd.s32 $0x8, s4;
	v15 =	vshrl.u32 v4, $0x3;
	v11 =	vld.idx.msk [tilespmem:v11+s14+$0x0], $0xffff;
	v13 =	vor.u32 v2, v13;
	v14 =	vbroadcast v14, $0x0  }
0x2ae: {  	v17 =	vor.u32 $0x6, v3;
	v4 =	vmov s4;
	p0 =	slt.u32 s4, $0x38;
	v15 =	vshll.u32 v15, v1;
	v16 =	vld.idx.msk [tilespmem:v12+s13+$0x0], $0xffff  }
0x2af: {  	v18 =	vor.u32 $0x7, v3;
	v17 =	vbroadcast v17, $0x0;
	v12 =	vld.idx.msk [tilespmem:v12+s14+$0x0], $0xffff;
	v14 =	vor.u32 v2, v14;
	v3 =	vmovc v15  }
0x2b0: {  	v18 =	vbroadcast v18, $0x0;
	v15 =	vor.u32 $0x3, v3;
	v19 =	vor.u32 $0x4, v3;
	v20 =	vld.idx.msk [tilespmem:v9+s13+$0x0], $0xffff  }
0x2b1: {  	v21 =	vor.u32 $0x2, v3;
	v8 =	vmul.bf16 v10, v8;
	v10 =	vor.u32 v2, v17;
	v9 =	vld.idx.msk [tilespmem:v9+s14+$0x0], $0xffff  }
0x2b2: {  	v17 =	vbroadcast v3, $0x0;
	v22 =	vor.u32 $0x1, v3;
	v18 =	vor.u32 v2, v18;
	v23 =	vld.idx.msk [tilespmem:v13+s13+$0x0], $0xffff  }
0x2b3: {  	v24 =	vunpack.i.u.bf16.f32 v8;
	v8 =	vunpack.i.l.bf16.f32 v8;
	v7 =	vmul.bf16 v11, v7;
	v11 =	vld.idx.msk [tilespmem:v13+s14+$0x0], $0xffff  }
0x2b4: {  	v15 =	vbroadcast v15, $0x0;
	v5 =	vadd.f32 v8, v5;
	v6 =	vadd.f32 v24, v6;
	v8 =	vld.idx.msk [tilespmem:v14+s13+$0x0], $0xffff  }
0x2b5: {  	v13 =	vunpack.i.u.bf16.f32 v7;
	v7 =	vunpack.i.l.bf16.f32 v7;
	v12 =	vmul.bf16 v12, v16;
	v14 =	vld.idx.msk [tilespmem:v14+s14+$0x0], $0xffff  }
0x2b6: {  	v16 =	vbroadcast v21, $0x0;
	v5 =	vadd.f32 v7, v5;
	v6 =	vadd.f32 v13, v6;
	v7 =	vld.idx.msk [tilespmem:v10+s13+$0x0], $0xffff  }
0x2b7: {  	v13 =	vunpack.i.u.bf16.f32 v12;
	v12 =	vunpack.i.l.bf16.f32 v12;
	v9 =	vmul.bf16 v9, v20;
	v10 =	vld.idx.msk [tilespmem:v10+s14+$0x0], $0xffff  }
0x2b8: {  	v20 =	vbroadcast v22, $0x0;
	v5 =	vadd.f32 v12, v5;
	v6 =	vadd.f32 v13, v6;
	v13 =	vld.idx.msk [tilespmem:v18+s13+$0x0], $0xffff  }
0x2b9: {  	v12 =	vunpack.i.u.bf16.f32 v9;
	v9 =	vunpack.i.l.bf16.f32 v9;
	v11 =	vmul.bf16 v11, v23;
	v18 =	vld.idx.msk [tilespmem:v18+s14+$0x0], $0xffff  }
0x2ba: {  	v17 =	vor.u32 v2, v17;
	v5 =	vadd.f32 v9, v5;
	v6 =	vadd.f32 v12, v6  }
0x2bb: {  	v9 =	vunpack.i.u.bf16.f32 v11;
	v12 =	vunpack.i.l.bf16.f32 v11;
	v8 =	vmul.bf16 v14, v8  }
0x2bc: {  	v11 =	vor.u32 v2, v20;
	v5 =	vadd.f32 v12, v5;
	v6 =	vadd.f32 v9, v6  }
0x2bd: {  	v9 =	vunpack.i.u.bf16.f32 v8;
	v8 =	vunpack.i.l.bf16.f32 v8;
	v7 =	vmul.bf16 v10, v7  }
.Ltmp13:
0x2be: {  	v12 =	vor.u32 v2, v16;
	v5 =	vadd.f32 v8, v5;
	v6 =	vadd.f32 v9, v6;
	(pc) =	sbr.rel @p0 .LBB2_29-.Ltmp13, $4  }
0x2bf: {  	v9 =	vunpack.i.u.bf16.f32 v7;
	v7 =	vunpack.i.l.bf16.f32 v7;
	v14 =	vmul.bf16 v18, v13  }
0x2c0: {  	v13 =	vbroadcast v19, $0x0;
	v5 =	vadd.f32 v7, v5;
	v6 =	vadd.f32 v9, v6;
	v8 =	vld.idx.msk [tilespmem:v17+s13+$0x0], $0xffff  }
0x2c1: {  	v9 =	vor.u32 v2, v15;
	v15 =	vunpack.i.u.bf16.f32 v14;
	v16 =	vunpack.i.l.bf16.f32 v14;
	v10 =	vld.idx.msk [tilespmem:v17+s14+$0x0], $0xffff  }
0x2c2: {  	v14 =	vor.u32 $0x5, v3;
	v5 =	vadd.f32 v16, v5;
	v6 =	vadd.f32 v15, v6;
	v7 =	vld.idx.msk [tilespmem:v11+s13+$0x0], $0xffff  }
0x2c3: {  	_ =	sdelay $0x1  }
0x2c4: {  	v4 =	vshrl.u32 v4, $0x3;
	v13 =	vor.u32 v2, v13  }
0x2c5: {  	v14 =	vbroadcast v14, $0x0;
	v16 =	vor.u32 $0x6, v3;
	v3 =	vor.u32 $0x7, v3  }
0x2c6: {  	v11 =	vld.idx.msk [tilespmem:v11+s14+$0x0], $0xffff;
	v4 =	vshll.u32 v4, v1;
	v16 =	vbroadcast v16, $0x0;
	v3 =	vbroadcast v3, $0x0  }
0x2c7: {  	v15 =	vld.idx.msk [tilespmem:v12+s13+$0x0], $0xffff;
	v14 =	vor.u32 v2, v14;
	v17 =	vor.u32 $0x3, v4;
	v19 =	vor.u32 $0x2, v4  }
0x2c8: {  	v52 =	vld.idx.msk [tilespmem:v12+s14+$0x0], $0xffff;
	v55 =	vbroadcast v4, $0x0;
	v20 =	vor.u32 $0x1, v4;
	v31 =	vor.u32 $0x4, v4  }
0x2c9: {  	v18 =	vld.idx.msk [tilespmem:v9+s13+$0x0], $0xffff;
	v36 =	vor.u32 $0x5, v4;
	v41 =	vor.u32 $0x6, v4;
	v4 =	vor.u32 $0x7, v4  }
0x2ca: {  	v53 =	vld.idx.msk [tilespmem:v9+s14+$0x0], $0xffff;
	v8 =	vmul.bf16 v10, v8;
	v54 =	vor.u32 v2, v16;
	v17 =	vbroadcast v17, $0x0  }
0x2cb: {  	v3 =	vor.u32 v2, v3;
	v59 =	vbroadcast v19, $0x0;
	v63 =	vbroadcast v20, $0x0  }
0x2cc: {  	v38 =	vbroadcast v36, $0x0;
	v4 =	vbroadcast v4, $0x0;
	v23 =	vor.u32 v2, v55  }
0x2cd: {  	v21 =	vld.idx.msk [tilespmem:v13+s13+$0x0], $0xffff;
	v7 =	vmul.bf16 v11, v7;
	v56 =	vunpack.i.u.bf16.f32 v8;
	v8 =	vunpack.i.l.bf16.f32 v8  }
0x2ce: {  	v13 =	vld.idx.msk [tilespmem:v13+s14+$0x0], $0xffff;
	v12 =	vmul.bf16 v52, v15;
	v5 =	vadd.f32 v8, v5;
	v6 =	vadd.f32 v56, v6  }
0x2cf: {  	v60 =	vmul.bf16 v53, v18;
	v57 =	vld.idx.msk [tilespmem:v14+s13+$0x0], $0xffff;
	v58 =	vunpack.i.u.bf16.f32 v7;
	v7 =	vunpack.i.l.bf16.f32 v7  }
0x2d0: {  	v28 =	vor.u32 v2, v63;
	v14 =	vld.idx.msk [tilespmem:v14+s14+$0x0], $0xffff;
	v5 =	vadd.f32 v7, v5;
	v6 =	vadd.f32 v58, v6  }
0x2d1: {  	v30 =	vor.u32 v2, v59;
	v62 =	vunpack.i.u.bf16.f32 v12;
	v12 =	vunpack.i.l.bf16.f32 v12;
	v61 =	vld.idx.msk [tilespmem:v54+s13+$0x0], $0xffff  }
0x2d2: {  	v11 =	vbroadcast v31, $0x0;
	v10 =	vld.idx.msk [tilespmem:v54+s14+$0x0], $0xffff;
	v5 =	vadd.f32 v12, v5;
	v6 =	vadd.f32 v62, v6  }
0x2d3: {  	v20 =	vunpack.i.u.bf16.f32 v60;
	v7 =	vunpack.i.l.bf16.f32 v60;
	v24 =	vld.idx.msk [tilespmem:v3+s13+$0x0], $0xffff;
	v22 =	vmul.bf16 v13, v21  }
0x2d4: {  	v34 =	vor.u32 v2, v17;
	v3 =	vld.idx.msk [tilespmem:v3+s14+$0x0], $0xffff;
	v5 =	vadd.f32 v7, v5;
	v6 =	vadd.f32 v20, v6  }
0x2d5: {  	v32 =	vld.idx.msk [tilespmem:v23+s13+$0x0], $0xffff;
	v25 =	vmul.bf16 v14, v57;
	v26 =	vunpack.i.u.bf16.f32 v22;
	v27 =	vunpack.i.l.bf16.f32 v22  }
0x2d6: {  	v17 =	vbroadcast v41, $0x0;
	v13 =	vld.idx.msk [tilespmem:v23+s14+$0x0], $0xffff;
	v5 =	vadd.f32 v27, v5;
	v6 =	vadd.f32 v26, v6  }
0x2d7: {  	v35 =	vld.idx.msk [tilespmem:v28+s13+$0x0], $0xffff;
	v9 =	vmul.bf16 v10, v61;
	v29 =	vunpack.i.u.bf16.f32 v25;
	v7 =	vunpack.i.l.bf16.f32 v25  }
0x2d8: {  	v11 =	vor.u32 v2, v11;
	v37 =	vld.idx.msk [tilespmem:v28+s14+$0x0], $0xffff;
	v5 =	vadd.f32 v7, v5;
	v6 =	vadd.f32 v29, v6  }
0x2d9: {  	v40 =	vld.idx.msk [tilespmem:v30+s13+$0x0], $0xffff;
	v3 =	vmul.bf16 v3, v24;
	v33 =	vunpack.i.u.bf16.f32 v9;
	v9 =	vunpack.i.l.bf16.f32 v9  }
0x2da: {  	v12 =	vor.u32 v2, v38;
	v10 =	vld.idx.msk [tilespmem:v30+s14+$0x0], $0xffff;
	v5 =	vadd.f32 v9, v5;
	v6 =	vadd.f32 v33, v6  }
0x2db: {  	v42 =	vld.idx.msk [tilespmem:v34+s13+$0x0], $0xffff;
	v39 =	vunpack.i.u.bf16.f32 v3;
	v3 =	vunpack.i.l.bf16.f32 v3;
	v7 =	vmul.bf16 v13, v32  }
0x2dc: {  	v44 =	vor.u32 v2, v17;
	v43 =	vld.idx.msk [tilespmem:v34+s14+$0x0], $0xffff;
	v3 =	vadd.f32 v3, v5;
	v6 =	vadd.f32 v39, v6  }
0x2dd: {  	v45 =	vld.idx.msk [tilespmem:v11+s13+$0x0], $0xffff;
	v46 =	vunpack.i.u.bf16.f32 v7;
	v7 =	vunpack.i.l.bf16.f32 v7;
	v9 =	vmul.bf16 v37, v35  }
0x2de: {  	v2 =	vor.u32 v2, v4;
	v47 =	vld.idx.msk [tilespmem:v11+s14+$0x0], $0xffff;
	v3 =	vadd.f32 v7, v3;
	v6 =	vadd.f32 v46, v6  }
0x2df: {  	v48 =	vld.idx.msk [tilespmem:v12+s13+$0x0], $0xffff;
	v10 =	vmul.bf16 v10, v40;
	v49 =	vunpack.i.u.bf16.f32 v9;
	v9 =	vunpack.i.l.bf16.f32 v9  }
0x2e0: {  	v12 =	vld.idx.msk [tilespmem:v12+s14+$0x0], $0xffff;
	v3 =	vadd.f32 v9, v3;
	v6 =	vadd.f32 v49, v6  }
0x2e1: {  	v50 =	vld.idx.msk [tilespmem:v44+s13+$0x0], $0xffff;
	v51 =	vunpack.i.u.bf16.f32 v10;
	v10 =	vunpack.i.l.bf16.f32 v10;
	v5 =	vmul.bf16 v43, v42  }
0x2e2: {  	v52 =	vld.idx.msk [tilespmem:v44+s14+$0x0], $0xffff;
	v3 =	vadd.f32 v10, v3;
	v6 =	vadd.f32 v51, v6  }
0x2e3: {  	v53 =	vld.idx.msk [tilespmem:v2+s13+$0x0], $0xffff;
	v4 =	vmul.bf16 v47, v45;
	v54 =	vunpack.i.u.bf16.f32 v5;
	v5 =	vunpack.i.l.bf16.f32 v5  }
0x2e4: {  	v2 =	vld.idx.msk [tilespmem:v2+s14+$0x0], $0xffff;
	v3 =	vadd.f32 v5, v3;
	v55 =	vadd.f32 v54, v6  }
0x2e5: {  	v56 =	vunpack.i.u.bf16.f32 v4;
	v4 =	vunpack.i.l.bf16.f32 v4;
	v7 =	vmul.bf16 v12, v48  }
0x2e6: {  	v3 =	vadd.f32 v4, v3;
	v57 =	vadd.f32 v56, v55  }
0x2e7: {  	v60 =	vmul.bf16 v52, v50;
	v58 =	vunpack.i.u.bf16.f32 v7;
	v59 =	vunpack.i.l.bf16.f32 v7  }
0x2e8: {  	v3 =	vadd.f32 v59, v3;
	v4 =	vadd.f32 v58, v57  }
0x2e9: {  	v61 =	vunpack.i.u.bf16.f32 v60;
	v62 =	vunpack.i.l.bf16.f32 v60;
	v2 =	vmul.bf16 v2, v53  }
0x2ea: {  	v3 =	vadd.f32 v62, v3;
	v4 =	vadd.f32 v61, v4  }
0x2eb: {  	v63 =	vunpack.i.u.bf16.f32 v2;
	v2 =	vunpack.i.l.bf16.f32 v2  }
0x2ec: {  	v2 =	vadd.f32 v2, v3;
	v3 =	vadd.f32 v63, v4;
	_ =	sdelay $0x1  }
0x2ed: {  	v2 =	vadd.f32 v3, v2;
	_ =	sdelay $0x1  }
0x2ee: {  	v2 =	vsub.f32 $0.0e+00, v2;
	_ =	sdelay $0x1  }
0x2ef: {  	v2 =	vmul.f32 $1.442695020e+00, v2;
	_ =	sdelay $0x1  }
0x2f0: {  	(erf) = vpow2.f32 v2;
	_ =	sdelay $0x8  }
0x2f1: {  	v2 =	vpop (erf)  }
0x2f2: {  	v2 =	vadd.f32 $1.000000000e+00, v2;
	_ =	sdelay $0x1  }
0x2f3: {  	(erf) = vrcp.f32 v2;
	_ =	sdelay $0x3  }
0x2f4: {  	s3 =	sadd.s32 $0x1, s3  }
0x2f5: {  	p0 =	sne.s32 s3, $0x5  }
.Ltmp14:
0x2f6: {  	_ = 	snop;
	(pc) =	sbr.rel @p0 .LBB2_28-.Ltmp14, $3  }
0x2f7: {  	_ =	sdelay $0x1  }
0x2f8: {  	v2 =	vpop (erf)  }
0x2f9: {  	[tilespmem:s5+$0x73A0] =	vst v2  }
0x2fa: {  	_ =	swait.ge [sflag:s0], $0x1400  }
0x2fb: {  	[sflag:s0] =	ssyncset.done $0x0  }
0x2fc: {  	[sflag:s0] =	ssyncadd.s32 $0xFFFFEC00  }
0x2fd: {  	_ =	swait.ge [sflag:s16], $0x1400  }
0x2fe: {  	[sflag:s16] =	ssyncset.done $0x0  }
0x2ff: {  	s3 =	simm.s32 $0x0;
	[sflag:s16] =	ssyncadd.s32 $0xFFFFEC00  }
.LBB2_32:
0x300: {  	s4 =	simm.s32 $0x0  }
0x301: {  	v2 =	vmov s4  }
0x302: {  	s5 =	sshll.u32 s3, $0x4;
	v2 =	vshrl.u32 v2, $0x3  }
0x303: {  	v4 =	vmov s5;
	v3 =	vshll.u32 v2, v1  }
0x304: {  	v2 =	vshll.u32 v4, $0x6;
	v4 =	vbroadcast v3, $0x0  }
0x305: {  	v2 =	vor.u32 v0, v2;
	v5 =	vor.u32 $0x1, v3  }
0x306: {  	v5 =	vbroadcast v5, $0x0;
	v6 =	vor.u32 v2, v4  }
0x307: {  	v4 =	vor.u32 $0x2, v3  }
0x308: {  	v11 =	vor.u32 v2, v5;
	v9 =	vbroadcast v4, $0x0  }
0x309: {  	v7 =	vor.u32 $0x3, v3  }
0x30a: {  	v7 =	vbroadcast v7, $0x0;
	v12 =	vor.u32 v2, v9  }
0x30b: {  	v10 =	vor.u32 $0x4, v3;
	v8 =	vld.idx.msk [tilespmem:v6+s15+$0x0], $0xffff  }
0x30c: {  	s4 =	simm.s32 $0x8;
	v14 =	vor.u32 $0x5, v3;
	v13 =	vbroadcast v10, $0x0;
	v9 =	vor.u32 v2, v7;
	v10 =	vld.idx.msk [tilespmem:v6+s17+$0x0], $0xffff  }
0x30d: {  	v5 =	vimm.f32 $0.0e+00;
	v4 =	vmov s4;
	v6 =	vimm.f32 $0.0e+00;
	v7 =	vld.idx.msk [tilespmem:v11+s15+$0x0], $0xffff  }
.LBB2_33:
0x30e: {  	s4 =	sadd.s32 $0x8, s4;
	v15 =	vshrl.u32 v4, $0x3;
	v11 =	vld.idx.msk [tilespmem:v11+s17+$0x0], $0xffff;
	v13 =	vor.u32 v2, v13;
	v14 =	vbroadcast v14, $0x0  }
0x30f: {  	v17 =	vor.u32 $0x6, v3;
	v4 =	vmov s4;
	p0 =	slt.u32 s4, $0x38;
	v15 =	vshll.u32 v15, v1;
	v16 =	vld.idx.msk [tilespmem:v12+s15+$0x0], $0xffff  }
0x310: {  	v18 =	vor.u32 $0x7, v3;
	v17 =	vbroadcast v17, $0x0;
	v12 =	vld.idx.msk [tilespmem:v12+s17+$0x0], $0xffff;
	v14 =	vor.u32 v2, v14;
	v3 =	vmovc v15  }
0x311: {  	v18 =	vbroadcast v18, $0x0;
	v15 =	vor.u32 $0x3, v3;
	v19 =	vor.u32 $0x4, v3;
	v20 =	vld.idx.msk [tilespmem:v9+s15+$0x0], $0xffff  }
0x312: {  	v21 =	vor.u32 $0x2, v3;
	v8 =	vmul.bf16 v10, v8;
	v10 =	vor.u32 v2, v17;
	v9 =	vld.idx.msk [tilespmem:v9+s17+$0x0], $0xffff  }
0x313: {  	v17 =	vbroadcast v3, $0x0;
	v22 =	vor.u32 $0x1, v3;
	v18 =	vor.u32 v2, v18;
	v23 =	vld.idx.msk [tilespmem:v13+s15+$0x0], $0xffff  }
0x314: {  	v24 =	vunpack.i.u.bf16.f32 v8;
	v8 =	vunpack.i.l.bf16.f32 v8;
	v7 =	vmul.bf16 v11, v7;
	v11 =	vld.idx.msk [tilespmem:v13+s17+$0x0], $0xffff  }
0x315: {  	v15 =	vbroadcast v15, $0x0;
	v5 =	vadd.f32 v8, v5;
	v6 =	vadd.f32 v24, v6;
	v8 =	vld.idx.msk [tilespmem:v14+s15+$0x0], $0xffff  }
0x316: {  	v13 =	vunpack.i.u.bf16.f32 v7;
	v7 =	vunpack.i.l.bf16.f32 v7;
	v12 =	vmul.bf16 v12, v16;
	v14 =	vld.idx.msk [tilespmem:v14+s17+$0x0], $0xffff  }
0x317: {  	v16 =	vbroadcast v21, $0x0;
	v5 =	vadd.f32 v7, v5;
	v6 =	vadd.f32 v13, v6;
	v7 =	vld.idx.msk [tilespmem:v10+s15+$0x0], $0xffff  }
0x318: {  	v13 =	vunpack.i.u.bf16.f32 v12;
	v12 =	vunpack.i.l.bf16.f32 v12;
	v9 =	vmul.bf16 v9, v20;
	v10 =	vld.idx.msk [tilespmem:v10+s17+$0x0], $0xffff  }
0x319: {  	v20 =	vbroadcast v22, $0x0;
	v5 =	vadd.f32 v12, v5;
	v6 =	vadd.f32 v13, v6;
	v13 =	vld.idx.msk [tilespmem:v18+s15+$0x0], $0xffff  }
0x31a: {  	v12 =	vunpack.i.u.bf16.f32 v9;
	v9 =	vunpack.i.l.bf16.f32 v9;
	v11 =	vmul.bf16 v11, v23;
	v18 =	vld.idx.msk [tilespmem:v18+s17+$0x0], $0xffff  }
0x31b: {  	v17 =	vor.u32 v2, v17;
	v5 =	vadd.f32 v9, v5;
	v6 =	vadd.f32 v12, v6  }
0x31c: {  	v9 =	vunpack.i.u.bf16.f32 v11;
	v12 =	vunpack.i.l.bf16.f32 v11;
	v8 =	vmul.bf16 v14, v8  }
0x31d: {  	v11 =	vor.u32 v2, v20;
	v5 =	vadd.f32 v12, v5;
	v6 =	vadd.f32 v9, v6  }
0x31e: {  	v9 =	vunpack.i.u.bf16.f32 v8;
	v8 =	vunpack.i.l.bf16.f32 v8;
	v7 =	vmul.bf16 v10, v7  }
.Ltmp15:
0x31f: {  	v12 =	vor.u32 v2, v16;
	v5 =	vadd.f32 v8, v5;
	v6 =	vadd.f32 v9, v6;
	(pc) =	sbr.rel @p0 .LBB2_33-.Ltmp15, $4  }
0x320: {  	v9 =	vunpack.i.u.bf16.f32 v7;
	v7 =	vunpack.i.l.bf16.f32 v7;
	v14 =	vmul.bf16 v18, v13  }
0x321: {  	v13 =	vbroadcast v19, $0x0;
	v5 =	vadd.f32 v7, v5;
	v6 =	vadd.f32 v9, v6;
	v8 =	vld.idx.msk [tilespmem:v17+s15+$0x0], $0xffff  }
0x322: {  	v9 =	vor.u32 v2, v15;
	v15 =	vunpack.i.u.bf16.f32 v14;
	v16 =	vunpack.i.l.bf16.f32 v14;
	v10 =	vld.idx.msk [tilespmem:v17+s17+$0x0], $0xffff  }
0x323: {  	v14 =	vor.u32 $0x5, v3;
	v5 =	vadd.f32 v16, v5;
	v6 =	vadd.f32 v15, v6;
	v7 =	vld.idx.msk [tilespmem:v11+s15+$0x0], $0xffff  }
0x324: {  	_ =	sdelay $0x1  }
0x325: {  	v4 =	vshrl.u32 v4, $0x3;
	v13 =	vor.u32 v2, v13  }
0x326: {  	v14 =	vbroadcast v14, $0x0;
	v16 =	vor.u32 $0x6, v3;
	v3 =	vor.u32 $0x7, v3  }
0x327: {  	v11 =	vld.idx.msk [tilespmem:v11+s17+$0x0], $0xffff;
	v4 =	vshll.u32 v4, v1;
	v16 =	vbroadcast v16, $0x0;
	v3 =	vbroadcast v3, $0x0  }
0x328: {  	v15 =	vld.idx.msk [tilespmem:v12+s15+$0x0], $0xffff;
	v14 =	vor.u32 v2, v14;
	v17 =	vor.u32 $0x3, v4;
	v19 =	vor.u32 $0x2, v4  }
0x329: {  	v52 =	vld.idx.msk [tilespmem:v12+s17+$0x0], $0xffff;
	v55 =	vbroadcast v4, $0x0;
	v20 =	vor.u32 $0x1, v4;
	v31 =	vor.u32 $0x4, v4  }
0x32a: {  	v18 =	vld.idx.msk [tilespmem:v9+s15+$0x0], $0xffff;
	v36 =	vor.u32 $0x5, v4;
	v41 =	vor.u32 $0x6, v4;
	v4 =	vor.u32 $0x7, v4  }
0x32b: {  	v53 =	vld.idx.msk [tilespmem:v9+s17+$0x0], $0xffff;
	v8 =	vmul.bf16 v10, v8;
	v54 =	vor.u32 v2, v16;
	v17 =	vbroadcast v17, $0x0  }
0x32c: {  	v3 =	vor.u32 v2, v3;
	v59 =	vbroadcast v19, $0x0;
	v63 =	vbroadcast v20, $0x0  }
0x32d: {  	v38 =	vbroadcast v36, $0x0;
	v4 =	vbroadcast v4, $0x0;
	v23 =	vor.u32 v2, v55  }
0x32e: {  	v21 =	vld.idx.msk [tilespmem:v13+s15+$0x0], $0xffff;
	v7 =	vmul.bf16 v11, v7;
	v56 =	vunpack.i.u.bf16.f32 v8;
	v8 =	vunpack.i.l.bf16.f32 v8  }
0x32f: {  	v13 =	vld.idx.msk [tilespmem:v13+s17+$0x0], $0xffff;
	v12 =	vmul.bf16 v52, v15;
	v5 =	vadd.f32 v8, v5;
	v6 =	vadd.f32 v56, v6  }
0x330: {  	v60 =	vmul.bf16 v53, v18;
	v57 =	vld.idx.msk [tilespmem:v14+s15+$0x0], $0xffff;
	v58 =	vunpack.i.u.bf16.f32 v7;
	v7 =	vunpack.i.l.bf16.f32 v7  }
0x331: {  	v28 =	vor.u32 v2, v63;
	v14 =	vld.idx.msk [tilespmem:v14+s17+$0x0], $0xffff;
	v5 =	vadd.f32 v7, v5;
	v6 =	vadd.f32 v58, v6  }
0x332: {  	v30 =	vor.u32 v2, v59;
	v62 =	vunpack.i.u.bf16.f32 v12;
	v12 =	vunpack.i.l.bf16.f32 v12;
	v61 =	vld.idx.msk [tilespmem:v54+s15+$0x0], $0xffff  }
0x333: {  	v11 =	vbroadcast v31, $0x0;
	v10 =	vld.idx.msk [tilespmem:v54+s17+$0x0], $0xffff;
	v5 =	vadd.f32 v12, v5;
	v6 =	vadd.f32 v62, v6  }
0x334: {  	v20 =	vunpack.i.u.bf16.f32 v60;
	v7 =	vunpack.i.l.bf16.f32 v60;
	v24 =	vld.idx.msk [tilespmem:v3+s15+$0x0], $0xffff;
	v22 =	vmul.bf16 v13, v21  }
0x335: {  	v34 =	vor.u32 v2, v17;
	v3 =	vld.idx.msk [tilespmem:v3+s17+$0x0], $0xffff;
	v5 =	vadd.f32 v7, v5;
	v6 =	vadd.f32 v20, v6  }
0x336: {  	v32 =	vld.idx.msk [tilespmem:v23+s15+$0x0], $0xffff;
	v25 =	vmul.bf16 v14, v57;
	v26 =	vunpack.i.u.bf16.f32 v22;
	v27 =	vunpack.i.l.bf16.f32 v22  }
0x337: {  	v17 =	vbroadcast v41, $0x0;
	v13 =	vld.idx.msk [tilespmem:v23+s17+$0x0], $0xffff;
	v5 =	vadd.f32 v27, v5;
	v6 =	vadd.f32 v26, v6  }
0x338: {  	v35 =	vld.idx.msk [tilespmem:v28+s15+$0x0], $0xffff;
	v9 =	vmul.bf16 v10, v61;
	v29 =	vunpack.i.u.bf16.f32 v25;
	v7 =	vunpack.i.l.bf16.f32 v25  }
0x339: {  	v11 =	vor.u32 v2, v11;
	v37 =	vld.idx.msk [tilespmem:v28+s17+$0x0], $0xffff;
	v5 =	vadd.f32 v7, v5;
	v6 =	vadd.f32 v29, v6  }
0x33a: {  	v40 =	vld.idx.msk [tilespmem:v30+s15+$0x0], $0xffff;
	v3 =	vmul.bf16 v3, v24;
	v33 =	vunpack.i.u.bf16.f32 v9;
	v9 =	vunpack.i.l.bf16.f32 v9  }
0x33b: {  	v12 =	vor.u32 v2, v38;
	v10 =	vld.idx.msk [tilespmem:v30+s17+$0x0], $0xffff;
	v5 =	vadd.f32 v9, v5;
	v6 =	vadd.f32 v33, v6  }
0x33c: {  	v42 =	vld.idx.msk [tilespmem:v34+s15+$0x0], $0xffff;
	v39 =	vunpack.i.u.bf16.f32 v3;
	v3 =	vunpack.i.l.bf16.f32 v3;
	v7 =	vmul.bf16 v13, v32  }
0x33d: {  	v44 =	vor.u32 v2, v17;
	v43 =	vld.idx.msk [tilespmem:v34+s17+$0x0], $0xffff;
	v3 =	vadd.f32 v3, v5;
	v6 =	vadd.f32 v39, v6  }
0x33e: {  	v45 =	vld.idx.msk [tilespmem:v11+s15+$0x0], $0xffff;
	v46 =	vunpack.i.u.bf16.f32 v7;
	v7 =	vunpack.i.l.bf16.f32 v7;
	v9 =	vmul.bf16 v37, v35  }
0x33f: {  	v2 =	vor.u32 v2, v4;
	v47 =	vld.idx.msk [tilespmem:v11+s17+$0x0], $0xffff;
	v3 =	vadd.f32 v7, v3;
	v6 =	vadd.f32 v46, v6  }
0x340: {  	v48 =	vld.idx.msk [tilespmem:v12+s15+$0x0], $0xffff;
	v10 =	vmul.bf16 v10, v40;
	v49 =	vunpack.i.u.bf16.f32 v9;
	v9 =	vunpack.i.l.bf16.f32 v9  }
0x341: {  	v12 =	vld.idx.msk [tilespmem:v12+s17+$0x0], $0xffff;
	v3 =	vadd.f32 v9, v3;
	v6 =	vadd.f32 v49, v6  }
0x342: {  	v50 =	vld.idx.msk [tilespmem:v44+s15+$0x0], $0xffff;
	v51 =	vunpack.i.u.bf16.f32 v10;
	v10 =	vunpack.i.l.bf16.f32 v10;
	v5 =	vmul.bf16 v43, v42  }
0x343: {  	v52 =	vld.idx.msk [tilespmem:v44+s17+$0x0], $0xffff;
	v3 =	vadd.f32 v10, v3;
	v6 =	vadd.f32 v51, v6  }
0x344: {  	v53 =	vld.idx.msk [tilespmem:v2+s15+$0x0], $0xffff;
	v4 =	vmul.bf16 v47, v45;
	v54 =	vunpack.i.u.bf16.f32 v5;
	v5 =	vunpack.i.l.bf16.f32 v5  }
0x345: {  	v2 =	vld.idx.msk [tilespmem:v2+s17+$0x0], $0xffff;
	v3 =	vadd.f32 v5, v3;
	v55 =	vadd.f32 v54, v6  }
0x346: {  	v56 =	vunpack.i.u.bf16.f32 v4;
	v4 =	vunpack.i.l.bf16.f32 v4;
	v7 =	vmul.bf16 v12, v48  }
0x347: {  	v3 =	vadd.f32 v4, v3;
	v57 =	vadd.f32 v56, v55  }
0x348: {  	v60 =	vmul.bf16 v52, v50;
	v58 =	vunpack.i.u.bf16.f32 v7;
	v59 =	vunpack.i.l.bf16.f32 v7  }
0x349: {  	v3 =	vadd.f32 v59, v3;
	v4 =	vadd.f32 v58, v57  }
0x34a: {  	v61 =	vunpack.i.u.bf16.f32 v60;
	v62 =	vunpack.i.l.bf16.f32 v60;
	v2 =	vmul.bf16 v2, v53  }
0x34b: {  	v3 =	vadd.f32 v62, v3;
	v4 =	vadd.f32 v61, v4  }
0x34c: {  	v63 =	vunpack.i.u.bf16.f32 v2;
	v2 =	vunpack.i.l.bf16.f32 v2  }
0x34d: {  	v2 =	vadd.f32 v2, v3;
	v3 =	vadd.f32 v63, v4;
	_ =	sdelay $0x1  }
0x34e: {  	v2 =	vadd.f32 v3, v2;
	_ =	sdelay $0x1  }
0x34f: {  	v2 =	vsub.f32 $0.0e+00, v2;
	_ =	sdelay $0x1  }
0x350: {  	v2 =	vmul.f32 $1.442695020e+00, v2;
	_ =	sdelay $0x1  }
0x351: {  	(erf) = vpow2.f32 v2;
	_ =	sdelay $0x8  }
0x352: {  	v2 =	vpop (erf)  }
0x353: {  	v2 =	vadd.f32 $1.000000000e+00, v2;
	_ =	sdelay $0x1  }
0x354: {  	(erf) = vrcp.f32 v2;
	_ =	sdelay $0x3  }
0x355: {  	s3 =	sadd.s32 $0x1, s3  }
0x356: {  	p0 =	sne.s32 s3, $0x5  }
.Ltmp16:
0x357: {  	_ = 	snop;
	(pc) =	sbr.rel @p0 .LBB2_32-.Ltmp16, $3  }
0x358: {  	_ =	sdelay $0x1  }
0x359: {  	v2 =	vpop (erf)  }
0x35a: {  	[tilespmem:s5+$0x73F0] =	vst v2  }
0x35b: {  	_ =	swait.ge [sflag:s18], $0x1400  }
0x35c: {  	[sflag:s18] =	ssyncset.done $0x0  }
0x35d: {  	[sflag:s18] =	ssyncadd.s32 $0xFFFFEC00  }
0x35e: {  	_ =	swait.ge [sflag:s20], $0x1400  }
0x35f: {  	[sflag:s20] =	ssyncset.done $0x0  }
0x360: {  	s3 =	simm.s32 $0x0;
	[sflag:s20] =	ssyncadd.s32 $0xFFFFEC00  }
.LBB2_36:
0x361: {  	s4 =	simm.s32 $0x0  }
0x362: {  	v2 =	vmov s4  }
0x363: {  	s5 =	sshll.u32 s3, $0x4;
	v2 =	vshrl.u32 v2, $0x3  }
0x364: {  	v4 =	vmov s5;
	v3 =	vshll.u32 v2, v1  }
0x365: {  	v2 =	vshll.u32 v4, $0x6;
	v4 =	vbroadcast v3, $0x0  }
0x366: {  	v2 =	vor.u32 v0, v2;
	v5 =	vor.u32 $0x1, v3  }
0x367: {  	v5 =	vbroadcast v5, $0x0;
	v6 =	vor.u32 v2, v4  }
0x368: {  	v4 =	vor.u32 $0x2, v3  }
0x369: {  	v11 =	vor.u32 v2, v5;
	v9 =	vbroadcast v4, $0x0  }
0x36a: {  	v7 =	vor.u32 $0x3, v3  }
0x36b: {  	v7 =	vbroadcast v7, $0x0;
	v12 =	vor.u32 v2, v9  }
0x36c: {  	v10 =	vor.u32 $0x4, v3;
	v8 =	vld.idx.msk [tilespmem:v6+s19+$0x0], $0xffff  }
0x36d: {  	s4 =	simm.s32 $0x8;
	v14 =	vor.u32 $0x5, v3;
	v13 =	vbroadcast v10, $0x0;
	v9 =	vor.u32 v2, v7;
	v10 =	vld.idx.msk [tilespmem:v6+s21+$0x0], $0xffff  }
0x36e: {  	v5 =	vimm.f32 $0.0e+00;
	v4 =	vmov s4;
	v6 =	vimm.f32 $0.0e+00;
	v7 =	vld.idx.msk [tilespmem:v11+s19+$0x0], $0xffff  }
.LBB2_37:
0x36f: {  	s4 =	sadd.s32 $0x8, s4;
	v15 =	vshrl.u32 v4, $0x3;
	v11 =	vld.idx.msk [tilespmem:v11+s21+$0x0], $0xffff;
	v13 =	vor.u32 v2, v13;
	v14 =	vbroadcast v14, $0x0  }
0x370: {  	v17 =	vor.u32 $0x6, v3;
	v4 =	vmov s4;
	p0 =	slt.u32 s4, $0x38;
	v15 =	vshll.u32 v15, v1;
	v16 =	vld.idx.msk [tilespmem:v12+s19+$0x0], $0xffff  }
0x371: {  	v18 =	vor.u32 $0x7, v3;
	v17 =	vbroadcast v17, $0x0;
	v12 =	vld.idx.msk [tilespmem:v12+s21+$0x0], $0xffff;
	v14 =	vor.u32 v2, v14;
	v3 =	vmovc v15  }
0x372: {  	v18 =	vbroadcast v18, $0x0;
	v15 =	vor.u32 $0x3, v3;
	v19 =	vor.u32 $0x4, v3;
	v20 =	vld.idx.msk [tilespmem:v9+s19+$0x0], $0xffff  }
0x373: {  	v21 =	vor.u32 $0x2, v3;
	v8 =	vmul.bf16 v10, v8;
	v10 =	vor.u32 v2, v17;
	v9 =	vld.idx.msk [tilespmem:v9+s21+$0x0], $0xffff  }
0x374: {  	v17 =	vbroadcast v3, $0x0;
	v22 =	vor.u32 $0x1, v3;
	v18 =	vor.u32 v2, v18;
	v23 =	vld.idx.msk [tilespmem:v13+s19+$0x0], $0xffff  }
0x375: {  	v24 =	vunpack.i.u.bf16.f32 v8;
	v8 =	vunpack.i.l.bf16.f32 v8;
	v7 =	vmul.bf16 v11, v7;
	v11 =	vld.idx.msk [tilespmem:v13+s21+$0x0], $0xffff  }
0x376: {  	v15 =	vbroadcast v15, $0x0;
	v5 =	vadd.f32 v8, v5;
	v6 =	vadd.f32 v24, v6;
	v8 =	vld.idx.msk [tilespmem:v14+s19+$0x0], $0xffff  }
0x377: {  	v13 =	vunpack.i.u.bf16.f32 v7;
	v7 =	vunpack.i.l.bf16.f32 v7;
	v12 =	vmul.bf16 v12, v16;
	v14 =	vld.idx.msk [tilespmem:v14+s21+$0x0], $0xffff  }
0x378: {  	v16 =	vbroadcast v21, $0x0;
	v5 =	vadd.f32 v7, v5;
	v6 =	vadd.f32 v13, v6;
	v7 =	vld.idx.msk [tilespmem:v10+s19+$0x0], $0xffff  }
0x379: {  	v13 =	vunpack.i.u.bf16.f32 v12;
	v12 =	vunpack.i.l.bf16.f32 v12;
	v9 =	vmul.bf16 v9, v20;
	v10 =	vld.idx.msk [tilespmem:v10+s21+$0x0], $0xffff  }
0x37a: {  	v20 =	vbroadcast v22, $0x0;
	v5 =	vadd.f32 v12, v5;
	v6 =	vadd.f32 v13, v6;
	v13 =	vld.idx.msk [tilespmem:v18+s19+$0x0], $0xffff  }
0x37b: {  	v12 =	vunpack.i.u.bf16.f32 v9;
	v9 =	vunpack.i.l.bf16.f32 v9;
	v11 =	vmul.bf16 v11, v23;
	v18 =	vld.idx.msk [tilespmem:v18+s21+$0x0], $0xffff  }
0x37c: {  	v17 =	vor.u32 v2, v17;
	v5 =	vadd.f32 v9, v5;
	v6 =	vadd.f32 v12, v6  }
0x37d: {  	v9 =	vunpack.i.u.bf16.f32 v11;
	v12 =	vunpack.i.l.bf16.f32 v11;
	v8 =	vmul.bf16 v14, v8  }
0x37e: {  	v11 =	vor.u32 v2, v20;
	v5 =	vadd.f32 v12, v5;
	v6 =	vadd.f32 v9, v6  }
0x37f: {  	v9 =	vunpack.i.u.bf16.f32 v8;
	v8 =	vunpack.i.l.bf16.f32 v8;
	v7 =	vmul.bf16 v10, v7  }
.Ltmp17:
0x380: {  	v12 =	vor.u32 v2, v16;
	v5 =	vadd.f32 v8, v5;
	v6 =	vadd.f32 v9, v6;
	(pc) =	sbr.rel @p0 .LBB2_37-.Ltmp17, $4  }
0x381: {  	v9 =	vunpack.i.u.bf16.f32 v7;
	v7 =	vunpack.i.l.bf16.f32 v7;
	v14 =	vmul.bf16 v18, v13  }
0x382: {  	v13 =	vbroadcast v19, $0x0;
	v5 =	vadd.f32 v7, v5;
	v6 =	vadd.f32 v9, v6;
	v8 =	vld.idx.msk [tilespmem:v17+s19+$0x0], $0xffff  }
0x383: {  	v9 =	vor.u32 v2, v15;
	v15 =	vunpack.i.u.bf16.f32 v14;
	v16 =	vunpack.i.l.bf16.f32 v14;
	v10 =	vld.idx.msk [tilespmem:v17+s21+$0x0], $0xffff  }
0x384: {  	v14 =	vor.u32 $0x5, v3;
	v5 =	vadd.f32 v16, v5;
	v6 =	vadd.f32 v15, v6;
	v7 =	vld.idx.msk [tilespmem:v11+s19+$0x0], $0xffff  }
0x385: {  	_ =	sdelay $0x1  }
0x386: {  	v4 =	vshrl.u32 v4, $0x3;
	v13 =	vor.u32 v2, v13  }
0x387: {  	v14 =	vbroadcast v14, $0x0;
	v16 =	vor.u32 $0x6, v3;
	v3 =	vor.u32 $0x7, v3  }
0x388: {  	v11 =	vld.idx.msk [tilespmem:v11+s21+$0x0], $0xffff;
	v4 =	vshll.u32 v4, v1;
	v16 =	vbroadcast v16, $0x0;
	v3 =	vbroadcast v3, $0x0  }
0x389: {  	v15 =	vld.idx.msk [tilespmem:v12+s19+$0x0], $0xffff;
	v14 =	vor.u32 v2, v14;
	v17 =	vor.u32 $0x3, v4;
	v19 =	vor.u32 $0x2, v4  }
0x38a: {  	v52 =	vld.idx.msk [tilespmem:v12+s21+$0x0], $0xffff;
	v55 =	vbroadcast v4, $0x0;
	v20 =	vor.u32 $0x1, v4;
	v31 =	vor.u32 $0x4, v4  }
0x38b: {  	v18 =	vld.idx.msk [tilespmem:v9+s19+$0x0], $0xffff;
	v36 =	vor.u32 $0x5, v4;
	v41 =	vor.u32 $0x6, v4;
	v4 =	vor.u32 $0x7, v4  }
0x38c: {  	v53 =	vld.idx.msk [tilespmem:v9+s21+$0x0], $0xffff;
	v8 =	vmul.bf16 v10, v8;
	v54 =	vor.u32 v2, v16;
	v17 =	vbroadcast v17, $0x0  }
0x38d: {  	v3 =	vor.u32 v2, v3;
	v59 =	vbroadcast v19, $0x0;
	v63 =	vbroadcast v20, $0x0  }
0x38e: {  	v38 =	vbroadcast v36, $0x0;
	v4 =	vbroadcast v4, $0x0;
	v23 =	vor.u32 v2, v55  }
0x38f: {  	v21 =	vld.idx.msk [tilespmem:v13+s19+$0x0], $0xffff;
	v7 =	vmul.bf16 v11, v7;
	v56 =	vunpack.i.u.bf16.f32 v8;
	v8 =	vunpack.i.l.bf16.f32 v8  }
0x390: {  	v13 =	vld.idx.msk [tilespmem:v13+s21+$0x0], $0xffff;
	v12 =	vmul.bf16 v52, v15;
	v5 =	vadd.f32 v8, v5;
	v6 =	vadd.f32 v56, v6  }
0x391: {  	v60 =	vmul.bf16 v53, v18;
	v57 =	vld.idx.msk [tilespmem:v14+s19+$0x0], $0xffff;
	v58 =	vunpack.i.u.bf16.f32 v7;
	v7 =	vunpack.i.l.bf16.f32 v7  }
0x392: {  	v28 =	vor.u32 v2, v63;
	v14 =	vld.idx.msk [tilespmem:v14+s21+$0x0], $0xffff;
	v5 =	vadd.f32 v7, v5;
	v6 =	vadd.f32 v58, v6  }
0x393: {  	v30 =	vor.u32 v2, v59;
	v62 =	vunpack.i.u.bf16.f32 v12;
	v12 =	vunpack.i.l.bf16.f32 v12;
	v61 =	vld.idx.msk [tilespmem:v54+s19+$0x0], $0xffff  }
0x394: {  	v11 =	vbroadcast v31, $0x0;
	v10 =	vld.idx.msk [tilespmem:v54+s21+$0x0], $0xffff;
	v5 =	vadd.f32 v12, v5;
	v6 =	vadd.f32 v62, v6  }
0x395: {  	v20 =	vunpack.i.u.bf16.f32 v60;
	v7 =	vunpack.i.l.bf16.f32 v60;
	v24 =	vld.idx.msk [tilespmem:v3+s19+$0x0], $0xffff;
	v22 =	vmul.bf16 v13, v21  }
0x396: {  	v34 =	vor.u32 v2, v17;
	v3 =	vld.idx.msk [tilespmem:v3+s21+$0x0], $0xffff;
	v5 =	vadd.f32 v7, v5;
	v6 =	vadd.f32 v20, v6  }
0x397: {  	v32 =	vld.idx.msk [tilespmem:v23+s19+$0x0], $0xffff;
	v25 =	vmul.bf16 v14, v57;
	v26 =	vunpack.i.u.bf16.f32 v22;
	v27 =	vunpack.i.l.bf16.f32 v22  }
0x398: {  	v17 =	vbroadcast v41, $0x0;
	v13 =	vld.idx.msk [tilespmem:v23+s21+$0x0], $0xffff;
	v5 =	vadd.f32 v27, v5;
	v6 =	vadd.f32 v26, v6  }
0x399: {  	v35 =	vld.idx.msk [tilespmem:v28+s19+$0x0], $0xffff;
	v9 =	vmul.bf16 v10, v61;
	v29 =	vunpack.i.u.bf16.f32 v25;
	v7 =	vunpack.i.l.bf16.f32 v25  }
0x39a: {  	v11 =	vor.u32 v2, v11;
	v37 =	vld.idx.msk [tilespmem:v28+s21+$0x0], $0xffff;
	v5 =	vadd.f32 v7, v5;
	v6 =	vadd.f32 v29, v6  }
0x39b: {  	v40 =	vld.idx.msk [tilespmem:v30+s19+$0x0], $0xffff;
	v3 =	vmul.bf16 v3, v24;
	v33 =	vunpack.i.u.bf16.f32 v9;
	v9 =	vunpack.i.l.bf16.f32 v9  }
0x39c: {  	v12 =	vor.u32 v2, v38;
	v10 =	vld.idx.msk [tilespmem:v30+s21+$0x0], $0xffff;
	v5 =	vadd.f32 v9, v5;
	v6 =	vadd.f32 v33, v6  }
0x39d: {  	v42 =	vld.idx.msk [tilespmem:v34+s19+$0x0], $0xffff;
	v39 =	vunpack.i.u.bf16.f32 v3;
	v3 =	vunpack.i.l.bf16.f32 v3;
	v7 =	vmul.bf16 v13, v32  }
0x39e: {  	v44 =	vor.u32 v2, v17;
	v43 =	vld.idx.msk [tilespmem:v34+s21+$0x0], $0xffff;
	v3 =	vadd.f32 v3, v5;
	v6 =	vadd.f32 v39, v6  }
0x39f: {  	v45 =	vld.idx.msk [tilespmem:v11+s19+$0x0], $0xffff;
	v46 =	vunpack.i.u.bf16.f32 v7;
	v7 =	vunpack.i.l.bf16.f32 v7;
	v9 =	vmul.bf16 v37, v35  }
0x3a0: {  	v2 =	vor.u32 v2, v4;
	v47 =	vld.idx.msk [tilespmem:v11+s21+$0x0], $0xffff;
	v3 =	vadd.f32 v7, v3;
	v6 =	vadd.f32 v46, v6  }
0x3a1: {  	v48 =	vld.idx.msk [tilespmem:v12+s19+$0x0], $0xffff;
	v10 =	vmul.bf16 v10, v40;
	v49 =	vunpack.i.u.bf16.f32 v9;
	v9 =	vunpack.i.l.bf16.f32 v9  }
0x3a2: {  	v12 =	vld.idx.msk [tilespmem:v12+s21+$0x0], $0xffff;
	v3 =	vadd.f32 v9, v3;
	v6 =	vadd.f32 v49, v6  }
0x3a3: {  	v50 =	vld.idx.msk [tilespmem:v44+s19+$0x0], $0xffff;
	v51 =	vunpack.i.u.bf16.f32 v10;
	v10 =	vunpack.i.l.bf16.f32 v10;
	v5 =	vmul.bf16 v43, v42  }
0x3a4: {  	v52 =	vld.idx.msk [tilespmem:v44+s21+$0x0], $0xffff;
	v3 =	vadd.f32 v10, v3;
	v6 =	vadd.f32 v51, v6  }
0x3a5: {  	v53 =	vld.idx.msk [tilespmem:v2+s19+$0x0], $0xffff;
	v4 =	vmul.bf16 v47, v45;
	v54 =	vunpack.i.u.bf16.f32 v5;
	v5 =	vunpack.i.l.bf16.f32 v5  }
0x3a6: {  	v2 =	vld.idx.msk [tilespmem:v2+s21+$0x0], $0xffff;
	v3 =	vadd.f32 v5, v3;
	v55 =	vadd.f32 v54, v6  }
0x3a7: {  	v56 =	vunpack.i.u.bf16.f32 v4;
	v4 =	vunpack.i.l.bf16.f32 v4;
	v7 =	vmul.bf16 v12, v48  }
0x3a8: {  	v3 =	vadd.f32 v4, v3;
	v57 =	vadd.f32 v56, v55  }
0x3a9: {  	v60 =	vmul.bf16 v52, v50;
	v58 =	vunpack.i.u.bf16.f32 v7;
	v59 =	vunpack.i.l.bf16.f32 v7  }
0x3aa: {  	v3 =	vadd.f32 v59, v3;
	v4 =	vadd.f32 v58, v57  }
0x3ab: {  	v61 =	vunpack.i.u.bf16.f32 v60;
	v62 =	vunpack.i.l.bf16.f32 v60;
	v2 =	vmul.bf16 v2, v53  }
0x3ac: {  	v3 =	vadd.f32 v62, v3;
	v4 =	vadd.f32 v61, v4  }
0x3ad: {  	v63 =	vunpack.i.u.bf16.f32 v2;
	v2 =	vunpack.i.l.bf16.f32 v2  }
0x3ae: {  	v2 =	vadd.f32 v2, v3;
	v3 =	vadd.f32 v63, v4;
	_ =	sdelay $0x1  }
0x3af: {  	v2 =	vadd.f32 v3, v2;
	_ =	sdelay $0x1  }
0x3b0: {  	v2 =	vsub.f32 $0.0e+00, v2;
	_ =	sdelay $0x1  }
0x3b1: {  	v2 =	vmul.f32 $1.442695020e+00, v2;
	_ =	sdelay $0x1  }
0x3b2: {  	(erf) = vpow2.f32 v2;
	_ =	sdelay $0x8  }
0x3b3: {  	v2 =	vpop (erf)  }
0x3b4: {  	v2 =	vadd.f32 $1.000000000e+00, v2;
	_ =	sdelay $0x1  }
0x3b5: {  	(erf) = vrcp.f32 v2;
	_ =	sdelay $0x3  }
0x3b6: {  	s3 =	sadd.s32 $0x1, s3  }
0x3b7: {  	p0 =	sne.s32 s3, $0x5  }
.Ltmp18:
0x3b8: {  	_ = 	snop;
	(pc) =	sbr.rel @p0 .LBB2_36-.Ltmp18, $3  }
0x3b9: {  	_ =	sdelay $0x1  }
0x3ba: {  	v2 =	vpop (erf)  }
0x3bb: {  	[tilespmem:s5+$0x7440] =	vst v2  }
0x3bc: {  	_ =	swait.ge [sflag:s22], $0x1400  }
0x3bd: {  	[sflag:s22] =	ssyncset.done $0x0  }
0x3be: {  	[sflag:s22] =	ssyncadd.s32 $0xFFFFEC00  }
0x3bf: {  	_ =	swait.ge [sflag:s24], $0x1400  }
0x3c0: {  	[sflag:s24] =	ssyncset.done $0x0  }
0x3c1: {  	s3 =	simm.s32 $0x0;
	[sflag:s24] =	ssyncadd.s32 $0xFFFFEC00  }
.LBB2_40:
0x3c2: {  	s4 =	simm.s32 $0x0  }
0x3c3: {  	v2 =	vmov s4  }
0x3c4: {  	s5 =	sshll.u32 s3, $0x4;
	v2 =	vshrl.u32 v2, $0x3  }
0x3c5: {  	v4 =	vmov s5;
	v3 =	vshll.u32 v2, v1  }
0x3c6: {  	v2 =	vshll.u32 v4, $0x6;
	v4 =	vbroadcast v3, $0x0  }
0x3c7: {  	v2 =	vor.u32 v0, v2;
	v5 =	vor.u32 $0x1, v3  }
0x3c8: {  	v5 =	vbroadcast v5, $0x0;
	v6 =	vor.u32 v2, v4  }
0x3c9: {  	v4 =	vor.u32 $0x2, v3  }
0x3ca: {  	v11 =	vor.u32 v2, v5;
	v9 =	vbroadcast v4, $0x0  }
0x3cb: {  	v7 =	vor.u32 $0x3, v3  }
0x3cc: {  	v7 =	vbroadcast v7, $0x0;
	v12 =	vor.u32 v2, v9  }
0x3cd: {  	v10 =	vor.u32 $0x4, v3;
	v8 =	vld.idx.msk [tilespmem:v6+s23+$0x0], $0xffff  }
0x3ce: {  	s4 =	simm.s32 $0x8;
	v14 =	vor.u32 $0x5, v3;
	v13 =	vbroadcast v10, $0x0;
	v9 =	vor.u32 v2, v7;
	v10 =	vld.idx.msk [tilespmem:v6+s25+$0x0], $0xffff  }
0x3cf: {  	v5 =	vimm.f32 $0.0e+00;
	v4 =	vmov s4;
	v6 =	vimm.f32 $0.0e+00;
	v7 =	vld.idx.msk [tilespmem:v11+s23+$0x0], $0xffff  }
.LBB2_41:
0x3d0: {  	s4 =	sadd.s32 $0x8, s4;
	v15 =	vshrl.u32 v4, $0x3;
	v11 =	vld.idx.msk [tilespmem:v11+s25+$0x0], $0xffff;
	v13 =	vor.u32 v2, v13;
	v14 =	vbroadcast v14, $0x0  }
0x3d1: {  	v17 =	vor.u32 $0x6, v3;
	v4 =	vmov s4;
	p0 =	slt.u32 s4, $0x38;
	v15 =	vshll.u32 v15, v1;
	v16 =	vld.idx.msk [tilespmem:v12+s23+$0x0], $0xffff  }
0x3d2: {  	v18 =	vor.u32 $0x7, v3;
	v17 =	vbroadcast v17, $0x0;
	v12 =	vld.idx.msk [tilespmem:v12+s25+$0x0], $0xffff;
	v14 =	vor.u32 v2, v14;
	v3 =	vmovc v15  }
0x3d3: {  	v18 =	vbroadcast v18, $0x0;
	v15 =	vor.u32 $0x3, v3;
	v19 =	vor.u32 $0x4, v3;
	v20 =	vld.idx.msk [tilespmem:v9+s23+$0x0], $0xffff  }
0x3d4: {  	v21 =	vor.u32 $0x2, v3;
	v8 =	vmul.bf16 v10, v8;
	v10 =	vor.u32 v2, v17;
	v9 =	vld.idx.msk [tilespmem:v9+s25+$0x0], $0xffff  }
0x3d5: {  	v17 =	vbroadcast v3, $0x0;
	v22 =	vor.u32 $0x1, v3;
	v18 =	vor.u32 v2, v18;
	v23 =	vld.idx.msk [tilespmem:v13+s23+$0x0], $0xffff  }
0x3d6: {  	v24 =	vunpack.i.u.bf16.f32 v8;
	v8 =	vunpack.i.l.bf16.f32 v8;
	v7 =	vmul.bf16 v11, v7;
	v11 =	vld.idx.msk [tilespmem:v13+s25+$0x0], $0xffff  }
0x3d7: {  	v15 =	vbroadcast v15, $0x0;
	v5 =	vadd.f32 v8, v5;
	v6 =	vadd.f32 v24, v6;
	v8 =	vld.idx.msk [tilespmem:v14+s23+$0x0], $0xffff  }
0x3d8: {  	v13 =	vunpack.i.u.bf16.f32 v7;
	v7 =	vunpack.i.l.bf16.f32 v7;
	v12 =	vmul.bf16 v12, v16;
	v14 =	vld.idx.msk [tilespmem:v14+s25+$0x0], $0xffff  }
0x3d9: {  	v16 =	vbroadcast v21, $0x0;
	v5 =	vadd.f32 v7, v5;
	v6 =	vadd.f32 v13, v6;
	v7 =	vld.idx.msk [tilespmem:v10+s23+$0x0], $0xffff  }
0x3da: {  	v13 =	vunpack.i.u.bf16.f32 v12;
	v12 =	vunpack.i.l.bf16.f32 v12;
	v9 =	vmul.bf16 v9, v20;
	v10 =	vld.idx.msk [tilespmem:v10+s25+$0x0], $0xffff  }
0x3db: {  	v20 =	vbroadcast v22, $0x0;
	v5 =	vadd.f32 v12, v5;
	v6 =	vadd.f32 v13, v6;
	v13 =	vld.idx.msk [tilespmem:v18+s23+$0x0], $0xffff  }
0x3dc: {  	v12 =	vunpack.i.u.bf16.f32 v9;
	v9 =	vunpack.i.l.bf16.f32 v9;
	v11 =	vmul.bf16 v11, v23;
	v18 =	vld.idx.msk [tilespmem:v18+s25+$0x0], $0xffff  }
0x3dd: {  	v17 =	vor.u32 v2, v17;
	v5 =	vadd.f32 v9, v5;
	v6 =	vadd.f32 v12, v6  }
0x3de: {  	v9 =	vunpack.i.u.bf16.f32 v11;
	v12 =	vunpack.i.l.bf16.f32 v11;
	v8 =	vmul.bf16 v14, v8  }
0x3df: {  	v11 =	vor.u32 v2, v20;
	v5 =	vadd.f32 v12, v5;
	v6 =	vadd.f32 v9, v6  }
0x3e0: {  	v9 =	vunpack.i.u.bf16.f32 v8;
	v8 =	vunpack.i.l.bf16.f32 v8;
	v7 =	vmul.bf16 v10, v7  }
.Ltmp19:
0x3e1: {  	v12 =	vor.u32 v2, v16;
	v5 =	vadd.f32 v8, v5;
	v6 =	vadd.f32 v9, v6;
	(pc) =	sbr.rel @p0 .LBB2_41-.Ltmp19, $4  }
0x3e2: {  	v9 =	vunpack.i.u.bf16.f32 v7;
	v7 =	vunpack.i.l.bf16.f32 v7;
	v14 =	vmul.bf16 v18, v13  }
0x3e3: {  	v13 =	vbroadcast v19, $0x0;
	v5 =	vadd.f32 v7, v5;
	v6 =	vadd.f32 v9, v6;
	v8 =	vld.idx.msk [tilespmem:v17+s23+$0x0], $0xffff  }
0x3e4: {  	v9 =	vor.u32 v2, v15;
	v15 =	vunpack.i.u.bf16.f32 v14;
	v16 =	vunpack.i.l.bf16.f32 v14;
	v10 =	vld.idx.msk [tilespmem:v17+s25+$0x0], $0xffff  }
0x3e5: {  	v14 =	vor.u32 $0x5, v3;
	v5 =	vadd.f32 v16, v5;
	v6 =	vadd.f32 v15, v6;
	v7 =	vld.idx.msk [tilespmem:v11+s23+$0x0], $0xffff  }
0x3e6: {  	_ =	sdelay $0x1  }
0x3e7: {  	v4 =	vshrl.u32 v4, $0x3;
	v13 =	vor.u32 v2, v13  }
0x3e8: {  	v14 =	vbroadcast v14, $0x0;
	v16 =	vor.u32 $0x6, v3;
	v3 =	vor.u32 $0x7, v3  }
0x3e9: {  	v11 =	vld.idx.msk [tilespmem:v11+s25+$0x0], $0xffff;
	v4 =	vshll.u32 v4, v1;
	v16 =	vbroadcast v16, $0x0;
	v3 =	vbroadcast v3, $0x0  }
0x3ea: {  	v15 =	vld.idx.msk [tilespmem:v12+s23+$0x0], $0xffff;
	v14 =	vor.u32 v2, v14;
	v17 =	vor.u32 $0x3, v4;
	v19 =	vor.u32 $0x2, v4  }
0x3eb: {  	v52 =	vld.idx.msk [tilespmem:v12+s25+$0x0], $0xffff;
	v55 =	vbroadcast v4, $0x0;
	v20 =	vor.u32 $0x1, v4;
	v31 =	vor.u32 $0x4, v4  }
0x3ec: {  	v18 =	vld.idx.msk [tilespmem:v9+s23+$0x0], $0xffff;
	v36 =	vor.u32 $0x5, v4;
	v41 =	vor.u32 $0x6, v4;
	v4 =	vor.u32 $0x7, v4  }
0x3ed: {  	v53 =	vld.idx.msk [tilespmem:v9+s25+$0x0], $0xffff;
	v8 =	vmul.bf16 v10, v8;
	v54 =	vor.u32 v2, v16;
	v17 =	vbroadcast v17, $0x0  }
0x3ee: {  	v3 =	vor.u32 v2, v3;
	v59 =	vbroadcast v19, $0x0;
	v63 =	vbroadcast v20, $0x0  }
0x3ef: {  	v38 =	vbroadcast v36, $0x0;
	v4 =	vbroadcast v4, $0x0;
	v23 =	vor.u32 v2, v55  }
0x3f0: {  	v21 =	vld.idx.msk [tilespmem:v13+s23+$0x0], $0xffff;
	v7 =	vmul.bf16 v11, v7;
	v56 =	vunpack.i.u.bf16.f32 v8;
	v8 =	vunpack.i.l.bf16.f32 v8  }
0x3f1: {  	v13 =	vld.idx.msk [tilespmem:v13+s25+$0x0], $0xffff;
	v12 =	vmul.bf16 v52, v15;
	v5 =	vadd.f32 v8, v5;
	v6 =	vadd.f32 v56, v6  }
0x3f2: {  	v60 =	vmul.bf16 v53, v18;
	v57 =	vld.idx.msk [tilespmem:v14+s23+$0x0], $0xffff;
	v58 =	vunpack.i.u.bf16.f32 v7;
	v7 =	vunpack.i.l.bf16.f32 v7  }
0x3f3: {  	v28 =	vor.u32 v2, v63;
	v14 =	vld.idx.msk [tilespmem:v14+s25+$0x0], $0xffff;
	v5 =	vadd.f32 v7, v5;
	v6 =	vadd.f32 v58, v6  }
0x3f4: {  	v30 =	vor.u32 v2, v59;
	v62 =	vunpack.i.u.bf16.f32 v12;
	v12 =	vunpack.i.l.bf16.f32 v12;
	v61 =	vld.idx.msk [tilespmem:v54+s23+$0x0], $0xffff  }
0x3f5: {  	v11 =	vbroadcast v31, $0x0;
	v10 =	vld.idx.msk [tilespmem:v54+s25+$0x0], $0xffff;
	v5 =	vadd.f32 v12, v5;
	v6 =	vadd.f32 v62, v6  }
0x3f6: {  	v20 =	vunpack.i.u.bf16.f32 v60;
	v7 =	vunpack.i.l.bf16.f32 v60;
	v24 =	vld.idx.msk [tilespmem:v3+s23+$0x0], $0xffff;
	v22 =	vmul.bf16 v13, v21  }
0x3f7: {  	v34 =	vor.u32 v2, v17;
	v3 =	vld.idx.msk [tilespmem:v3+s25+$0x0], $0xffff;
	v5 =	vadd.f32 v7, v5;
	v6 =	vadd.f32 v20, v6  }
0x3f8: {  	v32 =	vld.idx.msk [tilespmem:v23+s23+$0x0], $0xffff;
	v25 =	vmul.bf16 v14, v57;
	v26 =	vunpack.i.u.bf16.f32 v22;
	v27 =	vunpack.i.l.bf16.f32 v22  }
0x3f9: {  	v17 =	vbroadcast v41, $0x0;
	v13 =	vld.idx.msk [tilespmem:v23+s25+$0x0], $0xffff;
	v5 =	vadd.f32 v27, v5;
	v6 =	vadd.f32 v26, v6  }
0x3fa: {  	v35 =	vld.idx.msk [tilespmem:v28+s23+$0x0], $0xffff;
	v9 =	vmul.bf16 v10, v61;
	v29 =	vunpack.i.u.bf16.f32 v25;
	v7 =	vunpack.i.l.bf16.f32 v25  }
0x3fb: {  	v11 =	vor.u32 v2, v11;
	v37 =	vld.idx.msk [tilespmem:v28+s25+$0x0], $0xffff;
	v5 =	vadd.f32 v7, v5;
	v6 =	vadd.f32 v29, v6  }
0x3fc: {  	v40 =	vld.idx.msk [tilespmem:v30+s23+$0x0], $0xffff;
	v3 =	vmul.bf16 v3, v24;
	v33 =	vunpack.i.u.bf16.f32 v9;
	v9 =	vunpack.i.l.bf16.f32 v9  }
0x3fd: {  	v12 =	vor.u32 v2, v38;
	v10 =	vld.idx.msk [tilespmem:v30+s25+$0x0], $0xffff;
	v5 =	vadd.f32 v9, v5;
	v6 =	vadd.f32 v33, v6  }
0x3fe: {  	v42 =	vld.idx.msk [tilespmem:v34+s23+$0x0], $0xffff;
	v39 =	vunpack.i.u.bf16.f32 v3;
	v3 =	vunpack.i.l.bf16.f32 v3;
	v7 =	vmul.bf16 v13, v32  }
0x3ff: {  	v44 =	vor.u32 v2, v17;
	v43 =	vld.idx.msk [tilespmem:v34+s25+$0x0], $0xffff;
	v3 =	vadd.f32 v3, v5;
	v6 =	vadd.f32 v39, v6  }
0x400: {  	v45 =	vld.idx.msk [tilespmem:v11+s23+$0x0], $0xffff;
	v46 =	vunpack.i.u.bf16.f32 v7;
	v7 =	vunpack.i.l.bf16.f32 v7;
	v9 =	vmul.bf16 v37, v35  }
0x401: {  	v2 =	vor.u32 v2, v4;
	v47 =	vld.idx.msk [tilespmem:v11+s25+$0x0], $0xffff;
	v3 =	vadd.f32 v7, v3;
	v6 =	vadd.f32 v46, v6  }
0x402: {  	v48 =	vld.idx.msk [tilespmem:v12+s23+$0x0], $0xffff;
	v10 =	vmul.bf16 v10, v40;
	v49 =	vunpack.i.u.bf16.f32 v9;
	v9 =	vunpack.i.l.bf16.f32 v9  }
0x403: {  	v12 =	vld.idx.msk [tilespmem:v12+s25+$0x0], $0xffff;
	v3 =	vadd.f32 v9, v3;
	v6 =	vadd.f32 v49, v6  }
0x404: {  	v50 =	vld.idx.msk [tilespmem:v44+s23+$0x0], $0xffff;
	v51 =	vunpack.i.u.bf16.f32 v10;
	v10 =	vunpack.i.l.bf16.f32 v10;
	v5 =	vmul.bf16 v43, v42  }
0x405: {  	v52 =	vld.idx.msk [tilespmem:v44+s25+$0x0], $0xffff;
	v3 =	vadd.f32 v10, v3;
	v6 =	vadd.f32 v51, v6  }
0x406: {  	v53 =	vld.idx.msk [tilespmem:v2+s23+$0x0], $0xffff;
	v4 =	vmul.bf16 v47, v45;
	v54 =	vunpack.i.u.bf16.f32 v5;
	v5 =	vunpack.i.l.bf16.f32 v5  }
0x407: {  	v2 =	vld.idx.msk [tilespmem:v2+s25+$0x0], $0xffff;
	v3 =	vadd.f32 v5, v3;
	v55 =	vadd.f32 v54, v6  }
0x408: {  	v56 =	vunpack.i.u.bf16.f32 v4;
	v4 =	vunpack.i.l.bf16.f32 v4;
	v7 =	vmul.bf16 v12, v48  }
0x409: {  	v3 =	vadd.f32 v4, v3;
	v57 =	vadd.f32 v56, v55  }
0x40a: {  	v60 =	vmul.bf16 v52, v50;
	v58 =	vunpack.i.u.bf16.f32 v7;
	v59 =	vunpack.i.l.bf16.f32 v7  }
0x40b: {  	v3 =	vadd.f32 v59, v3;
	v4 =	vadd.f32 v58, v57  }
0x40c: {  	v61 =	vunpack.i.u.bf16.f32 v60;
	v62 =	vunpack.i.l.bf16.f32 v60;
	v2 =	vmul.bf16 v2, v53  }
0x40d: {  	v3 =	vadd.f32 v62, v3;
	v4 =	vadd.f32 v61, v4  }
0x40e: {  	v63 =	vunpack.i.u.bf16.f32 v2;
	v2 =	vunpack.i.l.bf16.f32 v2  }
0x40f: {  	v2 =	vadd.f32 v2, v3;
	v3 =	vadd.f32 v63, v4;
	_ =	sdelay $0x1  }
0x410: {  	v2 =	vadd.f32 v3, v2;
	_ =	sdelay $0x1  }
0x411: {  	v2 =	vsub.f32 $0.0e+00, v2;
	_ =	sdelay $0x1  }
0x412: {  	v2 =	vmul.f32 $1.442695020e+00, v2;
	_ =	sdelay $0x1  }
0x413: {  	(erf) = vpow2.f32 v2;
	_ =	sdelay $0x8  }
0x414: {  	v2 =	vpop (erf)  }
0x415: {  	v2 =	vadd.f32 $1.000000000e+00, v2;
	_ =	sdelay $0x1  }
0x416: {  	(erf) = vrcp.f32 v2;
	_ =	sdelay $0x3  }
0x417: {  	s3 =	sadd.s32 $0x1, s3  }
0x418: {  	p0 =	sne.s32 s3, $0x5  }
.Ltmp20:
0x419: {  	_ = 	snop;
	(pc) =	sbr.rel @p0 .LBB2_40-.Ltmp20, $3  }
0x41a: {  	_ =	sdelay $0x1  }
0x41b: {  	v2 =	vpop (erf)  }
0x41c: {  	[tilespmem:s5+$0x7490] =	vst v2  }
0x41d: {  	_ =	swait.ge [sflag:s26], $0x1400  }
0x41e: {  	[sflag:s26] =	ssyncset.done $0x0  }
0x41f: {  	[sflag:s26] =	ssyncadd.s32 $0xFFFFEC00  }
0x420: {  	_ =	swait.ge [sflag:s29], $0x1400  }
0x421: {  	[sflag:s29] =	ssyncset.done $0x0  }
0x422: {  	s3 =	simm.s32 $0x0;
	[sflag:s29] =	ssyncadd.s32 $0xFFFFEC00  }
.LBB2_44:
0x423: {  	s4 =	simm.s32 $0x0  }
0x424: {  	v2 =	vmov s4  }
0x425: {  	s5 =	sshll.u32 s3, $0x4;
	v2 =	vshrl.u32 v2, $0x3  }
0x426: {  	v4 =	vmov s5;
	v3 =	vshll.u32 v2, v1  }
0x427: {  	v2 =	vshll.u32 v4, $0x6;
	v4 =	vbroadcast v3, $0x0  }
0x428: {  	v2 =	vor.u32 v0, v2;
	v5 =	vor.u32 $0x1, v3  }
0x429: {  	v5 =	vbroadcast v5, $0x0;
	v6 =	vor.u32 v2, v4  }
0x42a: {  	v4 =	vor.u32 $0x2, v3  }
0x42b: {  	v11 =	vor.u32 v2, v5;
	v9 =	vbroadcast v4, $0x0  }
0x42c: {  	v7 =	vor.u32 $0x3, v3  }
0x42d: {  	v7 =	vbroadcast v7, $0x0;
	v12 =	vor.u32 v2, v9  }
0x42e: {  	v10 =	vor.u32 $0x4, v3;
	v8 =	vld.idx.msk [tilespmem:v6+s28+$0x0], $0xffff  }
0x42f: {  	s4 =	simm.s32 $0x8;
	v14 =	vor.u32 $0x5, v3;
	v13 =	vbroadcast v10, $0x0;
	v9 =	vor.u32 v2, v7;
	v10 =	vld.idx.msk [tilespmem:v6+s30+$0x0], $0xffff  }
0x430: {  	v5 =	vimm.f32 $0.0e+00;
	v4 =	vmov s4;
	v6 =	vimm.f32 $0.0e+00;
	v7 =	vld.idx.msk [tilespmem:v11+s28+$0x0], $0xffff  }
.LBB2_45:
0x431: {  	s4 =	sadd.s32 $0x8, s4;
	v15 =	vshrl.u32 v4, $0x3;
	v11 =	vld.idx.msk [tilespmem:v11+s30+$0x0], $0xffff;
	v13 =	vor.u32 v2, v13;
	v14 =	vbroadcast v14, $0x0  }
0x432: {  	v17 =	vor.u32 $0x6, v3;
	v4 =	vmov s4;
	p0 =	slt.u32 s4, $0x38;
	v15 =	vshll.u32 v15, v1;
	v16 =	vld.idx.msk [tilespmem:v12+s28+$0x0], $0xffff  }
0x433: {  	v18 =	vor.u32 $0x7, v3;
	v17 =	vbroadcast v17, $0x0;
	v12 =	vld.idx.msk [tilespmem:v12+s30+$0x0], $0xffff;
	v14 =	vor.u32 v2, v14;
	v3 =	vmovc v15  }
0x434: {  	v18 =	vbroadcast v18, $0x0;
	v15 =	vor.u32 $0x3, v3;
	v19 =	vor.u32 $0x4, v3;
	v20 =	vld.idx.msk [tilespmem:v9+s28+$0x0], $0xffff  }
0x435: {  	v21 =	vor.u32 $0x2, v3;
	v8 =	vmul.bf16 v10, v8;
	v10 =	vor.u32 v2, v17;
	v9 =	vld.idx.msk [tilespmem:v9+s30+$0x0], $0xffff  }
0x436: {  	v17 =	vbroadcast v3, $0x0;
	v22 =	vor.u32 $0x1, v3;
	v18 =	vor.u32 v2, v18;
	v23 =	vld.idx.msk [tilespmem:v13+s28+$0x0], $0xffff  }
0x437: {  	v24 =	vunpack.i.u.bf16.f32 v8;
	v8 =	vunpack.i.l.bf16.f32 v8;
	v7 =	vmul.bf16 v11, v7;
	v11 =	vld.idx.msk [tilespmem:v13+s30+$0x0], $0xffff  }
0x438: {  	v15 =	vbroadcast v15, $0x0;
	v5 =	vadd.f32 v8, v5;
	v6 =	vadd.f32 v24, v6;
	v8 =	vld.idx.msk [tilespmem:v14+s28+$0x0], $0xffff  }
0x439: {  	v13 =	vunpack.i.u.bf16.f32 v7;
	v7 =	vunpack.i.l.bf16.f32 v7;
	v12 =	vmul.bf16 v12, v16;
	v14 =	vld.idx.msk [tilespmem:v14+s30+$0x0], $0xffff  }
0x43a: {  	v16 =	vbroadcast v21, $0x0;
	v5 =	vadd.f32 v7, v5;
	v6 =	vadd.f32 v13, v6;
	v7 =	vld.idx.msk [tilespmem:v10+s28+$0x0], $0xffff  }
0x43b: {  	v13 =	vunpack.i.u.bf16.f32 v12;
	v12 =	vunpack.i.l.bf16.f32 v12;
	v9 =	vmul.bf16 v9, v20;
	v10 =	vld.idx.msk [tilespmem:v10+s30+$0x0], $0xffff  }
0x43c: {  	v20 =	vbroadcast v22, $0x0;
	v5 =	vadd.f32 v12, v5;
	v6 =	vadd.f32 v13, v6;
	v13 =	vld.idx.msk [tilespmem:v18+s28+$0x0], $0xffff  }
0x43d: {  	v12 =	vunpack.i.u.bf16.f32 v9;
	v9 =	vunpack.i.l.bf16.f32 v9;
	v11 =	vmul.bf16 v11, v23;
	v18 =	vld.idx.msk [tilespmem:v18+s30+$0x0], $0xffff  }
0x43e: {  	v17 =	vor.u32 v2, v17;
	v5 =	vadd.f32 v9, v5;
	v6 =	vadd.f32 v12, v6  }
0x43f: {  	v9 =	vunpack.i.u.bf16.f32 v11;
	v12 =	vunpack.i.l.bf16.f32 v11;
	v8 =	vmul.bf16 v14, v8  }
0x440: {  	v11 =	vor.u32 v2, v20;
	v5 =	vadd.f32 v12, v5;
	v6 =	vadd.f32 v9, v6  }
0x441: {  	v9 =	vunpack.i.u.bf16.f32 v8;
	v8 =	vunpack.i.l.bf16.f32 v8;
	v7 =	vmul.bf16 v10, v7  }
.Ltmp21:
0x442: {  	v12 =	vor.u32 v2, v16;
	v5 =	vadd.f32 v8, v5;
	v6 =	vadd.f32 v9, v6;
	(pc) =	sbr.rel @p0 .LBB2_45-.Ltmp21, $4  }
0x443: {  	v9 =	vunpack.i.u.bf16.f32 v7;
	v7 =	vunpack.i.l.bf16.f32 v7;
	v14 =	vmul.bf16 v18, v13  }
0x444: {  	v13 =	vbroadcast v19, $0x0;
	v5 =	vadd.f32 v7, v5;
	v6 =	vadd.f32 v9, v6;
	v8 =	vld.idx.msk [tilespmem:v17+s28+$0x0], $0xffff  }
0x445: {  	v9 =	vor.u32 v2, v15;
	v15 =	vunpack.i.u.bf16.f32 v14;
	v16 =	vunpack.i.l.bf16.f32 v14;
	v10 =	vld.idx.msk [tilespmem:v17+s30+$0x0], $0xffff  }
0x446: {  	v14 =	vor.u32 $0x5, v3;
	v5 =	vadd.f32 v16, v5;
	v6 =	vadd.f32 v15, v6;
	v7 =	vld.idx.msk [tilespmem:v11+s28+$0x0], $0xffff  }
0x447: {  	_ =	sdelay $0x1  }
0x448: {  	v4 =	vshrl.u32 v4, $0x3;
	v13 =	vor.u32 v2, v13  }
0x449: {  	v14 =	vbroadcast v14, $0x0;
	v16 =	vor.u32 $0x6, v3;
	v3 =	vor.u32 $0x7, v3  }
0x44a: {  	v11 =	vld.idx.msk [tilespmem:v11+s30+$0x0], $0xffff;
	v4 =	vshll.u32 v4, v1;
	v16 =	vbroadcast v16, $0x0;
	v3 =	vbroadcast v3, $0x0  }
0x44b: {  	v15 =	vld.idx.msk [tilespmem:v12+s28+$0x0], $0xffff;
	v14 =	vor.u32 v2, v14;
	v17 =	vor.u32 $0x3, v4;
	v19 =	vor.u32 $0x2, v4  }
0x44c: {  	v52 =	vld.idx.msk [tilespmem:v12+s30+$0x0], $0xffff;
	v55 =	vbroadcast v4, $0x0;
	v20 =	vor.u32 $0x1, v4;
	v31 =	vor.u32 $0x4, v4  }
0x44d: {  	v18 =	vld.idx.msk [tilespmem:v9+s28+$0x0], $0xffff;
	v36 =	vor.u32 $0x5, v4;
	v41 =	vor.u32 $0x6, v4;
	v4 =	vor.u32 $0x7, v4  }
0x44e: {  	v53 =	vld.idx.msk [tilespmem:v9+s30+$0x0], $0xffff;
	v8 =	vmul.bf16 v10, v8;
	v54 =	vor.u32 v2, v16;
	v17 =	vbroadcast v17, $0x0  }
0x44f: {  	v3 =	vor.u32 v2, v3;
	v59 =	vbroadcast v19, $0x0;
	v63 =	vbroadcast v20, $0x0  }
0x450: {  	v38 =	vbroadcast v36, $0x0;
	v4 =	vbroadcast v4, $0x0;
	v23 =	vor.u32 v2, v55  }
0x451: {  	v21 =	vld.idx.msk [tilespmem:v13+s28+$0x0], $0xffff;
	v7 =	vmul.bf16 v11, v7;
	v56 =	vunpack.i.u.bf16.f32 v8;
	v8 =	vunpack.i.l.bf16.f32 v8  }
0x452: {  	v13 =	vld.idx.msk [tilespmem:v13+s30+$0x0], $0xffff;
	v12 =	vmul.bf16 v52, v15;
	v5 =	vadd.f32 v8, v5;
	v6 =	vadd.f32 v56, v6  }
0x453: {  	v60 =	vmul.bf16 v53, v18;
	v57 =	vld.idx.msk [tilespmem:v14+s28+$0x0], $0xffff;
	v58 =	vunpack.i.u.bf16.f32 v7;
	v7 =	vunpack.i.l.bf16.f32 v7  }
0x454: {  	v28 =	vor.u32 v2, v63;
	v14 =	vld.idx.msk [tilespmem:v14+s30+$0x0], $0xffff;
	v5 =	vadd.f32 v7, v5;
	v6 =	vadd.f32 v58, v6  }
0x455: {  	v30 =	vor.u32 v2, v59;
	v62 =	vunpack.i.u.bf16.f32 v12;
	v12 =	vunpack.i.l.bf16.f32 v12;
	v61 =	vld.idx.msk [tilespmem:v54+s28+$0x0], $0xffff  }
0x456: {  	v11 =	vbroadcast v31, $0x0;
	v10 =	vld.idx.msk [tilespmem:v54+s30+$0x0], $0xffff;
	v5 =	vadd.f32 v12, v5;
	v6 =	vadd.f32 v62, v6  }
0x457: {  	v20 =	vunpack.i.u.bf16.f32 v60;
	v7 =	vunpack.i.l.bf16.f32 v60;
	v24 =	vld.idx.msk [tilespmem:v3+s28+$0x0], $0xffff;
	v22 =	vmul.bf16 v13, v21  }
0x458: {  	v34 =	vor.u32 v2, v17;
	v3 =	vld.idx.msk [tilespmem:v3+s30+$0x0], $0xffff;
	v5 =	vadd.f32 v7, v5;
	v6 =	vadd.f32 v20, v6  }
0x459: {  	v32 =	vld.idx.msk [tilespmem:v23+s28+$0x0], $0xffff;
	v25 =	vmul.bf16 v14, v57;
	v26 =	vunpack.i.u.bf16.f32 v22;
	v27 =	vunpack.i.l.bf16.f32 v22  }
0x45a: {  	v17 =	vbroadcast v41, $0x0;
	v13 =	vld.idx.msk [tilespmem:v23+s30+$0x0], $0xffff;
	v5 =	vadd.f32 v27, v5;
	v6 =	vadd.f32 v26, v6  }
0x45b: {  	v35 =	vld.idx.msk [tilespmem:v28+s28+$0x0], $0xffff;
	v9 =	vmul.bf16 v10, v61;
	v29 =	vunpack.i.u.bf16.f32 v25;
	v7 =	vunpack.i.l.bf16.f32 v25  }
0x45c: {  	v11 =	vor.u32 v2, v11;
	v37 =	vld.idx.msk [tilespmem:v28+s30+$0x0], $0xffff;
	v5 =	vadd.f32 v7, v5;
	v6 =	vadd.f32 v29, v6  }
0x45d: {  	v40 =	vld.idx.msk [tilespmem:v30+s28+$0x0], $0xffff;
	v3 =	vmul.bf16 v3, v24;
	v33 =	vunpack.i.u.bf16.f32 v9;
	v9 =	vunpack.i.l.bf16.f32 v9  }
0x45e: {  	v12 =	vor.u32 v2, v38;
	v10 =	vld.idx.msk [tilespmem:v30+s30+$0x0], $0xffff;
	v5 =	vadd.f32 v9, v5;
	v6 =	vadd.f32 v33, v6  }
0x45f: {  	v42 =	vld.idx.msk [tilespmem:v34+s28+$0x0], $0xffff;
	v39 =	vunpack.i.u.bf16.f32 v3;
	v3 =	vunpack.i.l.bf16.f32 v3;
	v7 =	vmul.bf16 v13, v32  }
0x460: {  	v44 =	vor.u32 v2, v17;
	v43 =	vld.idx.msk [tilespmem:v34+s30+$0x0], $0xffff;
	v3 =	vadd.f32 v3, v5;
	v6 =	vadd.f32 v39, v6  }
0x461: {  	v45 =	vld.idx.msk [tilespmem:v11+s28+$0x0], $0xffff;
	v46 =	vunpack.i.u.bf16.f32 v7;
	v7 =	vunpack.i.l.bf16.f32 v7;
	v9 =	vmul.bf16 v37, v35  }
0x462: {  	v2 =	vor.u32 v2, v4;
	v47 =	vld.idx.msk [tilespmem:v11+s30+$0x0], $0xffff;
	v3 =	vadd.f32 v7, v3;
	v6 =	vadd.f32 v46, v6  }
0x463: {  	v48 =	vld.idx.msk [tilespmem:v12+s28+$0x0], $0xffff;
	v10 =	vmul.bf16 v10, v40;
	v49 =	vunpack.i.u.bf16.f32 v9;
	v9 =	vunpack.i.l.bf16.f32 v9  }
0x464: {  	v12 =	vld.idx.msk [tilespmem:v12+s30+$0x0], $0xffff;
	v3 =	vadd.f32 v9, v3;
	v6 =	vadd.f32 v49, v6  }
0x465: {  	v50 =	vld.idx.msk [tilespmem:v44+s28+$0x0], $0xffff;
	v51 =	vunpack.i.u.bf16.f32 v10;
	v10 =	vunpack.i.l.bf16.f32 v10;
	v5 =	vmul.bf16 v43, v42  }
0x466: {  	v52 =	vld.idx.msk [tilespmem:v44+s30+$0x0], $0xffff;
	v3 =	vadd.f32 v10, v3;
	v6 =	vadd.f32 v51, v6  }
0x467: {  	v53 =	vld.idx.msk [tilespmem:v2+s28+$0x0], $0xffff;
	v4 =	vmul.bf16 v47, v45;
	v54 =	vunpack.i.u.bf16.f32 v5;
	v5 =	vunpack.i.l.bf16.f32 v5  }
0x468: {  	v2 =	vld.idx.msk [tilespmem:v2+s30+$0x0], $0xffff;
	v3 =	vadd.f32 v5, v3;
	v55 =	vadd.f32 v54, v6  }
0x469: {  	v56 =	vunpack.i.u.bf16.f32 v4;
	v4 =	vunpack.i.l.bf16.f32 v4;
	v7 =	vmul.bf16 v12, v48  }
0x46a: {  	v3 =	vadd.f32 v4, v3;
	v57 =	vadd.f32 v56, v55  }
0x46b: {  	v60 =	vmul.bf16 v52, v50;
	v58 =	vunpack.i.u.bf16.f32 v7;
	v59 =	vunpack.i.l.bf16.f32 v7  }
0x46c: {  	v3 =	vadd.f32 v59, v3;
	v4 =	vadd.f32 v58, v57  }
0x46d: {  	v61 =	vunpack.i.u.bf16.f32 v60;
	v62 =	vunpack.i.l.bf16.f32 v60;
	v2 =	vmul.bf16 v2, v53  }
0x46e: {  	v3 =	vadd.f32 v62, v3;
	v4 =	vadd.f32 v61, v4  }
0x46f: {  	v63 =	vunpack.i.u.bf16.f32 v2;
	v2 =	vunpack.i.l.bf16.f32 v2  }
0x470: {  	v2 =	vadd.f32 v2, v3;
	v3 =	vadd.f32 v63, v4;
	_ =	sdelay $0x1  }
0x471: {  	v2 =	vadd.f32 v3, v2;
	_ =	sdelay $0x1  }
0x472: {  	v2 =	vsub.f32 $0.0e+00, v2;
	_ =	sdelay $0x1  }
0x473: {  	v2 =	vmul.f32 $1.442695020e+00, v2;
	_ =	sdelay $0x1  }
0x474: {  	(erf) = vpow2.f32 v2;
	_ =	sdelay $0x8  }
0x475: {  	v2 =	vpop (erf)  }
0x476: {  	v2 =	vadd.f32 $1.000000000e+00, v2;
	_ =	sdelay $0x1  }
0x477: {  	(erf) = vrcp.f32 v2;
	_ =	sdelay $0x3  }
0x478: {  	s3 =	sadd.s32 $0x1, s3  }
0x479: {  	p0 =	sne.s32 s3, $0x5  }
.Ltmp22:
0x47a: {  	_ = 	snop;
	(pc) =	sbr.rel @p0 .LBB2_44-.Ltmp22, $3  }
0x47b: {  	_ =	sdelay $0x1  }
0x47c: {  	v2 =	vpop (erf)  }
0x47d: {  	[tilespmem:s5+$0x74E0] =	vst v2  }
0x47e: {  	s3 =	simm.s32 $0x0  }
0x47f: {  	s4 =	rddreg [dreg:$0x8];
	s5 =	simm.s32 $0x6180;
	s7 =	simm.s32 $0xE  }
0x480: {  	[hbm4b:s4+s3] =	stream.linear.scatter [tilespmem:s5], [sflag:$0xE], $0x13B0, $0x38;
	[tilespmem:$0x16530] =	vst v63  }
0x481: {  	_ =	swait.ge [sflag:s7], $0x13B0  }
0x482: {  	[sflag:s7] =	ssyncset.done $0x0  }
0x483: {  	s8 =	simm.s32 $0xD;
	[sflag:s7] =	ssyncadd.s32 $0xFFFFEC50  }
0x484: {  	_ =	swait.ge [sflag:s8], $0x1360  }
0x485: {  	s6 =	sadd.s32 $0x1, s6;
	s9 =	rddreg [dreg:$0x9]  }
0x486: {  	p0 =	sne.s32 s6, s9  }
.Ltmp23:
0x487: {  	_ = 	snop;
	(pc) =	sbr.rel @p0 .LBB2_1-.Ltmp23, $3  }
0x488: {  	_ =	sdelay $0x1  }
0x489: {  	[sflag:s8] =	ssyncset.done $0x0  }
0x48a: {  	[sflag:s8] =	ssyncadd.s32 $0xFFFFECA0  }
0x48b: {  	_ =	sfence.sel $0x180000  }
0x48c: {  	[bflag:$0x0] =	sbarrier.arrive $0xFFFF  }
0x48d: {  	_ =	strace $0x90000047  }
0x48e: {  	s0 =	stileid.u32;
	[bflag:$0x2] =	sbarrier.arrive $0xFFFF  }
0x48f: {  	p0 =	sne.s32 s0, $0x0;
	s0 =	rddreg [dreg:$0x4]  }
0x490: {  	s0 =	sadd.s32 @!p0 $0x100000, s0  }
0x491: {  	[sflag:s0] =	ssyncadd.tile.s32 @!p0 $0x1;
	_ =	shalt  }
.Lfunc_end2:
_tile_overlayer_lowered:
.L_overlay_start_2:
0x492: {  	(tag) =	ssettag $0x2  }
0x493: {  	s0 =	rddreg [dreg:$0x0];
	s2 =	stileid.u32  }
0x494: {  	s1 =	rddreg [dreg:$0x1];
	p0 =	sne.s32 s2, $0x0  }
0x495: {  	s3 =	rddreg [dreg:$0x2];
	[bflag:$0x3] =	sbarrier.arrive $0xFFFF;
	s2 =	simm.s32 @!p0 $0x1C0E  }
0x496: {  	[timem:s3], [sflag:s2] =	dma.local @!p0 [hbm:s0], s1  }
0x497: {  	s0 =	simm.s32 @!p0 $0xE  }
0x498: {  	_ =	swait.ge @!p0 [sflag:s0], s1  }
0x499: {  	s1 =	ssub.s32 @!p0 $0x0, s1;
	[sflag:s0] =	ssyncset.done @!p0 $0x0  }
0x49a: {  	[sflag:s0] =	ssyncadd.s32 @!p0 s1  }
0x49b: {  	[bflag:$0x3] =	sbarrier.arrive $0xFFFF  }
0x49c: {  	_ =	shalt  }

</sc_bundles>
